<compile_context>
chip_gen: v7x
topology: tpu7x:2x2x1
jax: 0.10.2.dev20260603
libtpu: 0.0.44.dev20260713+nightly
codegen_flags: <defaults>
</compile_context>

<pallas_src>
import functools

import jax
import jax.numpy as jnp
from jax import lax
from jax.experimental import pallas as pl
from jax.experimental.pallas import tpu as pltpu
from jax.experimental.pallas import tpu_sc as plsc

_EMB = 64
_EMBW = _EMB
_LS = 200
_LA = 20
_GCH = 80
_NC, _NS = 2, 16
_NW = _NC * _NS


def _sc_embed_sums(st2, at2, table):
    B = st2.shape[0] * _GCH // _LS
    per_w = B // _NW
    G = 4
    ngrp = per_w // G
    nsch = G * _LS // _GCH
    nach = G * _LA // _GCH
    srows = G * _LS
    mesh = plsc.VectorSubcoreMesh(
        core_axis_name="c", subcore_axis_name="s",
        num_cores=_NC, num_subcores=_NS)

    @functools.partial(
        pl.kernel,
        out_type=(jax.ShapeDtypeStruct((B, _EMB), jnp.float32),
                  jax.ShapeDtypeStruct((B, _EMB), jnp.float32)),
        mesh=mesh,
        compiler_params=pltpu.CompilerParams(
            needs_layout_passes=False, use_tc_tiling_on_sc=False),
        scratch_types=[
            pltpu.VMEM((2, nsch, _GCH), jnp.int32),
            pltpu.VMEM((2, nach, _GCH), jnp.int32),
            pltpu.VMEM((2, G * (_LS + _LA), _EMBW), jnp.float32),
            pltpu.VMEM((2, G, _EMB), jnp.float32),
            pltpu.VMEM((2, G, _EMB), jnp.float32),
            pltpu.SemaphoreType.DMA,
            pltpu.SemaphoreType.DMA,
            pltpu.SemaphoreType.DMA,
            pltpu.SemaphoreType.DMA,
        ],
    )
    def k(st_hbm, at_hbm, e_hbm, out_s_hbm, out_a_hbm,
          sidx_v, aidx_v, rows_v, os_v, oa_v, gsem0, gsem1, osem0, osem1):
        wid = lax.axis_index("s") * _NC + lax.axis_index("c")
        base = wid * per_w
        sbase = wid * (per_w * _LS // _GCH)
        abase = wid * (per_w * _LA // _GCH)
        gsems = (gsem0, gsem1)
        osems = (osem0, osem1)

        def gather_descs(buf):
            ds_ = []
            for c in range(nsch):
                ds_.append(pltpu.make_async_copy(
                    e_hbm.at[sidx_v.at[buf, c]],
                    rows_v.at[buf, pl.ds(c * _GCH, _GCH)],
                    gsems[buf]))
            for c in range(nach):
                ds_.append(pltpu.make_async_copy(
                    e_hbm.at[aidx_v.at[buf, c]],
                    rows_v.at[buf, pl.ds(srows + c * _GCH, _GCH)],
                    gsems[buf]))
            return ds_

        def issue(g, buf):
            pltpu.sync_copy(st_hbm.at[pl.ds(sbase + g * nsch, nsch)],
                            sidx_v.at[buf])
            pltpu.sync_copy(at_hbm.at[pl.ds(abase + g * nach, nach)],
                            aidx_v.at[buf])
            for d in gather_descs(buf):
                d.start()

        def out_descs(g, buf):
            dst = pl.ds(base + g * G, G)
            return (pltpu.make_async_copy(os_v.at[buf], out_s_hbm.at[dst],
                                          osems[buf]),
                    pltpu.make_async_copy(oa_v.at[buf], out_a_hbm.at[dst],
                                          osems[buf]))

        def consume(g, buf):
            for d in gather_descs(buf):
                d.wait()

            @pl.when(g >= 2)
            def _():
                for d in out_descs(g - 2, buf):
                    d.wait()

            def rbody(r, acc):
                return tuple(
                    acc[j] + rows_v[buf, r, pl.ds(16 * j, 16)]
                    for j in range(_EMBW // 16))

            for e in range(G):
                z4 = tuple(jnp.zeros((16,), jnp.float32) for _ in range(4))
                acc_s = lax.fori_loop(e * _LS, (e + 1) * _LS, rbody, z4,
                                      unroll=4)
                acc_a = lax.fori_loop(srows + e * _LA,
                                      srows + (e + 1) * _LA, rbody, z4,
                                      unroll=4)
                for j in range(4):
                    os_v[buf, e, pl.ds(16 * j, 16)] = acc_s[j]
                    oa_v[buf, e, pl.ds(16 * j, 16)] = acc_a[j]

            for d in out_descs(g, buf):
                d.start()

        issue(0, 0)
        nit = ngrp // 2

        def body(i, carry):
            g0 = 2 * i
            issue(g0 + 1, 1)
            consume(g0, 0)

            @pl.when(i < nit - 1)
            def _():
                issue(g0 + 2, 0)

            consume(g0 + 1, 1)
            return carry

        lax.fori_loop(0, nit, body, 0)
        for d in out_descs(ngrp - 2, 0):
            d.wait()
        for d in out_descs(ngrp - 1, 1):
            d.wait()

    return k(st2, at2, table)


def _tc_head(ss, sa, stok, atok, w1t, b1, w2t, b2, w3a, w3b, b3, w4, b4):
    B, H = ss.shape[0], w1t.shape[1]
    BS = 2048

    def body(ss_ref, sa_ref, st_ref, at_ref, w1_ref, b1_ref, w2_ref, b2_ref,
             w3a_ref, w3b_ref, b3_ref, w4_ref, b4_ref, out_ref):
        cs = jnp.sum((st_ref[...] != 0).astype(jnp.float32), axis=1,
                     keepdims=True)
        ca = jnp.sum((at_ref[...] != 0).astype(jnp.float32), axis=1,
                     keepdims=True)
        ms = ss_ref[...] / jnp.maximum(cs, 1.0)
        ma = sa_ref[...] / jnp.maximum(ca, 1.0)
        hs = jnp.tanh(jnp.dot(ms, w1_ref[...],
                              preferred_element_type=jnp.float32) + b1_ref[...])
        ha = jnp.tanh(jnp.dot(ma, w2_ref[...],
                              preferred_element_type=jnp.float32) + b2_ref[...])
        hs = jnp.maximum(hs, 0.0)
        ha = jnp.maximum(ha, 0.0)
        h = (jnp.dot(hs, w3a_ref[...], preferred_element_type=jnp.float32)
             + jnp.dot(ha, w3b_ref[...], preferred_element_type=jnp.float32)
             + b3_ref[...])
        h = jnp.maximum(h, 0.0)
        out_ref[...] = (jnp.sum(h * w4_ref[...], axis=1, keepdims=True)
                        + b4_ref[...])

    return pl.pallas_call(
        body,
        grid=(B // BS,),
        in_specs=[
            pl.BlockSpec((BS, _EMB), lambda i: (i, 0)),
            pl.BlockSpec((BS, _EMB), lambda i: (i, 0)),
            pl.BlockSpec((BS, _LS), lambda i: (i, 0)),
            pl.BlockSpec((BS, _LA), lambda i: (i, 0)),
            pl.BlockSpec((_EMB, H), lambda i: (0, 0)),
            pl.BlockSpec((1, H), lambda i: (0, 0)),
            pl.BlockSpec((_EMB, H), lambda i: (0, 0)),
            pl.BlockSpec((1, H), lambda i: (0, 0)),
            pl.BlockSpec((H, H), lambda i: (0, 0)),
            pl.BlockSpec((H, H), lambda i: (0, 0)),
            pl.BlockSpec((1, H), lambda i: (0, 0)),
            pl.BlockSpec((1, H), lambda i: (0, 0)),
            pl.BlockSpec((1, 1), lambda i: (0, 0)),
        ],
        out_specs=pl.BlockSpec((BS, 1), lambda i: (i, 0)),
        out_shape=jax.ShapeDtypeStruct((B, 1), jnp.float32),
    )(ss, sa, stok, atok, w1t, b1, w2t, b2, w3a, w3b, b3, w4, b4)


def kernel(state_tokens, state_lengths, action_tokens, action_lengths,
           E, W1, b1, W2, b2, W3, b3, W4, b4):
    del state_lengths, action_lengths
    B = state_tokens.shape[0]
    H = W1.shape[0]
    st = state_tokens.astype(jnp.int32)
    at = action_tokens.astype(jnp.int32)
    ss, sa = _sc_embed_sums(st.reshape(B * _LS // _GCH, _GCH),
                            at.reshape(B * _LA // _GCH, _GCH), E)
    w3t = W3.T
    return _tc_head(ss, sa, st, at,
                    W1.T, b1.reshape(1, H),
                    W2.T, b2.reshape(1, H),
                    w3t[:H], w3t[H:], b3.reshape(1, H),
                    W4, b4.reshape(1, 1))

# --- scband reference (transcript-rebuilt; emitter-appended) ---
"""Pipeline reference for scband-text-qnetwork-78331613544506 (READ-ONLY COPY).

The authoritative reference and input builder live on the scoring server;
editing this copy changes nothing except your own understanding.
"""

import jax, jax.numpy as jnp
import numpy as np

VOCAB = 1000000
EMB = 64
HID = 128
B = 16384
LS = 200
LA = 20


def setup_inputs(seed: int = 0) -> dict:
    key = jax.random.key(seed)
    ks = jax.random.split(key, 12)
    state_tokens = jax.random.randint(ks[0], (B, LS), 0, VOCAB, dtype=jnp.int64 if jax.config.jax_enable_x64 else jnp.int32)
    action_tokens = jax.random.randint(ks[1], (B, LA), 0, VOCAB, dtype=jnp.int64 if jax.config.jax_enable_x64 else jnp.int32)
    state_lengths = jax.random.randint(ks[2], (B,), 0, LS)
    action_lengths = jax.random.randint(ks[3], (B,), 0, LA)
    E = jax.random.normal(ks[4], (VOCAB, EMB), dtype=jnp.float32) * 0.02
    E = E.at[0].set(0.0)  # padding_idx=0
    W1 = jax.random.normal(ks[5], (HID, EMB), dtype=jnp.float32) * 0.05
    b1 = jnp.zeros((HID,), dtype=jnp.float32)
    W2 = jax.random.normal(ks[6], (HID, EMB), dtype=jnp.float32) * 0.05
    b2 = jnp.zeros((HID,), dtype=jnp.float32)
    W3 = jax.random.normal(ks[7], (HID, 2 * HID), dtype=jnp.float32) * 0.05
    b3 = jnp.zeros((HID,), dtype=jnp.float32)
    W4 = jax.random.normal(ks[8], (1, HID), dtype=jnp.float32) * 0.05
    b4 = jnp.zeros((1,), dtype=jnp.float32)
    return {
        "state_tokens": state_tokens,
        "state_lengths": state_lengths,
        "action_tokens": action_tokens,
        "action_lengths": action_lengths,
        "E": E,
        "W1": W1, "b1": b1,
        "W2": W2, "b2": b2,
        "W3": W3, "b3": b3,
        "W4": W4, "b4": b4,
    }


def _masked_mean(emb, tokens):
    mask = (tokens != 0).astype(jnp.float32)[..., None]
    summed = (emb * mask).sum(axis=1)
    counts = jnp.clip(mask.sum(axis=1), 1.0, None)
    return summed / counts


def reference(state_tokens, state_lengths, action_tokens, action_lengths, E, W1, b1, W2, b2, W3, b3, W4, b4):
    # state_lengths / action_lengths are unused (del in torch forward)
    state_embedded = jnp.take(E, state_tokens, axis=0)
    action_embedded = jnp.take(E, action_tokens, axis=0)
    state_summary = jnp.tanh(_masked_mean(state_embedded, state_tokens) @ W1.T + b1)
    action_summary = jnp.tanh(_masked_mean(action_embedded, action_tokens) @ W2.T + b2)
    combined = jnp.concatenate([state_summary, action_summary], axis=-1)
    h = jax.nn.relu(combined)
    h = h @ W3.T + b3
    h = jax.nn.relu(h)
    out = h @ W4.T + b4
    return out

if __name__ == "__main__":
    import jax
    _d = setup_inputs()
    print(jax.jit(kernel)(*tuple(_d.values())))

</pallas_src>

<mosaic_0001>
#map = affine_map<(d0, d1) -> (0, 0)>
module attributes {stable_mosaic.version = 14 : i64} {
  func.func @k(%arg0: i32, %arg1: i32, %arg2: memref<40960x80xi32, #tpu.memory_space<hbm>>, %arg3: memref<4096x80xi32, #tpu.memory_space<hbm>>, %arg4: memref<1000000x64xf32, #tpu.memory_space<hbm>>, %arg5: memref<16384x64xf32, #tpu.memory_space<hbm>>, %arg6: memref<16384x64xf32, #tpu.memory_space<hbm>>, %arg7: memref<2x10x80xi32, #tpu.memory_space<vmem>>, %arg8: memref<2x1x80xi32, #tpu.memory_space<vmem>>, %arg9: memref<2x880x64xf32, #tpu.memory_space<vmem>>, %arg10: memref<2x4x64xf32, #tpu.memory_space<vmem>>, %arg11: memref<2x4x64xf32, #tpu.memory_space<vmem>>, %arg12: memref<!tpu.dma_semaphore, #tpu.memory_space<semaphore_mem>>, %arg13: memref<!tpu.dma_semaphore, #tpu.memory_space<semaphore_mem>>, %arg14: memref<!tpu.dma_semaphore, #tpu.memory_space<semaphore_mem>>, %arg15: memref<!tpu.dma_semaphore, #tpu.memory_space<semaphore_mem>>) attributes {dimension_semantics = [#tpu.dimension_semantics<core_parallel>, #tpu.dimension_semantics<subcore_parallel>], iteration_bounds = array<i64: 2, 16>, scalar_prefetch = 0 : i64, scratch_operands = 9 : i64, tpu.core_type = #tpu.core_type<sc_vector_subcore>, window_params = [{transform_indices = #map}, {transform_indices = #map}, {transform_indices = #map}, {transform_indices = #map}, {transform_indices = #map}]} {
    %mul3A = arith.constant 2 : i32
    %mul3A_0 = arith.muli %arg1, %mul3A : i32
    %add3A = arith.addi %mul3A_0, %arg0 : i32
    %mul3A_1 = arith.constant 512 : i32
    %mul3A_2 = arith.muli %add3A, %mul3A_1 : i32
    %mul3A_3 = arith.constant 1280 : i32
    %mul3A_4 = arith.muli %add3A, %mul3A_3 : i32
    %mul3A_5 = arith.constant 128 : i32
    %mul3A_6 = arith.muli %add3A, %mul3A_5 : i32
    %add3A_7 = arith.constant 0 : i32
    %add3A_8 = arith.addi %mul3A_4, %add3A_7 : i32
    %run_scoped3A = arith.constant 0 : i32
    "tpu.region"() ({
      %run_scoped3A_214 = tpu.sem_alloc : memref<!tpu.dma_semaphore, #tpu.memory_space<semaphore_mem>>
      %dma_start3A_215 = arith.constant 0 : i32
      %dma_start3A_216 = arith.constant 0 : i32
      %dma_start3A_217 = tpu.memref_slice %arg7[%run_scoped3A, %dma_start3A_215, %dma_start3A_216] : memref<2x10x80xi32, #tpu.memory_space<vmem>> -> memref<1x10x80xi32, #tpu.memory_space<vmem>>
      %dma_start3A_218 = tpu.memref_squeeze %dma_start3A_217 : memref<1x10x80xi32, #tpu.memory_space<vmem>> -> memref<10x80xi32, #tpu.memory_space<vmem>>
      %dma_start3A_219 = arith.constant 0 : i32
      %dma_start3A_220 = tpu.memref_slice %arg2[%add3A_8, %dma_start3A_219] : memref<40960x80xi32, #tpu.memory_space<hbm>> -> memref<10x80xi32, #tpu.memory_space<hbm>>
      %dma_start3A_221 = arith.constant 0 : i32
      %dma_start3A_222 = arith.constant 0 : i32
      %dma_start3A_223 = tpu.memref_slice %arg7[%run_scoped3A, %dma_start3A_221, %dma_start3A_222] : memref<2x10x80xi32, #tpu.memory_space<vmem>> -> memref<1x10x80xi32, #tpu.memory_space<vmem>>
      %dma_start3A_224 = tpu.memref_squeeze %dma_start3A_223 : memref<1x10x80xi32, #tpu.memory_space<vmem>> -> memref<10x80xi32, #tpu.memory_space<vmem>>
      %dma_start3A_225 = arith.constant 0 : i32
      %dma_start3A_226 = tpu.memref_slice %arg2[%add3A_8, %dma_start3A_225] : memref<40960x80xi32, #tpu.memory_space<hbm>> -> memref<10x80xi32, #tpu.memory_space<hbm>>
      tpu.enqueue_dma source(%dma_start3A_226 : memref<10x80xi32, #tpu.memory_space<hbm>>) target(%dma_start3A_224 : memref<10x80xi32, #tpu.memory_space<vmem>>) target_semaphore(%run_scoped3A_214 : memref<!tpu.dma_semaphore, #tpu.memory_space<semaphore_mem>>)
      %dma_wait3A_227 = arith.constant 0 : i32
      %dma_wait3A_228 = arith.constant 0 : i32
      %dma_wait3A_229 = tpu.memref_slice %arg7[%run_scoped3A, %dma_wait3A_227, %dma_wait3A_228] : memref<2x10x80xi32, #tpu.memory_space<vmem>> -> memref<1x10x80xi32, #tpu.memory_space<vmem>>
      %dma_wait3A_230 = tpu.memref_squeeze %dma_wait3A_229 : memref<1x10x80xi32, #tpu.memory_space<vmem>> -> memref<10x80xi32, #tpu.memory_space<vmem>>
      %dma_wait3A_231 = arith.constant 0 : i32
      %dma_wait3A_232 = tpu.memref_slice %arg2[%add3A_8, %dma_wait3A_231] : memref<40960x80xi32, #tpu.memory_space<hbm>> -> memref<10x80xi32, #tpu.memory_space<hbm>>
      %dma_wait3A_233 = arith.constant 0 : i32
      %dma_wait3A_234 = arith.constant 0 : i32
      %dma_wait3A_235 = tpu.memref_slice %arg7[%run_scoped3A, %dma_wait3A_233, %dma_wait3A_234] : memref<2x10x80xi32, #tpu.memory_space<vmem>> -> memref<1x10x80xi32, #tpu.memory_space<vmem>>
      %dma_wait3A_236 = tpu.memref_squeeze %dma_wait3A_235 : memref<1x10x80xi32, #tpu.memory_space<vmem>> -> memref<10x80xi32, #tpu.memory_space<vmem>>
      %dma_wait3A_237 = arith.constant 0 : i32
      %dma_wait3A_238 = tpu.memref_slice %arg2[%add3A_8, %dma_wait3A_237] : memref<40960x80xi32, #tpu.memory_space<hbm>> -> memref<10x80xi32, #tpu.memory_space<hbm>>
      tpu.wait_dma2 semaphore(%run_scoped3A_214 : memref<!tpu.dma_semaphore, #tpu.memory_space<semaphore_mem>>) src(%dma_wait3A_238 : memref<10x80xi32, #tpu.memory_space<hbm>>) dst(%dma_wait3A_236 : memref<10x80xi32, #tpu.memory_space<vmem>>)
      tpu.yield
    }) : () -> ()
    %add3A_9 = arith.constant 0 : i32
    %add3A_10 = arith.addi %mul3A_6, %add3A_9 : i32
    %run_scoped3A_11 = arith.constant 0 : i32
    "tpu.region"() ({
      %run_scoped3A_214 = tpu.sem_alloc : memref<!tpu.dma_semaphore, #tpu.memory_space<semaphore_mem>>
      %dma_start3A_215 = arith.constant 0 : i32
      %dma_start3A_216 = arith.constant 0 : i32
      %dma_start3A_217 = tpu.memref_slice %arg8[%run_scoped3A_11, %dma_start3A_215, %dma_start3A_216] : memref<2x1x80xi32, #tpu.memory_space<vmem>> -> memref<1x1x80xi32, #tpu.memory_space<vmem>>
      %dma_start3A_218 = tpu.memref_squeeze %dma_start3A_217 : memref<1x1x80xi32, #tpu.memory_space<vmem>> -> memref<1x80xi32, #tpu.memory_space<vmem>>
      %dma_start3A_219 = arith.constant 0 : i32
      %dma_start3A_220 = tpu.memref_slice %arg3[%add3A_10, %dma_start3A_219] : memref<4096x80xi32, #tpu.memory_space<hbm>> -> memref<1x80xi32, #tpu.memory_space<hbm>>
      %dma_start3A_221 = arith.constant 0 : i32
      %dma_start3A_222 = arith.constant 0 : i32
      %dma_start3A_223 = tpu.memref_slice %arg8[%run_scoped3A_11, %dma_start3A_221, %dma_start3A_222] : memref<2x1x80xi32, #tpu.memory_space<vmem>> -> memref<1x1x80xi32, #tpu.memory_space<vmem>>
      %dma_start3A_224 = tpu.memref_squeeze %dma_start3A_223 : memref<1x1x80xi32, #tpu.memory_space<vmem>> -> memref<1x80xi32, #tpu.memory_space<vmem>>
      %dma_start3A_225 = arith.constant 0 : i32
      %dma_start3A_226 = tpu.memref_slice %arg3[%add3A_10, %dma_start3A_225] : memref<4096x80xi32, #tpu.memory_space<hbm>> -> memref<1x80xi32, #tpu.memory_space<hbm>>
      tpu.enqueue_dma source(%dma_start3A_226 : memref<1x80xi32, #tpu.memory_space<hbm>>) target(%dma_start3A_224 : memref<1x80xi32, #tpu.memory_space<vmem>>) target_semaphore(%run_scoped3A_214 : memref<!tpu.dma_semaphore, #tpu.memory_space<semaphore_mem>>)
      %dma_wait3A_227 = arith.constant 0 : i32
      %dma_wait3A_228 = arith.constant 0 : i32
      %dma_wait3A_229 = tpu.memref_slice %arg8[%run_scoped3A_11, %dma_wait3A_227, %dma_wait3A_228] : memref<2x1x80xi32, #tpu.memory_space<vmem>> -> memref<1x1x80xi32, #tpu.memory_space<vmem>>
      %dma_wait3A_230 = tpu.memref_squeeze %dma_wait3A_229 : memref<1x1x80xi32, #tpu.memory_space<vmem>> -> memref<1x80xi32, #tpu.memory_space<vmem>>
      %dma_wait3A_231 = arith.constant 0 : i32
      %dma_wait3A_232 = tpu.memref_slice %arg3[%add3A_10, %dma_wait3A_231] : memref<4096x80xi32, #tpu.memory_space<hbm>> -> memref<1x80xi32, #tpu.memory_space<hbm>>
      %dma_wait3A_233 = arith.constant 0 : i32
      %dma_wait3A_234 = arith.constant 0 : i32
      %dma_wait3A_235 = tpu.memref_slice %arg8[%run_scoped3A_11, %dma_wait3A_233, %dma_wait3A_234] : memref<2x1x80xi32, #tpu.memory_space<vmem>> -> memref<1x1x80xi32, #tpu.memory_space<vmem>>
      %dma_wait3A_236 = tpu.memref_squeeze %dma_wait3A_235 : memref<1x1x80xi32, #tpu.memory_space<vmem>> -> memref<1x80xi32, #tpu.memory_space<vmem>>
      %dma_wait3A_237 = arith.constant 0 : i32
      %dma_wait3A_238 = tpu.memref_slice %arg3[%add3A_10, %dma_wait3A_237] : memref<4096x80xi32, #tpu.memory_space<hbm>> -> memref<1x80xi32, #tpu.memory_space<hbm>>
      tpu.wait_dma2 semaphore(%run_scoped3A_214 : memref<!tpu.dma_semaphore, #tpu.memory_space<semaphore_mem>>) src(%dma_wait3A_238 : memref<1x80xi32, #tpu.memory_space<hbm>>) dst(%dma_wait3A_236 : memref<1x80xi32, #tpu.memory_space<vmem>>)
      tpu.yield
    }) : () -> ()
    %dma_start3A = arith.constant 0 : i32
    %dma_start3A_12 = arith.constant 0 : i32
    %dma_start3A_13 = arith.constant 0 : i32
    %dma_start3A_14 = arith.constant 0 : i32
    %dma_start3A_15 = arith.constant 0 : i32
    %dma_start3A_16 = tpu.memref_slice %arg9[%dma_start3A_13, %dma_start3A_14, %dma_start3A_15] : memref<2x880x64xf32, #tpu.memory_space<vmem>> -> memref<1x80x64xf32, #tpu.memory_space<vmem>>
    %dma_start3A_17 = tpu.memref_squeeze %dma_start3A_16 : memref<1x80x64xf32, #tpu.memory_space<vmem>> -> memref<80x64xf32, #tpu.memory_space<vmem>>
    %dma_start3A_18 = arith.constant 0 : i32
    %dma_start3A_19 = tpu.memref_slice %arg7[%dma_start3A, %dma_start3A_12, %dma_start3A_18] : memref<2x10x80xi32, #tpu.memory_space<vmem>> -> memref<1x1x80xi32, #tpu.memory_space<vmem>>
    %dma_start3A_20 = tpu.memref_squeeze %dma_start3A_19 : memref<1x1x80xi32, #tpu.memory_space<vmem>> -> memref<80xi32, #tpu.memory_space<vmem>>
    %dma_start3A_21 = arith.constant 0 : i32
    %dma_start3A_22 = arith.constant 0 : i32
    %dma_start3A_23 = tpu.memref_slice %arg4[%dma_start3A_21, %dma_start3A_22] : memref<1000000x64xf32, #tpu.memory_space<hbm>> -> memref<1000000x64xf32, #tpu.memory_space<hbm>>
    tpu.enqueue_indirect_dma source(%dma_start3A_23 : memref<1000000x64xf32, #tpu.memory_space<hbm>>) target(%dma_start3A_17 : memref<80x64xf32, #tpu.memory_space<vmem>>) offsets(%dma_start3A_20 : memref<80xi32, #tpu.memory_space<vmem>>) semaphore(%arg12 : memref<!tpu.dma_semaphore, #tpu.memory_space<semaphore_mem>>)
    %dma_start3A_24 = arith.constant 0 : i32
    %dma_start3A_25 = arith.constant 1 : i32
    %dma_start3A_26 = arith.constant 0 : i32
    %dma_start3A_27 = arith.constant 80 : i32
    %dma_start3A_28 = arith.constant 0 : i32
    %dma_start3A_29 = tpu.memref_slice %arg9[%dma_start3A_26, %dma_start3A_27, %dma_start3A_28] : memref<2x880x64xf32, #tpu.memory_space<vmem>> -> memref<1x80x64xf32, #tpu.memory_space<vmem>>
    %dma_start3A_30 = tpu.memref_squeeze %dma_start3A_29 : memref<1x80x64xf32, #tpu.memory_space<vmem>> -> memref<80x64xf32, #tpu.memory_space<vmem>>
    %dma_start3A_31 = arith.constant 0 : i32
    %dma_start3A_32 = tpu.memref_slice %arg7[%dma_start3A_24, %dma_start3A_25, %dma_start3A_31] : memref<2x10x80xi32, #tpu.memory_space<vmem>> -> memref<1x1x80xi32, #tpu.memory_space<vmem>>
    %dma_start3A_33 = tpu.memref_squeeze %dma_start3A_32 : memref<1x1x80xi32, #tpu.memory_space<vmem>> -> memref<80xi32, #tpu.memory_space<vmem>>
    %dma_start3A_34 = arith.constant 0 : i32
    %dma_start3A_35 = arith.constant 0 : i32
    %dma_start3A_36 = tpu.memref_slice %arg4[%dma_start3A_34, %dma_start3A_35] : memref<1000000x64xf32, #tpu.memory_space<hbm>> -> memref<1000000x64xf32, #tpu.memory_space<hbm>>
    tpu.enqueue_indirect_dma source(%dma_start3A_36 : memref<1000000x64xf32, #tpu.memory_space<hbm>>) target(%dma_start3A_30 : memref<80x64xf32, #tpu.memory_space<vmem>>) offsets(%dma_start3A_33 : memref<80xi32, #tpu.memory_space<vmem>>) semaphore(%arg12 : memref<!tpu.dma_semaphore, #tpu.memory_space<semaphore_mem>>)
    %dma_start3A_37 = arith.constant 0 : i32
    %dma_start3A_38 = arith.constant 2 : i32
    %dma_start3A_39 = arith.constant 0 : i32
    %dma_start3A_40 = arith.constant 160 : i32
    %dma_start3A_41 = arith.constant 0 : i32
    %dma_start3A_42 = tpu.memref_slice %arg9[%dma_start3A_39, %dma_start3A_40, %dma_start3A_41] : memref<2x880x64xf32, #tpu.memory_space<vmem>> -> memref<1x80x64xf32, #tpu.memory_space<vmem>>
    %dma_start3A_43 = tpu.memref_squeeze %dma_start3A_42 : memref<1x80x64xf32, #tpu.memory_space<vmem>> -> memref<80x64xf32, #tpu.memory_space<vmem>>
    %dma_start3A_44 = arith.constant 0 : i32
    %dma_start3A_45 = tpu.memref_slice %arg7[%dma_start3A_37, %dma_start3A_38, %dma_start3A_44] : memref<2x10x80xi32, #tpu.memory_space<vmem>> -> memref<1x1x80xi32, #tpu.memory_space<vmem>>
    %dma_start3A_46 = tpu.memref_squeeze %dma_start3A_45 : memref<1x1x80xi32, #tpu.memory_space<vmem>> -> memref<80xi32, #tpu.memory_space<vmem>>
    %dma_start3A_47 = arith.constant 0 : i32
    %dma_start3A_48 = arith.constant 0 : i32
    %dma_start3A_49 = tpu.memref_slice %arg4[%dma_start3A_47, %dma_start3A_48] : memref<1000000x64xf32, #tpu.memory_space<hbm>> -> memref<1000000x64xf32, #tpu.memory_space<hbm>>
    tpu.enqueue_indirect_dma source(%dma_start3A_49 : memref<1000000x64xf32, #tpu.memory_space<hbm>>) target(%dma_start3A_43 : memref<80x64xf32, #tpu.memory_space<vmem>>) offsets(%dma_start3A_46 : memref<80xi32, #tpu.memory_space<vmem>>) semaphore(%arg12 : memref<!tpu.dma_semaphore, #tpu.memory_space<semaphore_mem>>)
    %dma_start3A_50 = arith.constant 0 : i32
    %dma_start3A_51 = arith.constant 3 : i32
    %dma_start3A_52 = arith.constant 0 : i32
    %dma_start3A_53 = arith.constant 240 : i32
    %dma_start3A_54 = arith.constant 0 : i32
    %dma_start3A_55 = tpu.memref_slice %arg9[%dma_start3A_52, %dma_start3A_53, %dma_start3A_54] : memref<2x880x64xf32, #tpu.memory_space<vmem>> -> memref<1x80x64xf32, #tpu.memory_space<vmem>>
    %dma_start3A_56 = tpu.memref_squeeze %dma_start3A_55 : memref<1x80x64xf32, #tpu.memory_space<vmem>> -> memref<80x64xf32, #tpu.memory_space<vmem>>
    %dma_start3A_57 = arith.constant 0 : i32
    %dma_start3A_58 = tpu.memref_slice %arg7[%dma_start3A_50, %dma_start3A_51, %dma_start3A_57] : memref<2x10x80xi32, #tpu.memory_space<vmem>> -> memref<1x1x80xi32, #tpu.memory_space<vmem>>
    %dma_start3A_59 = tpu.memref_squeeze %dma_start3A_58 : memref<1x1x80xi32, #tpu.memory_space<vmem>> -> memref<80xi32, #tpu.memory_space<vmem>>
    %dma_start3A_60 = arith.constant 0 : i32
    %dma_start3A_61 = arith.constant 0 : i32
    %dma_start3A_62 = tpu.memref_slice %arg4[%dma_start3A_60, %dma_start3A_61] : memref<1000000x64xf32, #tpu.memory_space<hbm>> -> memref<1000000x64xf32, #tpu.memory_space<hbm>>
    tpu.enqueue_indirect_dma source(%dma_start3A_62 : memref<1000000x64xf32, #tpu.memory_space<hbm>>) target(%dma_start3A_56 : memref<80x64xf32, #tpu.memory_space<vmem>>) offsets(%dma_start3A_59 : memref<80xi32, #tpu.memory_space<vmem>>) semaphore(%arg12 : memref<!tpu.dma_semaphore, #tpu.memory_space<semaphore_mem>>)
    %dma_start3A_63 = arith.constant 0 : i32
    %dma_start3A_64 = arith.constant 4 : i32
    %dma_start3A_65 = arith.constant 0 : i32
    %dma_start3A_66 = arith.constant 320 : i32
    %dma_start3A_67 = arith.constant 0 : i32
    %dma_start3A_68 = tpu.memref_slice %arg9[%dma_start3A_65, %dma_start3A_66, %dma_start3A_67] : memref<2x880x64xf32, #tpu.memory_space<vmem>> -> memref<1x80x64xf32, #tpu.memory_space<vmem>>
    %dma_start3A_69 = tpu.memref_squeeze %dma_start3A_68 : memref<1x80x64xf32, #tpu.memory_space<vmem>> -> memref<80x64xf32, #tpu.memory_space<vmem>>
    %dma_start3A_70 = arith.constant 0 : i32
    %dma_start3A_71 = tpu.memref_slice %arg7[%dma_start3A_63, %dma_start3A_64, %dma_start3A_70] : memref<2x10x80xi32, #tpu.memory_space<vmem>> -> memref<1x1x80xi32, #tpu.memory_space<vmem>>
    %dma_start3A_72 = tpu.memref_squeeze %dma_start3A_71 : memref<1x1x80xi32, #tpu.memory_space<vmem>> -> memref<80xi32, #tpu.memory_space<vmem>>
    %dma_start3A_73 = arith.constant 0 : i32
    %dma_start3A_74 = arith.constant 0 : i32
    %dma_start3A_75 = tpu.memref_slice %arg4[%dma_start3A_73, %dma_start3A_74] : memref<1000000x64xf32, #tpu.memory_space<hbm>> -> memref<1000000x64xf32, #tpu.memory_space<hbm>>
    tpu.enqueue_indirect_dma source(%dma_start3A_75 : memref<1000000x64xf32, #tpu.memory_space<hbm>>) target(%dma_start3A_69 : memref<80x64xf32, #tpu.memory_space<vmem>>) offsets(%dma_start3A_72 : memref<80xi32, #tpu.memory_space<vmem>>) semaphore(%arg12 : memref<!tpu.dma_semaphore, #tpu.memory_space<semaphore_mem>>)
    %dma_start3A_76 = arith.constant 0 : i32
    %dma_start3A_77 = arith.constant 5 : i32
    %dma_start3A_78 = arith.constant 0 : i32
    %dma_start3A_79 = arith.constant 400 : i32
    %dma_start3A_80 = arith.constant 0 : i32
    %dma_start3A_81 = tpu.memref_slice %arg9[%dma_start3A_78, %dma_start3A_79, %dma_start3A_80] : memref<2x880x64xf32, #tpu.memory_space<vmem>> -> memref<1x80x64xf32, #tpu.memory_space<vmem>>
    %dma_start3A_82 = tpu.memref_squeeze %dma_start3A_81 : memref<1x80x64xf32, #tpu.memory_space<vmem>> -> memref<80x64xf32, #tpu.memory_space<vmem>>
    %dma_start3A_83 = arith.constant 0 : i32
    %dma_start3A_84 = tpu.memref_slice %arg7[%dma_start3A_76, %dma_start3A_77, %dma_start3A_83] : memref<2x10x80xi32, #tpu.memory_space<vmem>> -> memref<1x1x80xi32, #tpu.memory_space<vmem>>
    %dma_start3A_85 = tpu.memref_squeeze %dma_start3A_84 : memref<1x1x80xi32, #tpu.memory_space<vmem>> -> memref<80xi32, #tpu.memory_space<vmem>>
    %dma_start3A_86 = arith.constant 0 : i32
    %dma_start3A_87 = arith.constant 0 : i32
    %dma_start3A_88 = tpu.memref_slice %arg4[%dma_start3A_86, %dma_start3A_87] : memref<1000000x64xf32, #tpu.memory_space<hbm>> -> memref<1000000x64xf32, #tpu.memory_space<hbm>>
    tpu.enqueue_indirect_dma source(%dma_start3A_88 : memref<1000000x64xf32, #tpu.memory_space<hbm>>) target(%dma_start3A_82 : memref<80x64xf32, #tpu.memory_space<vmem>>) offsets(%dma_start3A_85 : memref<80xi32, #tpu.memory_space<vmem>>) semaphore(%arg12 : memref<!tpu.dma_semaphore, #tpu.memory_space<semaphore_mem>>)
    %dma_start3A_89 = arith.constant 0 : i32
    %dma_start3A_90 = arith.constant 6 : i32
    %dma_start3A_91 = arith.constant 0 : i32
    %dma_start3A_92 = arith.constant 480 : i32
    %dma_start3A_93 = arith.constant 0 : i32
    %dma_start3A_94 = tpu.memref_slice %arg9[%dma_start3A_91, %dma_start3A_92, %dma_start3A_93] : memref<2x880x64xf32, #tpu.memory_space<vmem>> -> memref<1x80x64xf32, #tpu.memory_space<vmem>>
    %dma_start3A_95 = tpu.memref_squeeze %dma_start3A_94 : memref<1x80x64xf32, #tpu.memory_space<vmem>> -> memref<80x64xf32, #tpu.memory_space<vmem>>
    %dma_start3A_96 = arith.constant 0 : i32
    %dma_start3A_97 = tpu.memref_slice %arg7[%dma_start3A_89, %dma_start3A_90, %dma_start3A_96] : memref<2x10x80xi32, #tpu.memory_space<vmem>> -> memref<1x1x80xi32, #tpu.memory_space<vmem>>
    %dma_start3A_98 = tpu.memref_squeeze %dma_start3A_97 : memref<1x1x80xi32, #tpu.memory_space<vmem>> -> memref<80xi32, #tpu.memory_space<vmem>>
    %dma_start3A_99 = arith.constant 0 : i32
    %dma_start3A_100 = arith.constant 0 : i32
    %dma_start3A_101 = tpu.memref_slice %arg4[%dma_start3A_99, %dma_start3A_100] : memref<1000000x64xf32, #tpu.memory_space<hbm>> -> memref<1000000x64xf32, #tpu.memory_space<hbm>>
    tpu.enqueue_indirect_dma source(%dma_start3A_101 : memref<1000000x64xf32, #tpu.memory_space<hbm>>) target(%dma_start3A_95 : memref<80x64xf32, #tpu.memory_space<vmem>>) offsets(%dma_start3A_98 : memref<80xi32, #tpu.memory_space<vmem>>) semaphore(%arg12 : memref<!tpu.dma_semaphore, #tpu.memory_space<semaphore_mem>>)
    %dma_start3A_102 = arith.constant 0 : i32
    %dma_start3A_103 = arith.constant 7 : i32
    %dma_start3A_104 = arith.constant 0 : i32
    %dma_start3A_105 = arith.constant 560 : i32
    %dma_start3A_106 = arith.constant 0 : i32
    %dma_start3A_107 = tpu.memref_slice %arg9[%dma_start3A_104, %dma_start3A_105, %dma_start3A_106] : memref<2x880x64xf32, #tpu.memory_space<vmem>> -> memref<1x80x64xf32, #tpu.memory_space<vmem>>
    %dma_start3A_108 = tpu.memref_squeeze %dma_start3A_107 : memref<1x80x64xf32, #tpu.memory_space<vmem>> -> memref<80x64xf32, #tpu.memory_space<vmem>>
    %dma_start3A_109 = arith.constant 0 : i32
    %dma_start3A_110 = tpu.memref_slice %arg7[%dma_start3A_102, %dma_start3A_103, %dma_start3A_109] : memref<2x10x80xi32, #tpu.memory_space<vmem>> -> memref<1x1x80xi32, #tpu.memory_space<vmem>>
    %dma_start3A_111 = tpu.memref_squeeze %dma_start3A_110 : memref<1x1x80xi32, #tpu.memory_space<vmem>> -> memref<80xi32, #tpu.memory_space<vmem>>
    %dma_start3A_112 = arith.constant 0 : i32
    %dma_start3A_113 = arith.constant 0 : i32
    %dma_start3A_114 = tpu.memref_slice %arg4[%dma_start3A_112, %dma_start3A_113] : memref<1000000x64xf32, #tpu.memory_space<hbm>> -> memref<1000000x64xf32, #tpu.memory_space<hbm>>
    tpu.enqueue_indirect_dma source(%dma_start3A_114 : memref<1000000x64xf32, #tpu.memory_space<hbm>>) target(%dma_start3A_108 : memref<80x64xf32, #tpu.memory_space<vmem>>) offsets(%dma_start3A_111 : memref<80xi32, #tpu.memory_space<vmem>>) semaphore(%arg12 : memref<!tpu.dma_semaphore, #tpu.memory_space<semaphore_mem>>)
    %dma_start3A_115 = arith.constant 0 : i32
    %dma_start3A_116 = arith.constant 8 : i32
    %dma_start3A_117 = arith.constant 0 : i32
    %dma_start3A_118 = arith.constant 640 : i32
    %dma_start3A_119 = arith.constant 0 : i32
    %dma_start3A_120 = tpu.memref_slice %arg9[%dma_start3A_117, %dma_start3A_118, %dma_start3A_119] : memref<2x880x64xf32, #tpu.memory_space<vmem>> -> memref<1x80x64xf32, #tpu.memory_space<vmem>>
    %dma_start3A_121 = tpu.memref_squeeze %dma_start3A_120 : memref<1x80x64xf32, #tpu.memory_space<vmem>> -> memref<80x64xf32, #tpu.memory_space<vmem>>
    %dma_start3A_122 = arith.constant 0 : i32
    %dma_start3A_123 = tpu.memref_slice %arg7[%dma_start3A_115, %dma_start3A_116, %dma_start3A_122] : memref<2x10x80xi32, #tpu.memory_space<vmem>> -> memref<1x1x80xi32, #tpu.memory_space<vmem>>
    %dma_start3A_124 = tpu.memref_squeeze %dma_start3A_123 : memref<1x1x80xi32, #tpu.memory_space<vmem>> -> memref<80xi32, #tpu.memory_space<vmem>>
    %dma_start3A_125 = arith.constant 0 : i32
    %dma_start3A_126 = arith.constant 0 : i32
    %dma_start3A_127 = tpu.memref_slice %arg4[%dma_start3A_125, %dma_start3A_126] : memref<1000000x64xf32, #tpu.memory_space<hbm>> -> memref<1000000x64xf32, #tpu.memory_space<hbm>>
    tpu.enqueue_indirect_dma source(%dma_start3A_127 : memref<1000000x64xf32, #tpu.memory_space<hbm>>) target(%dma_start3A_121 : memref<80x64xf32, #tpu.memory_space<vmem>>) offsets(%dma_start3A_124 : memref<80xi32, #tpu.memory_space<vmem>>) semaphore(%arg12 : memref<!tpu.dma_semaphore, #tpu.memory_space<semaphore_mem>>)
    %dma_start3A_128 = arith.constant 0 : i32
    %dma_start3A_129 = arith.constant 9 : i32
    %dma_start3A_130 = arith.constant 0 : i32
    %dma_start3A_131 = arith.constant 720 : i32
    %dma_start3A_132 = arith.constant 0 : i32
    %dma_start3A_133 = tpu.memref_slice %arg9[%dma_start3A_130, %dma_start3A_131, %dma_start3A_132] : memref<2x880x64xf32, #tpu.memory_space<vmem>> -> memref<1x80x64xf32, #tpu.memory_space<vmem>>
    %dma_start3A_134 = tpu.memref_squeeze %dma_start3A_133 : memref<1x80x64xf32, #tpu.memory_space<vmem>> -> memref<80x64xf32, #tpu.memory_space<vmem>>
    %dma_start3A_135 = arith.constant 0 : i32
    %dma_start3A_136 = tpu.memref_slice %arg7[%dma_start3A_128, %dma_start3A_129, %dma_start3A_135] : memref<2x10x80xi32, #tpu.memory_space<vmem>> -> memref<1x1x80xi32, #tpu.memory_space<vmem>>
    %dma_start3A_137 = tpu.memref_squeeze %dma_start3A_136 : memref<1x1x80xi32, #tpu.memory_space<vmem>> -> memref<80xi32, #tpu.memory_space<vmem>>
    %dma_start3A_138 = arith.constant 0 : i32
    %dma_start3A_139 = arith.constant 0 : i32
    %dma_start3A_140 = tpu.memref_slice %arg4[%dma_start3A_138, %dma_start3A_139] : memref<1000000x64xf32, #tpu.memory_space<hbm>> -> memref<1000000x64xf32, #tpu.memory_space<hbm>>
    tpu.enqueue_indirect_dma source(%dma_start3A_140 : memref<1000000x64xf32, #tpu.memory_space<hbm>>) target(%dma_start3A_134 : memref<80x64xf32, #tpu.memory_space<vmem>>) offsets(%dma_start3A_137 : memref<80xi32, #tpu.memory_space<vmem>>) semaphore(%arg12 : memref<!tpu.dma_semaphore, #tpu.memory_space<semaphore_mem>>)
    %dma_start3A_141 = arith.constant 0 : i32
    %dma_start3A_142 = arith.constant 0 : i32
    %dma_start3A_143 = arith.constant 0 : i32
    %dma_start3A_144 = arith.constant 800 : i32
    %dma_start3A_145 = arith.constant 0 : i32
    %dma_start3A_146 = tpu.memref_slice %arg9[%dma_start3A_143, %dma_start3A_144, %dma_start3A_145] : memref<2x880x64xf32, #tpu.memory_space<vmem>> -> memref<1x80x64xf32, #tpu.memory_space<vmem>>
    %dma_start3A_147 = tpu.memref_squeeze %dma_start3A_146 : memref<1x80x64xf32, #tpu.memory_space<vmem>> -> memref<80x64xf32, #tpu.memory_space<vmem>>
    %dma_start3A_148 = arith.constant 0 : i32
    %dma_start3A_149 = tpu.memref_slice %arg8[%dma_start3A_141, %dma_start3A_142, %dma_start3A_148] : memref<2x1x80xi32, #tpu.memory_space<vmem>> -> memref<1x1x80xi32, #tpu.memory_space<vmem>>
    %dma_start3A_150 = tpu.memref_squeeze %dma_start3A_149 : memref<1x1x80xi32, #tpu.memory_space<vmem>> -> memref<80xi32, #tpu.memory_space<vmem>>
    %dma_start3A_151 = arith.constant 0 : i32
    %dma_start3A_152 = arith.constant 0 : i32
    %dma_start3A_153 = tpu.memref_slice %arg4[%dma_start3A_151, %dma_start3A_152] : memref<1000000x64xf32, #tpu.memory_space<hbm>> -> memref<1000000x64xf32, #tpu.memory_space<hbm>>
    tpu.enqueue_indirect_dma source(%dma_start3A_153 : memref<1000000x64xf32, #tpu.memory_space<hbm>>) target(%dma_start3A_147 : memref<80x64xf32, #tpu.memory_space<vmem>>) offsets(%dma_start3A_150 : memref<80xi32, #tpu.memory_space<vmem>>) semaphore(%arg12 : memref<!tpu.dma_semaphore, #tpu.memory_space<semaphore_mem>>)
    %scan3A = arith.constant 0 : i32
    %scan3A_154 = arith.constant 0 : i32
    %scan3A_155 = arith.constant 64 : i32
    %scan3A_156 = arith.addi %scan3A_154, %scan3A_155 : i32
    %scan3A_157 = arith.constant 1 : i32
    scf.for %scan3A_214 = %scan3A_154 to %scan3A_156 step %scan3A_157  : i32 {
      %mul3A_215 = arith.constant 2 : i32
      %mul3A_216 = arith.muli %mul3A_215, %scan3A_214 : i32
      %add3A_217 = arith.constant 1 : i32
      %add3A_218 = arith.addi %mul3A_216, %add3A_217 : i32
      %mul3A_219 = arith.constant 10 : i32
      %mul3A_220 = arith.muli %add3A_218, %mul3A_219 : i32
      %add3A_221 = arith.addi %mul3A_4, %mul3A_220 : i32
      %run_scoped3A_222 = arith.constant 1 : i32
      "tpu.region"() ({
        %run_scoped3A_1269 = tpu.sem_alloc : memref<!tpu.dma_semaphore, #tpu.memory_space<semaphore_mem>>
        %dma_start3A_1270 = arith.constant 0 : i32
        %dma_start3A_1271 = arith.constant 0 : i32
        %dma_start3A_1272 = tpu.memref_slice %arg7[%run_scoped3A_222, %dma_start3A_1270, %dma_start3A_1271] : memref<2x10x80xi32, #tpu.memory_space<vmem>> -> memref<1x10x80xi32, #tpu.memory_space<vmem>>
        %dma_start3A_1273 = tpu.memref_squeeze %dma_start3A_1272 : memref<1x10x80xi32, #tpu.memory_space<vmem>> -> memref<10x80xi32, #tpu.memory_space<vmem>>
        %dma_start3A_1274 = arith.constant 0 : i32
        %dma_start3A_1275 = tpu.memref_slice %arg2[%add3A_221, %dma_start3A_1274] : memref<40960x80xi32, #tpu.memory_space<hbm>> -> memref<10x80xi32, #tpu.memory_space<hbm>>
        %dma_start3A_1276 = arith.constant 0 : i32
        %dma_start3A_1277 = arith.constant 0 : i32
        %dma_start3A_1278 = tpu.memref_slice %arg7[%run_scoped3A_222, %dma_start3A_1276, %dma_start3A_1277] : memref<2x10x80xi32, #tpu.memory_space<vmem>> -> memref<1x10x80xi32, #tpu.memory_space<vmem>>
        %dma_start3A_1279 = tpu.memref_squeeze %dma_start3A_1278 : memref<1x10x80xi32, #tpu.memory_space<vmem>> -> memref<10x80xi32, #tpu.memory_space<vmem>>
        %dma_start3A_1280 = arith.constant 0 : i32
        %dma_start3A_1281 = tpu.memref_slice %arg2[%add3A_221, %dma_start3A_1280] : memref<40960x80xi32, #tpu.memory_space<hbm>> -> memref<10x80xi32, #tpu.memory_space<hbm>>
        tpu.enqueue_dma source(%dma_start3A_1281 : memref<10x80xi32, #tpu.memory_space<hbm>>) target(%dma_start3A_1279 : memref<10x80xi32, #tpu.memory_space<vmem>>) target_semaphore(%run_scoped3A_1269 : memref<!tpu.dma_semaphore, #tpu.memory_space<semaphore_mem>>)
        %dma_wait3A_1282 = arith.constant 0 : i32
        %dma_wait3A_1283 = arith.constant 0 : i32
        %dma_wait3A_1284 = tpu.memref_slice %arg7[%run_scoped3A_222, %dma_wait3A_1282, %dma_wait3A_1283] : memref<2x10x80xi32, #tpu.memory_space<vmem>> -> memref<1x10x80xi32, #tpu.memory_space<vmem>>
        %dma_wait3A_1285 = tpu.memref_squeeze %dma_wait3A_1284 : memref<1x10x80xi32, #tpu.memory_space<vmem>> -> memref<10x80xi32, #tpu.memory_space<vmem>>
        %dma_wait3A_1286 = arith.constant 0 : i32
        %dma_wait3A_1287 = tpu.memref_slice %arg2[%add3A_221, %dma_wait3A_1286] : memref<40960x80xi32, #tpu.memory_space<hbm>> -> memref<10x80xi32, #tpu.memory_space<hbm>>
        %dma_wait3A_1288 = arith.constant 0 : i32
        %dma_wait3A_1289 = arith.constant 0 : i32
        %dma_wait3A_1290 = tpu.memref_slice %arg7[%run_scoped3A_222, %dma_wait3A_1288, %dma_wait3A_1289] : memref<2x10x80xi32, #tpu.memory_space<vmem>> -> memref<1x10x80xi32, #tpu.memory_space<vmem>>
        %dma_wait3A_1291 = tpu.memref_squeeze %dma_wait3A_1290 : memref<1x10x80xi32, #tpu.memory_space<vmem>> -> memref<10x80xi32, #tpu.memory_space<vmem>>
        %dma_wait3A_1292 = arith.constant 0 : i32
        %dma_wait3A_1293 = tpu.memref_slice %arg2[%add3A_221, %dma_wait3A_1292] : memref<40960x80xi32, #tpu.memory_space<hbm>> -> memref<10x80xi32, #tpu.memory_space<hbm>>
        tpu.wait_dma2 semaphore(%run_scoped3A_1269 : memref<!tpu.dma_semaphore, #tpu.memory_space<semaphore_mem>>) src(%dma_wait3A_1293 : memref<10x80xi32, #tpu.memory_space<hbm>>) dst(%dma_wait3A_1291 : memref<10x80xi32, #tpu.memory_space<vmem>>)
        tpu.yield
      }) : () -> ()
      %mul3A_223 = arith.constant 1 : i32
      %mul3A_224 = arith.muli %add3A_218, %mul3A_223 : i32
      %add3A_225 = arith.addi %mul3A_6, %mul3A_224 : i32
      %run_scoped3A_226 = arith.constant 1 : i32
      "tpu.region"() ({
        %run_scoped3A_1269 = tpu.sem_alloc : memref<!tpu.dma_semaphore, #tpu.memory_space<semaphore_mem>>
        %dma_start3A_1270 = arith.constant 0 : i32
        %dma_start3A_1271 = arith.constant 0 : i32
        %dma_start3A_1272 = tpu.memref_slice %arg8[%run_scoped3A_226, %dma_start3A_1270, %dma_start3A_1271] : memref<2x1x80xi32, #tpu.memory_space<vmem>> -> memref<1x1x80xi32, #tpu.memory_space<vmem>>
        %dma_start3A_1273 = tpu.memref_squeeze %dma_start3A_1272 : memref<1x1x80xi32, #tpu.memory_space<vmem>> -> memref<1x80xi32, #tpu.memory_space<vmem>>
        %dma_start3A_1274 = arith.constant 0 : i32
        %dma_start3A_1275 = tpu.memref_slice %arg3[%add3A_225, %dma_start3A_1274] : memref<4096x80xi32, #tpu.memory_space<hbm>> -> memref<1x80xi32, #tpu.memory_space<hbm>>
        %dma_start3A_1276 = arith.constant 0 : i32
        %dma_start3A_1277 = arith.constant 0 : i32
        %dma_start3A_1278 = tpu.memref_slice %arg8[%run_scoped3A_226, %dma_start3A_1276, %dma_start3A_1277] : memref<2x1x80xi32, #tpu.memory_space<vmem>> -> memref<1x1x80xi32, #tpu.memory_space<vmem>>
        %dma_start3A_1279 = tpu.memref_squeeze %dma_start3A_1278 : memref<1x1x80xi32, #tpu.memory_space<vmem>> -> memref<1x80xi32, #tpu.memory_space<vmem>>
        %dma_start3A_1280 = arith.constant 0 : i32
        %dma_start3A_1281 = tpu.memref_slice %arg3[%add3A_225, %dma_start3A_1280] : memref<4096x80xi32, #tpu.memory_space<hbm>> -> memref<1x80xi32, #tpu.memory_space<hbm>>
        tpu.enqueue_dma source(%dma_start3A_1281 : memref<1x80xi32, #tpu.memory_space<hbm>>) target(%dma_start3A_1279 : memref<1x80xi32, #tpu.memory_space<vmem>>) target_semaphore(%run_scoped3A_1269 : memref<!tpu.dma_semaphore, #tpu.memory_space<semaphore_mem>>)
        %dma_wait3A_1282 = arith.constant 0 : i32
        %dma_wait3A_1283 = arith.constant 0 : i32
        %dma_wait3A_1284 = tpu.memref_slice %arg8[%run_scoped3A_226, %dma_wait3A_1282, %dma_wait3A_1283] : memref<2x1x80xi32, #tpu.memory_space<vmem>> -> memref<1x1x80xi32, #tpu.memory_space<vmem>>
        %dma_wait3A_1285 = tpu.memref_squeeze %dma_wait3A_1284 : memref<1x1x80xi32, #tpu.memory_space<vmem>> -> memref<1x80xi32, #tpu.memory_space<vmem>>
        %dma_wait3A_1286 = arith.constant 0 : i32
        %dma_wait3A_1287 = tpu.memref_slice %arg3[%add3A_225, %dma_wait3A_1286] : memref<4096x80xi32, #tpu.memory_space<hbm>> -> memref<1x80xi32, #tpu.memory_space<hbm>>
        %dma_wait3A_1288 = arith.constant 0 : i32
        %dma_wait3A_1289 = arith.constant 0 : i32
        %dma_wait3A_1290 = tpu.memref_slice %arg8[%run_scoped3A_226, %dma_wait3A_1288, %dma_wait3A_1289] : memref<2x1x80xi32, #tpu.memory_space<vmem>> -> memref<1x1x80xi32, #tpu.memory_space<vmem>>
        %dma_wait3A_1291 = tpu.memref_squeeze %dma_wait3A_1290 : memref<1x1x80xi32, #tpu.memory_space<vmem>> -> memref<1x80xi32, #tpu.memory_space<vmem>>
        %dma_wait3A_1292 = arith.constant 0 : i32
        %dma_wait3A_1293 = tpu.memref_slice %arg3[%add3A_225, %dma_wait3A_1292] : memref<4096x80xi32, #tpu.memory_space<hbm>> -> memref<1x80xi32, #tpu.memory_space<hbm>>
        tpu.wait_dma2 semaphore(%run_scoped3A_1269 : memref<!tpu.dma_semaphore, #tpu.memory_space<semaphore_mem>>) src(%dma_wait3A_1293 : memref<1x80xi32, #tpu.memory_space<hbm>>) dst(%dma_wait3A_1291 : memref<1x80xi32, #tpu.memory_space<vmem>>)
        tpu.yield
      }) : () -> ()
      %dma_start3A_227 = arith.constant 1 : i32
      %dma_start3A_228 = arith.constant 0 : i32
      %dma_start3A_229 = arith.constant 1 : i32
      %dma_start3A_230 = arith.constant 0 : i32
      %dma_start3A_231 = arith.constant 0 : i32
      %dma_start3A_232 = tpu.memref_slice %arg9[%dma_start3A_229, %dma_start3A_230, %dma_start3A_231] : memref<2x880x64xf32, #tpu.memory_space<vmem>> -> memref<1x80x64xf32, #tpu.memory_space<vmem>>
      %dma_start3A_233 = tpu.memref_squeeze %dma_start3A_232 : memref<1x80x64xf32, #tpu.memory_space<vmem>> -> memref<80x64xf32, #tpu.memory_space<vmem>>
      %dma_start3A_234 = arith.constant 0 : i32
      %dma_start3A_235 = tpu.memref_slice %arg7[%dma_start3A_227, %dma_start3A_228, %dma_start3A_234] : memref<2x10x80xi32, #tpu.memory_space<vmem>> -> memref<1x1x80xi32, #tpu.memory_space<vmem>>
      %dma_start3A_236 = tpu.memref_squeeze %dma_start3A_235 : memref<1x1x80xi32, #tpu.memory_space<vmem>> -> memref<80xi32, #tpu.memory_space<vmem>>
      %dma_start3A_237 = arith.constant 0 : i32
      %dma_start3A_238 = arith.constant 0 : i32
      %dma_start3A_239 = tpu.memref_slice %arg4[%dma_start3A_237, %dma_start3A_238] : memref<1000000x64xf32, #tpu.memory_space<hbm>> -> memref<1000000x64xf32, #tpu.memory_space<hbm>>
      tpu.enqueue_indirect_dma source(%dma_start3A_239 : memref<1000000x64xf32, #tpu.memory_space<hbm>>) target(%dma_start3A_233 : memref<80x64xf32, #tpu.memory_space<vmem>>) offsets(%dma_start3A_236 : memref<80xi32, #tpu.memory_space<vmem>>) semaphore(%arg13 : memref<!tpu.dma_semaphore, #tpu.memory_space<semaphore_mem>>)
      %dma_start3A_240 = arith.constant 1 : i32
      %dma_start3A_241 = arith.constant 1 : i32
      %dma_start3A_242 = arith.constant 1 : i32
      %dma_start3A_243 = arith.constant 80 : i32
      %dma_start3A_244 = arith.constant 0 : i32
      %dma_start3A_245 = tpu.memref_slice %arg9[%dma_start3A_242, %dma_start3A_243, %dma_start3A_244] : memref<2x880x64xf32, #tpu.memory_space<vmem>> -> memref<1x80x64xf32, #tpu.memory_space<vmem>>
      %dma_start3A_246 = tpu.memref_squeeze %dma_start3A_245 : memref<1x80x64xf32, #tpu.memory_space<vmem>> -> memref<80x64xf32, #tpu.memory_space<vmem>>
      %dma_start3A_247 = arith.constant 0 : i32
      %dma_start3A_248 = tpu.memref_slice %arg7[%dma_start3A_240, %dma_start3A_241, %dma_start3A_247] : memref<2x10x80xi32, #tpu.memory_space<vmem>> -> memref<1x1x80xi32, #tpu.memory_space<vmem>>
      %dma_start3A_249 = tpu.memref_squeeze %dma_start3A_248 : memref<1x1x80xi32, #tpu.memory_space<vmem>> -> memref<80xi32, #tpu.memory_space<vmem>>
      %dma_start3A_250 = arith.constant 0 : i32
      %dma_start3A_251 = arith.constant 0 : i32
      %dma_start3A_252 = tpu.memref_slice %arg4[%dma_start3A_250, %dma_start3A_251] : memref<1000000x64xf32, #tpu.memory_space<hbm>> -> memref<1000000x64xf32, #tpu.memory_space<hbm>>
      tpu.enqueue_indirect_dma source(%dma_start3A_252 : memref<1000000x64xf32, #tpu.memory_space<hbm>>) target(%dma_start3A_246 : memref<80x64xf32, #tpu.memory_space<vmem>>) offsets(%dma_start3A_249 : memref<80xi32, #tpu.memory_space<vmem>>) semaphore(%arg13 : memref<!tpu.dma_semaphore, #tpu.memory_space<semaphore_mem>>)
      %dma_start3A_253 = arith.constant 1 : i32
      %dma_start3A_254 = arith.constant 2 : i32
      %dma_start3A_255 = arith.constant 1 : i32
      %dma_start3A_256 = arith.constant 160 : i32
      %dma_start3A_257 = arith.constant 0 : i32
      %dma_start3A_258 = tpu.memref_slice %arg9[%dma_start3A_255, %dma_start3A_256, %dma_start3A_257] : memref<2x880x64xf32, #tpu.memory_space<vmem>> -> memref<1x80x64xf32, #tpu.memory_space<vmem>>
      %dma_start3A_259 = tpu.memref_squeeze %dma_start3A_258 : memref<1x80x64xf32, #tpu.memory_space<vmem>> -> memref<80x64xf32, #tpu.memory_space<vmem>>
      %dma_start3A_260 = arith.constant 0 : i32
      %dma_start3A_261 = tpu.memref_slice %arg7[%dma_start3A_253, %dma_start3A_254, %dma_start3A_260] : memref<2x10x80xi32, #tpu.memory_space<vmem>> -> memref<1x1x80xi32, #tpu.memory_space<vmem>>
      %dma_start3A_262 = tpu.memref_squeeze %dma_start3A_261 : memref<1x1x80xi32, #tpu.memory_space<vmem>> -> memref<80xi32, #tpu.memory_space<vmem>>
      %dma_start3A_263 = arith.constant 0 : i32
      %dma_start3A_264 = arith.constant 0 : i32
      %dma_start3A_265 = tpu.memref_slice %arg4[%dma_start3A_263, %dma_start3A_264] : memref<1000000x64xf32, #tpu.memory_space<hbm>> -> memref<1000000x64xf32, #tpu.memory_space<hbm>>
      tpu.enqueue_indirect_dma source(%dma_start3A_265 : memref<1000000x64xf32, #tpu.memory_space<hbm>>) target(%dma_start3A_259 : memref<80x64xf32, #tpu.memory_space<vmem>>) offsets(%dma_start3A_262 : memref<80xi32, #tpu.memory_space<vmem>>) semaphore(%arg13 : memref<!tpu.dma_semaphore, #tpu.memory_space<semaphore_mem>>)
      %dma_start3A_266 = arith.constant 1 : i32
      %dma_start3A_267 = arith.constant 3 : i32
      %dma_start3A_268 = arith.constant 1 : i32
      %dma_start3A_269 = arith.constant 240 : i32
      %dma_start3A_270 = arith.constant 0 : i32
      %dma_start3A_271 = tpu.memref_slice %arg9[%dma_start3A_268, %dma_start3A_269, %dma_start3A_270] : memref<2x880x64xf32, #tpu.memory_space<vmem>> -> memref<1x80x64xf32, #tpu.memory_space<vmem>>
      %dma_start3A_272 = tpu.memref_squeeze %dma_start3A_271 : memref<1x80x64xf32, #tpu.memory_space<vmem>> -> memref<80x64xf32, #tpu.memory_space<vmem>>
      %dma_start3A_273 = arith.constant 0 : i32
      %dma_start3A_274 = tpu.memref_slice %arg7[%dma_start3A_266, %dma_start3A_267, %dma_start3A_273] : memref<2x10x80xi32, #tpu.memory_space<vmem>> -> memref<1x1x80xi32, #tpu.memory_space<vmem>>
      %dma_start3A_275 = tpu.memref_squeeze %dma_start3A_274 : memref<1x1x80xi32, #tpu.memory_space<vmem>> -> memref<80xi32, #tpu.memory_space<vmem>>
      %dma_start3A_276 = arith.constant 0 : i32
      %dma_start3A_277 = arith.constant 0 : i32
      %dma_start3A_278 = tpu.memref_slice %arg4[%dma_start3A_276, %dma_start3A_277] : memref<1000000x64xf32, #tpu.memory_space<hbm>> -> memref<1000000x64xf32, #tpu.memory_space<hbm>>
      tpu.enqueue_indirect_dma source(%dma_start3A_278 : memref<1000000x64xf32, #tpu.memory_space<hbm>>) target(%dma_start3A_272 : memref<80x64xf32, #tpu.memory_space<vmem>>) offsets(%dma_start3A_275 : memref<80xi32, #tpu.memory_space<vmem>>) semaphore(%arg13 : memref<!tpu.dma_semaphore, #tpu.memory_space<semaphore_mem>>)
      %dma_start3A_279 = arith.constant 1 : i32
      %dma_start3A_280 = arith.constant 4 : i32
      %dma_start3A_281 = arith.constant 1 : i32
      %dma_start3A_282 = arith.constant 320 : i32
      %dma_start3A_283 = arith.constant 0 : i32
      %dma_start3A_284 = tpu.memref_slice %arg9[%dma_start3A_281, %dma_start3A_282, %dma_start3A_283] : memref<2x880x64xf32, #tpu.memory_space<vmem>> -> memref<1x80x64xf32, #tpu.memory_space<vmem>>
      %dma_start3A_285 = tpu.memref_squeeze %dma_start3A_284 : memref<1x80x64xf32, #tpu.memory_space<vmem>> -> memref<80x64xf32, #tpu.memory_space<vmem>>
      %dma_start3A_286 = arith.constant 0 : i32
      %dma_start3A_287 = tpu.memref_slice %arg7[%dma_start3A_279, %dma_start3A_280, %dma_start3A_286] : memref<2x10x80xi32, #tpu.memory_space<vmem>> -> memref<1x1x80xi32, #tpu.memory_space<vmem>>
      %dma_start3A_288 = tpu.memref_squeeze %dma_start3A_287 : memref<1x1x80xi32, #tpu.memory_space<vmem>> -> memref<80xi32, #tpu.memory_space<vmem>>
      %dma_start3A_289 = arith.constant 0 : i32
      %dma_start3A_290 = arith.constant 0 : i32
      %dma_start3A_291 = tpu.memref_slice %arg4[%dma_start3A_289, %dma_start3A_290] : memref<1000000x64xf32, #tpu.memory_space<hbm>> -> memref<1000000x64xf32, #tpu.memory_space<hbm>>
      tpu.enqueue_indirect_dma source(%dma_start3A_291 : memref<1000000x64xf32, #tpu.memory_space<hbm>>) target(%dma_start3A_285 : memref<80x64xf32, #tpu.memory_space<vmem>>) offsets(%dma_start3A_288 : memref<80xi32, #tpu.memory_space<vmem>>) semaphore(%arg13 : memref<!tpu.dma_semaphore, #tpu.memory_space<semaphore_mem>>)
      %dma_start3A_292 = arith.constant 1 : i32
      %dma_start3A_293 = arith.constant 5 : i32
      %dma_start3A_294 = arith.constant 1 : i32
      %dma_start3A_295 = arith.constant 400 : i32
      %dma_start3A_296 = arith.constant 0 : i32
      %dma_start3A_297 = tpu.memref_slice %arg9[%dma_start3A_294, %dma_start3A_295, %dma_start3A_296] : memref<2x880x64xf32, #tpu.memory_space<vmem>> -> memref<1x80x64xf32, #tpu.memory_space<vmem>>
      %dma_start3A_298 = tpu.memref_squeeze %dma_start3A_297 : memref<1x80x64xf32, #tpu.memory_space<vmem>> -> memref<80x64xf32, #tpu.memory_space<vmem>>
      %dma_start3A_299 = arith.constant 0 : i32
      %dma_start3A_300 = tpu.memref_slice %arg7[%dma_start3A_292, %dma_start3A_293, %dma_start3A_299] : memref<2x10x80xi32, #tpu.memory_space<vmem>> -> memref<1x1x80xi32, #tpu.memory_space<vmem>>
      %dma_start3A_301 = tpu.memref_squeeze %dma_start3A_300 : memref<1x1x80xi32, #tpu.memory_space<vmem>> -> memref<80xi32, #tpu.memory_space<vmem>>
      %dma_start3A_302 = arith.constant 0 : i32
      %dma_start3A_303 = arith.constant 0 : i32
      %dma_start3A_304 = tpu.memref_slice %arg4[%dma_start3A_302, %dma_start3A_303] : memref<1000000x64xf32, #tpu.memory_space<hbm>> -> memref<1000000x64xf32, #tpu.memory_space<hbm>>
      tpu.enqueue_indirect_dma source(%dma_start3A_304 : memref<1000000x64xf32, #tpu.memory_space<hbm>>) target(%dma_start3A_298 : memref<80x64xf32, #tpu.memory_space<vmem>>) offsets(%dma_start3A_301 : memref<80xi32, #tpu.memory_space<vmem>>) semaphore(%arg13 : memref<!tpu.dma_semaphore, #tpu.memory_space<semaphore_mem>>)
      %dma_start3A_305 = arith.constant 1 : i32
      %dma_start3A_306 = arith.constant 6 : i32
      %dma_start3A_307 = arith.constant 1 : i32
      %dma_start3A_308 = arith.constant 480 : i32
      %dma_start3A_309 = arith.constant 0 : i32
      %dma_start3A_310 = tpu.memref_slice %arg9[%dma_start3A_307, %dma_start3A_308, %dma_start3A_309] : memref<2x880x64xf32, #tpu.memory_space<vmem>> -> memref<1x80x64xf32, #tpu.memory_space<vmem>>
      %dma_start3A_311 = tpu.memref_squeeze %dma_start3A_310 : memref<1x80x64xf32, #tpu.memory_space<vmem>> -> memref<80x64xf32, #tpu.memory_space<vmem>>
      %dma_start3A_312 = arith.constant 0 : i32
      %dma_start3A_313 = tpu.memref_slice %arg7[%dma_start3A_305, %dma_start3A_306, %dma_start3A_312] : memref<2x10x80xi32, #tpu.memory_space<vmem>> -> memref<1x1x80xi32, #tpu.memory_space<vmem>>
      %dma_start3A_314 = tpu.memref_squeeze %dma_start3A_313 : memref<1x1x80xi32, #tpu.memory_space<vmem>> -> memref<80xi32, #tpu.memory_space<vmem>>
      %dma_start3A_315 = arith.constant 0 : i32
      %dma_start3A_316 = arith.constant 0 : i32
      %dma_start3A_317 = tpu.memref_slice %arg4[%dma_start3A_315, %dma_start3A_316] : memref<1000000x64xf32, #tpu.memory_space<hbm>> -> memref<1000000x64xf32, #tpu.memory_space<hbm>>
      tpu.enqueue_indirect_dma source(%dma_start3A_317 : memref<1000000x64xf32, #tpu.memory_space<hbm>>) target(%dma_start3A_311 : memref<80x64xf32, #tpu.memory_space<vmem>>) offsets(%dma_start3A_314 : memref<80xi32, #tpu.memory_space<vmem>>) semaphore(%arg13 : memref<!tpu.dma_semaphore, #tpu.memory_space<semaphore_mem>>)
      %dma_start3A_318 = arith.constant 1 : i32
      %dma_start3A_319 = arith.constant 7 : i32
      %dma_start3A_320 = arith.constant 1 : i32
      %dma_start3A_321 = arith.constant 560 : i32
      %dma_start3A_322 = arith.constant 0 : i32
      %dma_start3A_323 = tpu.memref_slice %arg9[%dma_start3A_320, %dma_start3A_321, %dma_start3A_322] : memref<2x880x64xf32, #tpu.memory_space<vmem>> -> memref<1x80x64xf32, #tpu.memory_space<vmem>>
      %dma_start3A_324 = tpu.memref_squeeze %dma_start3A_323 : memref<1x80x64xf32, #tpu.memory_space<vmem>> -> memref<80x64xf32, #tpu.memory_space<vmem>>
      %dma_start3A_325 = arith.constant 0 : i32
      %dma_start3A_326 = tpu.memref_slice %arg7[%dma_start3A_318, %dma_start3A_319, %dma_start3A_325] : memref<2x10x80xi32, #tpu.memory_space<vmem>> -> memref<1x1x80xi32, #tpu.memory_space<vmem>>
      %dma_start3A_327 = tpu.memref_squeeze %dma_start3A_326 : memref<1x1x80xi32, #tpu.memory_space<vmem>> -> memref<80xi32, #tpu.memory_space<vmem>>
      %dma_start3A_328 = arith.constant 0 : i32
      %dma_start3A_329 = arith.constant 0 : i32
      %dma_start3A_330 = tpu.memref_slice %arg4[%dma_start3A_328, %dma_start3A_329] : memref<1000000x64xf32, #tpu.memory_space<hbm>> -> memref<1000000x64xf32, #tpu.memory_space<hbm>>
      tpu.enqueue_indirect_dma source(%dma_start3A_330 : memref<1000000x64xf32, #tpu.memory_space<hbm>>) target(%dma_start3A_324 : memref<80x64xf32, #tpu.memory_space<vmem>>) offsets(%dma_start3A_327 : memref<80xi32, #tpu.memory_space<vmem>>) semaphore(%arg13 : memref<!tpu.dma_semaphore, #tpu.memory_space<semaphore_mem>>)
      %dma_start3A_331 = arith.constant 1 : i32
      %dma_start3A_332 = arith.constant 8 : i32
      %dma_start3A_333 = arith.constant 1 : i32
      %dma_start3A_334 = arith.constant 640 : i32
      %dma_start3A_335 = arith.constant 0 : i32
      %dma_start3A_336 = tpu.memref_slice %arg9[%dma_start3A_333, %dma_start3A_334, %dma_start3A_335] : memref<2x880x64xf32, #tpu.memory_space<vmem>> -> memref<1x80x64xf32, #tpu.memory_space<vmem>>
      %dma_start3A_337 = tpu.memref_squeeze %dma_start3A_336 : memref<1x80x64xf32, #tpu.memory_space<vmem>> -> memref<80x64xf32, #tpu.memory_space<vmem>>
      %dma_start3A_338 = arith.constant 0 : i32
      %dma_start3A_339 = tpu.memref_slice %arg7[%dma_start3A_331, %dma_start3A_332, %dma_start3A_338] : memref<2x10x80xi32, #tpu.memory_space<vmem>> -> memref<1x1x80xi32, #tpu.memory_space<vmem>>
      %dma_start3A_340 = tpu.memref_squeeze %dma_start3A_339 : memref<1x1x80xi32, #tpu.memory_space<vmem>> -> memref<80xi32, #tpu.memory_space<vmem>>
      %dma_start3A_341 = arith.constant 0 : i32
      %dma_start3A_342 = arith.constant 0 : i32
      %dma_start3A_343 = tpu.memref_slice %arg4[%dma_start3A_341, %dma_start3A_342] : memref<1000000x64xf32, #tpu.memory_space<hbm>> -> memref<1000000x64xf32, #tpu.memory_space<hbm>>
      tpu.enqueue_indirect_dma source(%dma_start3A_343 : memref<1000000x64xf32, #tpu.memory_space<hbm>>) target(%dma_start3A_337 : memref<80x64xf32, #tpu.memory_space<vmem>>) offsets(%dma_start3A_340 : memref<80xi32, #tpu.memory_space<vmem>>) semaphore(%arg13 : memref<!tpu.dma_semaphore, #tpu.memory_space<semaphore_mem>>)
      %dma_start3A_344 = arith.constant 1 : i32
      %dma_start3A_345 = arith.constant 9 : i32
      %dma_start3A_346 = arith.constant 1 : i32
      %dma_start3A_347 = arith.constant 720 : i32
      %dma_start3A_348 = arith.constant 0 : i32
      %dma_start3A_349 = tpu.memref_slice %arg9[%dma_start3A_346, %dma_start3A_347, %dma_start3A_348] : memref<2x880x64xf32, #tpu.memory_space<vmem>> -> memref<1x80x64xf32, #tpu.memory_space<vmem>>
      %dma_start3A_350 = tpu.memref_squeeze %dma_start3A_349 : memref<1x80x64xf32, #tpu.memory_space<vmem>> -> memref<80x64xf32, #tpu.memory_space<vmem>>
      %dma_start3A_351 = arith.constant 0 : i32
      %dma_start3A_352 = tpu.memref_slice %arg7[%dma_start3A_344, %dma_start3A_345, %dma_start3A_351] : memref<2x10x80xi32, #tpu.memory_space<vmem>> -> memref<1x1x80xi32, #tpu.memory_space<vmem>>
      %dma_start3A_353 = tpu.memref_squeeze %dma_start3A_352 : memref<1x1x80xi32, #tpu.memory_space<vmem>> -> memref<80xi32, #tpu.memory_space<vmem>>
      %dma_start3A_354 = arith.constant 0 : i32
      %dma_start3A_355 = arith.constant 0 : i32
      %dma_start3A_356 = tpu.memref_slice %arg4[%dma_start3A_354, %dma_start3A_355] : memref<1000000x64xf32, #tpu.memory_space<hbm>> -> memref<1000000x64xf32, #tpu.memory_space<hbm>>
      tpu.enqueue_indirect_dma source(%dma_start3A_356 : memref<1000000x64xf32, #tpu.memory_space<hbm>>) target(%dma_start3A_350 : memref<80x64xf32, #tpu.memory_space<vmem>>) offsets(%dma_start3A_353 : memref<80xi32, #tpu.memory_space<vmem>>) semaphore(%arg13 : memref<!tpu.dma_semaphore, #tpu.memory_space<semaphore_mem>>)
      %dma_start3A_357 = arith.constant 1 : i32
      %dma_start3A_358 = arith.constant 0 : i32
      %dma_start3A_359 = arith.constant 1 : i32
      %dma_start3A_360 = arith.constant 800 : i32
      %dma_start3A_361 = arith.constant 0 : i32
      %dma_start3A_362 = tpu.memref_slice %arg9[%dma_start3A_359, %dma_start3A_360, %dma_start3A_361] : memref<2x880x64xf32, #tpu.memory_space<vmem>> -> memref<1x80x64xf32, #tpu.memory_space<vmem>>
      %dma_start3A_363 = tpu.memref_squeeze %dma_start3A_362 : memref<1x80x64xf32, #tpu.memory_space<vmem>> -> memref<80x64xf32, #tpu.memory_space<vmem>>
      %dma_start3A_364 = arith.constant 0 : i32
      %dma_start3A_365 = tpu.memref_slice %arg8[%dma_start3A_357, %dma_start3A_358, %dma_start3A_364] : memref<2x1x80xi32, #tpu.memory_space<vmem>> -> memref<1x1x80xi32, #tpu.memory_space<vmem>>
      %dma_start3A_366 = tpu.memref_squeeze %dma_start3A_365 : memref<1x1x80xi32, #tpu.memory_space<vmem>> -> memref<80xi32, #tpu.memory_space<vmem>>
      %dma_start3A_367 = arith.constant 0 : i32
      %dma_start3A_368 = arith.constant 0 : i32
      %dma_start3A_369 = tpu.memref_slice %arg4[%dma_start3A_367, %dma_start3A_368] : memref<1000000x64xf32, #tpu.memory_space<hbm>> -> memref<1000000x64xf32, #tpu.memory_space<hbm>>
      tpu.enqueue_indirect_dma source(%dma_start3A_369 : memref<1000000x64xf32, #tpu.memory_space<hbm>>) target(%dma_start3A_363 : memref<80x64xf32, #tpu.memory_space<vmem>>) offsets(%dma_start3A_366 : memref<80xi32, #tpu.memory_space<vmem>>) semaphore(%arg13 : memref<!tpu.dma_semaphore, #tpu.memory_space<semaphore_mem>>)
      %dma_wait3A_370 = arith.constant 0 : i32
      %dma_wait3A_371 = arith.constant 0 : i32
      %dma_wait3A_372 = arith.constant 0 : i32
      %dma_wait3A_373 = arith.constant 0 : i32
      %dma_wait3A_374 = arith.constant 0 : i32
      %dma_wait3A_375 = tpu.memref_slice %arg9[%dma_wait3A_372, %dma_wait3A_373, %dma_wait3A_374] : memref<2x880x64xf32, #tpu.memory_space<vmem>> -> memref<1x80x64xf32, #tpu.memory_space<vmem>>
      %dma_wait3A_376 = tpu.memref_squeeze %dma_wait3A_375 : memref<1x80x64xf32, #tpu.memory_space<vmem>> -> memref<80x64xf32, #tpu.memory_space<vmem>>
      %dma_wait3A_377 = arith.constant 0 : i32
      %dma_wait3A_378 = tpu.memref_slice %arg7[%dma_wait3A_370, %dma_wait3A_371, %dma_wait3A_377] : memref<2x10x80xi32, #tpu.memory_space<vmem>> -> memref<1x1x80xi32, #tpu.memory_space<vmem>>
      %dma_wait3A_379 = tpu.memref_squeeze %dma_wait3A_378 : memref<1x1x80xi32, #tpu.memory_space<vmem>> -> memref<80xi32, #tpu.memory_space<vmem>>
      %dma_wait3A_380 = arith.constant 0 : i32
      %dma_wait3A_381 = arith.constant 0 : i32
      %dma_wait3A_382 = tpu.memref_slice %arg4[%dma_wait3A_380, %dma_wait3A_381] : memref<1000000x64xf32, #tpu.memory_space<hbm>> -> memref<1000000x64xf32, #tpu.memory_space<hbm>>
      tpu.wait_indirect_dma semaphore(%arg12 : memref<!tpu.dma_semaphore, #tpu.memory_space<semaphore_mem>>) src(%dma_wait3A_382 : memref<1000000x64xf32, #tpu.memory_space<hbm>>) dst(%dma_wait3A_376 : memref<80x64xf32, #tpu.memory_space<vmem>>)
      %dma_wait3A_383 = arith.constant 0 : i32
      %dma_wait3A_384 = arith.constant 1 : i32
      %dma_wait3A_385 = arith.constant 0 : i32
      %dma_wait3A_386 = arith.constant 80 : i32
      %dma_wait3A_387 = arith.constant 0 : i32
      %dma_wait3A_388 = tpu.memref_slice %arg9[%dma_wait3A_385, %dma_wait3A_386, %dma_wait3A_387] : memref<2x880x64xf32, #tpu.memory_space<vmem>> -> memref<1x80x64xf32, #tpu.memory_space<vmem>>
      %dma_wait3A_389 = tpu.memref_squeeze %dma_wait3A_388 : memref<1x80x64xf32, #tpu.memory_space<vmem>> -> memref<80x64xf32, #tpu.memory_space<vmem>>
      %dma_wait3A_390 = arith.constant 0 : i32
      %dma_wait3A_391 = tpu.memref_slice %arg7[%dma_wait3A_383, %dma_wait3A_384, %dma_wait3A_390] : memref<2x10x80xi32, #tpu.memory_space<vmem>> -> memref<1x1x80xi32, #tpu.memory_space<vmem>>
      %dma_wait3A_392 = tpu.memref_squeeze %dma_wait3A_391 : memref<1x1x80xi32, #tpu.memory_space<vmem>> -> memref<80xi32, #tpu.memory_space<vmem>>
      %dma_wait3A_393 = arith.constant 0 : i32
      %dma_wait3A_394 = arith.constant 0 : i32
      %dma_wait3A_395 = tpu.memref_slice %arg4[%dma_wait3A_393, %dma_wait3A_394] : memref<1000000x64xf32, #tpu.memory_space<hbm>> -> memref<1000000x64xf32, #tpu.memory_space<hbm>>
      tpu.wait_indirect_dma semaphore(%arg12 : memref<!tpu.dma_semaphore, #tpu.memory_space<semaphore_mem>>) src(%dma_wait3A_395 : memref<1000000x64xf32, #tpu.memory_space<hbm>>) dst(%dma_wait3A_389 : memref<80x64xf32, #tpu.memory_space<vmem>>)
      %dma_wait3A_396 = arith.constant 0 : i32
      %dma_wait3A_397 = arith.constant 2 : i32
      %dma_wait3A_398 = arith.constant 0 : i32
      %dma_wait3A_399 = arith.constant 160 : i32
      %dma_wait3A_400 = arith.constant 0 : i32
      %dma_wait3A_401 = tpu.memref_slice %arg9[%dma_wait3A_398, %dma_wait3A_399, %dma_wait3A_400] : memref<2x880x64xf32, #tpu.memory_space<vmem>> -> memref<1x80x64xf32, #tpu.memory_space<vmem>>
      %dma_wait3A_402 = tpu.memref_squeeze %dma_wait3A_401 : memref<1x80x64xf32, #tpu.memory_space<vmem>> -> memref<80x64xf32, #tpu.memory_space<vmem>>
      %dma_wait3A_403 = arith.constant 0 : i32
      %dma_wait3A_404 = tpu.memref_slice %arg7[%dma_wait3A_396, %dma_wait3A_397, %dma_wait3A_403] : memref<2x10x80xi32, #tpu.memory_space<vmem>> -> memref<1x1x80xi32, #tpu.memory_space<vmem>>
      %dma_wait3A_405 = tpu.memref_squeeze %dma_wait3A_404 : memref<1x1x80xi32, #tpu.memory_space<vmem>> -> memref<80xi32, #tpu.memory_space<vmem>>
      %dma_wait3A_406 = arith.constant 0 : i32
      %dma_wait3A_407 = arith.constant 0 : i32
      %dma_wait3A_408 = tpu.memref_slice %arg4[%dma_wait3A_406, %dma_wait3A_407] : memref<1000000x64xf32, #tpu.memory_space<hbm>> -> memref<1000000x64xf32, #tpu.memory_space<hbm>>
      tpu.wait_indirect_dma semaphore(%arg12 : memref<!tpu.dma_semaphore, #tpu.memory_space<semaphore_mem>>) src(%dma_wait3A_408 : memref<1000000x64xf32, #tpu.memory_space<hbm>>) dst(%dma_wait3A_402 : memref<80x64xf32, #tpu.memory_space<vmem>>)
      %dma_wait3A_409 = arith.constant 0 : i32
      %dma_wait3A_410 = arith.constant 3 : i32
      %dma_wait3A_411 = arith.constant 0 : i32
      %dma_wait3A_412 = arith.constant 240 : i32
      %dma_wait3A_413 = arith.constant 0 : i32
      %dma_wait3A_414 = tpu.memref_slice %arg9[%dma_wait3A_411, %dma_wait3A_412, %dma_wait3A_413] : memref<2x880x64xf32, #tpu.memory_space<vmem>> -> memref<1x80x64xf32, #tpu.memory_space<vmem>>
      %dma_wait3A_415 = tpu.memref_squeeze %dma_wait3A_414 : memref<1x80x64xf32, #tpu.memory_space<vmem>> -> memref<80x64xf32, #tpu.memory_space<vmem>>
      %dma_wait3A_416 = arith.constant 0 : i32
      %dma_wait3A_417 = tpu.memref_slice %arg7[%dma_wait3A_409, %dma_wait3A_410, %dma_wait3A_416] : memref<2x10x80xi32, #tpu.memory_space<vmem>> -> memref<1x1x80xi32, #tpu.memory_space<vmem>>
      %dma_wait3A_418 = tpu.memref_squeeze %dma_wait3A_417 : memref<1x1x80xi32, #tpu.memory_space<vmem>> -> memref<80xi32, #tpu.memory_space<vmem>>
      %dma_wait3A_419 = arith.constant 0 : i32
      %dma_wait3A_420 = arith.constant 0 : i32
      %dma_wait3A_421 = tpu.memref_slice %arg4[%dma_wait3A_419, %dma_wait3A_420] : memref<1000000x64xf32, #tpu.memory_space<hbm>> -> memref<1000000x64xf32, #tpu.memory_space<hbm>>
      tpu.wait_indirect_dma semaphore(%arg12 : memref<!tpu.dma_semaphore, #tpu.memory_space<semaphore_mem>>) src(%dma_wait3A_421 : memref<1000000x64xf32, #tpu.memory_space<hbm>>) dst(%dma_wait3A_415 : memref<80x64xf32, #tpu.memory_space<vmem>>)
      %dma_wait3A_422 = arith.constant 0 : i32
      %dma_wait3A_423 = arith.constant 4 : i32
      %dma_wait3A_424 = arith.constant 0 : i32
      %dma_wait3A_425 = arith.constant 320 : i32
      %dma_wait3A_426 = arith.constant 0 : i32
      %dma_wait3A_427 = tpu.memref_slice %arg9[%dma_wait3A_424, %dma_wait3A_425, %dma_wait3A_426] : memref<2x880x64xf32, #tpu.memory_space<vmem>> -> memref<1x80x64xf32, #tpu.memory_space<vmem>>
      %dma_wait3A_428 = tpu.memref_squeeze %dma_wait3A_427 : memref<1x80x64xf32, #tpu.memory_space<vmem>> -> memref<80x64xf32, #tpu.memory_space<vmem>>
      %dma_wait3A_429 = arith.constant 0 : i32
      %dma_wait3A_430 = tpu.memref_slice %arg7[%dma_wait3A_422, %dma_wait3A_423, %dma_wait3A_429] : memref<2x10x80xi32, #tpu.memory_space<vmem>> -> memref<1x1x80xi32, #tpu.memory_space<vmem>>
      %dma_wait3A_431 = tpu.memref_squeeze %dma_wait3A_430 : memref<1x1x80xi32, #tpu.memory_space<vmem>> -> memref<80xi32, #tpu.memory_space<vmem>>
      %dma_wait3A_432 = arith.constant 0 : i32
      %dma_wait3A_433 = arith.constant 0 : i32
      %dma_wait3A_434 = tpu.memref_slice %arg4[%dma_wait3A_432, %dma_wait3A_433] : memref<1000000x64xf32, #tpu.memory_space<hbm>> -> memref<1000000x64xf32, #tpu.memory_space<hbm>>
      tpu.wait_indirect_dma semaphore(%arg12 : memref<!tpu.dma_semaphore, #tpu.memory_space<semaphore_mem>>) src(%dma_wait3A_434 : memref<1000000x64xf32, #tpu.memory_space<hbm>>) dst(%dma_wait3A_428 : memref<80x64xf32, #tpu.memory_space<vmem>>)
      %dma_wait3A_435 = arith.constant 0 : i32
      %dma_wait3A_436 = arith.constant 5 : i32
      %dma_wait3A_437 = arith.constant 0 : i32
      %dma_wait3A_438 = arith.constant 400 : i32
      %dma_wait3A_439 = arith.constant 0 : i32
      %dma_wait3A_440 = tpu.memref_slice %arg9[%dma_wait3A_437, %dma_wait3A_438, %dma_wait3A_439] : memref<2x880x64xf32, #tpu.memory_space<vmem>> -> memref<1x80x64xf32, #tpu.memory_space<vmem>>
      %dma_wait3A_441 = tpu.memref_squeeze %dma_wait3A_440 : memref<1x80x64xf32, #tpu.memory_space<vmem>> -> memref<80x64xf32, #tpu.memory_space<vmem>>
      %dma_wait3A_442 = arith.constant 0 : i32
      %dma_wait3A_443 = tpu.memref_slice %arg7[%dma_wait3A_435, %dma_wait3A_436, %dma_wait3A_442] : memref<2x10x80xi32, #tpu.memory_space<vmem>> -> memref<1x1x80xi32, #tpu.memory_space<vmem>>
      %dma_wait3A_444 = tpu.memref_squeeze %dma_wait3A_443 : memref<1x1x80xi32, #tpu.memory_space<vmem>> -> memref<80xi32, #tpu.memory_space<vmem>>
      %dma_wait3A_445 = arith.constant 0 : i32
      %dma_wait3A_446 = arith.constant 0 : i32
      %dma_wait3A_447 = tpu.memref_slice %arg4[%dma_wait3A_445, %dma_wait3A_446] : memref<1000000x64xf32, #tpu.memory_space<hbm>> -> memref<1000000x64xf32, #tpu.memory_space<hbm>>
      tpu.wait_indirect_dma semaphore(%arg12 : memref<!tpu.dma_semaphore, #tpu.memory_space<semaphore_mem>>) src(%dma_wait3A_447 : memref<1000000x64xf32, #tpu.memory_space<hbm>>) dst(%dma_wait3A_441 : memref<80x64xf32, #tpu.memory_space<vmem>>)
      %dma_wait3A_448 = arith.constant 0 : i32
      %dma_wait3A_449 = arith.constant 6 : i32
      %dma_wait3A_450 = arith.constant 0 : i32
      %dma_wait3A_451 = arith.constant 480 : i32
      %dma_wait3A_452 = arith.constant 0 : i32
      %dma_wait3A_453 = tpu.memref_slice %arg9[%dma_wait3A_450, %dma_wait3A_451, %dma_wait3A_452] : memref<2x880x64xf32, #tpu.memory_space<vmem>> -> memref<1x80x64xf32, #tpu.memory_space<vmem>>
      %dma_wait3A_454 = tpu.memref_squeeze %dma_wait3A_453 : memref<1x80x64xf32, #tpu.memory_space<vmem>> -> memref<80x64xf32, #tpu.memory_space<vmem>>
      %dma_wait3A_455 = arith.constant 0 : i32
      %dma_wait3A_456 = tpu.memref_slice %arg7[%dma_wait3A_448, %dma_wait3A_449, %dma_wait3A_455] : memref<2x10x80xi32, #tpu.memory_space<vmem>> -> memref<1x1x80xi32, #tpu.memory_space<vmem>>
      %dma_wait3A_457 = tpu.memref_squeeze %dma_wait3A_456 : memref<1x1x80xi32, #tpu.memory_space<vmem>> -> memref<80xi32, #tpu.memory_space<vmem>>
      %dma_wait3A_458 = arith.constant 0 : i32
      %dma_wait3A_459 = arith.constant 0 : i32
      %dma_wait3A_460 = tpu.memref_slice %arg4[%dma_wait3A_458, %dma_wait3A_459] : memref<1000000x64xf32, #tpu.memory_space<hbm>> -> memref<1000000x64xf32, #tpu.memory_space<hbm>>
      tpu.wait_indirect_dma semaphore(%arg12 : memref<!tpu.dma_semaphore, #tpu.memory_space<semaphore_mem>>) src(%dma_wait3A_460 : memref<1000000x64xf32, #tpu.memory_space<hbm>>) dst(%dma_wait3A_454 : memref<80x64xf32, #tpu.memory_space<vmem>>)
      %dma_wait3A_461 = arith.constant 0 : i32
      %dma_wait3A_462 = arith.constant 7 : i32
      %dma_wait3A_463 = arith.constant 0 : i32
      %dma_wait3A_464 = arith.constant 560 : i32
      %dma_wait3A_465 = arith.constant 0 : i32
      %dma_wait3A_466 = tpu.memref_slice %arg9[%dma_wait3A_463, %dma_wait3A_464, %dma_wait3A_465] : memref<2x880x64xf32, #tpu.memory_space<vmem>> -> memref<1x80x64xf32, #tpu.memory_space<vmem>>
      %dma_wait3A_467 = tpu.memref_squeeze %dma_wait3A_466 : memref<1x80x64xf32, #tpu.memory_space<vmem>> -> memref<80x64xf32, #tpu.memory_space<vmem>>
      %dma_wait3A_468 = arith.constant 0 : i32
      %dma_wait3A_469 = tpu.memref_slice %arg7[%dma_wait3A_461, %dma_wait3A_462, %dma_wait3A_468] : memref<2x10x80xi32, #tpu.memory_space<vmem>> -> memref<1x1x80xi32, #tpu.memory_space<vmem>>
      %dma_wait3A_470 = tpu.memref_squeeze %dma_wait3A_469 : memref<1x1x80xi32, #tpu.memory_space<vmem>> -> memref<80xi32, #tpu.memory_space<vmem>>
      %dma_wait3A_471 = arith.constant 0 : i32
      %dma_wait3A_472 = arith.constant 0 : i32
      %dma_wait3A_473 = tpu.memref_slice %arg4[%dma_wait3A_471, %dma_wait3A_472] : memref<1000000x64xf32, #tpu.memory_space<hbm>> -> memref<1000000x64xf32, #tpu.memory_space<hbm>>
      tpu.wait_indirect_dma semaphore(%arg12 : memref<!tpu.dma_semaphore, #tpu.memory_space<semaphore_mem>>) src(%dma_wait3A_473 : memref<1000000x64xf32, #tpu.memory_space<hbm>>) dst(%dma_wait3A_467 : memref<80x64xf32, #tpu.memory_space<vmem>>)
      %dma_wait3A_474 = arith.constant 0 : i32
      %dma_wait3A_475 = arith.constant 8 : i32
      %dma_wait3A_476 = arith.constant 0 : i32
      %dma_wait3A_477 = arith.constant 640 : i32
      %dma_wait3A_478 = arith.constant 0 : i32
      %dma_wait3A_479 = tpu.memref_slice %arg9[%dma_wait3A_476, %dma_wait3A_477, %dma_wait3A_478] : memref<2x880x64xf32, #tpu.memory_space<vmem>> -> memref<1x80x64xf32, #tpu.memory_space<vmem>>
      %dma_wait3A_480 = tpu.memref_squeeze %dma_wait3A_479 : memref<1x80x64xf32, #tpu.memory_space<vmem>> -> memref<80x64xf32, #tpu.memory_space<vmem>>
      %dma_wait3A_481 = arith.constant 0 : i32
      %dma_wait3A_482 = tpu.memref_slice %arg7[%dma_wait3A_474, %dma_wait3A_475, %dma_wait3A_481] : memref<2x10x80xi32, #tpu.memory_space<vmem>> -> memref<1x1x80xi32, #tpu.memory_space<vmem>>
      %dma_wait3A_483 = tpu.memref_squeeze %dma_wait3A_482 : memref<1x1x80xi32, #tpu.memory_space<vmem>> -> memref<80xi32, #tpu.memory_space<vmem>>
      %dma_wait3A_484 = arith.constant 0 : i32
      %dma_wait3A_485 = arith.constant 0 : i32
      %dma_wait3A_486 = tpu.memref_slice %arg4[%dma_wait3A_484, %dma_wait3A_485] : memref<1000000x64xf32, #tpu.memory_space<hbm>> -> memref<1000000x64xf32, #tpu.memory_space<hbm>>
      tpu.wait_indirect_dma semaphore(%arg12 : memref<!tpu.dma_semaphore, #tpu.memory_space<semaphore_mem>>) src(%dma_wait3A_486 : memref<1000000x64xf32, #tpu.memory_space<hbm>>) dst(%dma_wait3A_480 : memref<80x64xf32, #tpu.memory_space<vmem>>)
      %dma_wait3A_487 = arith.constant 0 : i32
      %dma_wait3A_488 = arith.constant 9 : i32
      %dma_wait3A_489 = arith.constant 0 : i32
      %dma_wait3A_490 = arith.constant 720 : i32
      %dma_wait3A_491 = arith.constant 0 : i32
      %dma_wait3A_492 = tpu.memref_slice %arg9[%dma_wait3A_489, %dma_wait3A_490, %dma_wait3A_491] : memref<2x880x64xf32, #tpu.memory_space<vmem>> -> memref<1x80x64xf32, #tpu.memory_space<vmem>>
      %dma_wait3A_493 = tpu.memref_squeeze %dma_wait3A_492 : memref<1x80x64xf32, #tpu.memory_space<vmem>> -> memref<80x64xf32, #tpu.memory_space<vmem>>
      %dma_wait3A_494 = arith.constant 0 : i32
      %dma_wait3A_495 = tpu.memref_slice %arg7[%dma_wait3A_487, %dma_wait3A_488, %dma_wait3A_494] : memref<2x10x80xi32, #tpu.memory_space<vmem>> -> memref<1x1x80xi32, #tpu.memory_space<vmem>>
      %dma_wait3A_496 = tpu.memref_squeeze %dma_wait3A_495 : memref<1x1x80xi32, #tpu.memory_space<vmem>> -> memref<80xi32, #tpu.memory_space<vmem>>
      %dma_wait3A_497 = arith.constant 0 : i32
      %dma_wait3A_498 = arith.constant 0 : i32
      %dma_wait3A_499 = tpu.memref_slice %arg4[%dma_wait3A_497, %dma_wait3A_498] : memref<1000000x64xf32, #tpu.memory_space<hbm>> -> memref<1000000x64xf32, #tpu.memory_space<hbm>>
      tpu.wait_indirect_dma semaphore(%arg12 : memref<!tpu.dma_semaphore, #tpu.memory_space<semaphore_mem>>) src(%dma_wait3A_499 : memref<1000000x64xf32, #tpu.memory_space<hbm>>) dst(%dma_wait3A_493 : memref<80x64xf32, #tpu.memory_space<vmem>>)
      %dma_wait3A_500 = arith.constant 0 : i32
      %dma_wait3A_501 = arith.constant 0 : i32
      %dma_wait3A_502 = arith.constant 0 : i32
      %dma_wait3A_503 = arith.constant 800 : i32
      %dma_wait3A_504 = arith.constant 0 : i32
      %dma_wait3A_505 = tpu.memref_slice %arg9[%dma_wait3A_502, %dma_wait3A_503, %dma_wait3A_504] : memref<2x880x64xf32, #tpu.memory_space<vmem>> -> memref<1x80x64xf32, #tpu.memory_space<vmem>>
      %dma_wait3A_506 = tpu.memref_squeeze %dma_wait3A_505 : memref<1x80x64xf32, #tpu.memory_space<vmem>> -> memref<80x64xf32, #tpu.memory_space<vmem>>
      %dma_wait3A_507 = arith.constant 0 : i32
      %dma_wait3A_508 = tpu.memref_slice %arg8[%dma_wait3A_500, %dma_wait3A_501, %dma_wait3A_507] : memref<2x1x80xi32, #tpu.memory_space<vmem>> -> memref<1x1x80xi32, #tpu.memory_space<vmem>>
      %dma_wait3A_509 = tpu.memref_squeeze %dma_wait3A_508 : memref<1x1x80xi32, #tpu.memory_space<vmem>> -> memref<80xi32, #tpu.memory_space<vmem>>
      %dma_wait3A_510 = arith.constant 0 : i32
      %dma_wait3A_511 = arith.constant 0 : i32
      %dma_wait3A_512 = tpu.memref_slice %arg4[%dma_wait3A_510, %dma_wait3A_511] : memref<1000000x64xf32, #tpu.memory_space<hbm>> -> memref<1000000x64xf32, #tpu.memory_space<hbm>>
      tpu.wait_indirect_dma semaphore(%arg12 : memref<!tpu.dma_semaphore, #tpu.memory_space<semaphore_mem>>) src(%dma_wait3A_512 : memref<1000000x64xf32, #tpu.memory_space<hbm>>) dst(%dma_wait3A_506 : memref<80x64xf32, #tpu.memory_space<vmem>>)
      %ge3A = arith.constant 2 : i32
      %ge3A_513 = arith.cmpi sge, %mul3A_216, %ge3A : i32
      %convert_element_type3A = arith.extui %ge3A_513 : i1 to i32
      %cond3A = arith.constant 0 : i32
      %cond3A_514 = arith.cmpi ne, %convert_element_type3A, %cond3A : i32
      scf.if %cond3A_514 {
        %sub3A = arith.constant 2 : i32
        %sub3A_1269 = arith.subi %mul3A_216, %sub3A : i32
        %mul3A_1270 = arith.constant 4 : i32
        %mul3A_1271 = arith.muli %sub3A_1269, %mul3A_1270 : i32
        %add3A_1272 = arith.addi %mul3A_2, %mul3A_1271 : i32
        %dma_wait3A_1273 = arith.constant 0 : i32
        %dma_wait3A_1274 = arith.constant 0 : i32
        %dma_wait3A_1275 = arith.constant 0 : i32
        %dma_wait3A_1276 = tpu.memref_slice %arg10[%dma_wait3A_1273, %dma_wait3A_1274, %dma_wait3A_1275] : memref<2x4x64xf32, #tpu.memory_space<vmem>> -> memref<1x4x64xf32, #tpu.memory_space<vmem>>
        %dma_wait3A_1277 = tpu.memref_squeeze %dma_wait3A_1276 : memref<1x4x64xf32, #tpu.memory_space<vmem>> -> memref<4x64xf32, #tpu.memory_space<vmem>>
        %dma_wait3A_1278 = arith.constant 0 : i32
        %dma_wait3A_1279 = tpu.memref_slice %arg5[%add3A_1272, %dma_wait3A_1278] : memref<16384x64xf32, #tpu.memory_space<hbm>> -> memref<4x64xf32, #tpu.memory_space<hbm>>
        %dma_wait3A_1280 = arith.constant 0 : i32
        %dma_wait3A_1281 = tpu.memref_slice %arg5[%add3A_1272, %dma_wait3A_1280] : memref<16384x64xf32, #tpu.memory_space<hbm>> -> memref<4x64xf32, #tpu.memory_space<hbm>>
        %dma_wait3A_1282 = arith.constant 0 : i32
        %dma_wait3A_1283 = arith.constant 0 : i32
        %dma_wait3A_1284 = tpu.memref_slice %arg10[%dma_wait3A_1273, %dma_wait3A_1282, %dma_wait3A_1283] : memref<2x4x64xf32, #tpu.memory_space<vmem>> -> memref<1x4x64xf32, #tpu.memory_space<vmem>>
        %dma_wait3A_1285 = tpu.memref_squeeze %dma_wait3A_1284 : memref<1x4x64xf32, #tpu.memory_space<vmem>> -> memref<4x64xf32, #tpu.memory_space<vmem>>
        tpu.wait_dma2 semaphore(%arg14 : memref<!tpu.dma_semaphore, #tpu.memory_space<semaphore_mem>>) src(%dma_wait3A_1285 : memref<4x64xf32, #tpu.memory_space<vmem>>) dst(%dma_wait3A_1281 : memref<4x64xf32, #tpu.memory_space<hbm>>)
        %dma_wait3A_1286 = arith.constant 0 : i32
        %dma_wait3A_1287 = arith.constant 0 : i32
        %dma_wait3A_1288 = arith.constant 0 : i32
        %dma_wait3A_1289 = tpu.memref_slice %arg11[%dma_wait3A_1286, %dma_wait3A_1287, %dma_wait3A_1288] : memref<2x4x64xf32, #tpu.memory_space<vmem>> -> memref<1x4x64xf32, #tpu.memory_space<vmem>>
        %dma_wait3A_1290 = tpu.memref_squeeze %dma_wait3A_1289 : memref<1x4x64xf32, #tpu.memory_space<vmem>> -> memref<4x64xf32, #tpu.memory_space<vmem>>
        %dma_wait3A_1291 = arith.constant 0 : i32
        %dma_wait3A_1292 = tpu.memref_slice %arg6[%add3A_1272, %dma_wait3A_1291] : memref<16384x64xf32, #tpu.memory_space<hbm>> -> memref<4x64xf32, #tpu.memory_space<hbm>>
        %dma_wait3A_1293 = arith.constant 0 : i32
        %dma_wait3A_1294 = tpu.memref_slice %arg6[%add3A_1272, %dma_wait3A_1293] : memref<16384x64xf32, #tpu.memory_space<hbm>> -> memref<4x64xf32, #tpu.memory_space<hbm>>
        %dma_wait3A_1295 = arith.constant 0 : i32
        %dma_wait3A_1296 = arith.constant 0 : i32
        %dma_wait3A_1297 = tpu.memref_slice %arg11[%dma_wait3A_1286, %dma_wait3A_1295, %dma_wait3A_1296] : memref<2x4x64xf32, #tpu.memory_space<vmem>> -> memref<1x4x64xf32, #tpu.memory_space<vmem>>
        %dma_wait3A_1298 = tpu.memref_squeeze %dma_wait3A_1297 : memref<1x4x64xf32, #tpu.memory_space<vmem>> -> memref<4x64xf32, #tpu.memory_space<vmem>>
        tpu.wait_dma2 semaphore(%arg14 : memref<!tpu.dma_semaphore, #tpu.memory_space<semaphore_mem>>) src(%dma_wait3A_1298 : memref<4x64xf32, #tpu.memory_space<vmem>>) dst(%dma_wait3A_1294 : memref<4x64xf32, #tpu.memory_space<hbm>>)
      } else {
      }
      %broadcast_in_dim3A = arith.constant 0.000000e+00 : f32
      %broadcast_in_dim3A_515 = vector.broadcast %broadcast_in_dim3A : f32 to vector<16xf32>
      %broadcast_in_dim3A_516 = arith.constant 0.000000e+00 : f32
      %broadcast_in_dim3A_517 = vector.broadcast %broadcast_in_dim3A_516 : f32 to vector<16xf32>
      %broadcast_in_dim3A_518 = arith.constant 0.000000e+00 : f32
      %broadcast_in_dim3A_519 = vector.broadcast %broadcast_in_dim3A_518 : f32 to vector<16xf32>
      %broadcast_in_dim3A_520 = arith.constant 0.000000e+00 : f32
      %broadcast_in_dim3A_521 = vector.broadcast %broadcast_in_dim3A_520 : f32 to vector<16xf32>
      %scan3A_522 = arith.constant 0 : i32
      %scan3A_523 = arith.constant 200 : i32
      %scan3A_524 = arith.addi %scan3A_522, %scan3A_523 : i32
      %scan3A_525 = arith.constant 4 : i32
      %scan3A_526:4 = scf.for %scan3A_1269 = %scan3A_522 to %scan3A_524 step %scan3A_525 iter_args(%scan3A_1270 = %broadcast_in_dim3A_515, %scan3A_1271 = %broadcast_in_dim3A_517, %scan3A_1272 = %broadcast_in_dim3A_519, %scan3A_1273 = %broadcast_in_dim3A_521) -> (vector<16xf32>, vector<16xf32>, vector<16xf32>, vector<16xf32>)  : i32 {
        %get3A = arith.constant 0 : i32
        %get3A_1274 = arith.index_cast %get3A : i32 to index
        %get3A_1275 = arith.index_cast %scan3A_1269 : i32 to index
        %get3A_1276 = arith.constant 0 : index
        %get3A_1277 = tpu.vector_load %arg9[%get3A_1274, %get3A_1275, %get3A_1276] {strides = array<i32>} : memref<2x880x64xf32, #tpu.memory_space<vmem>>, vector<16xf32>,
        %add3A_1278 = arith.addf %scan3A_1270, %get3A_1277 : vector<16xf32>
        %get3A_1279 = arith.constant 0 : i32
        %get3A_1280 = arith.index_cast %get3A_1279 : i32 to index
        %get3A_1281 = arith.index_cast %scan3A_1269 : i32 to index
        %get3A_1282 = arith.constant 16 : index
        %get3A_1283 = tpu.vector_load %arg9[%get3A_1280, %get3A_1281, %get3A_1282] {strides = array<i32>} : memref<2x880x64xf32, #tpu.memory_space<vmem>>, vector<16xf32>,
        %add3A_1284 = arith.addf %scan3A_1271, %get3A_1283 : vector<16xf32>
        %get3A_1285 = arith.constant 0 : i32
        %get3A_1286 = arith.index_cast %get3A_1285 : i32 to index
        %get3A_1287 = arith.index_cast %scan3A_1269 : i32 to index
        %get3A_1288 = arith.constant 32 : index
        %get3A_1289 = tpu.vector_load %arg9[%get3A_1286, %get3A_1287, %get3A_1288] {strides = array<i32>} : memref<2x880x64xf32, #tpu.memory_space<vmem>>, vector<16xf32>,
        %add3A_1290 = arith.addf %scan3A_1272, %get3A_1289 : vector<16xf32>
        %get3A_1291 = arith.constant 0 : i32
        %get3A_1292 = arith.index_cast %get3A_1291 : i32 to index
        %get3A_1293 = arith.index_cast %scan3A_1269 : i32 to index
        %get3A_1294 = arith.constant 48 : index
        %get3A_1295 = tpu.vector_load %arg9[%get3A_1292, %get3A_1293, %get3A_1294] {strides = array<i32>} : memref<2x880x64xf32, #tpu.memory_space<vmem>>, vector<16xf32>,
        %add3A_1296 = arith.addf %scan3A_1273, %get3A_1295 : vector<16xf32>
        %scan3A_1297 = arith.constant 1 : i32
        %scan3A_1298 = arith.addi %scan3A_1269, %scan3A_1297 : i32
        %get3A_1299 = arith.constant 0 : i32
        %get3A_1300 = arith.index_cast %get3A_1299 : i32 to index
        %get3A_1301 = arith.index_cast %scan3A_1298 : i32 to index
        %get3A_1302 = arith.constant 0 : index
        %get3A_1303 = tpu.vector_load %arg9[%get3A_1300, %get3A_1301, %get3A_1302] {strides = array<i32>} : memref<2x880x64xf32, #tpu.memory_space<vmem>>, vector<16xf32>,
        %add3A_1304 = arith.addf %add3A_1278, %get3A_1303 : vector<16xf32>
        %get3A_1305 = arith.constant 0 : i32
        %get3A_1306 = arith.index_cast %get3A_1305 : i32 to index
        %get3A_1307 = arith.index_cast %scan3A_1298 : i32 to index
        %get3A_1308 = arith.constant 16 : index
        %get3A_1309 = tpu.vector_load %arg9[%get3A_1306, %get3A_1307, %get3A_1308] {strides = array<i32>} : memref<2x880x64xf32, #tpu.memory_space<vmem>>, vector<16xf32>,
        %add3A_1310 = arith.addf %add3A_1284, %get3A_1309 : vector<16xf32>
        %get3A_1311 = arith.constant 0 : i32
        %get3A_1312 = arith.index_cast %get3A_1311 : i32 to index
        %get3A_1313 = arith.index_cast %scan3A_1298 : i32 to index
        %get3A_1314 = arith.constant 32 : index
        %get3A_1315 = tpu.vector_load %arg9[%get3A_1312, %get3A_1313, %get3A_1314] {strides = array<i32>} : memref<2x880x64xf32, #tpu.memory_space<vmem>>, vector<16xf32>,
        %add3A_1316 = arith.addf %add3A_1290, %get3A_1315 : vector<16xf32>
        %get3A_1317 = arith.constant 0 : i32
        %get3A_1318 = arith.index_cast %get3A_1317 : i32 to index
        %get3A_1319 = arith.index_cast %scan3A_1298 : i32 to index
        %get3A_1320 = arith.constant 48 : index
        %get3A_1321 = tpu.vector_load %arg9[%get3A_1318, %get3A_1319, %get3A_1320] {strides = array<i32>} : memref<2x880x64xf32, #tpu.memory_space<vmem>>, vector<16xf32>,
        %add3A_1322 = arith.addf %add3A_1296, %get3A_1321 : vector<16xf32>
        %scan3A_1323 = arith.constant 2 : i32
        %scan3A_1324 = arith.addi %scan3A_1269, %scan3A_1323 : i32
        %get3A_1325 = arith.constant 0 : i32
        %get3A_1326 = arith.index_cast %get3A_1325 : i32 to index
        %get3A_1327 = arith.index_cast %scan3A_1324 : i32 to index
        %get3A_1328 = arith.constant 0 : index
        %get3A_1329 = tpu.vector_load %arg9[%get3A_1326, %get3A_1327, %get3A_1328] {strides = array<i32>} : memref<2x880x64xf32, #tpu.memory_space<vmem>>, vector<16xf32>,
        %add3A_1330 = arith.addf %add3A_1304, %get3A_1329 : vector<16xf32>
        %get3A_1331 = arith.constant 0 : i32
        %get3A_1332 = arith.index_cast %get3A_1331 : i32 to index
        %get3A_1333 = arith.index_cast %scan3A_1324 : i32 to index
        %get3A_1334 = arith.constant 16 : index
        %get3A_1335 = tpu.vector_load %arg9[%get3A_1332, %get3A_1333, %get3A_1334] {strides = array<i32>} : memref<2x880x64xf32, #tpu.memory_space<vmem>>, vector<16xf32>,
        %add3A_1336 = arith.addf %add3A_1310, %get3A_1335 : vector<16xf32>
        %get3A_1337 = arith.constant 0 : i32
        %get3A_1338 = arith.index_cast %get3A_1337 : i32 to index
        %get3A_1339 = arith.index_cast %scan3A_1324 : i32 to index
        %get3A_1340 = arith.constant 32 : index
        %get3A_1341 = tpu.vector_load %arg9[%get3A_1338, %get3A_1339, %get3A_1340] {strides = array<i32>} : memref<2x880x64xf32, #tpu.memory_space<vmem>>, vector<16xf32>,
        %add3A_1342 = arith.addf %add3A_1316, %get3A_1341 : vector<16xf32>
        %get3A_1343 = arith.constant 0 : i32
        %get3A_1344 = arith.index_cast %get3A_1343 : i32 to index
        %get3A_1345 = arith.index_cast %scan3A_1324 : i32 to index
        %get3A_1346 = arith.constant 48 : index
        %get3A_1347 = tpu.vector_load %arg9[%get3A_1344, %get3A_1345, %get3A_1346] {strides = array<i32>} : memref<2x880x64xf32, #tpu.memory_space<vmem>>, vector<16xf32>,
        %add3A_1348 = arith.addf %add3A_1322, %get3A_1347 : vector<16xf32>
        %scan3A_1349 = arith.constant 3 : i32
        %scan3A_1350 = arith.addi %scan3A_1269, %scan3A_1349 : i32
        %get3A_1351 = arith.constant 0 : i32
        %get3A_1352 = arith.index_cast %get3A_1351 : i32 to index
        %get3A_1353 = arith.index_cast %scan3A_1350 : i32 to index
        %get3A_1354 = arith.constant 0 : index
        %get3A_1355 = tpu.vector_load %arg9[%get3A_1352, %get3A_1353, %get3A_1354] {strides = array<i32>} : memref<2x880x64xf32, #tpu.memory_space<vmem>>, vector<16xf32>,
        %add3A_1356 = arith.addf %add3A_1330, %get3A_1355 : vector<16xf32>
        %get3A_1357 = arith.constant 0 : i32
        %get3A_1358 = arith.index_cast %get3A_1357 : i32 to index
        %get3A_1359 = arith.index_cast %scan3A_1350 : i32 to index
        %get3A_1360 = arith.constant 16 : index
        %get3A_1361 = tpu.vector_load %arg9[%get3A_1358, %get3A_1359, %get3A_1360] {strides = array<i32>} : memref<2x880x64xf32, #tpu.memory_space<vmem>>, vector<16xf32>,
        %add3A_1362 = arith.addf %add3A_1336, %get3A_1361 : vector<16xf32>
        %get3A_1363 = arith.constant 0 : i32
        %get3A_1364 = arith.index_cast %get3A_1363 : i32 to index
        %get3A_1365 = arith.index_cast %scan3A_1350 : i32 to index
        %get3A_1366 = arith.constant 32 : index
        %get3A_1367 = tpu.vector_load %arg9[%get3A_1364, %get3A_1365, %get3A_1366] {strides = array<i32>} : memref<2x880x64xf32, #tpu.memory_space<vmem>>, vector<16xf32>,
        %add3A_1368 = arith.addf %add3A_1342, %get3A_1367 : vector<16xf32>
        %get3A_1369 = arith.constant 0 : i32
        %get3A_1370 = arith.index_cast %get3A_1369 : i32 to index
        %get3A_1371 = arith.index_cast %scan3A_1350 : i32 to index
        %get3A_1372 = arith.constant 48 : index
        %get3A_1373 = tpu.vector_load %arg9[%get3A_1370, %get3A_1371, %get3A_1372] {strides = array<i32>} : memref<2x880x64xf32, #tpu.memory_space<vmem>>, vector<16xf32>,
        %add3A_1374 = arith.addf %add3A_1348, %get3A_1373 : vector<16xf32>
        scf.yield %add3A_1356, %add3A_1362, %add3A_1368, %add3A_1374 : vector<16xf32>, vector<16xf32>, vector<16xf32>, vector<16xf32>
      }
      %scan3A_527 = arith.constant 200 : i32
      %scan3A_528 = arith.constant 800 : i32
      %scan3A_529 = arith.constant 20 : i32
      %scan3A_530 = arith.addi %scan3A_528, %scan3A_529 : i32
      %scan3A_531 = arith.constant 4 : i32
      %scan3A_532:4 = scf.for %scan3A_1269 = %scan3A_528 to %scan3A_530 step %scan3A_531 iter_args(%scan3A_1270 = %broadcast_in_dim3A_515, %scan3A_1271 = %broadcast_in_dim3A_517, %scan3A_1272 = %broadcast_in_dim3A_519, %scan3A_1273 = %broadcast_in_dim3A_521) -> (vector<16xf32>, vector<16xf32>, vector<16xf32>, vector<16xf32>)  : i32 {
        %get3A = arith.constant 0 : i32
        %get3A_1274 = arith.index_cast %get3A : i32 to index
        %get3A_1275 = arith.index_cast %scan3A_1269 : i32 to index
        %get3A_1276 = arith.constant 0 : index
        %get3A_1277 = tpu.vector_load %arg9[%get3A_1274, %get3A_1275, %get3A_1276] {strides = array<i32>} : memref<2x880x64xf32, #tpu.memory_space<vmem>>, vector<16xf32>,
        %add3A_1278 = arith.addf %scan3A_1270, %get3A_1277 : vector<16xf32>
        %get3A_1279 = arith.constant 0 : i32
        %get3A_1280 = arith.index_cast %get3A_1279 : i32 to index
        %get3A_1281 = arith.index_cast %scan3A_1269 : i32 to index
        %get3A_1282 = arith.constant 16 : index
        %get3A_1283 = tpu.vector_load %arg9[%get3A_1280, %get3A_1281, %get3A_1282] {strides = array<i32>} : memref<2x880x64xf32, #tpu.memory_space<vmem>>, vector<16xf32>,
        %add3A_1284 = arith.addf %scan3A_1271, %get3A_1283 : vector<16xf32>
        %get3A_1285 = arith.constant 0 : i32
        %get3A_1286 = arith.index_cast %get3A_1285 : i32 to index
        %get3A_1287 = arith.index_cast %scan3A_1269 : i32 to index
        %get3A_1288 = arith.constant 32 : index
        %get3A_1289 = tpu.vector_load %arg9[%get3A_1286, %get3A_1287, %get3A_1288] {strides = array<i32>} : memref<2x880x64xf32, #tpu.memory_space<vmem>>, vector<16xf32>,
        %add3A_1290 = arith.addf %scan3A_1272, %get3A_1289 : vector<16xf32>
        %get3A_1291 = arith.constant 0 : i32
        %get3A_1292 = arith.index_cast %get3A_1291 : i32 to index
        %get3A_1293 = arith.index_cast %scan3A_1269 : i32 to index
        %get3A_1294 = arith.constant 48 : index
        %get3A_1295 = tpu.vector_load %arg9[%get3A_1292, %get3A_1293, %get3A_1294] {strides = array<i32>} : memref<2x880x64xf32, #tpu.memory_space<vmem>>, vector<16xf32>,
        %add3A_1296 = arith.addf %scan3A_1273, %get3A_1295 : vector<16xf32>
        %scan3A_1297 = arith.constant 1 : i32
        %scan3A_1298 = arith.addi %scan3A_1269, %scan3A_1297 : i32
        %get3A_1299 = arith.constant 0 : i32
        %get3A_1300 = arith.index_cast %get3A_1299 : i32 to index
        %get3A_1301 = arith.index_cast %scan3A_1298 : i32 to index
        %get3A_1302 = arith.constant 0 : index
        %get3A_1303 = tpu.vector_load %arg9[%get3A_1300, %get3A_1301, %get3A_1302] {strides = array<i32>} : memref<2x880x64xf32, #tpu.memory_space<vmem>>, vector<16xf32>,
        %add3A_1304 = arith.addf %add3A_1278, %get3A_1303 : vector<16xf32>
        %get3A_1305 = arith.constant 0 : i32
        %get3A_1306 = arith.index_cast %get3A_1305 : i32 to index
        %get3A_1307 = arith.index_cast %scan3A_1298 : i32 to index
        %get3A_1308 = arith.constant 16 : index
        %get3A_1309 = tpu.vector_load %arg9[%get3A_1306, %get3A_1307, %get3A_1308] {strides = array<i32>} : memref<2x880x64xf32, #tpu.memory_space<vmem>>, vector<16xf32>,
        %add3A_1310 = arith.addf %add3A_1284, %get3A_1309 : vector<16xf32>
        %get3A_1311 = arith.constant 0 : i32
        %get3A_1312 = arith.index_cast %get3A_1311 : i32 to index
        %get3A_1313 = arith.index_cast %scan3A_1298 : i32 to index
        %get3A_1314 = arith.constant 32 : index
        %get3A_1315 = tpu.vector_load %arg9[%get3A_1312, %get3A_1313, %get3A_1314] {strides = array<i32>} : memref<2x880x64xf32, #tpu.memory_space<vmem>>, vector<16xf32>,
        %add3A_1316 = arith.addf %add3A_1290, %get3A_1315 : vector<16xf32>
        %get3A_1317 = arith.constant 0 : i32
        %get3A_1318 = arith.index_cast %get3A_1317 : i32 to index
        %get3A_1319 = arith.index_cast %scan3A_1298 : i32 to index
        %get3A_1320 = arith.constant 48 : index
        %get3A_1321 = tpu.vector_load %arg9[%get3A_1318, %get3A_1319, %get3A_1320] {strides = array<i32>} : memref<2x880x64xf32, #tpu.memory_space<vmem>>, vector<16xf32>,
        %add3A_1322 = arith.addf %add3A_1296, %get3A_1321 : vector<16xf32>
        %scan3A_1323 = arith.constant 2 : i32
        %scan3A_1324 = arith.addi %scan3A_1269, %scan3A_1323 : i32
        %get3A_1325 = arith.constant 0 : i32
        %get3A_1326 = arith.index_cast %get3A_1325 : i32 to index
        %get3A_1327 = arith.index_cast %scan3A_1324 : i32 to index
        %get3A_1328 = arith.constant 0 : index
        %get3A_1329 = tpu.vector_load %arg9[%get3A_1326, %get3A_1327, %get3A_1328] {strides = array<i32>} : memref<2x880x64xf32, #tpu.memory_space<vmem>>, vector<16xf32>,
        %add3A_1330 = arith.addf %add3A_1304, %get3A_1329 : vector<16xf32>
        %get3A_1331 = arith.constant 0 : i32
        %get3A_1332 = arith.index_cast %get3A_1331 : i32 to index
        %get3A_1333 = arith.index_cast %scan3A_1324 : i32 to index
        %get3A_1334 = arith.constant 16 : index
        %get3A_1335 = tpu.vector_load %arg9[%get3A_1332, %get3A_1333, %get3A_1334] {strides = array<i32>} : memref<2x880x64xf32, #tpu.memory_space<vmem>>, vector<16xf32>,
        %add3A_1336 = arith.addf %add3A_1310, %get3A_1335 : vector<16xf32>
        %get3A_1337 = arith.constant 0 : i32
        %get3A_1338 = arith.index_cast %get3A_1337 : i32 to index
        %get3A_1339 = arith.index_cast %scan3A_1324 : i32 to index
        %get3A_1340 = arith.constant 32 : index
        %get3A_1341 = tpu.vector_load %arg9[%get3A_1338, %get3A_1339, %get3A_1340] {strides = array<i32>} : memref<2x880x64xf32, #tpu.memory_space<vmem>>, vector<16xf32>,
        %add3A_1342 = arith.addf %add3A_1316, %get3A_1341 : vector<16xf32>
        %get3A_1343 = arith.constant 0 : i32
        %get3A_1344 = arith.index_cast %get3A_1343 : i32 to index
        %get3A_1345 = arith.index_cast %scan3A_1324 : i32 to index
        %get3A_1346 = arith.constant 48 : index
        %get3A_1347 = tpu.vector_load %arg9[%get3A_1344, %get3A_1345, %get3A_1346] {strides = array<i32>} : memref<2x880x64xf32, #tpu.memory_space<vmem>>, vector<16xf32>,
        %add3A_1348 = arith.addf %add3A_1322, %get3A_1347 : vector<16xf32>
        %scan3A_1349 = arith.constant 3 : i32
        %scan3A_1350 = arith.addi %scan3A_1269, %scan3A_1349 : i32
        %get3A_1351 = arith.constant 0 : i32
        %get3A_1352 = arith.index_cast %get3A_1351 : i32 to index
        %get3A_1353 = arith.index_cast %scan3A_1350 : i32 to index
        %get3A_1354 = arith.constant 0 : index
        %get3A_1355 = tpu.vector_load %arg9[%get3A_1352, %get3A_1353, %get3A_1354] {strides = array<i32>} : memref<2x880x64xf32, #tpu.memory_space<vmem>>, vector<16xf32>,
        %add3A_1356 = arith.addf %add3A_1330, %get3A_1355 : vector<16xf32>
        %get3A_1357 = arith.constant 0 : i32
        %get3A_1358 = arith.index_cast %get3A_1357 : i32 to index
        %get3A_1359 = arith.index_cast %scan3A_1350 : i32 to index
        %get3A_1360 = arith.constant 16 : index
        %get3A_1361 = tpu.vector_load %arg9[%get3A_1358, %get3A_1359, %get3A_1360] {strides = array<i32>} : memref<2x880x64xf32, #tpu.memory_space<vmem>>, vector<16xf32>,
        %add3A_1362 = arith.addf %add3A_1336, %get3A_1361 : vector<16xf32>
        %get3A_1363 = arith.constant 0 : i32
        %get3A_1364 = arith.index_cast %get3A_1363 : i32 to index
        %get3A_1365 = arith.index_cast %scan3A_1350 : i32 to index
        %get3A_1366 = arith.constant 32 : index
        %get3A_1367 = tpu.vector_load %arg9[%get3A_1364, %get3A_1365, %get3A_1366] {strides = array<i32>} : memref<2x880x64xf32, #tpu.memory_space<vmem>>, vector<16xf32>,
        %add3A_1368 = arith.addf %add3A_1342, %get3A_1367 : vector<16xf32>
        %get3A_1369 = arith.constant 0 : i32
        %get3A_1370 = arith.index_cast %get3A_1369 : i32 to index
        %get3A_1371 = arith.index_cast %scan3A_1350 : i32 to index
        %get3A_1372 = arith.constant 48 : index
        %get3A_1373 = tpu.vector_load %arg9[%get3A_1370, %get3A_1371, %get3A_1372] {strides = array<i32>} : memref<2x880x64xf32, #tpu.memory_space<vmem>>, vector<16xf32>,
        %add3A_1374 = arith.addf %add3A_1348, %get3A_1373 : vector<16xf32>
        scf.yield %add3A_1356, %add3A_1362, %add3A_1368, %add3A_1374 : vector<16xf32>, vector<16xf32>, vector<16xf32>, vector<16xf32>
      }
      %scan3A_533 = arith.constant 20 : i32
      %swap3A = arith.constant 0 : i32
      %swap3A_534 = arith.constant 0 : i32
      %swap3A_535 = arith.index_cast %swap3A : i32 to index
      %swap3A_536 = arith.index_cast %swap3A_534 : i32 to index
      %swap3A_537 = arith.constant 0 : index
      %swap3A_538 = tpu.vector_load %arg10[%swap3A_535, %swap3A_536, %swap3A_537] {strides = array<i32>} : memref<2x4x64xf32, #tpu.memory_space<vmem>>, vector<16xf32>,
      tpu.vector_store %arg10[%swap3A_535, %swap3A_536, %swap3A_537], %scan3A_526#0 {strides = array<i32>} : memref<2x4x64xf32, #tpu.memory_space<vmem>>, vector<16xf32>,
      %swap3A_539 = arith.constant 0 : i32
      %swap3A_540 = arith.constant 0 : i32
      %swap3A_541 = arith.index_cast %swap3A_539 : i32 to index
      %swap3A_542 = arith.index_cast %swap3A_540 : i32 to index
      %swap3A_543 = arith.constant 0 : index
      %swap3A_544 = tpu.vector_load %arg11[%swap3A_541, %swap3A_542, %swap3A_543] {strides = array<i32>} : memref<2x4x64xf32, #tpu.memory_space<vmem>>, vector<16xf32>,
      tpu.vector_store %arg11[%swap3A_541, %swap3A_542, %swap3A_543], %scan3A_532#0 {strides = array<i32>} : memref<2x4x64xf32, #tpu.memory_space<vmem>>, vector<16xf32>,
      %swap3A_545 = arith.constant 0 : i32
      %swap3A_546 = arith.constant 0 : i32
      %swap3A_547 = arith.index_cast %swap3A_545 : i32 to index
      %swap3A_548 = arith.index_cast %swap3A_546 : i32 to index
      %swap3A_549 = arith.constant 16 : index
      %swap3A_550 = tpu.vector_load %arg10[%swap3A_547, %swap3A_548, %swap3A_549] {strides = array<i32>} : memref<2x4x64xf32, #tpu.memory_space<vmem>>, vector<16xf32>,
      tpu.vector_store %arg10[%swap3A_547, %swap3A_548, %swap3A_549], %scan3A_526#1 {strides = array<i32>} : memref<2x4x64xf32, #tpu.memory_space<vmem>>, vector<16xf32>,
      %swap3A_551 = arith.constant 0 : i32
      %swap3A_552 = arith.constant 0 : i32
      %swap3A_553 = arith.index_cast %swap3A_551 : i32 to index
      %swap3A_554 = arith.index_cast %swap3A_552 : i32 to index
      %swap3A_555 = arith.constant 16 : index
      %swap3A_556 = tpu.vector_load %arg11[%swap3A_553, %swap3A_554, %swap3A_555] {strides = array<i32>} : memref<2x4x64xf32, #tpu.memory_space<vmem>>, vector<16xf32>,
      tpu.vector_store %arg11[%swap3A_553, %swap3A_554, %swap3A_555], %scan3A_532#1 {strides = array<i32>} : memref<2x4x64xf32, #tpu.memory_space<vmem>>, vector<16xf32>,
      %swap3A_557 = arith.constant 0 : i32
      %swap3A_558 = arith.constant 0 : i32
      %swap3A_559 = arith.index_cast %swap3A_557 : i32 to index
      %swap3A_560 = arith.index_cast %swap3A_558 : i32 to index
      %swap3A_561 = arith.constant 32 : index
      %swap3A_562 = tpu.vector_load %arg10[%swap3A_559, %swap3A_560, %swap3A_561] {strides = array<i32>} : memref<2x4x64xf32, #tpu.memory_space<vmem>>, vector<16xf32>,
      tpu.vector_store %arg10[%swap3A_559, %swap3A_560, %swap3A_561], %scan3A_526#2 {strides = array<i32>} : memref<2x4x64xf32, #tpu.memory_space<vmem>>, vector<16xf32>,
      %swap3A_563 = arith.constant 0 : i32
      %swap3A_564 = arith.constant 0 : i32
      %swap3A_565 = arith.index_cast %swap3A_563 : i32 to index
      %swap3A_566 = arith.index_cast %swap3A_564 : i32 to index
      %swap3A_567 = arith.constant 32 : index
      %swap3A_568 = tpu.vector_load %arg11[%swap3A_565, %swap3A_566, %swap3A_567] {strides = array<i32>} : memref<2x4x64xf32, #tpu.memory_space<vmem>>, vector<16xf32>,
      tpu.vector_store %arg11[%swap3A_565, %swap3A_566, %swap3A_567], %scan3A_532#2 {strides = array<i32>} : memref<2x4x64xf32, #tpu.memory_space<vmem>>, vector<16xf32>,
      %swap3A_569 = arith.constant 0 : i32
      %swap3A_570 = arith.constant 0 : i32
      %swap3A_571 = arith.index_cast %swap3A_569 : i32 to index
      %swap3A_572 = arith.index_cast %swap3A_570 : i32 to index
      %swap3A_573 = arith.constant 48 : index
      %swap3A_574 = tpu.vector_load %arg10[%swap3A_571, %swap3A_572, %swap3A_573] {strides = array<i32>} : memref<2x4x64xf32, #tpu.memory_space<vmem>>, vector<16xf32>,
      tpu.vector_store %arg10[%swap3A_571, %swap3A_572, %swap3A_573], %scan3A_526#3 {strides = array<i32>} : memref<2x4x64xf32, #tpu.memory_space<vmem>>, vector<16xf32>,
      %swap3A_575 = arith.constant 0 : i32
      %swap3A_576 = arith.constant 0 : i32
      %swap3A_577 = arith.index_cast %swap3A_575 : i32 to index
      %swap3A_578 = arith.index_cast %swap3A_576 : i32 to index
      %swap3A_579 = arith.constant 48 : index
      %swap3A_580 = tpu.vector_load %arg11[%swap3A_577, %swap3A_578, %swap3A_579] {strides = array<i32>} : memref<2x4x64xf32, #tpu.memory_space<vmem>>, vector<16xf32>,
      tpu.vector_store %arg11[%swap3A_577, %swap3A_578, %swap3A_579], %scan3A_532#3 {strides = array<i32>} : memref<2x4x64xf32, #tpu.memory_space<vmem>>, vector<16xf32>,
      %broadcast_in_dim3A_581 = arith.constant 0.000000e+00 : f32
      %broadcast_in_dim3A_582 = vector.broadcast %broadcast_in_dim3A_581 : f32 to vector<16xf32>
      %broadcast_in_dim3A_583 = arith.constant 0.000000e+00 : f32
      %broadcast_in_dim3A_584 = vector.broadcast %broadcast_in_dim3A_583 : f32 to vector<16xf32>
      %broadcast_in_dim3A_585 = arith.constant 0.000000e+00 : f32
      %broadcast_in_dim3A_586 = vector.broadcast %broadcast_in_dim3A_585 : f32 to vector<16xf32>
      %broadcast_in_dim3A_587 = arith.constant 0.000000e+00 : f32
      %broadcast_in_dim3A_588 = vector.broadcast %broadcast_in_dim3A_587 : f32 to vector<16xf32>
      %scan3A_589 = arith.constant 200 : i32
      %scan3A_590 = arith.constant 200 : i32
      %scan3A_591 = arith.addi %scan3A_589, %scan3A_590 : i32
      %scan3A_592 = arith.constant 4 : i32
      %scan3A_593:4 = scf.for %scan3A_1269 = %scan3A_589 to %scan3A_591 step %scan3A_592 iter_args(%scan3A_1270 = %broadcast_in_dim3A_582, %scan3A_1271 = %broadcast_in_dim3A_584, %scan3A_1272 = %broadcast_in_dim3A_586, %scan3A_1273 = %broadcast_in_dim3A_588) -> (vector<16xf32>, vector<16xf32>, vector<16xf32>, vector<16xf32>)  : i32 {
        %get3A = arith.constant 0 : i32
        %get3A_1274 = arith.index_cast %get3A : i32 to index
        %get3A_1275 = arith.index_cast %scan3A_1269 : i32 to index
        %get3A_1276 = arith.constant 0 : index
        %get3A_1277 = tpu.vector_load %arg9[%get3A_1274, %get3A_1275, %get3A_1276] {strides = array<i32>} : memref<2x880x64xf32, #tpu.memory_space<vmem>>, vector<16xf32>,
        %add3A_1278 = arith.addf %scan3A_1270, %get3A_1277 : vector<16xf32>
        %get3A_1279 = arith.constant 0 : i32
        %get3A_1280 = arith.index_cast %get3A_1279 : i32 to index
        %get3A_1281 = arith.index_cast %scan3A_1269 : i32 to index
        %get3A_1282 = arith.constant 16 : index
        %get3A_1283 = tpu.vector_load %arg9[%get3A_1280, %get3A_1281, %get3A_1282] {strides = array<i32>} : memref<2x880x64xf32, #tpu.memory_space<vmem>>, vector<16xf32>,
        %add3A_1284 = arith.addf %scan3A_1271, %get3A_1283 : vector<16xf32>
        %get3A_1285 = arith.constant 0 : i32
        %get3A_1286 = arith.index_cast %get3A_1285 : i32 to index
        %get3A_1287 = arith.index_cast %scan3A_1269 : i32 to index
        %get3A_1288 = arith.constant 32 : index
        %get3A_1289 = tpu.vector_load %arg9[%get3A_1286, %get3A_1287, %get3A_1288] {strides = array<i32>} : memref<2x880x64xf32, #tpu.memory_space<vmem>>, vector<16xf32>,
        %add3A_1290 = arith.addf %scan3A_1272, %get3A_1289 : vector<16xf32>
        %get3A_1291 = arith.constant 0 : i32
        %get3A_1292 = arith.index_cast %get3A_1291 : i32 to index
        %get3A_1293 = arith.index_cast %scan3A_1269 : i32 to index
        %get3A_1294 = arith.constant 48 : index
        %get3A_1295 = tpu.vector_load %arg9[%get3A_1292, %get3A_1293, %get3A_1294] {strides = array<i32>} : memref<2x880x64xf32, #tpu.memory_space<vmem>>, vector<16xf32>,
        %add3A_1296 = arith.addf %scan3A_1273, %get3A_1295 : vector<16xf32>
        %scan3A_1297 = arith.constant 1 : i32
        %scan3A_1298 = arith.addi %scan3A_1269, %scan3A_1297 : i32
        %get3A_1299 = arith.constant 0 : i32
        %get3A_1300 = arith.index_cast %get3A_1299 : i32 to index
        %get3A_1301 = arith.index_cast %scan3A_1298 : i32 to index
        %get3A_1302 = arith.constant 0 : index
        %get3A_1303 = tpu.vector_load %arg9[%get3A_1300, %get3A_1301, %get3A_1302] {strides = array<i32>} : memref<2x880x64xf32, #tpu.memory_space<vmem>>, vector<16xf32>,
        %add3A_1304 = arith.addf %add3A_1278, %get3A_1303 : vector<16xf32>
        %get3A_1305 = arith.constant 0 : i32
        %get3A_1306 = arith.index_cast %get3A_1305 : i32 to index
        %get3A_1307 = arith.index_cast %scan3A_1298 : i32 to index
        %get3A_1308 = arith.constant 16 : index
        %get3A_1309 = tpu.vector_load %arg9[%get3A_1306, %get3A_1307, %get3A_1308] {strides = array<i32>} : memref<2x880x64xf32, #tpu.memory_space<vmem>>, vector<16xf32>,
        %add3A_1310 = arith.addf %add3A_1284, %get3A_1309 : vector<16xf32>
        %get3A_1311 = arith.constant 0 : i32
        %get3A_1312 = arith.index_cast %get3A_1311 : i32 to index
        %get3A_1313 = arith.index_cast %scan3A_1298 : i32 to index
        %get3A_1314 = arith.constant 32 : index
        %get3A_1315 = tpu.vector_load %arg9[%get3A_1312, %get3A_1313, %get3A_1314] {strides = array<i32>} : memref<2x880x64xf32, #tpu.memory_space<vmem>>, vector<16xf32>,
        %add3A_1316 = arith.addf %add3A_1290, %get3A_1315 : vector<16xf32>
        %get3A_1317 = arith.constant 0 : i32
        %get3A_1318 = arith.index_cast %get3A_1317 : i32 to index
        %get3A_1319 = arith.index_cast %scan3A_1298 : i32 to index
        %get3A_1320 = arith.constant 48 : index
        %get3A_1321 = tpu.vector_load %arg9[%get3A_1318, %get3A_1319, %get3A_1320] {strides = array<i32>} : memref<2x880x64xf32, #tpu.memory_space<vmem>>, vector<16xf32>,
        %add3A_1322 = arith.addf %add3A_1296, %get3A_1321 : vector<16xf32>
        %scan3A_1323 = arith.constant 2 : i32
        %scan3A_1324 = arith.addi %scan3A_1269, %scan3A_1323 : i32
        %get3A_1325 = arith.constant 0 : i32
        %get3A_1326 = arith.index_cast %get3A_1325 : i32 to index
        %get3A_1327 = arith.index_cast %scan3A_1324 : i32 to index
        %get3A_1328 = arith.constant 0 : index
        %get3A_1329 = tpu.vector_load %arg9[%get3A_1326, %get3A_1327, %get3A_1328] {strides = array<i32>} : memref<2x880x64xf32, #tpu.memory_space<vmem>>, vector<16xf32>,
        %add3A_1330 = arith.addf %add3A_1304, %get3A_1329 : vector<16xf32>
        %get3A_1331 = arith.constant 0 : i32
        %get3A_1332 = arith.index_cast %get3A_1331 : i32 to index
        %get3A_1333 = arith.index_cast %scan3A_1324 : i32 to index
        %get3A_1334 = arith.constant 16 : index
        %get3A_1335 = tpu.vector_load %arg9[%get3A_1332, %get3A_1333, %get3A_1334] {strides = array<i32>} : memref<2x880x64xf32, #tpu.memory_space<vmem>>, vector<16xf32>,
        %add3A_1336 = arith.addf %add3A_1310, %get3A_1335 : vector<16xf32>
        %get3A_1337 = arith.constant 0 : i32
        %get3A_1338 = arith.index_cast %get3A_1337 : i32 to index
        %get3A_1339 = arith.index_cast %scan3A_1324 : i32 to index
        %get3A_1340 = arith.constant 32 : index
        %get3A_1341 = tpu.vector_load %arg9[%get3A_1338, %get3A_1339, %get3A_1340] {strides = array<i32>} : memref<2x880x64xf32, #tpu.memory_space<vmem>>, vector<16xf32>,
        %add3A_1342 = arith.addf %add3A_1316, %get3A_1341 : vector<16xf32>
        %get3A_1343 = arith.constant 0 : i32
        %get3A_1344 = arith.index_cast %get3A_1343 : i32 to index
        %get3A_1345 = arith.index_cast %scan3A_1324 : i32 to index
        %get3A_1346 = arith.constant 48 : index
        %get3A_1347 = tpu.vector_load %arg9[%get3A_1344, %get3A_1345, %get3A_1346] {strides = array<i32>} : memref<2x880x64xf32, #tpu.memory_space<vmem>>, vector<16xf32>,
        %add3A_1348 = arith.addf %add3A_1322, %get3A_1347 : vector<16xf32>
        %scan3A_1349 = arith.constant 3 : i32
        %scan3A_1350 = arith.addi %scan3A_1269, %scan3A_1349 : i32
        %get3A_1351 = arith.constant 0 : i32
        %get3A_1352 = arith.index_cast %get3A_1351 : i32 to index
        %get3A_1353 = arith.index_cast %scan3A_1350 : i32 to index
        %get3A_1354 = arith.constant 0 : index
        %get3A_1355 = tpu.vector_load %arg9[%get3A_1352, %get3A_1353, %get3A_1354] {strides = array<i32>} : memref<2x880x64xf32, #tpu.memory_space<vmem>>, vector<16xf32>,
        %add3A_1356 = arith.addf %add3A_1330, %get3A_1355 : vector<16xf32>
        %get3A_1357 = arith.constant 0 : i32
        %get3A_1358 = arith.index_cast %get3A_1357 : i32 to index
        %get3A_1359 = arith.index_cast %scan3A_1350 : i32 to index
        %get3A_1360 = arith.constant 16 : index
        %get3A_1361 = tpu.vector_load %arg9[%get3A_1358, %get3A_1359, %get3A_1360] {strides = array<i32>} : memref<2x880x64xf32, #tpu.memory_space<vmem>>, vector<16xf32>,
        %add3A_1362 = arith.addf %add3A_1336, %get3A_1361 : vector<16xf32>
        %get3A_1363 = arith.constant 0 : i32
        %get3A_1364 = arith.index_cast %get3A_1363 : i32 to index
        %get3A_1365 = arith.index_cast %scan3A_1350 : i32 to index
        %get3A_1366 = arith.constant 32 : index
        %get3A_1367 = tpu.vector_load %arg9[%get3A_1364, %get3A_1365, %get3A_1366] {strides = array<i32>} : memref<2x880x64xf32, #tpu.memory_space<vmem>>, vector<16xf32>,
        %add3A_1368 = arith.addf %add3A_1342, %get3A_1367 : vector<16xf32>
        %get3A_1369 = arith.constant 0 : i32
        %get3A_1370 = arith.index_cast %get3A_1369 : i32 to index
        %get3A_1371 = arith.index_cast %scan3A_1350 : i32 to index
        %get3A_1372 = arith.constant 48 : index
        %get3A_1373 = tpu.vector_load %arg9[%get3A_1370, %get3A_1371, %get3A_1372] {strides = array<i32>} : memref<2x880x64xf32, #tpu.memory_space<vmem>>, vector<16xf32>,
        %add3A_1374 = arith.addf %add3A_1348, %get3A_1373 : vector<16xf32>
        scf.yield %add3A_1356, %add3A_1362, %add3A_1368, %add3A_1374 : vector<16xf32>, vector<16xf32>, vector<16xf32>, vector<16xf32>
      }
      %scan3A_594 = arith.constant 200 : i32
      %scan3A_595 = arith.constant 820 : i32
      %scan3A_596 = arith.constant 20 : i32
      %scan3A_597 = arith.addi %scan3A_595, %scan3A_596 : i32
      %scan3A_598 = arith.constant 4 : i32
      %scan3A_599:4 = scf.for %scan3A_1269 = %scan3A_595 to %scan3A_597 step %scan3A_598 iter_args(%scan3A_1270 = %broadcast_in_dim3A_582, %scan3A_1271 = %broadcast_in_dim3A_584, %scan3A_1272 = %broadcast_in_dim3A_586, %scan3A_1273 = %broadcast_in_dim3A_588) -> (vector<16xf32>, vector<16xf32>, vector<16xf32>, vector<16xf32>)  : i32 {
        %get3A = arith.constant 0 : i32
        %get3A_1274 = arith.index_cast %get3A : i32 to index
        %get3A_1275 = arith.index_cast %scan3A_1269 : i32 to index
        %get3A_1276 = arith.constant 0 : index
        %get3A_1277 = tpu.vector_load %arg9[%get3A_1274, %get3A_1275, %get3A_1276] {strides = array<i32>} : memref<2x880x64xf32, #tpu.memory_space<vmem>>, vector<16xf32>,
        %add3A_1278 = arith.addf %scan3A_1270, %get3A_1277 : vector<16xf32>
        %get3A_1279 = arith.constant 0 : i32
        %get3A_1280 = arith.index_cast %get3A_1279 : i32 to index
        %get3A_1281 = arith.index_cast %scan3A_1269 : i32 to index
        %get3A_1282 = arith.constant 16 : index
        %get3A_1283 = tpu.vector_load %arg9[%get3A_1280, %get3A_1281, %get3A_1282] {strides = array<i32>} : memref<2x880x64xf32, #tpu.memory_space<vmem>>, vector<16xf32>,
        %add3A_1284 = arith.addf %scan3A_1271, %get3A_1283 : vector<16xf32>
        %get3A_1285 = arith.constant 0 : i32
        %get3A_1286 = arith.index_cast %get3A_1285 : i32 to index
        %get3A_1287 = arith.index_cast %scan3A_1269 : i32 to index
        %get3A_1288 = arith.constant 32 : index
        %get3A_1289 = tpu.vector_load %arg9[%get3A_1286, %get3A_1287, %get3A_1288] {strides = array<i32>} : memref<2x880x64xf32, #tpu.memory_space<vmem>>, vector<16xf32>,
        %add3A_1290 = arith.addf %scan3A_1272, %get3A_1289 : vector<16xf32>
        %get3A_1291 = arith.constant 0 : i32
        %get3A_1292 = arith.index_cast %get3A_1291 : i32 to index
        %get3A_1293 = arith.index_cast %scan3A_1269 : i32 to index
        %get3A_1294 = arith.constant 48 : index
        %get3A_1295 = tpu.vector_load %arg9[%get3A_1292, %get3A_1293, %get3A_1294] {strides = array<i32>} : memref<2x880x64xf32, #tpu.memory_space<vmem>>, vector<16xf32>,
        %add3A_1296 = arith.addf %scan3A_1273, %get3A_1295 : vector<16xf32>
        %scan3A_1297 = arith.constant 1 : i32
        %scan3A_1298 = arith.addi %scan3A_1269, %scan3A_1297 : i32
        %get3A_1299 = arith.constant 0 : i32
        %get3A_1300 = arith.index_cast %get3A_1299 : i32 to index
        %get3A_1301 = arith.index_cast %scan3A_1298 : i32 to index
        %get3A_1302 = arith.constant 0 : index
        %get3A_1303 = tpu.vector_load %arg9[%get3A_1300, %get3A_1301, %get3A_1302] {strides = array<i32>} : memref<2x880x64xf32, #tpu.memory_space<vmem>>, vector<16xf32>,
        %add3A_1304 = arith.addf %add3A_1278, %get3A_1303 : vector<16xf32>
        %get3A_1305 = arith.constant 0 : i32
        %get3A_1306 = arith.index_cast %get3A_1305 : i32 to index
        %get3A_1307 = arith.index_cast %scan3A_1298 : i32 to index
        %get3A_1308 = arith.constant 16 : index
        %get3A_1309 = tpu.vector_load %arg9[%get3A_1306, %get3A_1307, %get3A_1308] {strides = array<i32>} : memref<2x880x64xf32, #tpu.memory_space<vmem>>, vector<16xf32>,
        %add3A_1310 = arith.addf %add3A_1284, %get3A_1309 : vector<16xf32>
        %get3A_1311 = arith.constant 0 : i32
        %get3A_1312 = arith.index_cast %get3A_1311 : i32 to index
        %get3A_1313 = arith.index_cast %scan3A_1298 : i32 to index
        %get3A_1314 = arith.constant 32 : index
        %get3A_1315 = tpu.vector_load %arg9[%get3A_1312, %get3A_1313, %get3A_1314] {strides = array<i32>} : memref<2x880x64xf32, #tpu.memory_space<vmem>>, vector<16xf32>,
        %add3A_1316 = arith.addf %add3A_1290, %get3A_1315 : vector<16xf32>
        %get3A_1317 = arith.constant 0 : i32
        %get3A_1318 = arith.index_cast %get3A_1317 : i32 to index
        %get3A_1319 = arith.index_cast %scan3A_1298 : i32 to index
        %get3A_1320 = arith.constant 48 : index
        %get3A_1321 = tpu.vector_load %arg9[%get3A_1318, %get3A_1319, %get3A_1320] {strides = array<i32>} : memref<2x880x64xf32, #tpu.memory_space<vmem>>, vector<16xf32>,
        %add3A_1322 = arith.addf %add3A_1296, %get3A_1321 : vector<16xf32>
        %scan3A_1323 = arith.constant 2 : i32
        %scan3A_1324 = arith.addi %scan3A_1269, %scan3A_1323 : i32
        %get3A_1325 = arith.constant 0 : i32
        %get3A_1326 = arith.index_cast %get3A_1325 : i32 to index
        %get3A_1327 = arith.index_cast %scan3A_1324 : i32 to index
        %get3A_1328 = arith.constant 0 : index
        %get3A_1329 = tpu.vector_load %arg9[%get3A_1326, %get3A_1327, %get3A_1328] {strides = array<i32>} : memref<2x880x64xf32, #tpu.memory_space<vmem>>, vector<16xf32>,
        %add3A_1330 = arith.addf %add3A_1304, %get3A_1329 : vector<16xf32>
        %get3A_1331 = arith.constant 0 : i32
        %get3A_1332 = arith.index_cast %get3A_1331 : i32 to index
        %get3A_1333 = arith.index_cast %scan3A_1324 : i32 to index
        %get3A_1334 = arith.constant 16 : index
        %get3A_1335 = tpu.vector_load %arg9[%get3A_1332, %get3A_1333, %get3A_1334] {strides = array<i32>} : memref<2x880x64xf32, #tpu.memory_space<vmem>>, vector<16xf32>,
        %add3A_1336 = arith.addf %add3A_1310, %get3A_1335 : vector<16xf32>
        %get3A_1337 = arith.constant 0 : i32
        %get3A_1338 = arith.index_cast %get3A_1337 : i32 to index
        %get3A_1339 = arith.index_cast %scan3A_1324 : i32 to index
        %get3A_1340 = arith.constant 32 : index
        %get3A_1341 = tpu.vector_load %arg9[%get3A_1338, %get3A_1339, %get3A_1340] {strides = array<i32>} : memref<2x880x64xf32, #tpu.memory_space<vmem>>, vector<16xf32>,
        %add3A_1342 = arith.addf %add3A_1316, %get3A_1341 : vector<16xf32>
        %get3A_1343 = arith.constant 0 : i32
        %get3A_1344 = arith.index_cast %get3A_1343 : i32 to index
        %get3A_1345 = arith.index_cast %scan3A_1324 : i32 to index
        %get3A_1346 = arith.constant 48 : index
        %get3A_1347 = tpu.vector_load %arg9[%get3A_1344, %get3A_1345, %get3A_1346] {strides = array<i32>} : memref<2x880x64xf32, #tpu.memory_space<vmem>>, vector<16xf32>,
        %add3A_1348 = arith.addf %add3A_1322, %get3A_1347 : vector<16xf32>
        %scan3A_1349 = arith.constant 3 : i32
        %scan3A_1350 = arith.addi %scan3A_1269, %scan3A_1349 : i32
        %get3A_1351 = arith.constant 0 : i32
        %get3A_1352 = arith.index_cast %get3A_1351 : i32 to index
        %get3A_1353 = arith.index_cast %scan3A_1350 : i32 to index
        %get3A_1354 = arith.constant 0 : index
        %get3A_1355 = tpu.vector_load %arg9[%get3A_1352, %get3A_1353, %get3A_1354] {strides = array<i32>} : memref<2x880x64xf32, #tpu.memory_space<vmem>>, vector<16xf32>,
        %add3A_1356 = arith.addf %add3A_1330, %get3A_1355 : vector<16xf32>
        %get3A_1357 = arith.constant 0 : i32
        %get3A_1358 = arith.index_cast %get3A_1357 : i32 to index
        %get3A_1359 = arith.index_cast %scan3A_1350 : i32 to index
        %get3A_1360 = arith.constant 16 : index
        %get3A_1361 = tpu.vector_load %arg9[%get3A_1358, %get3A_1359, %get3A_1360] {strides = array<i32>} : memref<2x880x64xf32, #tpu.memory_space<vmem>>, vector<16xf32>,
        %add3A_1362 = arith.addf %add3A_1336, %get3A_1361 : vector<16xf32>
        %get3A_1363 = arith.constant 0 : i32
        %get3A_1364 = arith.index_cast %get3A_1363 : i32 to index
        %get3A_1365 = arith.index_cast %scan3A_1350 : i32 to index
        %get3A_1366 = arith.constant 32 : index
        %get3A_1367 = tpu.vector_load %arg9[%get3A_1364, %get3A_1365, %get3A_1366] {strides = array<i32>} : memref<2x880x64xf32, #tpu.memory_space<vmem>>, vector<16xf32>,
        %add3A_1368 = arith.addf %add3A_1342, %get3A_1367 : vector<16xf32>
        %get3A_1369 = arith.constant 0 : i32
        %get3A_1370 = arith.index_cast %get3A_1369 : i32 to index
        %get3A_1371 = arith.index_cast %scan3A_1350 : i32 to index
        %get3A_1372 = arith.constant 48 : index
        %get3A_1373 = tpu.vector_load %arg9[%get3A_1370, %get3A_1371, %get3A_1372] {strides = array<i32>} : memref<2x880x64xf32, #tpu.memory_space<vmem>>, vector<16xf32>,
        %add3A_1374 = arith.addf %add3A_1348, %get3A_1373 : vector<16xf32>
        scf.yield %add3A_1356, %add3A_1362, %add3A_1368, %add3A_1374 : vector<16xf32>, vector<16xf32>, vector<16xf32>, vector<16xf32>
      }
      %scan3A_600 = arith.constant 20 : i32
      %swap3A_601 = arith.constant 0 : i32
      %swap3A_602 = arith.constant 1 : i32
      %swap3A_603 = arith.index_cast %swap3A_601 : i32 to index
      %swap3A_604 = arith.index_cast %swap3A_602 : i32 to index
      %swap3A_605 = arith.constant 0 : index
      %swap3A_606 = tpu.vector_load %arg10[%swap3A_603, %swap3A_604, %swap3A_605] {strides = array<i32>} : memref<2x4x64xf32, #tpu.memory_space<vmem>>, vector<16xf32>,
      tpu.vector_store %arg10[%swap3A_603, %swap3A_604, %swap3A_605], %scan3A_593#0 {strides = array<i32>} : memref<2x4x64xf32, #tpu.memory_space<vmem>>, vector<16xf32>,
      %swap3A_607 = arith.constant 0 : i32
      %swap3A_608 = arith.constant 1 : i32
      %swap3A_609 = arith.index_cast %swap3A_607 : i32 to index
      %swap3A_610 = arith.index_cast %swap3A_608 : i32 to index
      %swap3A_611 = arith.constant 0 : index
      %swap3A_612 = tpu.vector_load %arg11[%swap3A_609, %swap3A_610, %swap3A_611] {strides = array<i32>} : memref<2x4x64xf32, #tpu.memory_space<vmem>>, vector<16xf32>,
      tpu.vector_store %arg11[%swap3A_609, %swap3A_610, %swap3A_611], %scan3A_599#0 {strides = array<i32>} : memref<2x4x64xf32, #tpu.memory_space<vmem>>, vector<16xf32>,
      %swap3A_613 = arith.constant 0 : i32
      %swap3A_614 = arith.constant 1 : i32
      %swap3A_615 = arith.index_cast %swap3A_613 : i32 to index
      %swap3A_616 = arith.index_cast %swap3A_614 : i32 to index
      %swap3A_617 = arith.constant 16 : index
      %swap3A_618 = tpu.vector_load %arg10[%swap3A_615, %swap3A_616, %swap3A_617] {strides = array<i32>} : memref<2x4x64xf32, #tpu.memory_space<vmem>>, vector<16xf32>,
      tpu.vector_store %arg10[%swap3A_615, %swap3A_616, %swap3A_617], %scan3A_593#1 {strides = array<i32>} : memref<2x4x64xf32, #tpu.memory_space<vmem>>, vector<16xf32>,
      %swap3A_619 = arith.constant 0 : i32
      %swap3A_620 = arith.constant 1 : i32
      %swap3A_621 = arith.index_cast %swap3A_619 : i32 to index
      %swap3A_622 = arith.index_cast %swap3A_620 : i32 to index
      %swap3A_623 = arith.constant 16 : index
      %swap3A_624 = tpu.vector_load %arg11[%swap3A_621, %swap3A_622, %swap3A_623] {strides = array<i32>} : memref<2x4x64xf32, #tpu.memory_space<vmem>>, vector<16xf32>,
      tpu.vector_store %arg11[%swap3A_621, %swap3A_622, %swap3A_623], %scan3A_599#1 {strides = array<i32>} : memref<2x4x64xf32, #tpu.memory_space<vmem>>, vector<16xf32>,
      %swap3A_625 = arith.constant 0 : i32
      %swap3A_626 = arith.constant 1 : i32
      %swap3A_627 = arith.index_cast %swap3A_625 : i32 to index
      %swap3A_628 = arith.index_cast %swap3A_626 : i32 to index
      %swap3A_629 = arith.constant 32 : index
      %swap3A_630 = tpu.vector_load %arg10[%swap3A_627, %swap3A_628, %swap3A_629] {strides = array<i32>} : memref<2x4x64xf32, #tpu.memory_space<vmem>>, vector<16xf32>,
      tpu.vector_store %arg10[%swap3A_627, %swap3A_628, %swap3A_629], %scan3A_593#2 {strides = array<i32>} : memref<2x4x64xf32, #tpu.memory_space<vmem>>, vector<16xf32>,
      %swap3A_631 = arith.constant 0 : i32
      %swap3A_632 = arith.constant 1 : i32
      %swap3A_633 = arith.index_cast %swap3A_631 : i32 to index
      %swap3A_634 = arith.index_cast %swap3A_632 : i32 to index
      %swap3A_635 = arith.constant 32 : index
      %swap3A_636 = tpu.vector_load %arg11[%swap3A_633, %swap3A_634, %swap3A_635] {strides = array<i32>} : memref<2x4x64xf32, #tpu.memory_space<vmem>>, vector<16xf32>,
      tpu.vector_store %arg11[%swap3A_633, %swap3A_634, %swap3A_635], %scan3A_599#2 {strides = array<i32>} : memref<2x4x64xf32, #tpu.memory_space<vmem>>, vector<16xf32>,
      %swap3A_637 = arith.constant 0 : i32
      %swap3A_638 = arith.constant 1 : i32
      %swap3A_639 = arith.index_cast %swap3A_637 : i32 to index
      %swap3A_640 = arith.index_cast %swap3A_638 : i32 to index
      %swap3A_641 = arith.constant 48 : index
      %swap3A_642 = tpu.vector_load %arg10[%swap3A_639, %swap3A_640, %swap3A_641] {strides = array<i32>} : memref<2x4x64xf32, #tpu.memory_space<vmem>>, vector<16xf32>,
      tpu.vector_store %arg10[%swap3A_639, %swap3A_640, %swap3A_641], %scan3A_593#3 {strides = array<i32>} : memref<2x4x64xf32, #tpu.memory_space<vmem>>, vector<16xf32>,
      %swap3A_643 = arith.constant 0 : i32
      %swap3A_644 = arith.constant 1 : i32
      %swap3A_645 = arith.index_cast %swap3A_643 : i32 to index
      %swap3A_646 = arith.index_cast %swap3A_644 : i32 to index
      %swap3A_647 = arith.constant 48 : index
      %swap3A_648 = tpu.vector_load %arg11[%swap3A_645, %swap3A_646, %swap3A_647] {strides = array<i32>} : memref<2x4x64xf32, #tpu.memory_space<vmem>>, vector<16xf32>,
      tpu.vector_store %arg11[%swap3A_645, %swap3A_646, %swap3A_647], %scan3A_599#3 {strides = array<i32>} : memref<2x4x64xf32, #tpu.memory_space<vmem>>, vector<16xf32>,
      %broadcast_in_dim3A_649 = arith.constant 0.000000e+00 : f32
      %broadcast_in_dim3A_650 = vector.broadcast %broadcast_in_dim3A_649 : f32 to vector<16xf32>
      %broadcast_in_dim3A_651 = arith.constant 0.000000e+00 : f32
      %broadcast_in_dim3A_652 = vector.broadcast %broadcast_in_dim3A_651 : f32 to vector<16xf32>
      %broadcast_in_dim3A_653 = arith.constant 0.000000e+00 : f32
      %broadcast_in_dim3A_654 = vector.broadcast %broadcast_in_dim3A_653 : f32 to vector<16xf32>
      %broadcast_in_dim3A_655 = arith.constant 0.000000e+00 : f32
      %broadcast_in_dim3A_656 = vector.broadcast %broadcast_in_dim3A_655 : f32 to vector<16xf32>
      %scan3A_657 = arith.constant 400 : i32
      %scan3A_658 = arith.constant 200 : i32
      %scan3A_659 = arith.addi %scan3A_657, %scan3A_658 : i32
      %scan3A_660 = arith.constant 4 : i32
      %scan3A_661:4 = scf.for %scan3A_1269 = %scan3A_657 to %scan3A_659 step %scan3A_660 iter_args(%scan3A_1270 = %broadcast_in_dim3A_650, %scan3A_1271 = %broadcast_in_dim3A_652, %scan3A_1272 = %broadcast_in_dim3A_654, %scan3A_1273 = %broadcast_in_dim3A_656) -> (vector<16xf32>, vector<16xf32>, vector<16xf32>, vector<16xf32>)  : i32 {
        %get3A = arith.constant 0 : i32
        %get3A_1274 = arith.index_cast %get3A : i32 to index
        %get3A_1275 = arith.index_cast %scan3A_1269 : i32 to index
        %get3A_1276 = arith.constant 0 : index
        %get3A_1277 = tpu.vector_load %arg9[%get3A_1274, %get3A_1275, %get3A_1276] {strides = array<i32>} : memref<2x880x64xf32, #tpu.memory_space<vmem>>, vector<16xf32>,
        %add3A_1278 = arith.addf %scan3A_1270, %get3A_1277 : vector<16xf32>
        %get3A_1279 = arith.constant 0 : i32
        %get3A_1280 = arith.index_cast %get3A_1279 : i32 to index
        %get3A_1281 = arith.index_cast %scan3A_1269 : i32 to index
        %get3A_1282 = arith.constant 16 : index
        %get3A_1283 = tpu.vector_load %arg9[%get3A_1280, %get3A_1281, %get3A_1282] {strides = array<i32>} : memref<2x880x64xf32, #tpu.memory_space<vmem>>, vector<16xf32>,
        %add3A_1284 = arith.addf %scan3A_1271, %get3A_1283 : vector<16xf32>
        %get3A_1285 = arith.constant 0 : i32
        %get3A_1286 = arith.index_cast %get3A_1285 : i32 to index
        %get3A_1287 = arith.index_cast %scan3A_1269 : i32 to index
        %get3A_1288 = arith.constant 32 : index
        %get3A_1289 = tpu.vector_load %arg9[%get3A_1286, %get3A_1287, %get3A_1288] {strides = array<i32>} : memref<2x880x64xf32, #tpu.memory_space<vmem>>, vector<16xf32>,
        %add3A_1290 = arith.addf %scan3A_1272, %get3A_1289 : vector<16xf32>
        %get3A_1291 = arith.constant 0 : i32
        %get3A_1292 = arith.index_cast %get3A_1291 : i32 to index
        %get3A_1293 = arith.index_cast %scan3A_1269 : i32 to index
        %get3A_1294 = arith.constant 48 : index
        %get3A_1295 = tpu.vector_load %arg9[%get3A_1292, %get3A_1293, %get3A_1294] {strides = array<i32>} : memref<2x880x64xf32, #tpu.memory_space<vmem>>, vector<16xf32>,
        %add3A_1296 = arith.addf %scan3A_1273, %get3A_1295 : vector<16xf32>
        %scan3A_1297 = arith.constant 1 : i32
        %scan3A_1298 = arith.addi %scan3A_1269, %scan3A_1297 : i32
        %get3A_1299 = arith.constant 0 : i32
        %get3A_1300 = arith.index_cast %get3A_1299 : i32 to index
        %get3A_1301 = arith.index_cast %scan3A_1298 : i32 to index
        %get3A_1302 = arith.constant 0 : index
        %get3A_1303 = tpu.vector_load %arg9[%get3A_1300, %get3A_1301, %get3A_1302] {strides = array<i32>} : memref<2x880x64xf32, #tpu.memory_space<vmem>>, vector<16xf32>,
        %add3A_1304 = arith.addf %add3A_1278, %get3A_1303 : vector<16xf32>
        %get3A_1305 = arith.constant 0 : i32
        %get3A_1306 = arith.index_cast %get3A_1305 : i32 to index
        %get3A_1307 = arith.index_cast %scan3A_1298 : i32 to index
        %get3A_1308 = arith.constant 16 : index
        %get3A_1309 = tpu.vector_load %arg9[%get3A_1306, %get3A_1307, %get3A_1308] {strides = array<i32>} : memref<2x880x64xf32, #tpu.memory_space<vmem>>, vector<16xf32>,
        %add3A_1310 = arith.addf %add3A_1284, %get3A_1309 : vector<16xf32>
        %get3A_1311 = arith.constant 0 : i32
        %get3A_1312 = arith.index_cast %get3A_1311 : i32 to index
        %get3A_1313 = arith.index_cast %scan3A_1298 : i32 to index
        %get3A_1314 = arith.constant 32 : index
        %get3A_1315 = tpu.vector_load %arg9[%get3A_1312, %get3A_1313, %get3A_1314] {strides = array<i32>} : memref<2x880x64xf32, #tpu.memory_space<vmem>>, vector<16xf32>,
        %add3A_1316 = arith.addf %add3A_1290, %get3A_1315 : vector<16xf32>
        %get3A_1317 = arith.constant 0 : i32
        %get3A_1318 = arith.index_cast %get3A_1317 : i32 to index
        %get3A_1319 = arith.index_cast %scan3A_1298 : i32 to index
        %get3A_1320 = arith.constant 48 : index
        %get3A_1321 = tpu.vector_load %arg9[%get3A_1318, %get3A_1319, %get3A_1320] {strides = array<i32>} : memref<2x880x64xf32, #tpu.memory_space<vmem>>, vector<16xf32>,
        %add3A_1322 = arith.addf %add3A_1296, %get3A_1321 : vector<16xf32>
        %scan3A_1323 = arith.constant 2 : i32
        %scan3A_1324 = arith.addi %scan3A_1269, %scan3A_1323 : i32
        %get3A_1325 = arith.constant 0 : i32
        %get3A_1326 = arith.index_cast %get3A_1325 : i32 to index
        %get3A_1327 = arith.index_cast %scan3A_1324 : i32 to index
        %get3A_1328 = arith.constant 0 : index
        %get3A_1329 = tpu.vector_load %arg9[%get3A_1326, %get3A_1327, %get3A_1328] {strides = array<i32>} : memref<2x880x64xf32, #tpu.memory_space<vmem>>, vector<16xf32>,
        %add3A_1330 = arith.addf %add3A_1304, %get3A_1329 : vector<16xf32>
        %get3A_1331 = arith.constant 0 : i32
        %get3A_1332 = arith.index_cast %get3A_1331 : i32 to index
        %get3A_1333 = arith.index_cast %scan3A_1324 : i32 to index
        %get3A_1334 = arith.constant 16 : index
        %get3A_1335 = tpu.vector_load %arg9[%get3A_1332, %get3A_1333, %get3A_1334] {strides = array<i32>} : memref<2x880x64xf32, #tpu.memory_space<vmem>>, vector<16xf32>,
        %add3A_1336 = arith.addf %add3A_1310, %get3A_1335 : vector<16xf32>
        %get3A_1337 = arith.constant 0 : i32
        %get3A_1338 = arith.index_cast %get3A_1337 : i32 to index
        %get3A_1339 = arith.index_cast %scan3A_1324 : i32 to index
        %get3A_1340 = arith.constant 32 : index
        %get3A_1341 = tpu.vector_load %arg9[%get3A_1338, %get3A_1339, %get3A_1340] {strides = array<i32>} : memref<2x880x64xf32, #tpu.memory_space<vmem>>, vector<16xf32>,
        %add3A_1342 = arith.addf %add3A_1316, %get3A_1341 : vector<16xf32>
        %get3A_1343 = arith.constant 0 : i32
        %get3A_1344 = arith.index_cast %get3A_1343 : i32 to index
        %get3A_1345 = arith.index_cast %scan3A_1324 : i32 to index
        %get3A_1346 = arith.constant 48 : index
        %get3A_1347 = tpu.vector_load %arg9[%get3A_1344, %get3A_1345, %get3A_1346] {strides = array<i32>} : memref<2x880x64xf32, #tpu.memory_space<vmem>>, vector<16xf32>,
        %add3A_1348 = arith.addf %add3A_1322, %get3A_1347 : vector<16xf32>
        %scan3A_1349 = arith.constant 3 : i32
        %scan3A_1350 = arith.addi %scan3A_1269, %scan3A_1349 : i32
        %get3A_1351 = arith.constant 0 : i32
        %get3A_1352 = arith.index_cast %get3A_1351 : i32 to index
        %get3A_1353 = arith.index_cast %scan3A_1350 : i32 to index
        %get3A_1354 = arith.constant 0 : index
        %get3A_1355 = tpu.vector_load %arg9[%get3A_1352, %get3A_1353, %get3A_1354] {strides = array<i32>} : memref<2x880x64xf32, #tpu.memory_space<vmem>>, vector<16xf32>,
        %add3A_1356 = arith.addf %add3A_1330, %get3A_1355 : vector<16xf32>
        %get3A_1357 = arith.constant 0 : i32
        %get3A_1358 = arith.index_cast %get3A_1357 : i32 to index
        %get3A_1359 = arith.index_cast %scan3A_1350 : i32 to index
        %get3A_1360 = arith.constant 16 : index
        %get3A_1361 = tpu.vector_load %arg9[%get3A_1358, %get3A_1359, %get3A_1360] {strides = array<i32>} : memref<2x880x64xf32, #tpu.memory_space<vmem>>, vector<16xf32>,
        %add3A_1362 = arith.addf %add3A_1336, %get3A_1361 : vector<16xf32>
        %get3A_1363 = arith.constant 0 : i32
        %get3A_1364 = arith.index_cast %get3A_1363 : i32 to index
        %get3A_1365 = arith.index_cast %scan3A_1350 : i32 to index
        %get3A_1366 = arith.constant 32 : index
        %get3A_1367 = tpu.vector_load %arg9[%get3A_1364, %get3A_1365, %get3A_1366] {strides = array<i32>} : memref<2x880x64xf32, #tpu.memory_space<vmem>>, vector<16xf32>,
        %add3A_1368 = arith.addf %add3A_1342, %get3A_1367 : vector<16xf32>
        %get3A_1369 = arith.constant 0 : i32
        %get3A_1370 = arith.index_cast %get3A_1369 : i32 to index
        %get3A_1371 = arith.index_cast %scan3A_1350 : i32 to index
        %get3A_1372 = arith.constant 48 : index
        %get3A_1373 = tpu.vector_load %arg9[%get3A_1370, %get3A_1371, %get3A_1372] {strides = array<i32>} : memref<2x880x64xf32, #tpu.memory_space<vmem>>, vector<16xf32>,
        %add3A_1374 = arith.addf %add3A_1348, %get3A_1373 : vector<16xf32>
        scf.yield %add3A_1356, %add3A_1362, %add3A_1368, %add3A_1374 : vector<16xf32>, vector<16xf32>, vector<16xf32>, vector<16xf32>
      }
      %scan3A_662 = arith.constant 200 : i32
      %scan3A_663 = arith.constant 840 : i32
      %scan3A_664 = arith.constant 20 : i32
      %scan3A_665 = arith.addi %scan3A_663, %scan3A_664 : i32
      %scan3A_666 = arith.constant 4 : i32
      %scan3A_667:4 = scf.for %scan3A_1269 = %scan3A_663 to %scan3A_665 step %scan3A_666 iter_args(%scan3A_1270 = %broadcast_in_dim3A_650, %scan3A_1271 = %broadcast_in_dim3A_652, %scan3A_1272 = %broadcast_in_dim3A_654, %scan3A_1273 = %broadcast_in_dim3A_656) -> (vector<16xf32>, vector<16xf32>, vector<16xf32>, vector<16xf32>)  : i32 {
        %get3A = arith.constant 0 : i32
        %get3A_1274 = arith.index_cast %get3A : i32 to index
        %get3A_1275 = arith.index_cast %scan3A_1269 : i32 to index
        %get3A_1276 = arith.constant 0 : index
        %get3A_1277 = tpu.vector_load %arg9[%get3A_1274, %get3A_1275, %get3A_1276] {strides = array<i32>} : memref<2x880x64xf32, #tpu.memory_space<vmem>>, vector<16xf32>,
        %add3A_1278 = arith.addf %scan3A_1270, %get3A_1277 : vector<16xf32>
        %get3A_1279 = arith.constant 0 : i32
        %get3A_1280 = arith.index_cast %get3A_1279 : i32 to index
        %get3A_1281 = arith.index_cast %scan3A_1269 : i32 to index
        %get3A_1282 = arith.constant 16 : index
        %get3A_1283 = tpu.vector_load %arg9[%get3A_1280, %get3A_1281, %get3A_1282] {strides = array<i32>} : memref<2x880x64xf32, #tpu.memory_space<vmem>>, vector<16xf32>,
        %add3A_1284 = arith.addf %scan3A_1271, %get3A_1283 : vector<16xf32>
        %get3A_1285 = arith.constant 0 : i32
        %get3A_1286 = arith.index_cast %get3A_1285 : i32 to index
        %get3A_1287 = arith.index_cast %scan3A_1269 : i32 to index
        %get3A_1288 = arith.constant 32 : index
        %get3A_1289 = tpu.vector_load %arg9[%get3A_1286, %get3A_1287, %get3A_1288] {strides = array<i32>} : memref<2x880x64xf32, #tpu.memory_space<vmem>>, vector<16xf32>,
        %add3A_1290 = arith.addf %scan3A_1272, %get3A_1289 : vector<16xf32>
        %get3A_1291 = arith.constant 0 : i32
        %get3A_1292 = arith.index_cast %get3A_1291 : i32 to index
        %get3A_1293 = arith.index_cast %scan3A_1269 : i32 to index
        %get3A_1294 = arith.constant 48 : index
        %get3A_1295 = tpu.vector_load %arg9[%get3A_1292, %get3A_1293, %get3A_1294] {strides = array<i32>} : memref<2x880x64xf32, #tpu.memory_space<vmem>>, vector<16xf32>,
        %add3A_1296 = arith.addf %scan3A_1273, %get3A_1295 : vector<16xf32>
        %scan3A_1297 = arith.constant 1 : i32
        %scan3A_1298 = arith.addi %scan3A_1269, %scan3A_1297 : i32
        %get3A_1299 = arith.constant 0 : i32
        %get3A_1300 = arith.index_cast %get3A_1299 : i32 to index
        %get3A_1301 = arith.index_cast %scan3A_1298 : i32 to index
        %get3A_1302 = arith.constant 0 : index
        %get3A_1303 = tpu.vector_load %arg9[%get3A_1300, %get3A_1301, %get3A_1302] {strides = array<i32>} : memref<2x880x64xf32, #tpu.memory_space<vmem>>, vector<16xf32>,
        %add3A_1304 = arith.addf %add3A_1278, %get3A_1303 : vector<16xf32>
        %get3A_1305 = arith.constant 0 : i32
        %get3A_1306 = arith.index_cast %get3A_1305 : i32 to index
        %get3A_1307 = arith.index_cast %scan3A_1298 : i32 to index
        %get3A_1308 = arith.constant 16 : index
        %get3A_1309 = tpu.vector_load %arg9[%get3A_1306, %get3A_1307, %get3A_1308] {strides = array<i32>} : memref<2x880x64xf32, #tpu.memory_space<vmem>>, vector<16xf32>,
        %add3A_1310 = arith.addf %add3A_1284, %get3A_1309 : vector<16xf32>
        %get3A_1311 = arith.constant 0 : i32
        %get3A_1312 = arith.index_cast %get3A_1311 : i32 to index
        %get3A_1313 = arith.index_cast %scan3A_1298 : i32 to index
        %get3A_1314 = arith.constant 32 : index
        %get3A_1315 = tpu.vector_load %arg9[%get3A_1312, %get3A_1313, %get3A_1314] {strides = array<i32>} : memref<2x880x64xf32, #tpu.memory_space<vmem>>, vector<16xf32>,
        %add3A_1316 = arith.addf %add3A_1290, %get3A_1315 : vector<16xf32>
        %get3A_1317 = arith.constant 0 : i32
        %get3A_1318 = arith.index_cast %get3A_1317 : i32 to index
        %get3A_1319 = arith.index_cast %scan3A_1298 : i32 to index
        %get3A_1320 = arith.constant 48 : index
        %get3A_1321 = tpu.vector_load %arg9[%get3A_1318, %get3A_1319, %get3A_1320] {strides = array<i32>} : memref<2x880x64xf32, #tpu.memory_space<vmem>>, vector<16xf32>,
        %add3A_1322 = arith.addf %add3A_1296, %get3A_1321 : vector<16xf32>
        %scan3A_1323 = arith.constant 2 : i32
        %scan3A_1324 = arith.addi %scan3A_1269, %scan3A_1323 : i32
        %get3A_1325 = arith.constant 0 : i32
        %get3A_1326 = arith.index_cast %get3A_1325 : i32 to index
        %get3A_1327 = arith.index_cast %scan3A_1324 : i32 to index
        %get3A_1328 = arith.constant 0 : index
        %get3A_1329 = tpu.vector_load %arg9[%get3A_1326, %get3A_1327, %get3A_1328] {strides = array<i32>} : memref<2x880x64xf32, #tpu.memory_space<vmem>>, vector<16xf32>,
        %add3A_1330 = arith.addf %add3A_1304, %get3A_1329 : vector<16xf32>
        %get3A_1331 = arith.constant 0 : i32
        %get3A_1332 = arith.index_cast %get3A_1331 : i32 to index
        %get3A_1333 = arith.index_cast %scan3A_1324 : i32 to index
        %get3A_1334 = arith.constant 16 : index
        %get3A_1335 = tpu.vector_load %arg9[%get3A_1332, %get3A_1333, %get3A_1334] {strides = array<i32>} : memref<2x880x64xf32, #tpu.memory_space<vmem>>, vector<16xf32>,
        %add3A_1336 = arith.addf %add3A_1310, %get3A_1335 : vector<16xf32>
        %get3A_1337 = arith.constant 0 : i32
        %get3A_1338 = arith.index_cast %get3A_1337 : i32 to index
        %get3A_1339 = arith.index_cast %scan3A_1324 : i32 to index
        %get3A_1340 = arith.constant 32 : index
        %get3A_1341 = tpu.vector_load %arg9[%get3A_1338, %get3A_1339, %get3A_1340] {strides = array<i32>} : memref<2x880x64xf32, #tpu.memory_space<vmem>>, vector<16xf32>,
        %add3A_1342 = arith.addf %add3A_1316, %get3A_1341 : vector<16xf32>
        %get3A_1343 = arith.constant 0 : i32
        %get3A_1344 = arith.index_cast %get3A_1343 : i32 to index
        %get3A_1345 = arith.index_cast %scan3A_1324 : i32 to index
        %get3A_1346 = arith.constant 48 : index
        %get3A_1347 = tpu.vector_load %arg9[%get3A_1344, %get3A_1345, %get3A_1346] {strides = array<i32>} : memref<2x880x64xf32, #tpu.memory_space<vmem>>, vector<16xf32>,
        %add3A_1348 = arith.addf %add3A_1322, %get3A_1347 : vector<16xf32>
        %scan3A_1349 = arith.constant 3 : i32
        %scan3A_1350 = arith.addi %scan3A_1269, %scan3A_1349 : i32
        %get3A_1351 = arith.constant 0 : i32
        %get3A_1352 = arith.index_cast %get3A_1351 : i32 to index
        %get3A_1353 = arith.index_cast %scan3A_1350 : i32 to index
        %get3A_1354 = arith.constant 0 : index
        %get3A_1355 = tpu.vector_load %arg9[%get3A_1352, %get3A_1353, %get3A_1354] {strides = array<i32>} : memref<2x880x64xf32, #tpu.memory_space<vmem>>, vector<16xf32>,
        %add3A_1356 = arith.addf %add3A_1330, %get3A_1355 : vector<16xf32>
        %get3A_1357 = arith.constant 0 : i32
        %get3A_1358 = arith.index_cast %get3A_1357 : i32 to index
        %get3A_1359 = arith.index_cast %scan3A_1350 : i32 to index
        %get3A_1360 = arith.constant 16 : index
        %get3A_1361 = tpu.vector_load %arg9[%get3A_1358, %get3A_1359, %get3A_1360] {strides = array<i32>} : memref<2x880x64xf32, #tpu.memory_space<vmem>>, vector<16xf32>,
        %add3A_1362 = arith.addf %add3A_1336, %get3A_1361 : vector<16xf32>
        %get3A_1363 = arith.constant 0 : i32
        %get3A_1364 = arith.index_cast %get3A_1363 : i32 to index
        %get3A_1365 = arith.index_cast %scan3A_1350 : i32 to index
        %get3A_1366 = arith.constant 32 : index
        %get3A_1367 = tpu.vector_load %arg9[%get3A_1364, %get3A_1365, %get3A_1366] {strides = array<i32>} : memref<2x880x64xf32, #tpu.memory_space<vmem>>, vector<16xf32>,
        %add3A_1368 = arith.addf %add3A_1342, %get3A_1367 : vector<16xf32>
        %get3A_1369 = arith.constant 0 : i32
        %get3A_1370 = arith.index_cast %get3A_1369 : i32 to index
        %get3A_1371 = arith.index_cast %scan3A_1350 : i32 to index
        %get3A_1372 = arith.constant 48 : index
        %get3A_1373 = tpu.vector_load %arg9[%get3A_1370, %get3A_1371, %get3A_1372] {strides = array<i32>} : memref<2x880x64xf32, #tpu.memory_space<vmem>>, vector<16xf32>,
        %add3A_1374 = arith.addf %add3A_1348, %get3A_1373 : vector<16xf32>
        scf.yield %add3A_1356, %add3A_1362, %add3A_1368, %add3A_1374 : vector<16xf32>, vector<16xf32>, vector<16xf32>, vector<16xf32>
      }
      %scan3A_668 = arith.constant 20 : i32
      %swap3A_669 = arith.constant 0 : i32
      %swap3A_670 = arith.constant 2 : i32
      %swap3A_671 = arith.index_cast %swap3A_669 : i32 to index
      %swap3A_672 = arith.index_cast %swap3A_670 : i32 to index
      %swap3A_673 = arith.constant 0 : index
      %swap3A_674 = tpu.vector_load %arg10[%swap3A_671, %swap3A_672, %swap3A_673] {strides = array<i32>} : memref<2x4x64xf32, #tpu.memory_space<vmem>>, vector<16xf32>,
      tpu.vector_store %arg10[%swap3A_671, %swap3A_672, %swap3A_673], %scan3A_661#0 {strides = array<i32>} : memref<2x4x64xf32, #tpu.memory_space<vmem>>, vector<16xf32>,
      %swap3A_675 = arith.constant 0 : i32
      %swap3A_676 = arith.constant 2 : i32
      %swap3A_677 = arith.index_cast %swap3A_675 : i32 to index
      %swap3A_678 = arith.index_cast %swap3A_676 : i32 to index
      %swap3A_679 = arith.constant 0 : index
      %swap3A_680 = tpu.vector_load %arg11[%swap3A_677, %swap3A_678, %swap3A_679] {strides = array<i32>} : memref<2x4x64xf32, #tpu.memory_space<vmem>>, vector<16xf32>,
      tpu.vector_store %arg11[%swap3A_677, %swap3A_678, %swap3A_679], %scan3A_667#0 {strides = array<i32>} : memref<2x4x64xf32, #tpu.memory_space<vmem>>, vector<16xf32>,
      %swap3A_681 = arith.constant 0 : i32
      %swap3A_682 = arith.constant 2 : i32
      %swap3A_683 = arith.index_cast %swap3A_681 : i32 to index
      %swap3A_684 = arith.index_cast %swap3A_682 : i32 to index
      %swap3A_685 = arith.constant 16 : index
      %swap3A_686 = tpu.vector_load %arg10[%swap3A_683, %swap3A_684, %swap3A_685] {strides = array<i32>} : memref<2x4x64xf32, #tpu.memory_space<vmem>>, vector<16xf32>,
      tpu.vector_store %arg10[%swap3A_683, %swap3A_684, %swap3A_685], %scan3A_661#1 {strides = array<i32>} : memref<2x4x64xf32, #tpu.memory_space<vmem>>, vector<16xf32>,
      %swap3A_687 = arith.constant 0 : i32
      %swap3A_688 = arith.constant 2 : i32
      %swap3A_689 = arith.index_cast %swap3A_687 : i32 to index
      %swap3A_690 = arith.index_cast %swap3A_688 : i32 to index
      %swap3A_691 = arith.constant 16 : index
      %swap3A_692 = tpu.vector_load %arg11[%swap3A_689, %swap3A_690, %swap3A_691] {strides = array<i32>} : memref<2x4x64xf32, #tpu.memory_space<vmem>>, vector<16xf32>,
      tpu.vector_store %arg11[%swap3A_689, %swap3A_690, %swap3A_691], %scan3A_667#1 {strides = array<i32>} : memref<2x4x64xf32, #tpu.memory_space<vmem>>, vector<16xf32>,
      %swap3A_693 = arith.constant 0 : i32
      %swap3A_694 = arith.constant 2 : i32
      %swap3A_695 = arith.index_cast %swap3A_693 : i32 to index
      %swap3A_696 = arith.index_cast %swap3A_694 : i32 to index
      %swap3A_697 = arith.constant 32 : index
      %swap3A_698 = tpu.vector_load %arg10[%swap3A_695, %swap3A_696, %swap3A_697] {strides = array<i32>} : memref<2x4x64xf32, #tpu.memory_space<vmem>>, vector<16xf32>,
      tpu.vector_store %arg10[%swap3A_695, %swap3A_696, %swap3A_697], %scan3A_661#2 {strides = array<i32>} : memref<2x4x64xf32, #tpu.memory_space<vmem>>, vector<16xf32>,
      %swap3A_699 = arith.constant 0 : i32
      %swap3A_700 = arith.constant 2 : i32
      %swap3A_701 = arith.index_cast %swap3A_699 : i32 to index
      %swap3A_702 = arith.index_cast %swap3A_700 : i32 to index
      %swap3A_703 = arith.constant 32 : index
      %swap3A_704 = tpu.vector_load %arg11[%swap3A_701, %swap3A_702, %swap3A_703] {strides = array<i32>} : memref<2x4x64xf32, #tpu.memory_space<vmem>>, vector<16xf32>,
      tpu.vector_store %arg11[%swap3A_701, %swap3A_702, %swap3A_703], %scan3A_667#2 {strides = array<i32>} : memref<2x4x64xf32, #tpu.memory_space<vmem>>, vector<16xf32>,
      %swap3A_705 = arith.constant 0 : i32
      %swap3A_706 = arith.constant 2 : i32
      %swap3A_707 = arith.index_cast %swap3A_705 : i32 to index
      %swap3A_708 = arith.index_cast %swap3A_706 : i32 to index
      %swap3A_709 = arith.constant 48 : index
      %swap3A_710 = tpu.vector_load %arg10[%swap3A_707, %swap3A_708, %swap3A_709] {strides = array<i32>} : memref<2x4x64xf32, #tpu.memory_space<vmem>>, vector<16xf32>,
      tpu.vector_store %arg10[%swap3A_707, %swap3A_708, %swap3A_709], %scan3A_661#3 {strides = array<i32>} : memref<2x4x64xf32, #tpu.memory_space<vmem>>, vector<16xf32>,
      %swap3A_711 = arith.constant 0 : i32
      %swap3A_712 = arith.constant 2 : i32
      %swap3A_713 = arith.index_cast %swap3A_711 : i32 to index
      %swap3A_714 = arith.index_cast %swap3A_712 : i32 to index
      %swap3A_715 = arith.constant 48 : index
      %swap3A_716 = tpu.vector_load %arg11[%swap3A_713, %swap3A_714, %swap3A_715] {strides = array<i32>} : memref<2x4x64xf32, #tpu.memory_space<vmem>>, vector<16xf32>,
      tpu.vector_store %arg11[%swap3A_713, %swap3A_714, %swap3A_715], %scan3A_667#3 {strides = array<i32>} : memref<2x4x64xf32, #tpu.memory_space<vmem>>, vector<16xf32>,
      %broadcast_in_dim3A_717 = arith.constant 0.000000e+00 : f32
      %broadcast_in_dim3A_718 = vector.broadcast %broadcast_in_dim3A_717 : f32 to vector<16xf32>
      %broadcast_in_dim3A_719 = arith.constant 0.000000e+00 : f32
      %broadcast_in_dim3A_720 = vector.broadcast %broadcast_in_dim3A_719 : f32 to vector<16xf32>
      %broadcast_in_dim3A_721 = arith.constant 0.000000e+00 : f32
      %broadcast_in_dim3A_722 = vector.broadcast %broadcast_in_dim3A_721 : f32 to vector<16xf32>
      %broadcast_in_dim3A_723 = arith.constant 0.000000e+00 : f32
      %broadcast_in_dim3A_724 = vector.broadcast %broadcast_in_dim3A_723 : f32 to vector<16xf32>
      %scan3A_725 = arith.constant 600 : i32
      %scan3A_726 = arith.constant 200 : i32
      %scan3A_727 = arith.addi %scan3A_725, %scan3A_726 : i32
      %scan3A_728 = arith.constant 4 : i32
      %scan3A_729:4 = scf.for %scan3A_1269 = %scan3A_725 to %scan3A_727 step %scan3A_728 iter_args(%scan3A_1270 = %broadcast_in_dim3A_718, %scan3A_1271 = %broadcast_in_dim3A_720, %scan3A_1272 = %broadcast_in_dim3A_722, %scan3A_1273 = %broadcast_in_dim3A_724) -> (vector<16xf32>, vector<16xf32>, vector<16xf32>, vector<16xf32>)  : i32 {
        %get3A = arith.constant 0 : i32
        %get3A_1274 = arith.index_cast %get3A : i32 to index
        %get3A_1275 = arith.index_cast %scan3A_1269 : i32 to index
        %get3A_1276 = arith.constant 0 : index
        %get3A_1277 = tpu.vector_load %arg9[%get3A_1274, %get3A_1275, %get3A_1276] {strides = array<i32>} : memref<2x880x64xf32, #tpu.memory_space<vmem>>, vector<16xf32>,
        %add3A_1278 = arith.addf %scan3A_1270, %get3A_1277 : vector<16xf32>
        %get3A_1279 = arith.constant 0 : i32
        %get3A_1280 = arith.index_cast %get3A_1279 : i32 to index
        %get3A_1281 = arith.index_cast %scan3A_1269 : i32 to index
        %get3A_1282 = arith.constant 16 : index
        %get3A_1283 = tpu.vector_load %arg9[%get3A_1280, %get3A_1281, %get3A_1282] {strides = array<i32>} : memref<2x880x64xf32, #tpu.memory_space<vmem>>, vector<16xf32>,
        %add3A_1284 = arith.addf %scan3A_1271, %get3A_1283 : vector<16xf32>
        %get3A_1285 = arith.constant 0 : i32
        %get3A_1286 = arith.index_cast %get3A_1285 : i32 to index
        %get3A_1287 = arith.index_cast %scan3A_1269 : i32 to index
        %get3A_1288 = arith.constant 32 : index
        %get3A_1289 = tpu.vector_load %arg9[%get3A_1286, %get3A_1287, %get3A_1288] {strides = array<i32>} : memref<2x880x64xf32, #tpu.memory_space<vmem>>, vector<16xf32>,
        %add3A_1290 = arith.addf %scan3A_1272, %get3A_1289 : vector<16xf32>
        %get3A_1291 = arith.constant 0 : i32
        %get3A_1292 = arith.index_cast %get3A_1291 : i32 to index
        %get3A_1293 = arith.index_cast %scan3A_1269 : i32 to index
        %get3A_1294 = arith.constant 48 : index
        %get3A_1295 = tpu.vector_load %arg9[%get3A_1292, %get3A_1293, %get3A_1294] {strides = array<i32>} : memref<2x880x64xf32, #tpu.memory_space<vmem>>, vector<16xf32>,
        %add3A_1296 = arith.addf %scan3A_1273, %get3A_1295 : vector<16xf32>
        %scan3A_1297 = arith.constant 1 : i32
        %scan3A_1298 = arith.addi %scan3A_1269, %scan3A_1297 : i32
        %get3A_1299 = arith.constant 0 : i32
        %get3A_1300 = arith.index_cast %get3A_1299 : i32 to index
        %get3A_1301 = arith.index_cast %scan3A_1298 : i32 to index
        %get3A_1302 = arith.constant 0 : index
        %get3A_1303 = tpu.vector_load %arg9[%get3A_1300, %get3A_1301, %get3A_1302] {strides = array<i32>} : memref<2x880x64xf32, #tpu.memory_space<vmem>>, vector<16xf32>,
        %add3A_1304 = arith.addf %add3A_1278, %get3A_1303 : vector<16xf32>
        %get3A_1305 = arith.constant 0 : i32
        %get3A_1306 = arith.index_cast %get3A_1305 : i32 to index
        %get3A_1307 = arith.index_cast %scan3A_1298 : i32 to index
        %get3A_1308 = arith.constant 16 : index
        %get3A_1309 = tpu.vector_load %arg9[%get3A_1306, %get3A_1307, %get3A_1308] {strides = array<i32>} : memref<2x880x64xf32, #tpu.memory_space<vmem>>, vector<16xf32>,
        %add3A_1310 = arith.addf %add3A_1284, %get3A_1309 : vector<16xf32>
        %get3A_1311 = arith.constant 0 : i32
        %get3A_1312 = arith.index_cast %get3A_1311 : i32 to index
        %get3A_1313 = arith.index_cast %scan3A_1298 : i32 to index
        %get3A_1314 = arith.constant 32 : index
        %get3A_1315 = tpu.vector_load %arg9[%get3A_1312, %get3A_1313, %get3A_1314] {strides = array<i32>} : memref<2x880x64xf32, #tpu.memory_space<vmem>>, vector<16xf32>,
        %add3A_1316 = arith.addf %add3A_1290, %get3A_1315 : vector<16xf32>
        %get3A_1317 = arith.constant 0 : i32
        %get3A_1318 = arith.index_cast %get3A_1317 : i32 to index
        %get3A_1319 = arith.index_cast %scan3A_1298 : i32 to index
        %get3A_1320 = arith.constant 48 : index
        %get3A_1321 = tpu.vector_load %arg9[%get3A_1318, %get3A_1319, %get3A_1320] {strides = array<i32>} : memref<2x880x64xf32, #tpu.memory_space<vmem>>, vector<16xf32>,
        %add3A_1322 = arith.addf %add3A_1296, %get3A_1321 : vector<16xf32>
        %scan3A_1323 = arith.constant 2 : i32
        %scan3A_1324 = arith.addi %scan3A_1269, %scan3A_1323 : i32
        %get3A_1325 = arith.constant 0 : i32
        %get3A_1326 = arith.index_cast %get3A_1325 : i32 to index
        %get3A_1327 = arith.index_cast %scan3A_1324 : i32 to index
        %get3A_1328 = arith.constant 0 : index
        %get3A_1329 = tpu.vector_load %arg9[%get3A_1326, %get3A_1327, %get3A_1328] {strides = array<i32>} : memref<2x880x64xf32, #tpu.memory_space<vmem>>, vector<16xf32>,
        %add3A_1330 = arith.addf %add3A_1304, %get3A_1329 : vector<16xf32>
        %get3A_1331 = arith.constant 0 : i32
        %get3A_1332 = arith.index_cast %get3A_1331 : i32 to index
        %get3A_1333 = arith.index_cast %scan3A_1324 : i32 to index
        %get3A_1334 = arith.constant 16 : index
        %get3A_1335 = tpu.vector_load %arg9[%get3A_1332, %get3A_1333, %get3A_1334] {strides = array<i32>} : memref<2x880x64xf32, #tpu.memory_space<vmem>>, vector<16xf32>,
        %add3A_1336 = arith.addf %add3A_1310, %get3A_1335 : vector<16xf32>
        %get3A_1337 = arith.constant 0 : i32
        %get3A_1338 = arith.index_cast %get3A_1337 : i32 to index
        %get3A_1339 = arith.index_cast %scan3A_1324 : i32 to index
        %get3A_1340 = arith.constant 32 : index
        %get3A_1341 = tpu.vector_load %arg9[%get3A_1338, %get3A_1339, %get3A_1340] {strides = array<i32>} : memref<2x880x64xf32, #tpu.memory_space<vmem>>, vector<16xf32>,
        %add3A_1342 = arith.addf %add3A_1316, %get3A_1341 : vector<16xf32>
        %get3A_1343 = arith.constant 0 : i32
        %get3A_1344 = arith.index_cast %get3A_1343 : i32 to index
        %get3A_1345 = arith.index_cast %scan3A_1324 : i32 to index
        %get3A_1346 = arith.constant 48 : index
        %get3A_1347 = tpu.vector_load %arg9[%get3A_1344, %get3A_1345, %get3A_1346] {strides = array<i32>} : memref<2x880x64xf32, #tpu.memory_space<vmem>>, vector<16xf32>,
        %add3A_1348 = arith.addf %add3A_1322, %get3A_1347 : vector<16xf32>
        %scan3A_1349 = arith.constant 3 : i32
        %scan3A_1350 = arith.addi %scan3A_1269, %scan3A_1349 : i32
        %get3A_1351 = arith.constant 0 : i32
        %get3A_1352 = arith.index_cast %get3A_1351 : i32 to index
        %get3A_1353 = arith.index_cast %scan3A_1350 : i32 to index
        %get3A_1354 = arith.constant 0 : index
        %get3A_1355 = tpu.vector_load %arg9[%get3A_1352, %get3A_1353, %get3A_1354] {strides = array<i32>} : memref<2x880x64xf32, #tpu.memory_space<vmem>>, vector<16xf32>,
        %add3A_1356 = arith.addf %add3A_1330, %get3A_1355 : vector<16xf32>
        %get3A_1357 = arith.constant 0 : i32
        %get3A_1358 = arith.index_cast %get3A_1357 : i32 to index
        %get3A_1359 = arith.index_cast %scan3A_1350 : i32 to index
        %get3A_1360 = arith.constant 16 : index
        %get3A_1361 = tpu.vector_load %arg9[%get3A_1358, %get3A_1359, %get3A_1360] {strides = array<i32>} : memref<2x880x64xf32, #tpu.memory_space<vmem>>, vector<16xf32>,
        %add3A_1362 = arith.addf %add3A_1336, %get3A_1361 : vector<16xf32>
        %get3A_1363 = arith.constant 0 : i32
        %get3A_1364 = arith.index_cast %get3A_1363 : i32 to index
        %get3A_1365 = arith.index_cast %scan3A_1350 : i32 to index
        %get3A_1366 = arith.constant 32 : index
        %get3A_1367 = tpu.vector_load %arg9[%get3A_1364, %get3A_1365, %get3A_1366] {strides = array<i32>} : memref<2x880x64xf32, #tpu.memory_space<vmem>>, vector<16xf32>,
        %add3A_1368 = arith.addf %add3A_1342, %get3A_1367 : vector<16xf32>
        %get3A_1369 = arith.constant 0 : i32
        %get3A_1370 = arith.index_cast %get3A_1369 : i32 to index
        %get3A_1371 = arith.index_cast %scan3A_1350 : i32 to index
        %get3A_1372 = arith.constant 48 : index
        %get3A_1373 = tpu.vector_load %arg9[%get3A_1370, %get3A_1371, %get3A_1372] {strides = array<i32>} : memref<2x880x64xf32, #tpu.memory_space<vmem>>, vector<16xf32>,
        %add3A_1374 = arith.addf %add3A_1348, %get3A_1373 : vector<16xf32>
        scf.yield %add3A_1356, %add3A_1362, %add3A_1368, %add3A_1374 : vector<16xf32>, vector<16xf32>, vector<16xf32>, vector<16xf32>
      }
      %scan3A_730 = arith.constant 200 : i32
      %scan3A_731 = arith.constant 860 : i32
      %scan3A_732 = arith.constant 20 : i32
      %scan3A_733 = arith.addi %scan3A_731, %scan3A_732 : i32
      %scan3A_734 = arith.constant 4 : i32
      %scan3A_735:4 = scf.for %scan3A_1269 = %scan3A_731 to %scan3A_733 step %scan3A_734 iter_args(%scan3A_1270 = %broadcast_in_dim3A_718, %scan3A_1271 = %broadcast_in_dim3A_720, %scan3A_1272 = %broadcast_in_dim3A_722, %scan3A_1273 = %broadcast_in_dim3A_724) -> (vector<16xf32>, vector<16xf32>, vector<16xf32>, vector<16xf32>)  : i32 {
        %get3A = arith.constant 0 : i32
        %get3A_1274 = arith.index_cast %get3A : i32 to index
        %get3A_1275 = arith.index_cast %scan3A_1269 : i32 to index
        %get3A_1276 = arith.constant 0 : index
        %get3A_1277 = tpu.vector_load %arg9[%get3A_1274, %get3A_1275, %get3A_1276] {strides = array<i32>} : memref<2x880x64xf32, #tpu.memory_space<vmem>>, vector<16xf32>,
        %add3A_1278 = arith.addf %scan3A_1270, %get3A_1277 : vector<16xf32>
        %get3A_1279 = arith.constant 0 : i32
        %get3A_1280 = arith.index_cast %get3A_1279 : i32 to index
        %get3A_1281 = arith.index_cast %scan3A_1269 : i32 to index
        %get3A_1282 = arith.constant 16 : index
        %get3A_1283 = tpu.vector_load %arg9[%get3A_1280, %get3A_1281, %get3A_1282] {strides = array<i32>} : memref<2x880x64xf32, #tpu.memory_space<vmem>>, vector<16xf32>,
        %add3A_1284 = arith.addf %scan3A_1271, %get3A_1283 : vector<16xf32>
        %get3A_1285 = arith.constant 0 : i32
        %get3A_1286 = arith.index_cast %get3A_1285 : i32 to index
        %get3A_1287 = arith.index_cast %scan3A_1269 : i32 to index
        %get3A_1288 = arith.constant 32 : index
        %get3A_1289 = tpu.vector_load %arg9[%get3A_1286, %get3A_1287, %get3A_1288] {strides = array<i32>} : memref<2x880x64xf32, #tpu.memory_space<vmem>>, vector<16xf32>,
        %add3A_1290 = arith.addf %scan3A_1272, %get3A_1289 : vector<16xf32>
        %get3A_1291 = arith.constant 0 : i32
        %get3A_1292 = arith.index_cast %get3A_1291 : i32 to index
        %get3A_1293 = arith.index_cast %scan3A_1269 : i32 to index
        %get3A_1294 = arith.constant 48 : index
        %get3A_1295 = tpu.vector_load %arg9[%get3A_1292, %get3A_1293, %get3A_1294] {strides = array<i32>} : memref<2x880x64xf32, #tpu.memory_space<vmem>>, vector<16xf32>,
        %add3A_1296 = arith.addf %scan3A_1273, %get3A_1295 : vector<16xf32>
        %scan3A_1297 = arith.constant 1 : i32
        %scan3A_1298 = arith.addi %scan3A_1269, %scan3A_1297 : i32
        %get3A_1299 = arith.constant 0 : i32
        %get3A_1300 = arith.index_cast %get3A_1299 : i32 to index
        %get3A_1301 = arith.index_cast %scan3A_1298 : i32 to index
        %get3A_1302 = arith.constant 0 : index
        %get3A_1303 = tpu.vector_load %arg9[%get3A_1300, %get3A_1301, %get3A_1302] {strides = array<i32>} : memref<2x880x64xf32, #tpu.memory_space<vmem>>, vector<16xf32>,
        %add3A_1304 = arith.addf %add3A_1278, %get3A_1303 : vector<16xf32>
        %get3A_1305 = arith.constant 0 : i32
        %get3A_1306 = arith.index_cast %get3A_1305 : i32 to index
        %get3A_1307 = arith.index_cast %scan3A_1298 : i32 to index
        %get3A_1308 = arith.constant 16 : index
        %get3A_1309 = tpu.vector_load %arg9[%get3A_1306, %get3A_1307, %get3A_1308] {strides = array<i32>} : memref<2x880x64xf32, #tpu.memory_space<vmem>>, vector<16xf32>,
        %add3A_1310 = arith.addf %add3A_1284, %get3A_1309 : vector<16xf32>
        %get3A_1311 = arith.constant 0 : i32
        %get3A_1312 = arith.index_cast %get3A_1311 : i32 to index
        %get3A_1313 = arith.index_cast %scan3A_1298 : i32 to index
        %get3A_1314 = arith.constant 32 : index
        %get3A_1315 = tpu.vector_load %arg9[%get3A_1312, %get3A_1313, %get3A_1314] {strides = array<i32>} : memref<2x880x64xf32, #tpu.memory_space<vmem>>, vector<16xf32>,
        %add3A_1316 = arith.addf %add3A_1290, %get3A_1315 : vector<16xf32>
        %get3A_1317 = arith.constant 0 : i32
        %get3A_1318 = arith.index_cast %get3A_1317 : i32 to index
        %get3A_1319 = arith.index_cast %scan3A_1298 : i32 to index
        %get3A_1320 = arith.constant 48 : index
        %get3A_1321 = tpu.vector_load %arg9[%get3A_1318, %get3A_1319, %get3A_1320] {strides = array<i32>} : memref<2x880x64xf32, #tpu.memory_space<vmem>>, vector<16xf32>,
        %add3A_1322 = arith.addf %add3A_1296, %get3A_1321 : vector<16xf32>
        %scan3A_1323 = arith.constant 2 : i32
        %scan3A_1324 = arith.addi %scan3A_1269, %scan3A_1323 : i32
        %get3A_1325 = arith.constant 0 : i32
        %get3A_1326 = arith.index_cast %get3A_1325 : i32 to index
        %get3A_1327 = arith.index_cast %scan3A_1324 : i32 to index
        %get3A_1328 = arith.constant 0 : index
        %get3A_1329 = tpu.vector_load %arg9[%get3A_1326, %get3A_1327, %get3A_1328] {strides = array<i32>} : memref<2x880x64xf32, #tpu.memory_space<vmem>>, vector<16xf32>,
        %add3A_1330 = arith.addf %add3A_1304, %get3A_1329 : vector<16xf32>
        %get3A_1331 = arith.constant 0 : i32
        %get3A_1332 = arith.index_cast %get3A_1331 : i32 to index
        %get3A_1333 = arith.index_cast %scan3A_1324 : i32 to index
        %get3A_1334 = arith.constant 16 : index
        %get3A_1335 = tpu.vector_load %arg9[%get3A_1332, %get3A_1333, %get3A_1334] {strides = array<i32>} : memref<2x880x64xf32, #tpu.memory_space<vmem>>, vector<16xf32>,
        %add3A_1336 = arith.addf %add3A_1310, %get3A_1335 : vector<16xf32>
        %get3A_1337 = arith.constant 0 : i32
        %get3A_1338 = arith.index_cast %get3A_1337 : i32 to index
        %get3A_1339 = arith.index_cast %scan3A_1324 : i32 to index
        %get3A_1340 = arith.constant 32 : index
        %get3A_1341 = tpu.vector_load %arg9[%get3A_1338, %get3A_1339, %get3A_1340] {strides = array<i32>} : memref<2x880x64xf32, #tpu.memory_space<vmem>>, vector<16xf32>,
        %add3A_1342 = arith.addf %add3A_1316, %get3A_1341 : vector<16xf32>
        %get3A_1343 = arith.constant 0 : i32
        %get3A_1344 = arith.index_cast %get3A_1343 : i32 to index
        %get3A_1345 = arith.index_cast %scan3A_1324 : i32 to index
        %get3A_1346 = arith.constant 48 : index
        %get3A_1347 = tpu.vector_load %arg9[%get3A_1344, %get3A_1345, %get3A_1346] {strides = array<i32>} : memref<2x880x64xf32, #tpu.memory_space<vmem>>, vector<16xf32>,
        %add3A_1348 = arith.addf %add3A_1322, %get3A_1347 : vector<16xf32>
        %scan3A_1349 = arith.constant 3 : i32
        %scan3A_1350 = arith.addi %scan3A_1269, %scan3A_1349 : i32
        %get3A_1351 = arith.constant 0 : i32
        %get3A_1352 = arith.index_cast %get3A_1351 : i32 to index
        %get3A_1353 = arith.index_cast %scan3A_1350 : i32 to index
        %get3A_1354 = arith.constant 0 : index
        %get3A_1355 = tpu.vector_load %arg9[%get3A_1352, %get3A_1353, %get3A_1354] {strides = array<i32>} : memref<2x880x64xf32, #tpu.memory_space<vmem>>, vector<16xf32>,
        %add3A_1356 = arith.addf %add3A_1330, %get3A_1355 : vector<16xf32>
        %get3A_1357 = arith.constant 0 : i32
        %get3A_1358 = arith.index_cast %get3A_1357 : i32 to index
        %get3A_1359 = arith.index_cast %scan3A_1350 : i32 to index
        %get3A_1360 = arith.constant 16 : index
        %get3A_1361 = tpu.vector_load %arg9[%get3A_1358, %get3A_1359, %get3A_1360] {strides = array<i32>} : memref<2x880x64xf32, #tpu.memory_space<vmem>>, vector<16xf32>,
        %add3A_1362 = arith.addf %add3A_1336, %get3A_1361 : vector<16xf32>
        %get3A_1363 = arith.constant 0 : i32
        %get3A_1364 = arith.index_cast %get3A_1363 : i32 to index
        %get3A_1365 = arith.index_cast %scan3A_1350 : i32 to index
        %get3A_1366 = arith.constant 32 : index
        %get3A_1367 = tpu.vector_load %arg9[%get3A_1364, %get3A_1365, %get3A_1366] {strides = array<i32>} : memref<2x880x64xf32, #tpu.memory_space<vmem>>, vector<16xf32>,
        %add3A_1368 = arith.addf %add3A_1342, %get3A_1367 : vector<16xf32>
        %get3A_1369 = arith.constant 0 : i32
        %get3A_1370 = arith.index_cast %get3A_1369 : i32 to index
        %get3A_1371 = arith.index_cast %scan3A_1350 : i32 to index
        %get3A_1372 = arith.constant 48 : index
        %get3A_1373 = tpu.vector_load %arg9[%get3A_1370, %get3A_1371, %get3A_1372] {strides = array<i32>} : memref<2x880x64xf32, #tpu.memory_space<vmem>>, vector<16xf32>,
        %add3A_1374 = arith.addf %add3A_1348, %get3A_1373 : vector<16xf32>
        scf.yield %add3A_1356, %add3A_1362, %add3A_1368, %add3A_1374 : vector<16xf32>, vector<16xf32>, vector<16xf32>, vector<16xf32>
      }
      %scan3A_736 = arith.constant 20 : i32
      %swap3A_737 = arith.constant 0 : i32
      %swap3A_738 = arith.constant 3 : i32
      %swap3A_739 = arith.index_cast %swap3A_737 : i32 to index
      %swap3A_740 = arith.index_cast %swap3A_738 : i32 to index
      %swap3A_741 = arith.constant 0 : index
      %swap3A_742 = tpu.vector_load %arg10[%swap3A_739, %swap3A_740, %swap3A_741] {strides = array<i32>} : memref<2x4x64xf32, #tpu.memory_space<vmem>>, vector<16xf32>,
      tpu.vector_store %arg10[%swap3A_739, %swap3A_740, %swap3A_741], %scan3A_729#0 {strides = array<i32>} : memref<2x4x64xf32, #tpu.memory_space<vmem>>, vector<16xf32>,
      %swap3A_743 = arith.constant 0 : i32
      %swap3A_744 = arith.constant 3 : i32
      %swap3A_745 = arith.index_cast %swap3A_743 : i32 to index
      %swap3A_746 = arith.index_cast %swap3A_744 : i32 to index
      %swap3A_747 = arith.constant 0 : index
      %swap3A_748 = tpu.vector_load %arg11[%swap3A_745, %swap3A_746, %swap3A_747] {strides = array<i32>} : memref<2x4x64xf32, #tpu.memory_space<vmem>>, vector<16xf32>,
      tpu.vector_store %arg11[%swap3A_745, %swap3A_746, %swap3A_747], %scan3A_735#0 {strides = array<i32>} : memref<2x4x64xf32, #tpu.memory_space<vmem>>, vector<16xf32>,
      %swap3A_749 = arith.constant 0 : i32
      %swap3A_750 = arith.constant 3 : i32
      %swap3A_751 = arith.index_cast %swap3A_749 : i32 to index
      %swap3A_752 = arith.index_cast %swap3A_750 : i32 to index
      %swap3A_753 = arith.constant 16 : index
      %swap3A_754 = tpu.vector_load %arg10[%swap3A_751, %swap3A_752, %swap3A_753] {strides = array<i32>} : memref<2x4x64xf32, #tpu.memory_space<vmem>>, vector<16xf32>,
      tpu.vector_store %arg10[%swap3A_751, %swap3A_752, %swap3A_753], %scan3A_729#1 {strides = array<i32>} : memref<2x4x64xf32, #tpu.memory_space<vmem>>, vector<16xf32>,
      %swap3A_755 = arith.constant 0 : i32
      %swap3A_756 = arith.constant 3 : i32
      %swap3A_757 = arith.index_cast %swap3A_755 : i32 to index
      %swap3A_758 = arith.index_cast %swap3A_756 : i32 to index
      %swap3A_759 = arith.constant 16 : index
      %swap3A_760 = tpu.vector_load %arg11[%swap3A_757, %swap3A_758, %swap3A_759] {strides = array<i32>} : memref<2x4x64xf32, #tpu.memory_space<vmem>>, vector<16xf32>,
      tpu.vector_store %arg11[%swap3A_757, %swap3A_758, %swap3A_759], %scan3A_735#1 {strides = array<i32>} : memref<2x4x64xf32, #tpu.memory_space<vmem>>, vector<16xf32>,
      %swap3A_761 = arith.constant 0 : i32
      %swap3A_762 = arith.constant 3 : i32
      %swap3A_763 = arith.index_cast %swap3A_761 : i32 to index
      %swap3A_764 = arith.index_cast %swap3A_762 : i32 to index
      %swap3A_765 = arith.constant 32 : index
      %swap3A_766 = tpu.vector_load %arg10[%swap3A_763, %swap3A_764, %swap3A_765] {strides = array<i32>} : memref<2x4x64xf32, #tpu.memory_space<vmem>>, vector<16xf32>,
      tpu.vector_store %arg10[%swap3A_763, %swap3A_764, %swap3A_765], %scan3A_729#2 {strides = array<i32>} : memref<2x4x64xf32, #tpu.memory_space<vmem>>, vector<16xf32>,
      %swap3A_767 = arith.constant 0 : i32
      %swap3A_768 = arith.constant 3 : i32
      %swap3A_769 = arith.index_cast %swap3A_767 : i32 to index
      %swap3A_770 = arith.index_cast %swap3A_768 : i32 to index
      %swap3A_771 = arith.constant 32 : index
      %swap3A_772 = tpu.vector_load %arg11[%swap3A_769, %swap3A_770, %swap3A_771] {strides = array<i32>} : memref<2x4x64xf32, #tpu.memory_space<vmem>>, vector<16xf32>,
      tpu.vector_store %arg11[%swap3A_769, %swap3A_770, %swap3A_771], %scan3A_735#2 {strides = array<i32>} : memref<2x4x64xf32, #tpu.memory_space<vmem>>, vector<16xf32>,
      %swap3A_773 = arith.constant 0 : i32
      %swap3A_774 = arith.constant 3 : i32
      %swap3A_775 = arith.index_cast %swap3A_773 : i32 to index
      %swap3A_776 = arith.index_cast %swap3A_774 : i32 to index
      %swap3A_777 = arith.constant 48 : index
      %swap3A_778 = tpu.vector_load %arg10[%swap3A_775, %swap3A_776, %swap3A_777] {strides = array<i32>} : memref<2x4x64xf32, #tpu.memory_space<vmem>>, vector<16xf32>,
      tpu.vector_store %arg10[%swap3A_775, %swap3A_776, %swap3A_777], %scan3A_729#3 {strides = array<i32>} : memref<2x4x64xf32, #tpu.memory_space<vmem>>, vector<16xf32>,
      %swap3A_779 = arith.constant 0 : i32
      %swap3A_780 = arith.constant 3 : i32
      %swap3A_781 = arith.index_cast %swap3A_779 : i32 to index
      %swap3A_782 = arith.index_cast %swap3A_780 : i32 to index
      %swap3A_783 = arith.constant 48 : index
      %swap3A_784 = tpu.vector_load %arg11[%swap3A_781, %swap3A_782, %swap3A_783] {strides = array<i32>} : memref<2x4x64xf32, #tpu.memory_space<vmem>>, vector<16xf32>,
      tpu.vector_store %arg11[%swap3A_781, %swap3A_782, %swap3A_783], %scan3A_735#3 {strides = array<i32>} : memref<2x4x64xf32, #tpu.memory_space<vmem>>, vector<16xf32>,
      %mul3A_785 = arith.constant 4 : i32
      %mul3A_786 = arith.muli %mul3A_216, %mul3A_785 : i32
      %add3A_787 = arith.addi %mul3A_2, %mul3A_786 : i32
      %dma_start3A_788 = arith.constant 0 : i32
      %dma_start3A_789 = arith.constant 0 : i32
      %dma_start3A_790 = arith.constant 0 : i32
      %dma_start3A_791 = tpu.memref_slice %arg10[%dma_start3A_788, %dma_start3A_789, %dma_start3A_790] : memref<2x4x64xf32, #tpu.memory_space<vmem>> -> memref<1x4x64xf32, #tpu.memory_space<vmem>>
      %dma_start3A_792 = tpu.memref_squeeze %dma_start3A_791 : memref<1x4x64xf32, #tpu.memory_space<vmem>> -> memref<4x64xf32, #tpu.memory_space<vmem>>
      %dma_start3A_793 = arith.constant 0 : i32
      %dma_start3A_794 = tpu.memref_slice %arg5[%add3A_787, %dma_start3A_793] : memref<16384x64xf32, #tpu.memory_space<hbm>> -> memref<4x64xf32, #tpu.memory_space<hbm>>
      %dma_start3A_795 = arith.constant 0 : i32
      %dma_start3A_796 = tpu.memref_slice %arg5[%add3A_787, %dma_start3A_795] : memref<16384x64xf32, #tpu.memory_space<hbm>> -> memref<4x64xf32, #tpu.memory_space<hbm>>
      %dma_start3A_797 = arith.constant 0 : i32
      %dma_start3A_798 = arith.constant 0 : i32
      %dma_start3A_799 = tpu.memref_slice %arg10[%dma_start3A_788, %dma_start3A_797, %dma_start3A_798] : memref<2x4x64xf32, #tpu.memory_space<vmem>> -> memref<1x4x64xf32, #tpu.memory_space<vmem>>
      %dma_start3A_800 = tpu.memref_squeeze %dma_start3A_799 : memref<1x4x64xf32, #tpu.memory_space<vmem>> -> memref<4x64xf32, #tpu.memory_space<vmem>>
      tpu.enqueue_dma source(%dma_start3A_800 : memref<4x64xf32, #tpu.memory_space<vmem>>) target(%dma_start3A_796 : memref<4x64xf32, #tpu.memory_space<hbm>>) target_semaphore(%arg14 : memref<!tpu.dma_semaphore, #tpu.memory_space<semaphore_mem>>)
      %dma_start3A_801 = arith.constant 0 : i32
      %dma_start3A_802 = arith.constant 0 : i32
      %dma_start3A_803 = arith.constant 0 : i32
      %dma_start3A_804 = tpu.memref_slice %arg11[%dma_start3A_801, %dma_start3A_802, %dma_start3A_803] : memref<2x4x64xf32, #tpu.memory_space<vmem>> -> memref<1x4x64xf32, #tpu.memory_space<vmem>>
      %dma_start3A_805 = tpu.memref_squeeze %dma_start3A_804 : memref<1x4x64xf32, #tpu.memory_space<vmem>> -> memref<4x64xf32, #tpu.memory_space<vmem>>
      %dma_start3A_806 = arith.constant 0 : i32
      %dma_start3A_807 = tpu.memref_slice %arg6[%add3A_787, %dma_start3A_806] : memref<16384x64xf32, #tpu.memory_space<hbm>> -> memref<4x64xf32, #tpu.memory_space<hbm>>
      %dma_start3A_808 = arith.constant 0 : i32
      %dma_start3A_809 = tpu.memref_slice %arg6[%add3A_787, %dma_start3A_808] : memref<16384x64xf32, #tpu.memory_space<hbm>> -> memref<4x64xf32, #tpu.memory_space<hbm>>
      %dma_start3A_810 = arith.constant 0 : i32
      %dma_start3A_811 = arith.constant 0 : i32
      %dma_start3A_812 = tpu.memref_slice %arg11[%dma_start3A_801, %dma_start3A_810, %dma_start3A_811] : memref<2x4x64xf32, #tpu.memory_space<vmem>> -> memref<1x4x64xf32, #tpu.memory_space<vmem>>
      %dma_start3A_813 = tpu.memref_squeeze %dma_start3A_812 : memref<1x4x64xf32, #tpu.memory_space<vmem>> -> memref<4x64xf32, #tpu.memory_space<vmem>>
      tpu.enqueue_dma source(%dma_start3A_813 : memref<4x64xf32, #tpu.memory_space<vmem>>) target(%dma_start3A_809 : memref<4x64xf32, #tpu.memory_space<hbm>>) target_semaphore(%arg14 : memref<!tpu.dma_semaphore, #tpu.memory_space<semaphore_mem>>)
      %lt3A = arith.constant 63 : i32
      %lt3A_814 = arith.cmpi slt, %scan3A_214, %lt3A : i32
      %convert_element_type3A_815 = arith.extui %lt3A_814 : i1 to i32
      %cond3A_816 = arith.constant 0 : i32
      %cond3A_817 = arith.cmpi ne, %convert_element_type3A_815, %cond3A_816 : i32
      scf.if %cond3A_817 {
        %add3A_1269 = arith.constant 2 : i32
        %add3A_1270 = arith.addi %mul3A_216, %add3A_1269 : i32
        %mul3A_1271 = arith.constant 10 : i32
        %mul3A_1272 = arith.muli %add3A_1270, %mul3A_1271 : i32
        %add3A_1273 = arith.addi %mul3A_4, %mul3A_1272 : i32
        %run_scoped3A_1274 = arith.constant 0 : i32
        "tpu.region"() ({
          %run_scoped3A_1422 = tpu.sem_alloc : memref<!tpu.dma_semaphore, #tpu.memory_space<semaphore_mem>>
          %dma_start3A_1423 = arith.constant 0 : i32
          %dma_start3A_1424 = arith.constant 0 : i32
          %dma_start3A_1425 = tpu.memref_slice %arg7[%run_scoped3A_1274, %dma_start3A_1423, %dma_start3A_1424] : memref<2x10x80xi32, #tpu.memory_space<vmem>> -> memref<1x10x80xi32, #tpu.memory_space<vmem>>
          %dma_start3A_1426 = tpu.memref_squeeze %dma_start3A_1425 : memref<1x10x80xi32, #tpu.memory_space<vmem>> -> memref<10x80xi32, #tpu.memory_space<vmem>>
          %dma_start3A_1427 = arith.constant 0 : i32
          %dma_start3A_1428 = tpu.memref_slice %arg2[%add3A_1273, %dma_start3A_1427] : memref<40960x80xi32, #tpu.memory_space<hbm>> -> memref<10x80xi32, #tpu.memory_space<hbm>>
          %dma_start3A_1429 = arith.constant 0 : i32
          %dma_start3A_1430 = arith.constant 0 : i32
          %dma_start3A_1431 = tpu.memref_slice %arg7[%run_scoped3A_1274, %dma_start3A_1429, %dma_start3A_1430] : memref<2x10x80xi32, #tpu.memory_space<vmem>> -> memref<1x10x80xi32, #tpu.memory_space<vmem>>
          %dma_start3A_1432 = tpu.memref_squeeze %dma_start3A_1431 : memref<1x10x80xi32, #tpu.memory_space<vmem>> -> memref<10x80xi32, #tpu.memory_space<vmem>>
          %dma_start3A_1433 = arith.constant 0 : i32
          %dma_start3A_1434 = tpu.memref_slice %arg2[%add3A_1273, %dma_start3A_1433] : memref<40960x80xi32, #tpu.memory_space<hbm>> -> memref<10x80xi32, #tpu.memory_space<hbm>>
          tpu.enqueue_dma source(%dma_start3A_1434 : memref<10x80xi32, #tpu.memory_space<hbm>>) target(%dma_start3A_1432 : memref<10x80xi32, #tpu.memory_space<vmem>>) target_semaphore(%run_scoped3A_1422 : memref<!tpu.dma_semaphore, #tpu.memory_space<semaphore_mem>>)
          %dma_wait3A_1435 = arith.constant 0 : i32
          %dma_wait3A_1436 = arith.constant 0 : i32
          %dma_wait3A_1437 = tpu.memref_slice %arg7[%run_scoped3A_1274, %dma_wait3A_1435, %dma_wait3A_1436] : memref<2x10x80xi32, #tpu.memory_space<vmem>> -> memref<1x10x80xi32, #tpu.memory_space<vmem>>
          %dma_wait3A_1438 = tpu.memref_squeeze %dma_wait3A_1437 : memref<1x10x80xi32, #tpu.memory_space<vmem>> -> memref<10x80xi32, #tpu.memory_space<vmem>>
          %dma_wait3A_1439 = arith.constant 0 : i32
          %dma_wait3A_1440 = tpu.memref_slice %arg2[%add3A_1273, %dma_wait3A_1439] : memref<40960x80xi32, #tpu.memory_space<hbm>> -> memref<10x80xi32, #tpu.memory_space<hbm>>
          %dma_wait3A_1441 = arith.constant 0 : i32
          %dma_wait3A_1442 = arith.constant 0 : i32
          %dma_wait3A_1443 = tpu.memref_slice %arg7[%run_scoped3A_1274, %dma_wait3A_1441, %dma_wait3A_1442] : memref<2x10x80xi32, #tpu.memory_space<vmem>> -> memref<1x10x80xi32, #tpu.memory_space<vmem>>
          %dma_wait3A_1444 = tpu.memref_squeeze %dma_wait3A_1443 : memref<1x10x80xi32, #tpu.memory_space<vmem>> -> memref<10x80xi32, #tpu.memory_space<vmem>>
          %dma_wait3A_1445 = arith.constant 0 : i32
          %dma_wait3A_1446 = tpu.memref_slice %arg2[%add3A_1273, %dma_wait3A_1445] : memref<40960x80xi32, #tpu.memory_space<hbm>> -> memref<10x80xi32, #tpu.memory_space<hbm>>
          tpu.wait_dma2 semaphore(%run_scoped3A_1422 : memref<!tpu.dma_semaphore, #tpu.memory_space<semaphore_mem>>) src(%dma_wait3A_1446 : memref<10x80xi32, #tpu.memory_space<hbm>>) dst(%dma_wait3A_1444 : memref<10x80xi32, #tpu.memory_space<vmem>>)
          tpu.yield
        }) : () -> ()
        %mul3A_1275 = arith.constant 1 : i32
        %mul3A_1276 = arith.muli %add3A_1270, %mul3A_1275 : i32
        %add3A_1277 = arith.addi %mul3A_6, %mul3A_1276 : i32
        %run_scoped3A_1278 = arith.constant 0 : i32
        "tpu.region"() ({
          %run_scoped3A_1422 = tpu.sem_alloc : memref<!tpu.dma_semaphore, #tpu.memory_space<semaphore_mem>>
          %dma_start3A_1423 = arith.constant 0 : i32
          %dma_start3A_1424 = arith.constant 0 : i32
          %dma_start3A_1425 = tpu.memref_slice %arg8[%run_scoped3A_1278, %dma_start3A_1423, %dma_start3A_1424] : memref<2x1x80xi32, #tpu.memory_space<vmem>> -> memref<1x1x80xi32, #tpu.memory_space<vmem>>
          %dma_start3A_1426 = tpu.memref_squeeze %dma_start3A_1425 : memref<1x1x80xi32, #tpu.memory_space<vmem>> -> memref<1x80xi32, #tpu.memory_space<vmem>>
          %dma_start3A_1427 = arith.constant 0 : i32
          %dma_start3A_1428 = tpu.memref_slice %arg3[%add3A_1277, %dma_start3A_1427] : memref<4096x80xi32, #tpu.memory_space<hbm>> -> memref<1x80xi32, #tpu.memory_space<hbm>>
          %dma_start3A_1429 = arith.constant 0 : i32
          %dma_start3A_1430 = arith.constant 0 : i32
          %dma_start3A_1431 = tpu.memref_slice %arg8[%run_scoped3A_1278, %dma_start3A_1429, %dma_start3A_1430] : memref<2x1x80xi32, #tpu.memory_space<vmem>> -> memref<1x1x80xi32, #tpu.memory_space<vmem>>
          %dma_start3A_1432 = tpu.memref_squeeze %dma_start3A_1431 : memref<1x1x80xi32, #tpu.memory_space<vmem>> -> memref<1x80xi32, #tpu.memory_space<vmem>>
          %dma_start3A_1433 = arith.constant 0 : i32
          %dma_start3A_1434 = tpu.memref_slice %arg3[%add3A_1277, %dma_start3A_1433] : memref<4096x80xi32, #tpu.memory_space<hbm>> -> memref<1x80xi32, #tpu.memory_space<hbm>>
          tpu.enqueue_dma source(%dma_start3A_1434 : memref<1x80xi32, #tpu.memory_space<hbm>>) target(%dma_start3A_1432 : memref<1x80xi32, #tpu.memory_space<vmem>>) target_semaphore(%run_scoped3A_1422 : memref<!tpu.dma_semaphore, #tpu.memory_space<semaphore_mem>>)
          %dma_wait3A_1435 = arith.constant 0 : i32
          %dma_wait3A_1436 = arith.constant 0 : i32
          %dma_wait3A_1437 = tpu.memref_slice %arg8[%run_scoped3A_1278, %dma_wait3A_1435, %dma_wait3A_1436] : memref<2x1x80xi32, #tpu.memory_space<vmem>> -> memref<1x1x80xi32, #tpu.memory_space<vmem>>
          %dma_wait3A_1438 = tpu.memref_squeeze %dma_wait3A_1437 : memref<1x1x80xi32, #tpu.memory_space<vmem>> -> memref<1x80xi32, #tpu.memory_space<vmem>>
          %dma_wait3A_1439 = arith.constant 0 : i32
          %dma_wait3A_1440 = tpu.memref_slice %arg3[%add3A_1277, %dma_wait3A_1439] : memref<4096x80xi32, #tpu.memory_space<hbm>> -> memref<1x80xi32, #tpu.memory_space<hbm>>
          %dma_wait3A_1441 = arith.constant 0 : i32
          %dma_wait3A_1442 = arith.constant 0 : i32
          %dma_wait3A_1443 = tpu.memref_slice %arg8[%run_scoped3A_1278, %dma_wait3A_1441, %dma_wait3A_1442] : memref<2x1x80xi32, #tpu.memory_space<vmem>> -> memref<1x1x80xi32, #tpu.memory_space<vmem>>
          %dma_wait3A_1444 = tpu.memref_squeeze %dma_wait3A_1443 : memref<1x1x80xi32, #tpu.memory_space<vmem>> -> memref<1x80xi32, #tpu.memory_space<vmem>>
          %dma_wait3A_1445 = arith.constant 0 : i32
          %dma_wait3A_1446 = tpu.memref_slice %arg3[%add3A_1277, %dma_wait3A_1445] : memref<4096x80xi32, #tpu.memory_space<hbm>> -> memref<1x80xi32, #tpu.memory_space<hbm>>
          tpu.wait_dma2 semaphore(%run_scoped3A_1422 : memref<!tpu.dma_semaphore, #tpu.memory_space<semaphore_mem>>) src(%dma_wait3A_1446 : memref<1x80xi32, #tpu.memory_space<hbm>>) dst(%dma_wait3A_1444 : memref<1x80xi32, #tpu.memory_space<vmem>>)
          tpu.yield
        }) : () -> ()
        %dma_start3A_1279 = arith.constant 0 : i32
        %dma_start3A_1280 = arith.constant 0 : i32
        %dma_start3A_1281 = arith.constant 0 : i32
        %dma_start3A_1282 = arith.constant 0 : i32
        %dma_start3A_1283 = arith.constant 0 : i32
        %dma_start3A_1284 = tpu.memref_slice %arg9[%dma_start3A_1281, %dma_start3A_1282, %dma_start3A_1283] : memref<2x880x64xf32, #tpu.memory_space<vmem>> -> memref<1x80x64xf32, #tpu.memory_space<vmem>>
        %dma_start3A_1285 = tpu.memref_squeeze %dma_start3A_1284 : memref<1x80x64xf32, #tpu.memory_space<vmem>> -> memref<80x64xf32, #tpu.memory_space<vmem>>
        %dma_start3A_1286 = arith.constant 0 : i32
        %dma_start3A_1287 = tpu.memref_slice %arg7[%dma_start3A_1279, %dma_start3A_1280, %dma_start3A_1286] : memref<2x10x80xi32, #tpu.memory_space<vmem>> -> memref<1x1x80xi32, #tpu.memory_space<vmem>>
        %dma_start3A_1288 = tpu.memref_squeeze %dma_start3A_1287 : memref<1x1x80xi32, #tpu.memory_space<vmem>> -> memref<80xi32, #tpu.memory_space<vmem>>
        %dma_start3A_1289 = arith.constant 0 : i32
        %dma_start3A_1290 = arith.constant 0 : i32
        %dma_start3A_1291 = tpu.memref_slice %arg4[%dma_start3A_1289, %dma_start3A_1290] : memref<1000000x64xf32, #tpu.memory_space<hbm>> -> memref<1000000x64xf32, #tpu.memory_space<hbm>>
        tpu.enqueue_indirect_dma source(%dma_start3A_1291 : memref<1000000x64xf32, #tpu.memory_space<hbm>>) target(%dma_start3A_1285 : memref<80x64xf32, #tpu.memory_space<vmem>>) offsets(%dma_start3A_1288 : memref<80xi32, #tpu.memory_space<vmem>>) semaphore(%arg12 : memref<!tpu.dma_semaphore, #tpu.memory_space<semaphore_mem>>)
        %dma_start3A_1292 = arith.constant 0 : i32
        %dma_start3A_1293 = arith.constant 1 : i32
        %dma_start3A_1294 = arith.constant 0 : i32
        %dma_start3A_1295 = arith.constant 80 : i32
        %dma_start3A_1296 = arith.constant 0 : i32
        %dma_start3A_1297 = tpu.memref_slice %arg9[%dma_start3A_1294, %dma_start3A_1295, %dma_start3A_1296] : memref<2x880x64xf32, #tpu.memory_space<vmem>> -> memref<1x80x64xf32, #tpu.memory_space<vmem>>
        %dma_start3A_1298 = tpu.memref_squeeze %dma_start3A_1297 : memref<1x80x64xf32, #tpu.memory_space<vmem>> -> memref<80x64xf32, #tpu.memory_space<vmem>>
        %dma_start3A_1299 = arith.constant 0 : i32
        %dma_start3A_1300 = tpu.memref_slice %arg7[%dma_start3A_1292, %dma_start3A_1293, %dma_start3A_1299] : memref<2x10x80xi32, #tpu.memory_space<vmem>> -> memref<1x1x80xi32, #tpu.memory_space<vmem>>
        %dma_start3A_1301 = tpu.memref_squeeze %dma_start3A_1300 : memref<1x1x80xi32, #tpu.memory_space<vmem>> -> memref<80xi32, #tpu.memory_space<vmem>>
        %dma_start3A_1302 = arith.constant 0 : i32
        %dma_start3A_1303 = arith.constant 0 : i32
        %dma_start3A_1304 = tpu.memref_slice %arg4[%dma_start3A_1302, %dma_start3A_1303] : memref<1000000x64xf32, #tpu.memory_space<hbm>> -> memref<1000000x64xf32, #tpu.memory_space<hbm>>
        tpu.enqueue_indirect_dma source(%dma_start3A_1304 : memref<1000000x64xf32, #tpu.memory_space<hbm>>) target(%dma_start3A_1298 : memref<80x64xf32, #tpu.memory_space<vmem>>) offsets(%dma_start3A_1301 : memref<80xi32, #tpu.memory_space<vmem>>) semaphore(%arg12 : memref<!tpu.dma_semaphore, #tpu.memory_space<semaphore_mem>>)
        %dma_start3A_1305 = arith.constant 0 : i32
        %dma_start3A_1306 = arith.constant 2 : i32
        %dma_start3A_1307 = arith.constant 0 : i32
        %dma_start3A_1308 = arith.constant 160 : i32
        %dma_start3A_1309 = arith.constant 0 : i32
        %dma_start3A_1310 = tpu.memref_slice %arg9[%dma_start3A_1307, %dma_start3A_1308, %dma_start3A_1309] : memref<2x880x64xf32, #tpu.memory_space<vmem>> -> memref<1x80x64xf32, #tpu.memory_space<vmem>>
        %dma_start3A_1311 = tpu.memref_squeeze %dma_start3A_1310 : memref<1x80x64xf32, #tpu.memory_space<vmem>> -> memref<80x64xf32, #tpu.memory_space<vmem>>
        %dma_start3A_1312 = arith.constant 0 : i32
        %dma_start3A_1313 = tpu.memref_slice %arg7[%dma_start3A_1305, %dma_start3A_1306, %dma_start3A_1312] : memref<2x10x80xi32, #tpu.memory_space<vmem>> -> memref<1x1x80xi32, #tpu.memory_space<vmem>>
        %dma_start3A_1314 = tpu.memref_squeeze %dma_start3A_1313 : memref<1x1x80xi32, #tpu.memory_space<vmem>> -> memref<80xi32, #tpu.memory_space<vmem>>
        %dma_start3A_1315 = arith.constant 0 : i32
        %dma_start3A_1316 = arith.constant 0 : i32
        %dma_start3A_1317 = tpu.memref_slice %arg4[%dma_start3A_1315, %dma_start3A_1316] : memref<1000000x64xf32, #tpu.memory_space<hbm>> -> memref<1000000x64xf32, #tpu.memory_space<hbm>>
        tpu.enqueue_indirect_dma source(%dma_start3A_1317 : memref<1000000x64xf32, #tpu.memory_space<hbm>>) target(%dma_start3A_1311 : memref<80x64xf32, #tpu.memory_space<vmem>>) offsets(%dma_start3A_1314 : memref<80xi32, #tpu.memory_space<vmem>>) semaphore(%arg12 : memref<!tpu.dma_semaphore, #tpu.memory_space<semaphore_mem>>)
        %dma_start3A_1318 = arith.constant 0 : i32
        %dma_start3A_1319 = arith.constant 3 : i32
        %dma_start3A_1320 = arith.constant 0 : i32
        %dma_start3A_1321 = arith.constant 240 : i32
        %dma_start3A_1322 = arith.constant 0 : i32
        %dma_start3A_1323 = tpu.memref_slice %arg9[%dma_start3A_1320, %dma_start3A_1321, %dma_start3A_1322] : memref<2x880x64xf32, #tpu.memory_space<vmem>> -> memref<1x80x64xf32, #tpu.memory_space<vmem>>
        %dma_start3A_1324 = tpu.memref_squeeze %dma_start3A_1323 : memref<1x80x64xf32, #tpu.memory_space<vmem>> -> memref<80x64xf32, #tpu.memory_space<vmem>>
        %dma_start3A_1325 = arith.constant 0 : i32
        %dma_start3A_1326 = tpu.memref_slice %arg7[%dma_start3A_1318, %dma_start3A_1319, %dma_start3A_1325] : memref<2x10x80xi32, #tpu.memory_space<vmem>> -> memref<1x1x80xi32, #tpu.memory_space<vmem>>
        %dma_start3A_1327 = tpu.memref_squeeze %dma_start3A_1326 : memref<1x1x80xi32, #tpu.memory_space<vmem>> -> memref<80xi32, #tpu.memory_space<vmem>>
        %dma_start3A_1328 = arith.constant 0 : i32
        %dma_start3A_1329 = arith.constant 0 : i32
        %dma_start3A_1330 = tpu.memref_slice %arg4[%dma_start3A_1328, %dma_start3A_1329] : memref<1000000x64xf32, #tpu.memory_space<hbm>> -> memref<1000000x64xf32, #tpu.memory_space<hbm>>
        tpu.enqueue_indirect_dma source(%dma_start3A_1330 : memref<1000000x64xf32, #tpu.memory_space<hbm>>) target(%dma_start3A_1324 : memref<80x64xf32, #tpu.memory_space<vmem>>) offsets(%dma_start3A_1327 : memref<80xi32, #tpu.memory_space<vmem>>) semaphore(%arg12 : memref<!tpu.dma_semaphore, #tpu.memory_space<semaphore_mem>>)
        %dma_start3A_1331 = arith.constant 0 : i32
        %dma_start3A_1332 = arith.constant 4 : i32
        %dma_start3A_1333 = arith.constant 0 : i32
        %dma_start3A_1334 = arith.constant 320 : i32
        %dma_start3A_1335 = arith.constant 0 : i32
        %dma_start3A_1336 = tpu.memref_slice %arg9[%dma_start3A_1333, %dma_start3A_1334, %dma_start3A_1335] : memref<2x880x64xf32, #tpu.memory_space<vmem>> -> memref<1x80x64xf32, #tpu.memory_space<vmem>>
        %dma_start3A_1337 = tpu.memref_squeeze %dma_start3A_1336 : memref<1x80x64xf32, #tpu.memory_space<vmem>> -> memref<80x64xf32, #tpu.memory_space<vmem>>
        %dma_start3A_1338 = arith.constant 0 : i32
        %dma_start3A_1339 = tpu.memref_slice %arg7[%dma_start3A_1331, %dma_start3A_1332, %dma_start3A_1338] : memref<2x10x80xi32, #tpu.memory_space<vmem>> -> memref<1x1x80xi32, #tpu.memory_space<vmem>>
        %dma_start3A_1340 = tpu.memref_squeeze %dma_start3A_1339 : memref<1x1x80xi32, #tpu.memory_space<vmem>> -> memref<80xi32, #tpu.memory_space<vmem>>
        %dma_start3A_1341 = arith.constant 0 : i32
        %dma_start3A_1342 = arith.constant 0 : i32
        %dma_start3A_1343 = tpu.memref_slice %arg4[%dma_start3A_1341, %dma_start3A_1342] : memref<1000000x64xf32, #tpu.memory_space<hbm>> -> memref<1000000x64xf32, #tpu.memory_space<hbm>>
        tpu.enqueue_indirect_dma source(%dma_start3A_1343 : memref<1000000x64xf32, #tpu.memory_space<hbm>>) target(%dma_start3A_1337 : memref<80x64xf32, #tpu.memory_space<vmem>>) offsets(%dma_start3A_1340 : memref<80xi32, #tpu.memory_space<vmem>>) semaphore(%arg12 : memref<!tpu.dma_semaphore, #tpu.memory_space<semaphore_mem>>)
        %dma_start3A_1344 = arith.constant 0 : i32
        %dma_start3A_1345 = arith.constant 5 : i32
        %dma_start3A_1346 = arith.constant 0 : i32
        %dma_start3A_1347 = arith.constant 400 : i32
        %dma_start3A_1348 = arith.constant 0 : i32
        %dma_start3A_1349 = tpu.memref_slice %arg9[%dma_start3A_1346, %dma_start3A_1347, %dma_start3A_1348] : memref<2x880x64xf32, #tpu.memory_space<vmem>> -> memref<1x80x64xf32, #tpu.memory_space<vmem>>
        %dma_start3A_1350 = tpu.memref_squeeze %dma_start3A_1349 : memref<1x80x64xf32, #tpu.memory_space<vmem>> -> memref<80x64xf32, #tpu.memory_space<vmem>>
        %dma_start3A_1351 = arith.constant 0 : i32
        %dma_start3A_1352 = tpu.memref_slice %arg7[%dma_start3A_1344, %dma_start3A_1345, %dma_start3A_1351] : memref<2x10x80xi32, #tpu.memory_space<vmem>> -> memref<1x1x80xi32, #tpu.memory_space<vmem>>
        %dma_start3A_1353 = tpu.memref_squeeze %dma_start3A_1352 : memref<1x1x80xi32, #tpu.memory_space<vmem>> -> memref<80xi32, #tpu.memory_space<vmem>>
        %dma_start3A_1354 = arith.constant 0 : i32
        %dma_start3A_1355 = arith.constant 0 : i32
        %dma_start3A_1356 = tpu.memref_slice %arg4[%dma_start3A_1354, %dma_start3A_1355] : memref<1000000x64xf32, #tpu.memory_space<hbm>> -> memref<1000000x64xf32, #tpu.memory_space<hbm>>
        tpu.enqueue_indirect_dma source(%dma_start3A_1356 : memref<1000000x64xf32, #tpu.memory_space<hbm>>) target(%dma_start3A_1350 : memref<80x64xf32, #tpu.memory_space<vmem>>) offsets(%dma_start3A_1353 : memref<80xi32, #tpu.memory_space<vmem>>) semaphore(%arg12 : memref<!tpu.dma_semaphore, #tpu.memory_space<semaphore_mem>>)
        %dma_start3A_1357 = arith.constant 0 : i32
        %dma_start3A_1358 = arith.constant 6 : i32
        %dma_start3A_1359 = arith.constant 0 : i32
        %dma_start3A_1360 = arith.constant 480 : i32
        %dma_start3A_1361 = arith.constant 0 : i32
        %dma_start3A_1362 = tpu.memref_slice %arg9[%dma_start3A_1359, %dma_start3A_1360, %dma_start3A_1361] : memref<2x880x64xf32, #tpu.memory_space<vmem>> -> memref<1x80x64xf32, #tpu.memory_space<vmem>>
        %dma_start3A_1363 = tpu.memref_squeeze %dma_start3A_1362 : memref<1x80x64xf32, #tpu.memory_space<vmem>> -> memref<80x64xf32, #tpu.memory_space<vmem>>
        %dma_start3A_1364 = arith.constant 0 : i32
        %dma_start3A_1365 = tpu.memref_slice %arg7[%dma_start3A_1357, %dma_start3A_1358, %dma_start3A_1364] : memref<2x10x80xi32, #tpu.memory_space<vmem>> -> memref<1x1x80xi32, #tpu.memory_space<vmem>>
        %dma_start3A_1366 = tpu.memref_squeeze %dma_start3A_1365 : memref<1x1x80xi32, #tpu.memory_space<vmem>> -> memref<80xi32, #tpu.memory_space<vmem>>
        %dma_start3A_1367 = arith.constant 0 : i32
        %dma_start3A_1368 = arith.constant 0 : i32
        %dma_start3A_1369 = tpu.memref_slice %arg4[%dma_start3A_1367, %dma_start3A_1368] : memref<1000000x64xf32, #tpu.memory_space<hbm>> -> memref<1000000x64xf32, #tpu.memory_space<hbm>>
        tpu.enqueue_indirect_dma source(%dma_start3A_1369 : memref<1000000x64xf32, #tpu.memory_space<hbm>>) target(%dma_start3A_1363 : memref<80x64xf32, #tpu.memory_space<vmem>>) offsets(%dma_start3A_1366 : memref<80xi32, #tpu.memory_space<vmem>>) semaphore(%arg12 : memref<!tpu.dma_semaphore, #tpu.memory_space<semaphore_mem>>)
        %dma_start3A_1370 = arith.constant 0 : i32
        %dma_start3A_1371 = arith.constant 7 : i32
        %dma_start3A_1372 = arith.constant 0 : i32
        %dma_start3A_1373 = arith.constant 560 : i32
        %dma_start3A_1374 = arith.constant 0 : i32
        %dma_start3A_1375 = tpu.memref_slice %arg9[%dma_start3A_1372, %dma_start3A_1373, %dma_start3A_1374] : memref<2x880x64xf32, #tpu.memory_space<vmem>> -> memref<1x80x64xf32, #tpu.memory_space<vmem>>
        %dma_start3A_1376 = tpu.memref_squeeze %dma_start3A_1375 : memref<1x80x64xf32, #tpu.memory_space<vmem>> -> memref<80x64xf32, #tpu.memory_space<vmem>>
        %dma_start3A_1377 = arith.constant 0 : i32
        %dma_start3A_1378 = tpu.memref_slice %arg7[%dma_start3A_1370, %dma_start3A_1371, %dma_start3A_1377] : memref<2x10x80xi32, #tpu.memory_space<vmem>> -> memref<1x1x80xi32, #tpu.memory_space<vmem>>
        %dma_start3A_1379 = tpu.memref_squeeze %dma_start3A_1378 : memref<1x1x80xi32, #tpu.memory_space<vmem>> -> memref<80xi32, #tpu.memory_space<vmem>>
        %dma_start3A_1380 = arith.constant 0 : i32
        %dma_start3A_1381 = arith.constant 0 : i32
        %dma_start3A_1382 = tpu.memref_slice %arg4[%dma_start3A_1380, %dma_start3A_1381] : memref<1000000x64xf32, #tpu.memory_space<hbm>> -> memref<1000000x64xf32, #tpu.memory_space<hbm>>
        tpu.enqueue_indirect_dma source(%dma_start3A_1382 : memref<1000000x64xf32, #tpu.memory_space<hbm>>) target(%dma_start3A_1376 : memref<80x64xf32, #tpu.memory_space<vmem>>) offsets(%dma_start3A_1379 : memref<80xi32, #tpu.memory_space<vmem>>) semaphore(%arg12 : memref<!tpu.dma_semaphore, #tpu.memory_space<semaphore_mem>>)
        %dma_start3A_1383 = arith.constant 0 : i32
        %dma_start3A_1384 = arith.constant 8 : i32
        %dma_start3A_1385 = arith.constant 0 : i32
        %dma_start3A_1386 = arith.constant 640 : i32
        %dma_start3A_1387 = arith.constant 0 : i32
        %dma_start3A_1388 = tpu.memref_slice %arg9[%dma_start3A_1385, %dma_start3A_1386, %dma_start3A_1387] : memref<2x880x64xf32, #tpu.memory_space<vmem>> -> memref<1x80x64xf32, #tpu.memory_space<vmem>>
        %dma_start3A_1389 = tpu.memref_squeeze %dma_start3A_1388 : memref<1x80x64xf32, #tpu.memory_space<vmem>> -> memref<80x64xf32, #tpu.memory_space<vmem>>
        %dma_start3A_1390 = arith.constant 0 : i32
        %dma_start3A_1391 = tpu.memref_slice %arg7[%dma_start3A_1383, %dma_start3A_1384, %dma_start3A_1390] : memref<2x10x80xi32, #tpu.memory_space<vmem>> -> memref<1x1x80xi32, #tpu.memory_space<vmem>>
        %dma_start3A_1392 = tpu.memref_squeeze %dma_start3A_1391 : memref<1x1x80xi32, #tpu.memory_space<vmem>> -> memref<80xi32, #tpu.memory_space<vmem>>
        %dma_start3A_1393 = arith.constant 0 : i32
        %dma_start3A_1394 = arith.constant 0 : i32
        %dma_start3A_1395 = tpu.memref_slice %arg4[%dma_start3A_1393, %dma_start3A_1394] : memref<1000000x64xf32, #tpu.memory_space<hbm>> -> memref<1000000x64xf32, #tpu.memory_space<hbm>>
        tpu.enqueue_indirect_dma source(%dma_start3A_1395 : memref<1000000x64xf32, #tpu.memory_space<hbm>>) target(%dma_start3A_1389 : memref<80x64xf32, #tpu.memory_space<vmem>>) offsets(%dma_start3A_1392 : memref<80xi32, #tpu.memory_space<vmem>>) semaphore(%arg12 : memref<!tpu.dma_semaphore, #tpu.memory_space<semaphore_mem>>)
        %dma_start3A_1396 = arith.constant 0 : i32
        %dma_start3A_1397 = arith.constant 9 : i32
        %dma_start3A_1398 = arith.constant 0 : i32
        %dma_start3A_1399 = arith.constant 720 : i32
        %dma_start3A_1400 = arith.constant 0 : i32
        %dma_start3A_1401 = tpu.memref_slice %arg9[%dma_start3A_1398, %dma_start3A_1399, %dma_start3A_1400] : memref<2x880x64xf32, #tpu.memory_space<vmem>> -> memref<1x80x64xf32, #tpu.memory_space<vmem>>
        %dma_start3A_1402 = tpu.memref_squeeze %dma_start3A_1401 : memref<1x80x64xf32, #tpu.memory_space<vmem>> -> memref<80x64xf32, #tpu.memory_space<vmem>>
        %dma_start3A_1403 = arith.constant 0 : i32
        %dma_start3A_1404 = tpu.memref_slice %arg7[%dma_start3A_1396, %dma_start3A_1397, %dma_start3A_1403] : memref<2x10x80xi32, #tpu.memory_space<vmem>> -> memref<1x1x80xi32, #tpu.memory_space<vmem>>
        %dma_start3A_1405 = tpu.memref_squeeze %dma_start3A_1404 : memref<1x1x80xi32, #tpu.memory_space<vmem>> -> memref<80xi32, #tpu.memory_space<vmem>>
        %dma_start3A_1406 = arith.constant 0 : i32
        %dma_start3A_1407 = arith.constant 0 : i32
        %dma_start3A_1408 = tpu.memref_slice %arg4[%dma_start3A_1406, %dma_start3A_1407] : memref<1000000x64xf32, #tpu.memory_space<hbm>> -> memref<1000000x64xf32, #tpu.memory_space<hbm>>
        tpu.enqueue_indirect_dma source(%dma_start3A_1408 : memref<1000000x64xf32, #tpu.memory_space<hbm>>) target(%dma_start3A_1402 : memref<80x64xf32, #tpu.memory_space<vmem>>) offsets(%dma_start3A_1405 : memref<80xi32, #tpu.memory_space<vmem>>) semaphore(%arg12 : memref<!tpu.dma_semaphore, #tpu.memory_space<semaphore_mem>>)
        %dma_start3A_1409 = arith.constant 0 : i32
        %dma_start3A_1410 = arith.constant 0 : i32
        %dma_start3A_1411 = arith.constant 0 : i32
        %dma_start3A_1412 = arith.constant 800 : i32
        %dma_start3A_1413 = arith.constant 0 : i32
        %dma_start3A_1414 = tpu.memref_slice %arg9[%dma_start3A_1411, %dma_start3A_1412, %dma_start3A_1413] : memref<2x880x64xf32, #tpu.memory_space<vmem>> -> memref<1x80x64xf32, #tpu.memory_space<vmem>>
        %dma_start3A_1415 = tpu.memref_squeeze %dma_start3A_1414 : memref<1x80x64xf32, #tpu.memory_space<vmem>> -> memref<80x64xf32, #tpu.memory_space<vmem>>
        %dma_start3A_1416 = arith.constant 0 : i32
        %dma_start3A_1417 = tpu.memref_slice %arg8[%dma_start3A_1409, %dma_start3A_1410, %dma_start3A_1416] : memref<2x1x80xi32, #tpu.memory_space<vmem>> -> memref<1x1x80xi32, #tpu.memory_space<vmem>>
        %dma_start3A_1418 = tpu.memref_squeeze %dma_start3A_1417 : memref<1x1x80xi32, #tpu.memory_space<vmem>> -> memref<80xi32, #tpu.memory_space<vmem>>
        %dma_start3A_1419 = arith.constant 0 : i32
        %dma_start3A_1420 = arith.constant 0 : i32
        %dma_start3A_1421 = tpu.memref_slice %arg4[%dma_start3A_1419, %dma_start3A_1420] : memref<1000000x64xf32, #tpu.memory_space<hbm>> -> memref<1000000x64xf32, #tpu.memory_space<hbm>>
        tpu.enqueue_indirect_dma source(%dma_start3A_1421 : memref<1000000x64xf32, #tpu.memory_space<hbm>>) target(%dma_start3A_1415 : memref<80x64xf32, #tpu.memory_space<vmem>>) offsets(%dma_start3A_1418 : memref<80xi32, #tpu.memory_space<vmem>>) semaphore(%arg12 : memref<!tpu.dma_semaphore, #tpu.memory_space<semaphore_mem>>)
      } else {
      }
      %add3A_818 = arith.constant 1 : i32
      %add3A_819 = arith.addi %mul3A_216, %add3A_818 : i32
      %dma_wait3A_820 = arith.constant 1 : i32
      %dma_wait3A_821 = arith.constant 0 : i32
      %dma_wait3A_822 = arith.constant 1 : i32
      %dma_wait3A_823 = arith.constant 0 : i32
      %dma_wait3A_824 = arith.constant 0 : i32
      %dma_wait3A_825 = tpu.memref_slice %arg9[%dma_wait3A_822, %dma_wait3A_823, %dma_wait3A_824] : memref<2x880x64xf32, #tpu.memory_space<vmem>> -> memref<1x80x64xf32, #tpu.memory_space<vmem>>
      %dma_wait3A_826 = tpu.memref_squeeze %dma_wait3A_825 : memref<1x80x64xf32, #tpu.memory_space<vmem>> -> memref<80x64xf32, #tpu.memory_space<vmem>>
      %dma_wait3A_827 = arith.constant 0 : i32
      %dma_wait3A_828 = tpu.memref_slice %arg7[%dma_wait3A_820, %dma_wait3A_821, %dma_wait3A_827] : memref<2x10x80xi32, #tpu.memory_space<vmem>> -> memref<1x1x80xi32, #tpu.memory_space<vmem>>
      %dma_wait3A_829 = tpu.memref_squeeze %dma_wait3A_828 : memref<1x1x80xi32, #tpu.memory_space<vmem>> -> memref<80xi32, #tpu.memory_space<vmem>>
      %dma_wait3A_830 = arith.constant 0 : i32
      %dma_wait3A_831 = arith.constant 0 : i32
      %dma_wait3A_832 = tpu.memref_slice %arg4[%dma_wait3A_830, %dma_wait3A_831] : memref<1000000x64xf32, #tpu.memory_space<hbm>> -> memref<1000000x64xf32, #tpu.memory_space<hbm>>
      tpu.wait_indirect_dma semaphore(%arg13 : memref<!tpu.dma_semaphore, #tpu.memory_space<semaphore_mem>>) src(%dma_wait3A_832 : memref<1000000x64xf32, #tpu.memory_space<hbm>>) dst(%dma_wait3A_826 : memref<80x64xf32, #tpu.memory_space<vmem>>)
      %dma_wait3A_833 = arith.constant 1 : i32
      %dma_wait3A_834 = arith.constant 1 : i32
      %dma_wait3A_835 = arith.constant 1 : i32
      %dma_wait3A_836 = arith.constant 80 : i32
      %dma_wait3A_837 = arith.constant 0 : i32
      %dma_wait3A_838 = tpu.memref_slice %arg9[%dma_wait3A_835, %dma_wait3A_836, %dma_wait3A_837] : memref<2x880x64xf32, #tpu.memory_space<vmem>> -> memref<1x80x64xf32, #tpu.memory_space<vmem>>
      %dma_wait3A_839 = tpu.memref_squeeze %dma_wait3A_838 : memref<1x80x64xf32, #tpu.memory_space<vmem>> -> memref<80x64xf32, #tpu.memory_space<vmem>>
      %dma_wait3A_840 = arith.constant 0 : i32
      %dma_wait3A_841 = tpu.memref_slice %arg7[%dma_wait3A_833, %dma_wait3A_834, %dma_wait3A_840] : memref<2x10x80xi32, #tpu.memory_space<vmem>> -> memref<1x1x80xi32, #tpu.memory_space<vmem>>
      %dma_wait3A_842 = tpu.memref_squeeze %dma_wait3A_841 : memref<1x1x80xi32, #tpu.memory_space<vmem>> -> memref<80xi32, #tpu.memory_space<vmem>>
      %dma_wait3A_843 = arith.constant 0 : i32
      %dma_wait3A_844 = arith.constant 0 : i32
      %dma_wait3A_845 = tpu.memref_slice %arg4[%dma_wait3A_843, %dma_wait3A_844] : memref<1000000x64xf32, #tpu.memory_space<hbm>> -> memref<1000000x64xf32, #tpu.memory_space<hbm>>
      tpu.wait_indirect_dma semaphore(%arg13 : memref<!tpu.dma_semaphore, #tpu.memory_space<semaphore_mem>>) src(%dma_wait3A_845 : memref<1000000x64xf32, #tpu.memory_space<hbm>>) dst(%dma_wait3A_839 : memref<80x64xf32, #tpu.memory_space<vmem>>)
      %dma_wait3A_846 = arith.constant 1 : i32
      %dma_wait3A_847 = arith.constant 2 : i32
      %dma_wait3A_848 = arith.constant 1 : i32
      %dma_wait3A_849 = arith.constant 160 : i32
      %dma_wait3A_850 = arith.constant 0 : i32
      %dma_wait3A_851 = tpu.memref_slice %arg9[%dma_wait3A_848, %dma_wait3A_849, %dma_wait3A_850] : memref<2x880x64xf32, #tpu.memory_space<vmem>> -> memref<1x80x64xf32, #tpu.memory_space<vmem>>
      %dma_wait3A_852 = tpu.memref_squeeze %dma_wait3A_851 : memref<1x80x64xf32, #tpu.memory_space<vmem>> -> memref<80x64xf32, #tpu.memory_space<vmem>>
      %dma_wait3A_853 = arith.constant 0 : i32
      %dma_wait3A_854 = tpu.memref_slice %arg7[%dma_wait3A_846, %dma_wait3A_847, %dma_wait3A_853] : memref<2x10x80xi32, #tpu.memory_space<vmem>> -> memref<1x1x80xi32, #tpu.memory_space<vmem>>
      %dma_wait3A_855 = tpu.memref_squeeze %dma_wait3A_854 : memref<1x1x80xi32, #tpu.memory_space<vmem>> -> memref<80xi32, #tpu.memory_space<vmem>>
      %dma_wait3A_856 = arith.constant 0 : i32
      %dma_wait3A_857 = arith.constant 0 : i32
      %dma_wait3A_858 = tpu.memref_slice %arg4[%dma_wait3A_856, %dma_wait3A_857] : memref<1000000x64xf32, #tpu.memory_space<hbm>> -> memref<1000000x64xf32, #tpu.memory_space<hbm>>
      tpu.wait_indirect_dma semaphore(%arg13 : memref<!tpu.dma_semaphore, #tpu.memory_space<semaphore_mem>>) src(%dma_wait3A_858 : memref<1000000x64xf32, #tpu.memory_space<hbm>>) dst(%dma_wait3A_852 : memref<80x64xf32, #tpu.memory_space<vmem>>)
      %dma_wait3A_859 = arith.constant 1 : i32
      %dma_wait3A_860 = arith.constant 3 : i32
      %dma_wait3A_861 = arith.constant 1 : i32
      %dma_wait3A_862 = arith.constant 240 : i32
      %dma_wait3A_863 = arith.constant 0 : i32
      %dma_wait3A_864 = tpu.memref_slice %arg9[%dma_wait3A_861, %dma_wait3A_862, %dma_wait3A_863] : memref<2x880x64xf32, #tpu.memory_space<vmem>> -> memref<1x80x64xf32, #tpu.memory_space<vmem>>
      %dma_wait3A_865 = tpu.memref_squeeze %dma_wait3A_864 : memref<1x80x64xf32, #tpu.memory_space<vmem>> -> memref<80x64xf32, #tpu.memory_space<vmem>>
      %dma_wait3A_866 = arith.constant 0 : i32
      %dma_wait3A_867 = tpu.memref_slice %arg7[%dma_wait3A_859, %dma_wait3A_860, %dma_wait3A_866] : memref<2x10x80xi32, #tpu.memory_space<vmem>> -> memref<1x1x80xi32, #tpu.memory_space<vmem>>
      %dma_wait3A_868 = tpu.memref_squeeze %dma_wait3A_867 : memref<1x1x80xi32, #tpu.memory_space<vmem>> -> memref<80xi32, #tpu.memory_space<vmem>>
      %dma_wait3A_869 = arith.constant 0 : i32
      %dma_wait3A_870 = arith.constant 0 : i32
      %dma_wait3A_871 = tpu.memref_slice %arg4[%dma_wait3A_869, %dma_wait3A_870] : memref<1000000x64xf32, #tpu.memory_space<hbm>> -> memref<1000000x64xf32, #tpu.memory_space<hbm>>
      tpu.wait_indirect_dma semaphore(%arg13 : memref<!tpu.dma_semaphore, #tpu.memory_space<semaphore_mem>>) src(%dma_wait3A_871 : memref<1000000x64xf32, #tpu.memory_space<hbm>>) dst(%dma_wait3A_865 : memref<80x64xf32, #tpu.memory_space<vmem>>)
      %dma_wait3A_872 = arith.constant 1 : i32
      %dma_wait3A_873 = arith.constant 4 : i32
      %dma_wait3A_874 = arith.constant 1 : i32
      %dma_wait3A_875 = arith.constant 320 : i32
      %dma_wait3A_876 = arith.constant 0 : i32
      %dma_wait3A_877 = tpu.memref_slice %arg9[%dma_wait3A_874, %dma_wait3A_875, %dma_wait3A_876] : memref<2x880x64xf32, #tpu.memory_space<vmem>> -> memref<1x80x64xf32, #tpu.memory_space<vmem>>
      %dma_wait3A_878 = tpu.memref_squeeze %dma_wait3A_877 : memref<1x80x64xf32, #tpu.memory_space<vmem>> -> memref<80x64xf32, #tpu.memory_space<vmem>>
      %dma_wait3A_879 = arith.constant 0 : i32
      %dma_wait3A_880 = tpu.memref_slice %arg7[%dma_wait3A_872, %dma_wait3A_873, %dma_wait3A_879] : memref<2x10x80xi32, #tpu.memory_space<vmem>> -> memref<1x1x80xi32, #tpu.memory_space<vmem>>
      %dma_wait3A_881 = tpu.memref_squeeze %dma_wait3A_880 : memref<1x1x80xi32, #tpu.memory_space<vmem>> -> memref<80xi32, #tpu.memory_space<vmem>>
      %dma_wait3A_882 = arith.constant 0 : i32
      %dma_wait3A_883 = arith.constant 0 : i32
      %dma_wait3A_884 = tpu.memref_slice %arg4[%dma_wait3A_882, %dma_wait3A_883] : memref<1000000x64xf32, #tpu.memory_space<hbm>> -> memref<1000000x64xf32, #tpu.memory_space<hbm>>
      tpu.wait_indirect_dma semaphore(%arg13 : memref<!tpu.dma_semaphore, #tpu.memory_space<semaphore_mem>>) src(%dma_wait3A_884 : memref<1000000x64xf32, #tpu.memory_space<hbm>>) dst(%dma_wait3A_878 : memref<80x64xf32, #tpu.memory_space<vmem>>)
      %dma_wait3A_885 = arith.constant 1 : i32
      %dma_wait3A_886 = arith.constant 5 : i32
      %dma_wait3A_887 = arith.constant 1 : i32
      %dma_wait3A_888 = arith.constant 400 : i32
      %dma_wait3A_889 = arith.constant 0 : i32
      %dma_wait3A_890 = tpu.memref_slice %arg9[%dma_wait3A_887, %dma_wait3A_888, %dma_wait3A_889] : memref<2x880x64xf32, #tpu.memory_space<vmem>> -> memref<1x80x64xf32, #tpu.memory_space<vmem>>
      %dma_wait3A_891 = tpu.memref_squeeze %dma_wait3A_890 : memref<1x80x64xf32, #tpu.memory_space<vmem>> -> memref<80x64xf32, #tpu.memory_space<vmem>>
      %dma_wait3A_892 = arith.constant 0 : i32
      %dma_wait3A_893 = tpu.memref_slice %arg7[%dma_wait3A_885, %dma_wait3A_886, %dma_wait3A_892] : memref<2x10x80xi32, #tpu.memory_space<vmem>> -> memref<1x1x80xi32, #tpu.memory_space<vmem>>
      %dma_wait3A_894 = tpu.memref_squeeze %dma_wait3A_893 : memref<1x1x80xi32, #tpu.memory_space<vmem>> -> memref<80xi32, #tpu.memory_space<vmem>>
      %dma_wait3A_895 = arith.constant 0 : i32
      %dma_wait3A_896 = arith.constant 0 : i32
      %dma_wait3A_897 = tpu.memref_slice %arg4[%dma_wait3A_895, %dma_wait3A_896] : memref<1000000x64xf32, #tpu.memory_space<hbm>> -> memref<1000000x64xf32, #tpu.memory_space<hbm>>
      tpu.wait_indirect_dma semaphore(%arg13 : memref<!tpu.dma_semaphore, #tpu.memory_space<semaphore_mem>>) src(%dma_wait3A_897 : memref<1000000x64xf32, #tpu.memory_space<hbm>>) dst(%dma_wait3A_891 : memref<80x64xf32, #tpu.memory_space<vmem>>)
      %dma_wait3A_898 = arith.constant 1 : i32
      %dma_wait3A_899 = arith.constant 6 : i32
      %dma_wait3A_900 = arith.constant 1 : i32
      %dma_wait3A_901 = arith.constant 480 : i32
      %dma_wait3A_902 = arith.constant 0 : i32
      %dma_wait3A_903 = tpu.memref_slice %arg9[%dma_wait3A_900, %dma_wait3A_901, %dma_wait3A_902] : memref<2x880x64xf32, #tpu.memory_space<vmem>> -> memref<1x80x64xf32, #tpu.memory_space<vmem>>
      %dma_wait3A_904 = tpu.memref_squeeze %dma_wait3A_903 : memref<1x80x64xf32, #tpu.memory_space<vmem>> -> memref<80x64xf32, #tpu.memory_space<vmem>>
      %dma_wait3A_905 = arith.constant 0 : i32
      %dma_wait3A_906 = tpu.memref_slice %arg7[%dma_wait3A_898, %dma_wait3A_899, %dma_wait3A_905] : memref<2x10x80xi32, #tpu.memory_space<vmem>> -> memref<1x1x80xi32, #tpu.memory_space<vmem>>
      %dma_wait3A_907 = tpu.memref_squeeze %dma_wait3A_906 : memref<1x1x80xi32, #tpu.memory_space<vmem>> -> memref<80xi32, #tpu.memory_space<vmem>>
      %dma_wait3A_908 = arith.constant 0 : i32
      %dma_wait3A_909 = arith.constant 0 : i32
      %dma_wait3A_910 = tpu.memref_slice %arg4[%dma_wait3A_908, %dma_wait3A_909] : memref<1000000x64xf32, #tpu.memory_space<hbm>> -> memref<1000000x64xf32, #tpu.memory_space<hbm>>
      tpu.wait_indirect_dma semaphore(%arg13 : memref<!tpu.dma_semaphore, #tpu.memory_space<semaphore_mem>>) src(%dma_wait3A_910 : memref<1000000x64xf32, #tpu.memory_space<hbm>>) dst(%dma_wait3A_904 : memref<80x64xf32, #tpu.memory_space<vmem>>)
      %dma_wait3A_911 = arith.constant 1 : i32
      %dma_wait3A_912 = arith.constant 7 : i32
      %dma_wait3A_913 = arith.constant 1 : i32
      %dma_wait3A_914 = arith.constant 560 : i32
      %dma_wait3A_915 = arith.constant 0 : i32
      %dma_wait3A_916 = tpu.memref_slice %arg9[%dma_wait3A_913, %dma_wait3A_914, %dma_wait3A_915] : memref<2x880x64xf32, #tpu.memory_space<vmem>> -> memref<1x80x64xf32, #tpu.memory_space<vmem>>
      %dma_wait3A_917 = tpu.memref_squeeze %dma_wait3A_916 : memref<1x80x64xf32, #tpu.memory_space<vmem>> -> memref<80x64xf32, #tpu.memory_space<vmem>>
      %dma_wait3A_918 = arith.constant 0 : i32
      %dma_wait3A_919 = tpu.memref_slice %arg7[%dma_wait3A_911, %dma_wait3A_912, %dma_wait3A_918] : memref<2x10x80xi32, #tpu.memory_space<vmem>> -> memref<1x1x80xi32, #tpu.memory_space<vmem>>
      %dma_wait3A_920 = tpu.memref_squeeze %dma_wait3A_919 : memref<1x1x80xi32, #tpu.memory_space<vmem>> -> memref<80xi32, #tpu.memory_space<vmem>>
      %dma_wait3A_921 = arith.constant 0 : i32
      %dma_wait3A_922 = arith.constant 0 : i32
      %dma_wait3A_923 = tpu.memref_slice %arg4[%dma_wait3A_921, %dma_wait3A_922] : memref<1000000x64xf32, #tpu.memory_space<hbm>> -> memref<1000000x64xf32, #tpu.memory_space<hbm>>
      tpu.wait_indirect_dma semaphore(%arg13 : memref<!tpu.dma_semaphore, #tpu.memory_space<semaphore_mem>>) src(%dma_wait3A_923 : memref<1000000x64xf32, #tpu.memory_space<hbm>>) dst(%dma_wait3A_917 : memref<80x64xf32, #tpu.memory_space<vmem>>)
      %dma_wait3A_924 = arith.constant 1 : i32
      %dma_wait3A_925 = arith.constant 8 : i32
      %dma_wait3A_926 = arith.constant 1 : i32
      %dma_wait3A_927 = arith.constant 640 : i32
      %dma_wait3A_928 = arith.constant 0 : i32
      %dma_wait3A_929 = tpu.memref_slice %arg9[%dma_wait3A_926, %dma_wait3A_927, %dma_wait3A_928] : memref<2x880x64xf32, #tpu.memory_space<vmem>> -> memref<1x80x64xf32, #tpu.memory_space<vmem>>
      %dma_wait3A_930 = tpu.memref_squeeze %dma_wait3A_929 : memref<1x80x64xf32, #tpu.memory_space<vmem>> -> memref<80x64xf32, #tpu.memory_space<vmem>>
      %dma_wait3A_931 = arith.constant 0 : i32
      %dma_wait3A_932 = tpu.memref_slice %arg7[%dma_wait3A_924, %dma_wait3A_925, %dma_wait3A_931] : memref<2x10x80xi32, #tpu.memory_space<vmem>> -> memref<1x1x80xi32, #tpu.memory_space<vmem>>
      %dma_wait3A_933 = tpu.memref_squeeze %dma_wait3A_932 : memref<1x1x80xi32, #tpu.memory_space<vmem>> -> memref<80xi32, #tpu.memory_space<vmem>>
      %dma_wait3A_934 = arith.constant 0 : i32
      %dma_wait3A_935 = arith.constant 0 : i32
      %dma_wait3A_936 = tpu.memref_slice %arg4[%dma_wait3A_934, %dma_wait3A_935] : memref<1000000x64xf32, #tpu.memory_space<hbm>> -> memref<1000000x64xf32, #tpu.memory_space<hbm>>
      tpu.wait_indirect_dma semaphore(%arg13 : memref<!tpu.dma_semaphore, #tpu.memory_space<semaphore_mem>>) src(%dma_wait3A_936 : memref<1000000x64xf32, #tpu.memory_space<hbm>>) dst(%dma_wait3A_930 : memref<80x64xf32, #tpu.memory_space<vmem>>)
      %dma_wait3A_937 = arith.constant 1 : i32
      %dma_wait3A_938 = arith.constant 9 : i32
      %dma_wait3A_939 = arith.constant 1 : i32
      %dma_wait3A_940 = arith.constant 720 : i32
      %dma_wait3A_941 = arith.constant 0 : i32
      %dma_wait3A_942 = tpu.memref_slice %arg9[%dma_wait3A_939, %dma_wait3A_940, %dma_wait3A_941] : memref<2x880x64xf32, #tpu.memory_space<vmem>> -> memref<1x80x64xf32, #tpu.memory_space<vmem>>
      %dma_wait3A_943 = tpu.memref_squeeze %dma_wait3A_942 : memref<1x80x64xf32, #tpu.memory_space<vmem>> -> memref<80x64xf32, #tpu.memory_space<vmem>>
      %dma_wait3A_944 = arith.constant 0 : i32
      %dma_wait3A_945 = tpu.memref_slice %arg7[%dma_wait3A_937, %dma_wait3A_938, %dma_wait3A_944] : memref<2x10x80xi32, #tpu.memory_space<vmem>> -> memref<1x1x80xi32, #tpu.memory_space<vmem>>
      %dma_wait3A_946 = tpu.memref_squeeze %dma_wait3A_945 : memref<1x1x80xi32, #tpu.memory_space<vmem>> -> memref<80xi32, #tpu.memory_space<vmem>>
      %dma_wait3A_947 = arith.constant 0 : i32
      %dma_wait3A_948 = arith.constant 0 : i32
      %dma_wait3A_949 = tpu.memref_slice %arg4[%dma_wait3A_947, %dma_wait3A_948] : memref<1000000x64xf32, #tpu.memory_space<hbm>> -> memref<1000000x64xf32, #tpu.memory_space<hbm>>
      tpu.wait_indirect_dma semaphore(%arg13 : memref<!tpu.dma_semaphore, #tpu.memory_space<semaphore_mem>>) src(%dma_wait3A_949 : memref<1000000x64xf32, #tpu.memory_space<hbm>>) dst(%dma_wait3A_943 : memref<80x64xf32, #tpu.memory_space<vmem>>)
      %dma_wait3A_950 = arith.constant 1 : i32
      %dma_wait3A_951 = arith.constant 0 : i32
      %dma_wait3A_952 = arith.constant 1 : i32
      %dma_wait3A_953 = arith.constant 800 : i32
      %dma_wait3A_954 = arith.constant 0 : i32
      %dma_wait3A_955 = tpu.memref_slice %arg9[%dma_wait3A_952, %dma_wait3A_953, %dma_wait3A_954] : memref<2x880x64xf32, #tpu.memory_space<vmem>> -> memref<1x80x64xf32, #tpu.memory_space<vmem>>
      %dma_wait3A_956 = tpu.memref_squeeze %dma_wait3A_955 : memref<1x80x64xf32, #tpu.memory_space<vmem>> -> memref<80x64xf32, #tpu.memory_space<vmem>>
      %dma_wait3A_957 = arith.constant 0 : i32
      %dma_wait3A_958 = tpu.memref_slice %arg8[%dma_wait3A_950, %dma_wait3A_951, %dma_wait3A_957] : memref<2x1x80xi32, #tpu.memory_space<vmem>> -> memref<1x1x80xi32, #tpu.memory_space<vmem>>
      %dma_wait3A_959 = tpu.memref_squeeze %dma_wait3A_958 : memref<1x1x80xi32, #tpu.memory_space<vmem>> -> memref<80xi32, #tpu.memory_space<vmem>>
      %dma_wait3A_960 = arith.constant 0 : i32
      %dma_wait3A_961 = arith.constant 0 : i32
      %dma_wait3A_962 = tpu.memref_slice %arg4[%dma_wait3A_960, %dma_wait3A_961] : memref<1000000x64xf32, #tpu.memory_space<hbm>> -> memref<1000000x64xf32, #tpu.memory_space<hbm>>
      tpu.wait_indirect_dma semaphore(%arg13 : memref<!tpu.dma_semaphore, #tpu.memory_space<semaphore_mem>>) src(%dma_wait3A_962 : memref<1000000x64xf32, #tpu.memory_space<hbm>>) dst(%dma_wait3A_956 : memref<80x64xf32, #tpu.memory_space<vmem>>)
      %ge3A_963 = arith.constant 2 : i32
      %ge3A_964 = arith.cmpi sge, %add3A_819, %ge3A_963 : i32
      %convert_element_type3A_965 = arith.extui %ge3A_964 : i1 to i32
      %cond3A_966 = arith.constant 0 : i32
      %cond3A_967 = arith.cmpi ne, %convert_element_type3A_965, %cond3A_966 : i32
      scf.if %cond3A_967 {
        %sub3A = arith.constant 2 : i32
        %sub3A_1269 = arith.subi %add3A_819, %sub3A : i32
        %mul3A_1270 = arith.constant 4 : i32
        %mul3A_1271 = arith.muli %sub3A_1269, %mul3A_1270 : i32
        %add3A_1272 = arith.addi %mul3A_2, %mul3A_1271 : i32
        %dma_wait3A_1273 = arith.constant 1 : i32
        %dma_wait3A_1274 = arith.constant 0 : i32
        %dma_wait3A_1275 = arith.constant 0 : i32
        %dma_wait3A_1276 = tpu.memref_slice %arg10[%dma_wait3A_1273, %dma_wait3A_1274, %dma_wait3A_1275] : memref<2x4x64xf32, #tpu.memory_space<vmem>> -> memref<1x4x64xf32, #tpu.memory_space<vmem>>
        %dma_wait3A_1277 = tpu.memref_squeeze %dma_wait3A_1276 : memref<1x4x64xf32, #tpu.memory_space<vmem>> -> memref<4x64xf32, #tpu.memory_space<vmem>>
        %dma_wait3A_1278 = arith.constant 0 : i32
        %dma_wait3A_1279 = tpu.memref_slice %arg5[%add3A_1272, %dma_wait3A_1278] : memref<16384x64xf32, #tpu.memory_space<hbm>> -> memref<4x64xf32, #tpu.memory_space<hbm>>
        %dma_wait3A_1280 = arith.constant 0 : i32
        %dma_wait3A_1281 = tpu.memref_slice %arg5[%add3A_1272, %dma_wait3A_1280] : memref<16384x64xf32, #tpu.memory_space<hbm>> -> memref<4x64xf32, #tpu.memory_space<hbm>>
        %dma_wait3A_1282 = arith.constant 0 : i32
        %dma_wait3A_1283 = arith.constant 0 : i32
        %dma_wait3A_1284 = tpu.memref_slice %arg10[%dma_wait3A_1273, %dma_wait3A_1282, %dma_wait3A_1283] : memref<2x4x64xf32, #tpu.memory_space<vmem>> -> memref<1x4x64xf32, #tpu.memory_space<vmem>>
        %dma_wait3A_1285 = tpu.memref_squeeze %dma_wait3A_1284 : memref<1x4x64xf32, #tpu.memory_space<vmem>> -> memref<4x64xf32, #tpu.memory_space<vmem>>
        tpu.wait_dma2 semaphore(%arg15 : memref<!tpu.dma_semaphore, #tpu.memory_space<semaphore_mem>>) src(%dma_wait3A_1285 : memref<4x64xf32, #tpu.memory_space<vmem>>) dst(%dma_wait3A_1281 : memref<4x64xf32, #tpu.memory_space<hbm>>)
        %dma_wait3A_1286 = arith.constant 1 : i32
        %dma_wait3A_1287 = arith.constant 0 : i32
        %dma_wait3A_1288 = arith.constant 0 : i32
        %dma_wait3A_1289 = tpu.memref_slice %arg11[%dma_wait3A_1286, %dma_wait3A_1287, %dma_wait3A_1288] : memref<2x4x64xf32, #tpu.memory_space<vmem>> -> memref<1x4x64xf32, #tpu.memory_space<vmem>>
        %dma_wait3A_1290 = tpu.memref_squeeze %dma_wait3A_1289 : memref<1x4x64xf32, #tpu.memory_space<vmem>> -> memref<4x64xf32, #tpu.memory_space<vmem>>
        %dma_wait3A_1291 = arith.constant 0 : i32
        %dma_wait3A_1292 = tpu.memref_slice %arg6[%add3A_1272, %dma_wait3A_1291] : memref<16384x64xf32, #tpu.memory_space<hbm>> -> memref<4x64xf32, #tpu.memory_space<hbm>>
        %dma_wait3A_1293 = arith.constant 0 : i32
        %dma_wait3A_1294 = tpu.memref_slice %arg6[%add3A_1272, %dma_wait3A_1293] : memref<16384x64xf32, #tpu.memory_space<hbm>> -> memref<4x64xf32, #tpu.memory_space<hbm>>
        %dma_wait3A_1295 = arith.constant 0 : i32
        %dma_wait3A_1296 = arith.constant 0 : i32
        %dma_wait3A_1297 = tpu.memref_slice %arg11[%dma_wait3A_1286, %dma_wait3A_1295, %dma_wait3A_1296] : memref<2x4x64xf32, #tpu.memory_space<vmem>> -> memref<1x4x64xf32, #tpu.memory_space<vmem>>
        %dma_wait3A_1298 = tpu.memref_squeeze %dma_wait3A_1297 : memref<1x4x64xf32, #tpu.memory_space<vmem>> -> memref<4x64xf32, #tpu.memory_space<vmem>>
        tpu.wait_dma2 semaphore(%arg15 : memref<!tpu.dma_semaphore, #tpu.memory_space<semaphore_mem>>) src(%dma_wait3A_1298 : memref<4x64xf32, #tpu.memory_space<vmem>>) dst(%dma_wait3A_1294 : memref<4x64xf32, #tpu.memory_space<hbm>>)
      } else {
      }
      %broadcast_in_dim3A_968 = arith.constant 0.000000e+00 : f32
      %broadcast_in_dim3A_969 = vector.broadcast %broadcast_in_dim3A_968 : f32 to vector<16xf32>
      %broadcast_in_dim3A_970 = arith.constant 0.000000e+00 : f32
      %broadcast_in_dim3A_971 = vector.broadcast %broadcast_in_dim3A_970 : f32 to vector<16xf32>
      %broadcast_in_dim3A_972 = arith.constant 0.000000e+00 : f32
      %broadcast_in_dim3A_973 = vector.broadcast %broadcast_in_dim3A_972 : f32 to vector<16xf32>
      %broadcast_in_dim3A_974 = arith.constant 0.000000e+00 : f32
      %broadcast_in_dim3A_975 = vector.broadcast %broadcast_in_dim3A_974 : f32 to vector<16xf32>
      %scan3A_976 = arith.constant 0 : i32
      %scan3A_977 = arith.constant 200 : i32
      %scan3A_978 = arith.addi %scan3A_976, %scan3A_977 : i32
      %scan3A_979 = arith.constant 4 : i32
      %scan3A_980:4 = scf.for %scan3A_1269 = %scan3A_976 to %scan3A_978 step %scan3A_979 iter_args(%scan3A_1270 = %broadcast_in_dim3A_969, %scan3A_1271 = %broadcast_in_dim3A_971, %scan3A_1272 = %broadcast_in_dim3A_973, %scan3A_1273 = %broadcast_in_dim3A_975) -> (vector<16xf32>, vector<16xf32>, vector<16xf32>, vector<16xf32>)  : i32 {
        %get3A = arith.constant 1 : i32
        %get3A_1274 = arith.index_cast %get3A : i32 to index
        %get3A_1275 = arith.index_cast %scan3A_1269 : i32 to index
        %get3A_1276 = arith.constant 0 : index
        %get3A_1277 = tpu.vector_load %arg9[%get3A_1274, %get3A_1275, %get3A_1276] {strides = array<i32>} : memref<2x880x64xf32, #tpu.memory_space<vmem>>, vector<16xf32>,
        %add3A_1278 = arith.addf %scan3A_1270, %get3A_1277 : vector<16xf32>
        %get3A_1279 = arith.constant 1 : i32
        %get3A_1280 = arith.index_cast %get3A_1279 : i32 to index
        %get3A_1281 = arith.index_cast %scan3A_1269 : i32 to index
        %get3A_1282 = arith.constant 16 : index
        %get3A_1283 = tpu.vector_load %arg9[%get3A_1280, %get3A_1281, %get3A_1282] {strides = array<i32>} : memref<2x880x64xf32, #tpu.memory_space<vmem>>, vector<16xf32>,
        %add3A_1284 = arith.addf %scan3A_1271, %get3A_1283 : vector<16xf32>
        %get3A_1285 = arith.constant 1 : i32
        %get3A_1286 = arith.index_cast %get3A_1285 : i32 to index
        %get3A_1287 = arith.index_cast %scan3A_1269 : i32 to index
        %get3A_1288 = arith.constant 32 : index
        %get3A_1289 = tpu.vector_load %arg9[%get3A_1286, %get3A_1287, %get3A_1288] {strides = array<i32>} : memref<2x880x64xf32, #tpu.memory_space<vmem>>, vector<16xf32>,
        %add3A_1290 = arith.addf %scan3A_1272, %get3A_1289 : vector<16xf32>
        %get3A_1291 = arith.constant 1 : i32
        %get3A_1292 = arith.index_cast %get3A_1291 : i32 to index
        %get3A_1293 = arith.index_cast %scan3A_1269 : i32 to index
        %get3A_1294 = arith.constant 48 : index
        %get3A_1295 = tpu.vector_load %arg9[%get3A_1292, %get3A_1293, %get3A_1294] {strides = array<i32>} : memref<2x880x64xf32, #tpu.memory_space<vmem>>, vector<16xf32>,
        %add3A_1296 = arith.addf %scan3A_1273, %get3A_1295 : vector<16xf32>
        %scan3A_1297 = arith.constant 1 : i32
        %scan3A_1298 = arith.addi %scan3A_1269, %scan3A_1297 : i32
        %get3A_1299 = arith.constant 1 : i32
        %get3A_1300 = arith.index_cast %get3A_1299 : i32 to index
        %get3A_1301 = arith.index_cast %scan3A_1298 : i32 to index
        %get3A_1302 = arith.constant 0 : index
        %get3A_1303 = tpu.vector_load %arg9[%get3A_1300, %get3A_1301, %get3A_1302] {strides = array<i32>} : memref<2x880x64xf32, #tpu.memory_space<vmem>>, vector<16xf32>,
        %add3A_1304 = arith.addf %add3A_1278, %get3A_1303 : vector<16xf32>
        %get3A_1305 = arith.constant 1 : i32
        %get3A_1306 = arith.index_cast %get3A_1305 : i32 to index
        %get3A_1307 = arith.index_cast %scan3A_1298 : i32 to index
        %get3A_1308 = arith.constant 16 : index
        %get3A_1309 = tpu.vector_load %arg9[%get3A_1306, %get3A_1307, %get3A_1308] {strides = array<i32>} : memref<2x880x64xf32, #tpu.memory_space<vmem>>, vector<16xf32>,
        %add3A_1310 = arith.addf %add3A_1284, %get3A_1309 : vector<16xf32>
        %get3A_1311 = arith.constant 1 : i32
        %get3A_1312 = arith.index_cast %get3A_1311 : i32 to index
        %get3A_1313 = arith.index_cast %scan3A_1298 : i32 to index
        %get3A_1314 = arith.constant 32 : index
        %get3A_1315 = tpu.vector_load %arg9[%get3A_1312, %get3A_1313, %get3A_1314] {strides = array<i32>} : memref<2x880x64xf32, #tpu.memory_space<vmem>>, vector<16xf32>,
        %add3A_1316 = arith.addf %add3A_1290, %get3A_1315 : vector<16xf32>
        %get3A_1317 = arith.constant 1 : i32
        %get3A_1318 = arith.index_cast %get3A_1317 : i32 to index
        %get3A_1319 = arith.index_cast %scan3A_1298 : i32 to index
        %get3A_1320 = arith.constant 48 : index
        %get3A_1321 = tpu.vector_load %arg9[%get3A_1318, %get3A_1319, %get3A_1320] {strides = array<i32>} : memref<2x880x64xf32, #tpu.memory_space<vmem>>, vector<16xf32>,
        %add3A_1322 = arith.addf %add3A_1296, %get3A_1321 : vector<16xf32>
        %scan3A_1323 = arith.constant 2 : i32
        %scan3A_1324 = arith.addi %scan3A_1269, %scan3A_1323 : i32
        %get3A_1325 = arith.constant 1 : i32
        %get3A_1326 = arith.index_cast %get3A_1325 : i32 to index
        %get3A_1327 = arith.index_cast %scan3A_1324 : i32 to index
        %get3A_1328 = arith.constant 0 : index
        %get3A_1329 = tpu.vector_load %arg9[%get3A_1326, %get3A_1327, %get3A_1328] {strides = array<i32>} : memref<2x880x64xf32, #tpu.memory_space<vmem>>, vector<16xf32>,
        %add3A_1330 = arith.addf %add3A_1304, %get3A_1329 : vector<16xf32>
        %get3A_1331 = arith.constant 1 : i32
        %get3A_1332 = arith.index_cast %get3A_1331 : i32 to index
        %get3A_1333 = arith.index_cast %scan3A_1324 : i32 to index
        %get3A_1334 = arith.constant 16 : index
        %get3A_1335 = tpu.vector_load %arg9[%get3A_1332, %get3A_1333, %get3A_1334] {strides = array<i32>} : memref<2x880x64xf32, #tpu.memory_space<vmem>>, vector<16xf32>,
        %add3A_1336 = arith.addf %add3A_1310, %get3A_1335 : vector<16xf32>
        %get3A_1337 = arith.constant 1 : i32
        %get3A_1338 = arith.index_cast %get3A_1337 : i32 to index
        %get3A_1339 = arith.index_cast %scan3A_1324 : i32 to index
        %get3A_1340 = arith.constant 32 : index
        %get3A_1341 = tpu.vector_load %arg9[%get3A_1338, %get3A_1339, %get3A_1340] {strides = array<i32>} : memref<2x880x64xf32, #tpu.memory_space<vmem>>, vector<16xf32>,
        %add3A_1342 = arith.addf %add3A_1316, %get3A_1341 : vector<16xf32>
        %get3A_1343 = arith.constant 1 : i32
        %get3A_1344 = arith.index_cast %get3A_1343 : i32 to index
        %get3A_1345 = arith.index_cast %scan3A_1324 : i32 to index
        %get3A_1346 = arith.constant 48 : index
        %get3A_1347 = tpu.vector_load %arg9[%get3A_1344, %get3A_1345, %get3A_1346] {strides = array<i32>} : memref<2x880x64xf32, #tpu.memory_space<vmem>>, vector<16xf32>,
        %add3A_1348 = arith.addf %add3A_1322, %get3A_1347 : vector<16xf32>
        %scan3A_1349 = arith.constant 3 : i32
        %scan3A_1350 = arith.addi %scan3A_1269, %scan3A_1349 : i32
        %get3A_1351 = arith.constant 1 : i32
        %get3A_1352 = arith.index_cast %get3A_1351 : i32 to index
        %get3A_1353 = arith.index_cast %scan3A_1350 : i32 to index
        %get3A_1354 = arith.constant 0 : index
        %get3A_1355 = tpu.vector_load %arg9[%get3A_1352, %get3A_1353, %get3A_1354] {strides = array<i32>} : memref<2x880x64xf32, #tpu.memory_space<vmem>>, vector<16xf32>,
        %add3A_1356 = arith.addf %add3A_1330, %get3A_1355 : vector<16xf32>
        %get3A_1357 = arith.constant 1 : i32
        %get3A_1358 = arith.index_cast %get3A_1357 : i32 to index
        %get3A_1359 = arith.index_cast %scan3A_1350 : i32 to index
        %get3A_1360 = arith.constant 16 : index
        %get3A_1361 = tpu.vector_load %arg9[%get3A_1358, %get3A_1359, %get3A_1360] {strides = array<i32>} : memref<2x880x64xf32, #tpu.memory_space<vmem>>, vector<16xf32>,
        %add3A_1362 = arith.addf %add3A_1336, %get3A_1361 : vector<16xf32>
        %get3A_1363 = arith.constant 1 : i32
        %get3A_1364 = arith.index_cast %get3A_1363 : i32 to index
        %get3A_1365 = arith.index_cast %scan3A_1350 : i32 to index
        %get3A_1366 = arith.constant 32 : index
        %get3A_1367 = tpu.vector_load %arg9[%get3A_1364, %get3A_1365, %get3A_1366] {strides = array<i32>} : memref<2x880x64xf32, #tpu.memory_space<vmem>>, vector<16xf32>,
        %add3A_1368 = arith.addf %add3A_1342, %get3A_1367 : vector<16xf32>
        %get3A_1369 = arith.constant 1 : i32
        %get3A_1370 = arith.index_cast %get3A_1369 : i32 to index
        %get3A_1371 = arith.index_cast %scan3A_1350 : i32 to index
        %get3A_1372 = arith.constant 48 : index
        %get3A_1373 = tpu.vector_load %arg9[%get3A_1370, %get3A_1371, %get3A_1372] {strides = array<i32>} : memref<2x880x64xf32, #tpu.memory_space<vmem>>, vector<16xf32>,
        %add3A_1374 = arith.addf %add3A_1348, %get3A_1373 : vector<16xf32>
        scf.yield %add3A_1356, %add3A_1362, %add3A_1368, %add3A_1374 : vector<16xf32>, vector<16xf32>, vector<16xf32>, vector<16xf32>
      }
      %scan3A_981 = arith.constant 200 : i32
      %scan3A_982 = arith.constant 800 : i32
      %scan3A_983 = arith.constant 20 : i32
      %scan3A_984 = arith.addi %scan3A_982, %scan3A_983 : i32
      %scan3A_985 = arith.constant 4 : i32
      %scan3A_986:4 = scf.for %scan3A_1269 = %scan3A_982 to %scan3A_984 step %scan3A_985 iter_args(%scan3A_1270 = %broadcast_in_dim3A_969, %scan3A_1271 = %broadcast_in_dim3A_971, %scan3A_1272 = %broadcast_in_dim3A_973, %scan3A_1273 = %broadcast_in_dim3A_975) -> (vector<16xf32>, vector<16xf32>, vector<16xf32>, vector<16xf32>)  : i32 {
        %get3A = arith.constant 1 : i32
        %get3A_1274 = arith.index_cast %get3A : i32 to index
        %get3A_1275 = arith.index_cast %scan3A_1269 : i32 to index
        %get3A_1276 = arith.constant 0 : index
        %get3A_1277 = tpu.vector_load %arg9[%get3A_1274, %get3A_1275, %get3A_1276] {strides = array<i32>} : memref<2x880x64xf32, #tpu.memory_space<vmem>>, vector<16xf32>,
        %add3A_1278 = arith.addf %scan3A_1270, %get3A_1277 : vector<16xf32>
        %get3A_1279 = arith.constant 1 : i32
        %get3A_1280 = arith.index_cast %get3A_1279 : i32 to index
        %get3A_1281 = arith.index_cast %scan3A_1269 : i32 to index
        %get3A_1282 = arith.constant 16 : index
        %get3A_1283 = tpu.vector_load %arg9[%get3A_1280, %get3A_1281, %get3A_1282] {strides = array<i32>} : memref<2x880x64xf32, #tpu.memory_space<vmem>>, vector<16xf32>,
        %add3A_1284 = arith.addf %scan3A_1271, %get3A_1283 : vector<16xf32>
        %get3A_1285 = arith.constant 1 : i32
        %get3A_1286 = arith.index_cast %get3A_1285 : i32 to index
        %get3A_1287 = arith.index_cast %scan3A_1269 : i32 to index
        %get3A_1288 = arith.constant 32 : index
        %get3A_1289 = tpu.vector_load %arg9[%get3A_1286, %get3A_1287, %get3A_1288] {strides = array<i32>} : memref<2x880x64xf32, #tpu.memory_space<vmem>>, vector<16xf32>,
        %add3A_1290 = arith.addf %scan3A_1272, %get3A_1289 : vector<16xf32>
        %get3A_1291 = arith.constant 1 : i32
        %get3A_1292 = arith.index_cast %get3A_1291 : i32 to index
        %get3A_1293 = arith.index_cast %scan3A_1269 : i32 to index
        %get3A_1294 = arith.constant 48 : index
        %get3A_1295 = tpu.vector_load %arg9[%get3A_1292, %get3A_1293, %get3A_1294] {strides = array<i32>} : memref<2x880x64xf32, #tpu.memory_space<vmem>>, vector<16xf32>,
        %add3A_1296 = arith.addf %scan3A_1273, %get3A_1295 : vector<16xf32>
        %scan3A_1297 = arith.constant 1 : i32
        %scan3A_1298 = arith.addi %scan3A_1269, %scan3A_1297 : i32
        %get3A_1299 = arith.constant 1 : i32
        %get3A_1300 = arith.index_cast %get3A_1299 : i32 to index
        %get3A_1301 = arith.index_cast %scan3A_1298 : i32 to index
        %get3A_1302 = arith.constant 0 : index
        %get3A_1303 = tpu.vector_load %arg9[%get3A_1300, %get3A_1301, %get3A_1302] {strides = array<i32>} : memref<2x880x64xf32, #tpu.memory_space<vmem>>, vector<16xf32>,
        %add3A_1304 = arith.addf %add3A_1278, %get3A_1303 : vector<16xf32>
        %get3A_1305 = arith.constant 1 : i32
        %get3A_1306 = arith.index_cast %get3A_1305 : i32 to index
        %get3A_1307 = arith.index_cast %scan3A_1298 : i32 to index
        %get3A_1308 = arith.constant 16 : index
        %get3A_1309 = tpu.vector_load %arg9[%get3A_1306, %get3A_1307, %get3A_1308] {strides = array<i32>} : memref<2x880x64xf32, #tpu.memory_space<vmem>>, vector<16xf32>,
        %add3A_1310 = arith.addf %add3A_1284, %get3A_1309 : vector<16xf32>
        %get3A_1311 = arith.constant 1 : i32
        %get3A_1312 = arith.index_cast %get3A_1311 : i32 to index
        %get3A_1313 = arith.index_cast %scan3A_1298 : i32 to index
        %get3A_1314 = arith.constant 32 : index
        %get3A_1315 = tpu.vector_load %arg9[%get3A_1312, %get3A_1313, %get3A_1314] {strides = array<i32>} : memref<2x880x64xf32, #tpu.memory_space<vmem>>, vector<16xf32>,
        %add3A_1316 = arith.addf %add3A_1290, %get3A_1315 : vector<16xf32>
        %get3A_1317 = arith.constant 1 : i32
        %get3A_1318 = arith.index_cast %get3A_1317 : i32 to index
        %get3A_1319 = arith.index_cast %scan3A_1298 : i32 to index
        %get3A_1320 = arith.constant 48 : index
        %get3A_1321 = tpu.vector_load %arg9[%get3A_1318, %get3A_1319, %get3A_1320] {strides = array<i32>} : memref<2x880x64xf32, #tpu.memory_space<vmem>>, vector<16xf32>,
        %add3A_1322 = arith.addf %add3A_1296, %get3A_1321 : vector<16xf32>
        %scan3A_1323 = arith.constant 2 : i32
        %scan3A_1324 = arith.addi %scan3A_1269, %scan3A_1323 : i32
        %get3A_1325 = arith.constant 1 : i32
        %get3A_1326 = arith.index_cast %get3A_1325 : i32 to index
        %get3A_1327 = arith.index_cast %scan3A_1324 : i32 to index
        %get3A_1328 = arith.constant 0 : index
        %get3A_1329 = tpu.vector_load %arg9[%get3A_1326, %get3A_1327, %get3A_1328] {strides = array<i32>} : memref<2x880x64xf32, #tpu.memory_space<vmem>>, vector<16xf32>,
        %add3A_1330 = arith.addf %add3A_1304, %get3A_1329 : vector<16xf32>
        %get3A_1331 = arith.constant 1 : i32
        %get3A_1332 = arith.index_cast %get3A_1331 : i32 to index
        %get3A_1333 = arith.index_cast %scan3A_1324 : i32 to index
        %get3A_1334 = arith.constant 16 : index
        %get3A_1335 = tpu.vector_load %arg9[%get3A_1332, %get3A_1333, %get3A_1334] {strides = array<i32>} : memref<2x880x64xf32, #tpu.memory_space<vmem>>, vector<16xf32>,
        %add3A_1336 = arith.addf %add3A_1310, %get3A_1335 : vector<16xf32>
        %get3A_1337 = arith.constant 1 : i32
        %get3A_1338 = arith.index_cast %get3A_1337 : i32 to index
        %get3A_1339 = arith.index_cast %scan3A_1324 : i32 to index
        %get3A_1340 = arith.constant 32 : index
        %get3A_1341 = tpu.vector_load %arg9[%get3A_1338, %get3A_1339, %get3A_1340] {strides = array<i32>} : memref<2x880x64xf32, #tpu.memory_space<vmem>>, vector<16xf32>,
        %add3A_1342 = arith.addf %add3A_1316, %get3A_1341 : vector<16xf32>
        %get3A_1343 = arith.constant 1 : i32
        %get3A_1344 = arith.index_cast %get3A_1343 : i32 to index
        %get3A_1345 = arith.index_cast %scan3A_1324 : i32 to index
        %get3A_1346 = arith.constant 48 : index
        %get3A_1347 = tpu.vector_load %arg9[%get3A_1344, %get3A_1345, %get3A_1346] {strides = array<i32>} : memref<2x880x64xf32, #tpu.memory_space<vmem>>, vector<16xf32>,
        %add3A_1348 = arith.addf %add3A_1322, %get3A_1347 : vector<16xf32>
        %scan3A_1349 = arith.constant 3 : i32
        %scan3A_1350 = arith.addi %scan3A_1269, %scan3A_1349 : i32
        %get3A_1351 = arith.constant 1 : i32
        %get3A_1352 = arith.index_cast %get3A_1351 : i32 to index
        %get3A_1353 = arith.index_cast %scan3A_1350 : i32 to index
        %get3A_1354 = arith.constant 0 : index
        %get3A_1355 = tpu.vector_load %arg9[%get3A_1352, %get3A_1353, %get3A_1354] {strides = array<i32>} : memref<2x880x64xf32, #tpu.memory_space<vmem>>, vector<16xf32>,
        %add3A_1356 = arith.addf %add3A_1330, %get3A_1355 : vector<16xf32>
        %get3A_1357 = arith.constant 1 : i32
        %get3A_1358 = arith.index_cast %get3A_1357 : i32 to index
        %get3A_1359 = arith.index_cast %scan3A_1350 : i32 to index
        %get3A_1360 = arith.constant 16 : index
        %get3A_1361 = tpu.vector_load %arg9[%get3A_1358, %get3A_1359, %get3A_1360] {strides = array<i32>} : memref<2x880x64xf32, #tpu.memory_space<vmem>>, vector<16xf32>,
        %add3A_1362 = arith.addf %add3A_1336, %get3A_1361 : vector<16xf32>
        %get3A_1363 = arith.constant 1 : i32
        %get3A_1364 = arith.index_cast %get3A_1363 : i32 to index
        %get3A_1365 = arith.index_cast %scan3A_1350 : i32 to index
        %get3A_1366 = arith.constant 32 : index
        %get3A_1367 = tpu.vector_load %arg9[%get3A_1364, %get3A_1365, %get3A_1366] {strides = array<i32>} : memref<2x880x64xf32, #tpu.memory_space<vmem>>, vector<16xf32>,
        %add3A_1368 = arith.addf %add3A_1342, %get3A_1367 : vector<16xf32>
        %get3A_1369 = arith.constant 1 : i32
        %get3A_1370 = arith.index_cast %get3A_1369 : i32 to index
        %get3A_1371 = arith.index_cast %scan3A_1350 : i32 to index
        %get3A_1372 = arith.constant 48 : index
        %get3A_1373 = tpu.vector_load %arg9[%get3A_1370, %get3A_1371, %get3A_1372] {strides = array<i32>} : memref<2x880x64xf32, #tpu.memory_space<vmem>>, vector<16xf32>,
        %add3A_1374 = arith.addf %add3A_1348, %get3A_1373 : vector<16xf32>
        scf.yield %add3A_1356, %add3A_1362, %add3A_1368, %add3A_1374 : vector<16xf32>, vector<16xf32>, vector<16xf32>, vector<16xf32>
      }
      %scan3A_987 = arith.constant 20 : i32
      %swap3A_988 = arith.constant 1 : i32
      %swap3A_989 = arith.constant 0 : i32
      %swap3A_990 = arith.index_cast %swap3A_988 : i32 to index
      %swap3A_991 = arith.index_cast %swap3A_989 : i32 to index
      %swap3A_992 = arith.constant 0 : index
      %swap3A_993 = tpu.vector_load %arg10[%swap3A_990, %swap3A_991, %swap3A_992] {strides = array<i32>} : memref<2x4x64xf32, #tpu.memory_space<vmem>>, vector<16xf32>,
      tpu.vector_store %arg10[%swap3A_990, %swap3A_991, %swap3A_992], %scan3A_980#0 {strides = array<i32>} : memref<2x4x64xf32, #tpu.memory_space<vmem>>, vector<16xf32>,
      %swap3A_994 = arith.constant 1 : i32
      %swap3A_995 = arith.constant 0 : i32
      %swap3A_996 = arith.index_cast %swap3A_994 : i32 to index
      %swap3A_997 = arith.index_cast %swap3A_995 : i32 to index
      %swap3A_998 = arith.constant 0 : index
      %swap3A_999 = tpu.vector_load %arg11[%swap3A_996, %swap3A_997, %swap3A_998] {strides = array<i32>} : memref<2x4x64xf32, #tpu.memory_space<vmem>>, vector<16xf32>,
      tpu.vector_store %arg11[%swap3A_996, %swap3A_997, %swap3A_998], %scan3A_986#0 {strides = array<i32>} : memref<2x4x64xf32, #tpu.memory_space<vmem>>, vector<16xf32>,
      %swap3A_1000 = arith.constant 1 : i32
      %swap3A_1001 = arith.constant 0 : i32
      %swap3A_1002 = arith.index_cast %swap3A_1000 : i32 to index
      %swap3A_1003 = arith.index_cast %swap3A_1001 : i32 to index
      %swap3A_1004 = arith.constant 16 : index
      %swap3A_1005 = tpu.vector_load %arg10[%swap3A_1002, %swap3A_1003, %swap3A_1004] {strides = array<i32>} : memref<2x4x64xf32, #tpu.memory_space<vmem>>, vector<16xf32>,
      tpu.vector_store %arg10[%swap3A_1002, %swap3A_1003, %swap3A_1004], %scan3A_980#1 {strides = array<i32>} : memref<2x4x64xf32, #tpu.memory_space<vmem>>, vector<16xf32>,
      %swap3A_1006 = arith.constant 1 : i32
      %swap3A_1007 = arith.constant 0 : i32
      %swap3A_1008 = arith.index_cast %swap3A_1006 : i32 to index
      %swap3A_1009 = arith.index_cast %swap3A_1007 : i32 to index
      %swap3A_1010 = arith.constant 16 : index
      %swap3A_1011 = tpu.vector_load %arg11[%swap3A_1008, %swap3A_1009, %swap3A_1010] {strides = array<i32>} : memref<2x4x64xf32, #tpu.memory_space<vmem>>, vector<16xf32>,
      tpu.vector_store %arg11[%swap3A_1008, %swap3A_1009, %swap3A_1010], %scan3A_986#1 {strides = array<i32>} : memref<2x4x64xf32, #tpu.memory_space<vmem>>, vector<16xf32>,
      %swap3A_1012 = arith.constant 1 : i32
      %swap3A_1013 = arith.constant 0 : i32
      %swap3A_1014 = arith.index_cast %swap3A_1012 : i32 to index
      %swap3A_1015 = arith.index_cast %swap3A_1013 : i32 to index
      %swap3A_1016 = arith.constant 32 : index
      %swap3A_1017 = tpu.vector_load %arg10[%swap3A_1014, %swap3A_1015, %swap3A_1016] {strides = array<i32>} : memref<2x4x64xf32, #tpu.memory_space<vmem>>, vector<16xf32>,
      tpu.vector_store %arg10[%swap3A_1014, %swap3A_1015, %swap3A_1016], %scan3A_980#2 {strides = array<i32>} : memref<2x4x64xf32, #tpu.memory_space<vmem>>, vector<16xf32>,
      %swap3A_1018 = arith.constant 1 : i32
      %swap3A_1019 = arith.constant 0 : i32
      %swap3A_1020 = arith.index_cast %swap3A_1018 : i32 to index
      %swap3A_1021 = arith.index_cast %swap3A_1019 : i32 to index
      %swap3A_1022 = arith.constant 32 : index
      %swap3A_1023 = tpu.vector_load %arg11[%swap3A_1020, %swap3A_1021, %swap3A_1022] {strides = array<i32>} : memref<2x4x64xf32, #tpu.memory_space<vmem>>, vector<16xf32>,
      tpu.vector_store %arg11[%swap3A_1020, %swap3A_1021, %swap3A_1022], %scan3A_986#2 {strides = array<i32>} : memref<2x4x64xf32, #tpu.memory_space<vmem>>, vector<16xf32>,
      %swap3A_1024 = arith.constant 1 : i32
      %swap3A_1025 = arith.constant 0 : i32
      %swap3A_1026 = arith.index_cast %swap3A_1024 : i32 to index
      %swap3A_1027 = arith.index_cast %swap3A_1025 : i32 to index
      %swap3A_1028 = arith.constant 48 : index
      %swap3A_1029 = tpu.vector_load %arg10[%swap3A_1026, %swap3A_1027, %swap3A_1028] {strides = array<i32>} : memref<2x4x64xf32, #tpu.memory_space<vmem>>, vector<16xf32>,
      tpu.vector_store %arg10[%swap3A_1026, %swap3A_1027, %swap3A_1028], %scan3A_980#3 {strides = array<i32>} : memref<2x4x64xf32, #tpu.memory_space<vmem>>, vector<16xf32>,
      %swap3A_1030 = arith.constant 1 : i32
      %swap3A_1031 = arith.constant 0 : i32
      %swap3A_1032 = arith.index_cast %swap3A_1030 : i32 to index
      %swap3A_1033 = arith.index_cast %swap3A_1031 : i32 to index
      %swap3A_1034 = arith.constant 48 : index
      %swap3A_1035 = tpu.vector_load %arg11[%swap3A_1032, %swap3A_1033, %swap3A_1034] {strides = array<i32>} : memref<2x4x64xf32, #tpu.memory_space<vmem>>, vector<16xf32>,
      tpu.vector_store %arg11[%swap3A_1032, %swap3A_1033, %swap3A_1034], %scan3A_986#3 {strides = array<i32>} : memref<2x4x64xf32, #tpu.memory_space<vmem>>, vector<16xf32>,
      %broadcast_in_dim3A_1036 = arith.constant 0.000000e+00 : f32
      %broadcast_in_dim3A_1037 = vector.broadcast %broadcast_in_dim3A_1036 : f32 to vector<16xf32>
      %broadcast_in_dim3A_1038 = arith.constant 0.000000e+00 : f32
      %broadcast_in_dim3A_1039 = vector.broadcast %broadcast_in_dim3A_1038 : f32 to vector<16xf32>
      %broadcast_in_dim3A_1040 = arith.constant 0.000000e+00 : f32
      %broadcast_in_dim3A_1041 = vector.broadcast %broadcast_in_dim3A_1040 : f32 to vector<16xf32>
      %broadcast_in_dim3A_1042 = arith.constant 0.000000e+00 : f32
      %broadcast_in_dim3A_1043 = vector.broadcast %broadcast_in_dim3A_1042 : f32 to vector<16xf32>
      %scan3A_1044 = arith.constant 200 : i32
      %scan3A_1045 = arith.constant 200 : i32
      %scan3A_1046 = arith.addi %scan3A_1044, %scan3A_1045 : i32
      %scan3A_1047 = arith.constant 4 : i32
      %scan3A_1048:4 = scf.for %scan3A_1269 = %scan3A_1044 to %scan3A_1046 step %scan3A_1047 iter_args(%scan3A_1270 = %broadcast_in_dim3A_1037, %scan3A_1271 = %broadcast_in_dim3A_1039, %scan3A_1272 = %broadcast_in_dim3A_1041, %scan3A_1273 = %broadcast_in_dim3A_1043) -> (vector<16xf32>, vector<16xf32>, vector<16xf32>, vector<16xf32>)  : i32 {
        %get3A = arith.constant 1 : i32
        %get3A_1274 = arith.index_cast %get3A : i32 to index
        %get3A_1275 = arith.index_cast %scan3A_1269 : i32 to index
        %get3A_1276 = arith.constant 0 : index
        %get3A_1277 = tpu.vector_load %arg9[%get3A_1274, %get3A_1275, %get3A_1276] {strides = array<i32>} : memref<2x880x64xf32, #tpu.memory_space<vmem>>, vector<16xf32>,
        %add3A_1278 = arith.addf %scan3A_1270, %get3A_1277 : vector<16xf32>
        %get3A_1279 = arith.constant 1 : i32
        %get3A_1280 = arith.index_cast %get3A_1279 : i32 to index
        %get3A_1281 = arith.index_cast %scan3A_1269 : i32 to index
        %get3A_1282 = arith.constant 16 : index
        %get3A_1283 = tpu.vector_load %arg9[%get3A_1280, %get3A_1281, %get3A_1282] {strides = array<i32>} : memref<2x880x64xf32, #tpu.memory_space<vmem>>, vector<16xf32>,
        %add3A_1284 = arith.addf %scan3A_1271, %get3A_1283 : vector<16xf32>
        %get3A_1285 = arith.constant 1 : i32
        %get3A_1286 = arith.index_cast %get3A_1285 : i32 to index
        %get3A_1287 = arith.index_cast %scan3A_1269 : i32 to index
        %get3A_1288 = arith.constant 32 : index
        %get3A_1289 = tpu.vector_load %arg9[%get3A_1286, %get3A_1287, %get3A_1288] {strides = array<i32>} : memref<2x880x64xf32, #tpu.memory_space<vmem>>, vector<16xf32>,
        %add3A_1290 = arith.addf %scan3A_1272, %get3A_1289 : vector<16xf32>
        %get3A_1291 = arith.constant 1 : i32
        %get3A_1292 = arith.index_cast %get3A_1291 : i32 to index
        %get3A_1293 = arith.index_cast %scan3A_1269 : i32 to index
        %get3A_1294 = arith.constant 48 : index
        %get3A_1295 = tpu.vector_load %arg9[%get3A_1292, %get3A_1293, %get3A_1294] {strides = array<i32>} : memref<2x880x64xf32, #tpu.memory_space<vmem>>, vector<16xf32>,
        %add3A_1296 = arith.addf %scan3A_1273, %get3A_1295 : vector<16xf32>
        %scan3A_1297 = arith.constant 1 : i32
        %scan3A_1298 = arith.addi %scan3A_1269, %scan3A_1297 : i32
        %get3A_1299 = arith.constant 1 : i32
        %get3A_1300 = arith.index_cast %get3A_1299 : i32 to index
        %get3A_1301 = arith.index_cast %scan3A_1298 : i32 to index
        %get3A_1302 = arith.constant 0 : index
        %get3A_1303 = tpu.vector_load %arg9[%get3A_1300, %get3A_1301, %get3A_1302] {strides = array<i32>} : memref<2x880x64xf32, #tpu.memory_space<vmem>>, vector<16xf32>,
        %add3A_1304 = arith.addf %add3A_1278, %get3A_1303 : vector<16xf32>
        %get3A_1305 = arith.constant 1 : i32
        %get3A_1306 = arith.index_cast %get3A_1305 : i32 to index
        %get3A_1307 = arith.index_cast %scan3A_1298 : i32 to index
        %get3A_1308 = arith.constant 16 : index
        %get3A_1309 = tpu.vector_load %arg9[%get3A_1306, %get3A_1307, %get3A_1308] {strides = array<i32>} : memref<2x880x64xf32, #tpu.memory_space<vmem>>, vector<16xf32>,
        %add3A_1310 = arith.addf %add3A_1284, %get3A_1309 : vector<16xf32>
        %get3A_1311 = arith.constant 1 : i32
        %get3A_1312 = arith.index_cast %get3A_1311 : i32 to index
        %get3A_1313 = arith.index_cast %scan3A_1298 : i32 to index
        %get3A_1314 = arith.constant 32 : index
        %get3A_1315 = tpu.vector_load %arg9[%get3A_1312, %get3A_1313, %get3A_1314] {strides = array<i32>} : memref<2x880x64xf32, #tpu.memory_space<vmem>>, vector<16xf32>,
        %add3A_1316 = arith.addf %add3A_1290, %get3A_1315 : vector<16xf32>
        %get3A_1317 = arith.constant 1 : i32
        %get3A_1318 = arith.index_cast %get3A_1317 : i32 to index
        %get3A_1319 = arith.index_cast %scan3A_1298 : i32 to index
        %get3A_1320 = arith.constant 48 : index
        %get3A_1321 = tpu.vector_load %arg9[%get3A_1318, %get3A_1319, %get3A_1320] {strides = array<i32>} : memref<2x880x64xf32, #tpu.memory_space<vmem>>, vector<16xf32>,
        %add3A_1322 = arith.addf %add3A_1296, %get3A_1321 : vector<16xf32>
        %scan3A_1323 = arith.constant 2 : i32
        %scan3A_1324 = arith.addi %scan3A_1269, %scan3A_1323 : i32
        %get3A_1325 = arith.constant 1 : i32
        %get3A_1326 = arith.index_cast %get3A_1325 : i32 to index
        %get3A_1327 = arith.index_cast %scan3A_1324 : i32 to index
        %get3A_1328 = arith.constant 0 : index
        %get3A_1329 = tpu.vector_load %arg9[%get3A_1326, %get3A_1327, %get3A_1328] {strides = array<i32>} : memref<2x880x64xf32, #tpu.memory_space<vmem>>, vector<16xf32>,
        %add3A_1330 = arith.addf %add3A_1304, %get3A_1329 : vector<16xf32>
        %get3A_1331 = arith.constant 1 : i32
        %get3A_1332 = arith.index_cast %get3A_1331 : i32 to index
        %get3A_1333 = arith.index_cast %scan3A_1324 : i32 to index
        %get3A_1334 = arith.constant 16 : index
        %get3A_1335 = tpu.vector_load %arg9[%get3A_1332, %get3A_1333, %get3A_1334] {strides = array<i32>} : memref<2x880x64xf32, #tpu.memory_space<vmem>>, vector<16xf32>,
        %add3A_1336 = arith.addf %add3A_1310, %get3A_1335 : vector<16xf32>
        %get3A_1337 = arith.constant 1 : i32
        %get3A_1338 = arith.index_cast %get3A_1337 : i32 to index
        %get3A_1339 = arith.index_cast %scan3A_1324 : i32 to index
        %get3A_1340 = arith.constant 32 : index
        %get3A_1341 = tpu.vector_load %arg9[%get3A_1338, %get3A_1339, %get3A_1340] {strides = array<i32>} : memref<2x880x64xf32, #tpu.memory_space<vmem>>, vector<16xf32>,
        %add3A_1342 = arith.addf %add3A_1316, %get3A_1341 : vector<16xf32>
        %get3A_1343 = arith.constant 1 : i32
        %get3A_1344 = arith.index_cast %get3A_1343 : i32 to index
        %get3A_1345 = arith.index_cast %scan3A_1324 : i32 to index
        %get3A_1346 = arith.constant 48 : index
        %get3A_1347 = tpu.vector_load %arg9[%get3A_1344, %get3A_1345, %get3A_1346] {strides = array<i32>} : memref<2x880x64xf32, #tpu.memory_space<vmem>>, vector<16xf32>,
        %add3A_1348 = arith.addf %add3A_1322, %get3A_1347 : vector<16xf32>
        %scan3A_1349 = arith.constant 3 : i32
        %scan3A_1350 = arith.addi %scan3A_1269, %scan3A_1349 : i32
        %get3A_1351 = arith.constant 1 : i32
        %get3A_1352 = arith.index_cast %get3A_1351 : i32 to index
        %get3A_1353 = arith.index_cast %scan3A_1350 : i32 to index
        %get3A_1354 = arith.constant 0 : index
        %get3A_1355 = tpu.vector_load %arg9[%get3A_1352, %get3A_1353, %get3A_1354] {strides = array<i32>} : memref<2x880x64xf32, #tpu.memory_space<vmem>>, vector<16xf32>,
        %add3A_1356 = arith.addf %add3A_1330, %get3A_1355 : vector<16xf32>
        %get3A_1357 = arith.constant 1 : i32
        %get3A_1358 = arith.index_cast %get3A_1357 : i32 to index
        %get3A_1359 = arith.index_cast %scan3A_1350 : i32 to index
        %get3A_1360 = arith.constant 16 : index
        %get3A_1361 = tpu.vector_load %arg9[%get3A_1358, %get3A_1359, %get3A_1360] {strides = array<i32>} : memref<2x880x64xf32, #tpu.memory_space<vmem>>, vector<16xf32>,
        %add3A_1362 = arith.addf %add3A_1336, %get3A_1361 : vector<16xf32>
        %get3A_1363 = arith.constant 1 : i32
        %get3A_1364 = arith.index_cast %get3A_1363 : i32 to index
        %get3A_1365 = arith.index_cast %scan3A_1350 : i32 to index
        %get3A_1366 = arith.constant 32 : index
        %get3A_1367 = tpu.vector_load %arg9[%get3A_1364, %get3A_1365, %get3A_1366] {strides = array<i32>} : memref<2x880x64xf32, #tpu.memory_space<vmem>>, vector<16xf32>,
        %add3A_1368 = arith.addf %add3A_1342, %get3A_1367 : vector<16xf32>
        %get3A_1369 = arith.constant 1 : i32
        %get3A_1370 = arith.index_cast %get3A_1369 : i32 to index
        %get3A_1371 = arith.index_cast %scan3A_1350 : i32 to index
        %get3A_1372 = arith.constant 48 : index
        %get3A_1373 = tpu.vector_load %arg9[%get3A_1370, %get3A_1371, %get3A_1372] {strides = array<i32>} : memref<2x880x64xf32, #tpu.memory_space<vmem>>, vector<16xf32>,
        %add3A_1374 = arith.addf %add3A_1348, %get3A_1373 : vector<16xf32>
        scf.yield %add3A_1356, %add3A_1362, %add3A_1368, %add3A_1374 : vector<16xf32>, vector<16xf32>, vector<16xf32>, vector<16xf32>
      }
      %scan3A_1049 = arith.constant 200 : i32
      %scan3A_1050 = arith.constant 820 : i32
      %scan3A_1051 = arith.constant 20 : i32
      %scan3A_1052 = arith.addi %scan3A_1050, %scan3A_1051 : i32
      %scan3A_1053 = arith.constant 4 : i32
      %scan3A_1054:4 = scf.for %scan3A_1269 = %scan3A_1050 to %scan3A_1052 step %scan3A_1053 iter_args(%scan3A_1270 = %broadcast_in_dim3A_1037, %scan3A_1271 = %broadcast_in_dim3A_1039, %scan3A_1272 = %broadcast_in_dim3A_1041, %scan3A_1273 = %broadcast_in_dim3A_1043) -> (vector<16xf32>, vector<16xf32>, vector<16xf32>, vector<16xf32>)  : i32 {
        %get3A = arith.constant 1 : i32
        %get3A_1274 = arith.index_cast %get3A : i32 to index
        %get3A_1275 = arith.index_cast %scan3A_1269 : i32 to index
        %get3A_1276 = arith.constant 0 : index
        %get3A_1277 = tpu.vector_load %arg9[%get3A_1274, %get3A_1275, %get3A_1276] {strides = array<i32>} : memref<2x880x64xf32, #tpu.memory_space<vmem>>, vector<16xf32>,
        %add3A_1278 = arith.addf %scan3A_1270, %get3A_1277 : vector<16xf32>
        %get3A_1279 = arith.constant 1 : i32
        %get3A_1280 = arith.index_cast %get3A_1279 : i32 to index
        %get3A_1281 = arith.index_cast %scan3A_1269 : i32 to index
        %get3A_1282 = arith.constant 16 : index
        %get3A_1283 = tpu.vector_load %arg9[%get3A_1280, %get3A_1281, %get3A_1282] {strides = array<i32>} : memref<2x880x64xf32, #tpu.memory_space<vmem>>, vector<16xf32>,
        %add3A_1284 = arith.addf %scan3A_1271, %get3A_1283 : vector<16xf32>
        %get3A_1285 = arith.constant 1 : i32
        %get3A_1286 = arith.index_cast %get3A_1285 : i32 to index
        %get3A_1287 = arith.index_cast %scan3A_1269 : i32 to index
        %get3A_1288 = arith.constant 32 : index
        %get3A_1289 = tpu.vector_load %arg9[%get3A_1286, %get3A_1287, %get3A_1288] {strides = array<i32>} : memref<2x880x64xf32, #tpu.memory_space<vmem>>, vector<16xf32>,
        %add3A_1290 = arith.addf %scan3A_1272, %get3A_1289 : vector<16xf32>
        %get3A_1291 = arith.constant 1 : i32
        %get3A_1292 = arith.index_cast %get3A_1291 : i32 to index
        %get3A_1293 = arith.index_cast %scan3A_1269 : i32 to index
        %get3A_1294 = arith.constant 48 : index
        %get3A_1295 = tpu.vector_load %arg9[%get3A_1292, %get3A_1293, %get3A_1294] {strides = array<i32>} : memref<2x880x64xf32, #tpu.memory_space<vmem>>, vector<16xf32>,
        %add3A_1296 = arith.addf %scan3A_1273, %get3A_1295 : vector<16xf32>
        %scan3A_1297 = arith.constant 1 : i32
        %scan3A_1298 = arith.addi %scan3A_1269, %scan3A_1297 : i32
        %get3A_1299 = arith.constant 1 : i32
        %get3A_1300 = arith.index_cast %get3A_1299 : i32 to index
        %get3A_1301 = arith.index_cast %scan3A_1298 : i32 to index
        %get3A_1302 = arith.constant 0 : index
        %get3A_1303 = tpu.vector_load %arg9[%get3A_1300, %get3A_1301, %get3A_1302] {strides = array<i32>} : memref<2x880x64xf32, #tpu.memory_space<vmem>>, vector<16xf32>,
        %add3A_1304 = arith.addf %add3A_1278, %get3A_1303 : vector<16xf32>
        %get3A_1305 = arith.constant 1 : i32
        %get3A_1306 = arith.index_cast %get3A_1305 : i32 to index
        %get3A_1307 = arith.index_cast %scan3A_1298 : i32 to index
        %get3A_1308 = arith.constant 16 : index
        %get3A_1309 = tpu.vector_load %arg9[%get3A_1306, %get3A_1307, %get3A_1308] {strides = array<i32>} : memref<2x880x64xf32, #tpu.memory_space<vmem>>, vector<16xf32>,
        %add3A_1310 = arith.addf %add3A_1284, %get3A_1309 : vector<16xf32>
        %get3A_1311 = arith.constant 1 : i32
        %get3A_1312 = arith.index_cast %get3A_1311 : i32 to index
        %get3A_1313 = arith.index_cast %scan3A_1298 : i32 to index
        %get3A_1314 = arith.constant 32 : index
        %get3A_1315 = tpu.vector_load %arg9[%get3A_1312, %get3A_1313, %get3A_1314] {strides = array<i32>} : memref<2x880x64xf32, #tpu.memory_space<vmem>>, vector<16xf32>,
        %add3A_1316 = arith.addf %add3A_1290, %get3A_1315 : vector<16xf32>
        %get3A_1317 = arith.constant 1 : i32
        %get3A_1318 = arith.index_cast %get3A_1317 : i32 to index
        %get3A_1319 = arith.index_cast %scan3A_1298 : i32 to index
        %get3A_1320 = arith.constant 48 : index
        %get3A_1321 = tpu.vector_load %arg9[%get3A_1318, %get3A_1319, %get3A_1320] {strides = array<i32>} : memref<2x880x64xf32, #tpu.memory_space<vmem>>, vector<16xf32>,
        %add3A_1322 = arith.addf %add3A_1296, %get3A_1321 : vector<16xf32>
        %scan3A_1323 = arith.constant 2 : i32
        %scan3A_1324 = arith.addi %scan3A_1269, %scan3A_1323 : i32
        %get3A_1325 = arith.constant 1 : i32
        %get3A_1326 = arith.index_cast %get3A_1325 : i32 to index
        %get3A_1327 = arith.index_cast %scan3A_1324 : i32 to index
        %get3A_1328 = arith.constant 0 : index
        %get3A_1329 = tpu.vector_load %arg9[%get3A_1326, %get3A_1327, %get3A_1328] {strides = array<i32>} : memref<2x880x64xf32, #tpu.memory_space<vmem>>, vector<16xf32>,
        %add3A_1330 = arith.addf %add3A_1304, %get3A_1329 : vector<16xf32>
        %get3A_1331 = arith.constant 1 : i32
        %get3A_1332 = arith.index_cast %get3A_1331 : i32 to index
        %get3A_1333 = arith.index_cast %scan3A_1324 : i32 to index
        %get3A_1334 = arith.constant 16 : index
        %get3A_1335 = tpu.vector_load %arg9[%get3A_1332, %get3A_1333, %get3A_1334] {strides = array<i32>} : memref<2x880x64xf32, #tpu.memory_space<vmem>>, vector<16xf32>,
        %add3A_1336 = arith.addf %add3A_1310, %get3A_1335 : vector<16xf32>
        %get3A_1337 = arith.constant 1 : i32
        %get3A_1338 = arith.index_cast %get3A_1337 : i32 to index
        %get3A_1339 = arith.index_cast %scan3A_1324 : i32 to index
        %get3A_1340 = arith.constant 32 : index
        %get3A_1341 = tpu.vector_load %arg9[%get3A_1338, %get3A_1339, %get3A_1340] {strides = array<i32>} : memref<2x880x64xf32, #tpu.memory_space<vmem>>, vector<16xf32>,
        %add3A_1342 = arith.addf %add3A_1316, %get3A_1341 : vector<16xf32>
        %get3A_1343 = arith.constant 1 : i32
        %get3A_1344 = arith.index_cast %get3A_1343 : i32 to index
        %get3A_1345 = arith.index_cast %scan3A_1324 : i32 to index
        %get3A_1346 = arith.constant 48 : index
        %get3A_1347 = tpu.vector_load %arg9[%get3A_1344, %get3A_1345, %get3A_1346] {strides = array<i32>} : memref<2x880x64xf32, #tpu.memory_space<vmem>>, vector<16xf32>,
        %add3A_1348 = arith.addf %add3A_1322, %get3A_1347 : vector<16xf32>
        %scan3A_1349 = arith.constant 3 : i32
        %scan3A_1350 = arith.addi %scan3A_1269, %scan3A_1349 : i32
        %get3A_1351 = arith.constant 1 : i32
        %get3A_1352 = arith.index_cast %get3A_1351 : i32 to index
        %get3A_1353 = arith.index_cast %scan3A_1350 : i32 to index
        %get3A_1354 = arith.constant 0 : index
        %get3A_1355 = tpu.vector_load %arg9[%get3A_1352, %get3A_1353, %get3A_1354] {strides = array<i32>} : memref<2x880x64xf32, #tpu.memory_space<vmem>>, vector<16xf32>,
        %add3A_1356 = arith.addf %add3A_1330, %get3A_1355 : vector<16xf32>
        %get3A_1357 = arith.constant 1 : i32
        %get3A_1358 = arith.index_cast %get3A_1357 : i32 to index
        %get3A_1359 = arith.index_cast %scan3A_1350 : i32 to index
        %get3A_1360 = arith.constant 16 : index
        %get3A_1361 = tpu.vector_load %arg9[%get3A_1358, %get3A_1359, %get3A_1360] {strides = array<i32>} : memref<2x880x64xf32, #tpu.memory_space<vmem>>, vector<16xf32>,
        %add3A_1362 = arith.addf %add3A_1336, %get3A_1361 : vector<16xf32>
        %get3A_1363 = arith.constant 1 : i32
        %get3A_1364 = arith.index_cast %get3A_1363 : i32 to index
        %get3A_1365 = arith.index_cast %scan3A_1350 : i32 to index
        %get3A_1366 = arith.constant 32 : index
        %get3A_1367 = tpu.vector_load %arg9[%get3A_1364, %get3A_1365, %get3A_1366] {strides = array<i32>} : memref<2x880x64xf32, #tpu.memory_space<vmem>>, vector<16xf32>,
        %add3A_1368 = arith.addf %add3A_1342, %get3A_1367 : vector<16xf32>
        %get3A_1369 = arith.constant 1 : i32
        %get3A_1370 = arith.index_cast %get3A_1369 : i32 to index
        %get3A_1371 = arith.index_cast %scan3A_1350 : i32 to index
        %get3A_1372 = arith.constant 48 : index
        %get3A_1373 = tpu.vector_load %arg9[%get3A_1370, %get3A_1371, %get3A_1372] {strides = array<i32>} : memref<2x880x64xf32, #tpu.memory_space<vmem>>, vector<16xf32>,
        %add3A_1374 = arith.addf %add3A_1348, %get3A_1373 : vector<16xf32>
        scf.yield %add3A_1356, %add3A_1362, %add3A_1368, %add3A_1374 : vector<16xf32>, vector<16xf32>, vector<16xf32>, vector<16xf32>
      }
      %scan3A_1055 = arith.constant 20 : i32
      %swap3A_1056 = arith.constant 1 : i32
      %swap3A_1057 = arith.constant 1 : i32
      %swap3A_1058 = arith.index_cast %swap3A_1056 : i32 to index
      %swap3A_1059 = arith.index_cast %swap3A_1057 : i32 to index
      %swap3A_1060 = arith.constant 0 : index
      %swap3A_1061 = tpu.vector_load %arg10[%swap3A_1058, %swap3A_1059, %swap3A_1060] {strides = array<i32>} : memref<2x4x64xf32, #tpu.memory_space<vmem>>, vector<16xf32>,
      tpu.vector_store %arg10[%swap3A_1058, %swap3A_1059, %swap3A_1060], %scan3A_1048#0 {strides = array<i32>} : memref<2x4x64xf32, #tpu.memory_space<vmem>>, vector<16xf32>,
      %swap3A_1062 = arith.constant 1 : i32
      %swap3A_1063 = arith.constant 1 : i32
      %swap3A_1064 = arith.index_cast %swap3A_1062 : i32 to index
      %swap3A_1065 = arith.index_cast %swap3A_1063 : i32 to index
      %swap3A_1066 = arith.constant 0 : index
      %swap3A_1067 = tpu.vector_load %arg11[%swap3A_1064, %swap3A_1065, %swap3A_1066] {strides = array<i32>} : memref<2x4x64xf32, #tpu.memory_space<vmem>>, vector<16xf32>,
      tpu.vector_store %arg11[%swap3A_1064, %swap3A_1065, %swap3A_1066], %scan3A_1054#0 {strides = array<i32>} : memref<2x4x64xf32, #tpu.memory_space<vmem>>, vector<16xf32>,
      %swap3A_1068 = arith.constant 1 : i32
      %swap3A_1069 = arith.constant 1 : i32
      %swap3A_1070 = arith.index_cast %swap3A_1068 : i32 to index
      %swap3A_1071 = arith.index_cast %swap3A_1069 : i32 to index
      %swap3A_1072 = arith.constant 16 : index
      %swap3A_1073 = tpu.vector_load %arg10[%swap3A_1070, %swap3A_1071, %swap3A_1072] {strides = array<i32>} : memref<2x4x64xf32, #tpu.memory_space<vmem>>, vector<16xf32>,
      tpu.vector_store %arg10[%swap3A_1070, %swap3A_1071, %swap3A_1072], %scan3A_1048#1 {strides = array<i32>} : memref<2x4x64xf32, #tpu.memory_space<vmem>>, vector<16xf32>,
      %swap3A_1074 = arith.constant 1 : i32
      %swap3A_1075 = arith.constant 1 : i32
      %swap3A_1076 = arith.index_cast %swap3A_1074 : i32 to index
      %swap3A_1077 = arith.index_cast %swap3A_1075 : i32 to index
      %swap3A_1078 = arith.constant 16 : index
      %swap3A_1079 = tpu.vector_load %arg11[%swap3A_1076, %swap3A_1077, %swap3A_1078] {strides = array<i32>} : memref<2x4x64xf32, #tpu.memory_space<vmem>>, vector<16xf32>,
      tpu.vector_store %arg11[%swap3A_1076, %swap3A_1077, %swap3A_1078], %scan3A_1054#1 {strides = array<i32>} : memref<2x4x64xf32, #tpu.memory_space<vmem>>, vector<16xf32>,
      %swap3A_1080 = arith.constant 1 : i32
      %swap3A_1081 = arith.constant 1 : i32
      %swap3A_1082 = arith.index_cast %swap3A_1080 : i32 to index
      %swap3A_1083 = arith.index_cast %swap3A_1081 : i32 to index
      %swap3A_1084 = arith.constant 32 : index
      %swap3A_1085 = tpu.vector_load %arg10[%swap3A_1082, %swap3A_1083, %swap3A_1084] {strides = array<i32>} : memref<2x4x64xf32, #tpu.memory_space<vmem>>, vector<16xf32>,
      tpu.vector_store %arg10[%swap3A_1082, %swap3A_1083, %swap3A_1084], %scan3A_1048#2 {strides = array<i32>} : memref<2x4x64xf32, #tpu.memory_space<vmem>>, vector<16xf32>,
      %swap3A_1086 = arith.constant 1 : i32
      %swap3A_1087 = arith.constant 1 : i32
      %swap3A_1088 = arith.index_cast %swap3A_1086 : i32 to index
      %swap3A_1089 = arith.index_cast %swap3A_1087 : i32 to index
      %swap3A_1090 = arith.constant 32 : index
      %swap3A_1091 = tpu.vector_load %arg11[%swap3A_1088, %swap3A_1089, %swap3A_1090] {strides = array<i32>} : memref<2x4x64xf32, #tpu.memory_space<vmem>>, vector<16xf32>,
      tpu.vector_store %arg11[%swap3A_1088, %swap3A_1089, %swap3A_1090], %scan3A_1054#2 {strides = array<i32>} : memref<2x4x64xf32, #tpu.memory_space<vmem>>, vector<16xf32>,
      %swap3A_1092 = arith.constant 1 : i32
      %swap3A_1093 = arith.constant 1 : i32
      %swap3A_1094 = arith.index_cast %swap3A_1092 : i32 to index
      %swap3A_1095 = arith.index_cast %swap3A_1093 : i32 to index
      %swap3A_1096 = arith.constant 48 : index
      %swap3A_1097 = tpu.vector_load %arg10[%swap3A_1094, %swap3A_1095, %swap3A_1096] {strides = array<i32>} : memref<2x4x64xf32, #tpu.memory_space<vmem>>, vector<16xf32>,
      tpu.vector_store %arg10[%swap3A_1094, %swap3A_1095, %swap3A_1096], %scan3A_1048#3 {strides = array<i32>} : memref<2x4x64xf32, #tpu.memory_space<vmem>>, vector<16xf32>,
      %swap3A_1098 = arith.constant 1 : i32
      %swap3A_1099 = arith.constant 1 : i32
      %swap3A_1100 = arith.index_cast %swap3A_1098 : i32 to index
      %swap3A_1101 = arith.index_cast %swap3A_1099 : i32 to index
      %swap3A_1102 = arith.constant 48 : index
      %swap3A_1103 = tpu.vector_load %arg11[%swap3A_1100, %swap3A_1101, %swap3A_1102] {strides = array<i32>} : memref<2x4x64xf32, #tpu.memory_space<vmem>>, vector<16xf32>,
      tpu.vector_store %arg11[%swap3A_1100, %swap3A_1101, %swap3A_1102], %scan3A_1054#3 {strides = array<i32>} : memref<2x4x64xf32, #tpu.memory_space<vmem>>, vector<16xf32>,
      %broadcast_in_dim3A_1104 = arith.constant 0.000000e+00 : f32
      %broadcast_in_dim3A_1105 = vector.broadcast %broadcast_in_dim3A_1104 : f32 to vector<16xf32>
      %broadcast_in_dim3A_1106 = arith.constant 0.000000e+00 : f32
      %broadcast_in_dim3A_1107 = vector.broadcast %broadcast_in_dim3A_1106 : f32 to vector<16xf32>
      %broadcast_in_dim3A_1108 = arith.constant 0.000000e+00 : f32
      %broadcast_in_dim3A_1109 = vector.broadcast %broadcast_in_dim3A_1108 : f32 to vector<16xf32>
      %broadcast_in_dim3A_1110 = arith.constant 0.000000e+00 : f32
      %broadcast_in_dim3A_1111 = vector.broadcast %broadcast_in_dim3A_1110 : f32 to vector<16xf32>
      %scan3A_1112 = arith.constant 400 : i32
      %scan3A_1113 = arith.constant 200 : i32
      %scan3A_1114 = arith.addi %scan3A_1112, %scan3A_1113 : i32
      %scan3A_1115 = arith.constant 4 : i32
      %scan3A_1116:4 = scf.for %scan3A_1269 = %scan3A_1112 to %scan3A_1114 step %scan3A_1115 iter_args(%scan3A_1270 = %broadcast_in_dim3A_1105, %scan3A_1271 = %broadcast_in_dim3A_1107, %scan3A_1272 = %broadcast_in_dim3A_1109, %scan3A_1273 = %broadcast_in_dim3A_1111) -> (vector<16xf32>, vector<16xf32>, vector<16xf32>, vector<16xf32>)  : i32 {
        %get3A = arith.constant 1 : i32
        %get3A_1274 = arith.index_cast %get3A : i32 to index
        %get3A_1275 = arith.index_cast %scan3A_1269 : i32 to index
        %get3A_1276 = arith.constant 0 : index
        %get3A_1277 = tpu.vector_load %arg9[%get3A_1274, %get3A_1275, %get3A_1276] {strides = array<i32>} : memref<2x880x64xf32, #tpu.memory_space<vmem>>, vector<16xf32>,
        %add3A_1278 = arith.addf %scan3A_1270, %get3A_1277 : vector<16xf32>
        %get3A_1279 = arith.constant 1 : i32
        %get3A_1280 = arith.index_cast %get3A_1279 : i32 to index
        %get3A_1281 = arith.index_cast %scan3A_1269 : i32 to index
        %get3A_1282 = arith.constant 16 : index
        %get3A_1283 = tpu.vector_load %arg9[%get3A_1280, %get3A_1281, %get3A_1282] {strides = array<i32>} : memref<2x880x64xf32, #tpu.memory_space<vmem>>, vector<16xf32>,
        %add3A_1284 = arith.addf %scan3A_1271, %get3A_1283 : vector<16xf32>
        %get3A_1285 = arith.constant 1 : i32
        %get3A_1286 = arith.index_cast %get3A_1285 : i32 to index
        %get3A_1287 = arith.index_cast %scan3A_1269 : i32 to index
        %get3A_1288 = arith.constant 32 : index
        %get3A_1289 = tpu.vector_load %arg9[%get3A_1286, %get3A_1287, %get3A_1288] {strides = array<i32>} : memref<2x880x64xf32, #tpu.memory_space<vmem>>, vector<16xf32>,
        %add3A_1290 = arith.addf %scan3A_1272, %get3A_1289 : vector<16xf32>
        %get3A_1291 = arith.constant 1 : i32
        %get3A_1292 = arith.index_cast %get3A_1291 : i32 to index
        %get3A_1293 = arith.index_cast %scan3A_1269 : i32 to index
        %get3A_1294 = arith.constant 48 : index
        %get3A_1295 = tpu.vector_load %arg9[%get3A_1292, %get3A_1293, %get3A_1294] {strides = array<i32>} : memref<2x880x64xf32, #tpu.memory_space<vmem>>, vector<16xf32>,
        %add3A_1296 = arith.addf %scan3A_1273, %get3A_1295 : vector<16xf32>
        %scan3A_1297 = arith.constant 1 : i32
        %scan3A_1298 = arith.addi %scan3A_1269, %scan3A_1297 : i32
        %get3A_1299 = arith.constant 1 : i32
        %get3A_1300 = arith.index_cast %get3A_1299 : i32 to index
        %get3A_1301 = arith.index_cast %scan3A_1298 : i32 to index
        %get3A_1302 = arith.constant 0 : index
        %get3A_1303 = tpu.vector_load %arg9[%get3A_1300, %get3A_1301, %get3A_1302] {strides = array<i32>} : memref<2x880x64xf32, #tpu.memory_space<vmem>>, vector<16xf32>,
        %add3A_1304 = arith.addf %add3A_1278, %get3A_1303 : vector<16xf32>
        %get3A_1305 = arith.constant 1 : i32
        %get3A_1306 = arith.index_cast %get3A_1305 : i32 to index
        %get3A_1307 = arith.index_cast %scan3A_1298 : i32 to index
        %get3A_1308 = arith.constant 16 : index
        %get3A_1309 = tpu.vector_load %arg9[%get3A_1306, %get3A_1307, %get3A_1308] {strides = array<i32>} : memref<2x880x64xf32, #tpu.memory_space<vmem>>, vector<16xf32>,
        %add3A_1310 = arith.addf %add3A_1284, %get3A_1309 : vector<16xf32>
        %get3A_1311 = arith.constant 1 : i32
        %get3A_1312 = arith.index_cast %get3A_1311 : i32 to index
        %get3A_1313 = arith.index_cast %scan3A_1298 : i32 to index
        %get3A_1314 = arith.constant 32 : index
        %get3A_1315 = tpu.vector_load %arg9[%get3A_1312, %get3A_1313, %get3A_1314] {strides = array<i32>} : memref<2x880x64xf32, #tpu.memory_space<vmem>>, vector<16xf32>,
        %add3A_1316 = arith.addf %add3A_1290, %get3A_1315 : vector<16xf32>
        %get3A_1317 = arith.constant 1 : i32
        %get3A_1318 = arith.index_cast %get3A_1317 : i32 to index
        %get3A_1319 = arith.index_cast %scan3A_1298 : i32 to index
        %get3A_1320 = arith.constant 48 : index
        %get3A_1321 = tpu.vector_load %arg9[%get3A_1318, %get3A_1319, %get3A_1320] {strides = array<i32>} : memref<2x880x64xf32, #tpu.memory_space<vmem>>, vector<16xf32>,
        %add3A_1322 = arith.addf %add3A_1296, %get3A_1321 : vector<16xf32>
        %scan3A_1323 = arith.constant 2 : i32
        %scan3A_1324 = arith.addi %scan3A_1269, %scan3A_1323 : i32
        %get3A_1325 = arith.constant 1 : i32
        %get3A_1326 = arith.index_cast %get3A_1325 : i32 to index
        %get3A_1327 = arith.index_cast %scan3A_1324 : i32 to index
        %get3A_1328 = arith.constant 0 : index
        %get3A_1329 = tpu.vector_load %arg9[%get3A_1326, %get3A_1327, %get3A_1328] {strides = array<i32>} : memref<2x880x64xf32, #tpu.memory_space<vmem>>, vector<16xf32>,
        %add3A_1330 = arith.addf %add3A_1304, %get3A_1329 : vector<16xf32>
        %get3A_1331 = arith.constant 1 : i32
        %get3A_1332 = arith.index_cast %get3A_1331 : i32 to index
        %get3A_1333 = arith.index_cast %scan3A_1324 : i32 to index
        %get3A_1334 = arith.constant 16 : index
        %get3A_1335 = tpu.vector_load %arg9[%get3A_1332, %get3A_1333, %get3A_1334] {strides = array<i32>} : memref<2x880x64xf32, #tpu.memory_space<vmem>>, vector<16xf32>,
        %add3A_1336 = arith.addf %add3A_1310, %get3A_1335 : vector<16xf32>
        %get3A_1337 = arith.constant 1 : i32
        %get3A_1338 = arith.index_cast %get3A_1337 : i32 to index
        %get3A_1339 = arith.index_cast %scan3A_1324 : i32 to index
        %get3A_1340 = arith.constant 32 : index
        %get3A_1341 = tpu.vector_load %arg9[%get3A_1338, %get3A_1339, %get3A_1340] {strides = array<i32>} : memref<2x880x64xf32, #tpu.memory_space<vmem>>, vector<16xf32>,
        %add3A_1342 = arith.addf %add3A_1316, %get3A_1341 : vector<16xf32>
        %get3A_1343 = arith.constant 1 : i32
        %get3A_1344 = arith.index_cast %get3A_1343 : i32 to index
        %get3A_1345 = arith.index_cast %scan3A_1324 : i32 to index
        %get3A_1346 = arith.constant 48 : index
        %get3A_1347 = tpu.vector_load %arg9[%get3A_1344, %get3A_1345, %get3A_1346] {strides = array<i32>} : memref<2x880x64xf32, #tpu.memory_space<vmem>>, vector<16xf32>,
        %add3A_1348 = arith.addf %add3A_1322, %get3A_1347 : vector<16xf32>
        %scan3A_1349 = arith.constant 3 : i32
        %scan3A_1350 = arith.addi %scan3A_1269, %scan3A_1349 : i32
        %get3A_1351 = arith.constant 1 : i32
        %get3A_1352 = arith.index_cast %get3A_1351 : i32 to index
        %get3A_1353 = arith.index_cast %scan3A_1350 : i32 to index
        %get3A_1354 = arith.constant 0 : index
        %get3A_1355 = tpu.vector_load %arg9[%get3A_1352, %get3A_1353, %get3A_1354] {strides = array<i32>} : memref<2x880x64xf32, #tpu.memory_space<vmem>>, vector<16xf32>,
        %add3A_1356 = arith.addf %add3A_1330, %get3A_1355 : vector<16xf32>
        %get3A_1357 = arith.constant 1 : i32
        %get3A_1358 = arith.index_cast %get3A_1357 : i32 to index
        %get3A_1359 = arith.index_cast %scan3A_1350 : i32 to index
        %get3A_1360 = arith.constant 16 : index
        %get3A_1361 = tpu.vector_load %arg9[%get3A_1358, %get3A_1359, %get3A_1360] {strides = array<i32>} : memref<2x880x64xf32, #tpu.memory_space<vmem>>, vector<16xf32>,
        %add3A_1362 = arith.addf %add3A_1336, %get3A_1361 : vector<16xf32>
        %get3A_1363 = arith.constant 1 : i32
        %get3A_1364 = arith.index_cast %get3A_1363 : i32 to index
        %get3A_1365 = arith.index_cast %scan3A_1350 : i32 to index
        %get3A_1366 = arith.constant 32 : index
        %get3A_1367 = tpu.vector_load %arg9[%get3A_1364, %get3A_1365, %get3A_1366] {strides = array<i32>} : memref<2x880x64xf32, #tpu.memory_space<vmem>>, vector<16xf32>,
        %add3A_1368 = arith.addf %add3A_1342, %get3A_1367 : vector<16xf32>
        %get3A_1369 = arith.constant 1 : i32
        %get3A_1370 = arith.index_cast %get3A_1369 : i32 to index
        %get3A_1371 = arith.index_cast %scan3A_1350 : i32 to index
        %get3A_1372 = arith.constant 48 : index
        %get3A_1373 = tpu.vector_load %arg9[%get3A_1370, %get3A_1371, %get3A_1372] {strides = array<i32>} : memref<2x880x64xf32, #tpu.memory_space<vmem>>, vector<16xf32>,
        %add3A_1374 = arith.addf %add3A_1348, %get3A_1373 : vector<16xf32>
        scf.yield %add3A_1356, %add3A_1362, %add3A_1368, %add3A_1374 : vector<16xf32>, vector<16xf32>, vector<16xf32>, vector<16xf32>
      }
      %scan3A_1117 = arith.constant 200 : i32
      %scan3A_1118 = arith.constant 840 : i32
      %scan3A_1119 = arith.constant 20 : i32
      %scan3A_1120 = arith.addi %scan3A_1118, %scan3A_1119 : i32
      %scan3A_1121 = arith.constant 4 : i32
      %scan3A_1122:4 = scf.for %scan3A_1269 = %scan3A_1118 to %scan3A_1120 step %scan3A_1121 iter_args(%scan3A_1270 = %broadcast_in_dim3A_1105, %scan3A_1271 = %broadcast_in_dim3A_1107, %scan3A_1272 = %broadcast_in_dim3A_1109, %scan3A_1273 = %broadcast_in_dim3A_1111) -> (vector<16xf32>, vector<16xf32>, vector<16xf32>, vector<16xf32>)  : i32 {
        %get3A = arith.constant 1 : i32
        %get3A_1274 = arith.index_cast %get3A : i32 to index
        %get3A_1275 = arith.index_cast %scan3A_1269 : i32 to index
        %get3A_1276 = arith.constant 0 : index
        %get3A_1277 = tpu.vector_load %arg9[%get3A_1274, %get3A_1275, %get3A_1276] {strides = array<i32>} : memref<2x880x64xf32, #tpu.memory_space<vmem>>, vector<16xf32>,
        %add3A_1278 = arith.addf %scan3A_1270, %get3A_1277 : vector<16xf32>
        %get3A_1279 = arith.constant 1 : i32
        %get3A_1280 = arith.index_cast %get3A_1279 : i32 to index
        %get3A_1281 = arith.index_cast %scan3A_1269 : i32 to index
        %get3A_1282 = arith.constant 16 : index
        %get3A_1283 = tpu.vector_load %arg9[%get3A_1280, %get3A_1281, %get3A_1282] {strides = array<i32>} : memref<2x880x64xf32, #tpu.memory_space<vmem>>, vector<16xf32>,
        %add3A_1284 = arith.addf %scan3A_1271, %get3A_1283 : vector<16xf32>
        %get3A_1285 = arith.constant 1 : i32
        %get3A_1286 = arith.index_cast %get3A_1285 : i32 to index
        %get3A_1287 = arith.index_cast %scan3A_1269 : i32 to index
        %get3A_1288 = arith.constant 32 : index
        %get3A_1289 = tpu.vector_load %arg9[%get3A_1286, %get3A_1287, %get3A_1288] {strides = array<i32>} : memref<2x880x64xf32, #tpu.memory_space<vmem>>, vector<16xf32>,
        %add3A_1290 = arith.addf %scan3A_1272, %get3A_1289 : vector<16xf32>
        %get3A_1291 = arith.constant 1 : i32
        %get3A_1292 = arith.index_cast %get3A_1291 : i32 to index
        %get3A_1293 = arith.index_cast %scan3A_1269 : i32 to index
        %get3A_1294 = arith.constant 48 : index
        %get3A_1295 = tpu.vector_load %arg9[%get3A_1292, %get3A_1293, %get3A_1294] {strides = array<i32>} : memref<2x880x64xf32, #tpu.memory_space<vmem>>, vector<16xf32>,
        %add3A_1296 = arith.addf %scan3A_1273, %get3A_1295 : vector<16xf32>
        %scan3A_1297 = arith.constant 1 : i32
        %scan3A_1298 = arith.addi %scan3A_1269, %scan3A_1297 : i32
        %get3A_1299 = arith.constant 1 : i32
        %get3A_1300 = arith.index_cast %get3A_1299 : i32 to index
        %get3A_1301 = arith.index_cast %scan3A_1298 : i32 to index
        %get3A_1302 = arith.constant 0 : index
        %get3A_1303 = tpu.vector_load %arg9[%get3A_1300, %get3A_1301, %get3A_1302] {strides = array<i32>} : memref<2x880x64xf32, #tpu.memory_space<vmem>>, vector<16xf32>,
        %add3A_1304 = arith.addf %add3A_1278, %get3A_1303 : vector<16xf32>
        %get3A_1305 = arith.constant 1 : i32
        %get3A_1306 = arith.index_cast %get3A_1305 : i32 to index
        %get3A_1307 = arith.index_cast %scan3A_1298 : i32 to index
        %get3A_1308 = arith.constant 16 : index
        %get3A_1309 = tpu.vector_load %arg9[%get3A_1306, %get3A_1307, %get3A_1308] {strides = array<i32>} : memref<2x880x64xf32, #tpu.memory_space<vmem>>, vector<16xf32>,
        %add3A_1310 = arith.addf %add3A_1284, %get3A_1309 : vector<16xf32>
        %get3A_1311 = arith.constant 1 : i32
        %get3A_1312 = arith.index_cast %get3A_1311 : i32 to index
        %get3A_1313 = arith.index_cast %scan3A_1298 : i32 to index
        %get3A_1314 = arith.constant 32 : index
        %get3A_1315 = tpu.vector_load %arg9[%get3A_1312, %get3A_1313, %get3A_1314] {strides = array<i32>} : memref<2x880x64xf32, #tpu.memory_space<vmem>>, vector<16xf32>,
        %add3A_1316 = arith.addf %add3A_1290, %get3A_1315 : vector<16xf32>
        %get3A_1317 = arith.constant 1 : i32
        %get3A_1318 = arith.index_cast %get3A_1317 : i32 to index
        %get3A_1319 = arith.index_cast %scan3A_1298 : i32 to index
        %get3A_1320 = arith.constant 48 : index
        %get3A_1321 = tpu.vector_load %arg9[%get3A_1318, %get3A_1319, %get3A_1320] {strides = array<i32>} : memref<2x880x64xf32, #tpu.memory_space<vmem>>, vector<16xf32>,
        %add3A_1322 = arith.addf %add3A_1296, %get3A_1321 : vector<16xf32>
        %scan3A_1323 = arith.constant 2 : i32
        %scan3A_1324 = arith.addi %scan3A_1269, %scan3A_1323 : i32
        %get3A_1325 = arith.constant 1 : i32
        %get3A_1326 = arith.index_cast %get3A_1325 : i32 to index
        %get3A_1327 = arith.index_cast %scan3A_1324 : i32 to index
        %get3A_1328 = arith.constant 0 : index
        %get3A_1329 = tpu.vector_load %arg9[%get3A_1326, %get3A_1327, %get3A_1328] {strides = array<i32>} : memref<2x880x64xf32, #tpu.memory_space<vmem>>, vector<16xf32>,
        %add3A_1330 = arith.addf %add3A_1304, %get3A_1329 : vector<16xf32>
        %get3A_1331 = arith.constant 1 : i32
        %get3A_1332 = arith.index_cast %get3A_1331 : i32 to index
        %get3A_1333 = arith.index_cast %scan3A_1324 : i32 to index
        %get3A_1334 = arith.constant 16 : index
        %get3A_1335 = tpu.vector_load %arg9[%get3A_1332, %get3A_1333, %get3A_1334] {strides = array<i32>} : memref<2x880x64xf32, #tpu.memory_space<vmem>>, vector<16xf32>,
        %add3A_1336 = arith.addf %add3A_1310, %get3A_1335 : vector<16xf32>
        %get3A_1337 = arith.constant 1 : i32
        %get3A_1338 = arith.index_cast %get3A_1337 : i32 to index
        %get3A_1339 = arith.index_cast %scan3A_1324 : i32 to index
        %get3A_1340 = arith.constant 32 : index
        %get3A_1341 = tpu.vector_load %arg9[%get3A_1338, %get3A_1339, %get3A_1340] {strides = array<i32>} : memref<2x880x64xf32, #tpu.memory_space<vmem>>, vector<16xf32>,
        %add3A_1342 = arith.addf %add3A_1316, %get3A_1341 : vector<16xf32>
        %get3A_1343 = arith.constant 1 : i32
        %get3A_1344 = arith.index_cast %get3A_1343 : i32 to index
        %get3A_1345 = arith.index_cast %scan3A_1324 : i32 to index
        %get3A_1346 = arith.constant 48 : index
        %get3A_1347 = tpu.vector_load %arg9[%get3A_1344, %get3A_1345, %get3A_1346] {strides = array<i32>} : memref<2x880x64xf32, #tpu.memory_space<vmem>>, vector<16xf32>,
        %add3A_1348 = arith.addf %add3A_1322, %get3A_1347 : vector<16xf32>
        %scan3A_1349 = arith.constant 3 : i32
        %scan3A_1350 = arith.addi %scan3A_1269, %scan3A_1349 : i32
        %get3A_1351 = arith.constant 1 : i32
        %get3A_1352 = arith.index_cast %get3A_1351 : i32 to index
        %get3A_1353 = arith.index_cast %scan3A_1350 : i32 to index
        %get3A_1354 = arith.constant 0 : index
        %get3A_1355 = tpu.vector_load %arg9[%get3A_1352, %get3A_1353, %get3A_1354] {strides = array<i32>} : memref<2x880x64xf32, #tpu.memory_space<vmem>>, vector<16xf32>,
        %add3A_1356 = arith.addf %add3A_1330, %get3A_1355 : vector<16xf32>
        %get3A_1357 = arith.constant 1 : i32
        %get3A_1358 = arith.index_cast %get3A_1357 : i32 to index
        %get3A_1359 = arith.index_cast %scan3A_1350 : i32 to index
        %get3A_1360 = arith.constant 16 : index
        %get3A_1361 = tpu.vector_load %arg9[%get3A_1358, %get3A_1359, %get3A_1360] {strides = array<i32>} : memref<2x880x64xf32, #tpu.memory_space<vmem>>, vector<16xf32>,
        %add3A_1362 = arith.addf %add3A_1336, %get3A_1361 : vector<16xf32>
        %get3A_1363 = arith.constant 1 : i32
        %get3A_1364 = arith.index_cast %get3A_1363 : i32 to index
        %get3A_1365 = arith.index_cast %scan3A_1350 : i32 to index
        %get3A_1366 = arith.constant 32 : index
        %get3A_1367 = tpu.vector_load %arg9[%get3A_1364, %get3A_1365, %get3A_1366] {strides = array<i32>} : memref<2x880x64xf32, #tpu.memory_space<vmem>>, vector<16xf32>,
        %add3A_1368 = arith.addf %add3A_1342, %get3A_1367 : vector<16xf32>
        %get3A_1369 = arith.constant 1 : i32
        %get3A_1370 = arith.index_cast %get3A_1369 : i32 to index
        %get3A_1371 = arith.index_cast %scan3A_1350 : i32 to index
        %get3A_1372 = arith.constant 48 : index
        %get3A_1373 = tpu.vector_load %arg9[%get3A_1370, %get3A_1371, %get3A_1372] {strides = array<i32>} : memref<2x880x64xf32, #tpu.memory_space<vmem>>, vector<16xf32>,
        %add3A_1374 = arith.addf %add3A_1348, %get3A_1373 : vector<16xf32>
        scf.yield %add3A_1356, %add3A_1362, %add3A_1368, %add3A_1374 : vector<16xf32>, vector<16xf32>, vector<16xf32>, vector<16xf32>
      }
      %scan3A_1123 = arith.constant 20 : i32
      %swap3A_1124 = arith.constant 1 : i32
      %swap3A_1125 = arith.constant 2 : i32
      %swap3A_1126 = arith.index_cast %swap3A_1124 : i32 to index
      %swap3A_1127 = arith.index_cast %swap3A_1125 : i32 to index
      %swap3A_1128 = arith.constant 0 : index
      %swap3A_1129 = tpu.vector_load %arg10[%swap3A_1126, %swap3A_1127, %swap3A_1128] {strides = array<i32>} : memref<2x4x64xf32, #tpu.memory_space<vmem>>, vector<16xf32>,
      tpu.vector_store %arg10[%swap3A_1126, %swap3A_1127, %swap3A_1128], %scan3A_1116#0 {strides = array<i32>} : memref<2x4x64xf32, #tpu.memory_space<vmem>>, vector<16xf32>,
      %swap3A_1130 = arith.constant 1 : i32
      %swap3A_1131 = arith.constant 2 : i32
      %swap3A_1132 = arith.index_cast %swap3A_1130 : i32 to index
      %swap3A_1133 = arith.index_cast %swap3A_1131 : i32 to index
      %swap3A_1134 = arith.constant 0 : index
      %swap3A_1135 = tpu.vector_load %arg11[%swap3A_1132, %swap3A_1133, %swap3A_1134] {strides = array<i32>} : memref<2x4x64xf32, #tpu.memory_space<vmem>>, vector<16xf32>,
      tpu.vector_store %arg11[%swap3A_1132, %swap3A_1133, %swap3A_1134], %scan3A_1122#0 {strides = array<i32>} : memref<2x4x64xf32, #tpu.memory_space<vmem>>, vector<16xf32>,
      %swap3A_1136 = arith.constant 1 : i32
      %swap3A_1137 = arith.constant 2 : i32
      %swap3A_1138 = arith.index_cast %swap3A_1136 : i32 to index
      %swap3A_1139 = arith.index_cast %swap3A_1137 : i32 to index
      %swap3A_1140 = arith.constant 16 : index
      %swap3A_1141 = tpu.vector_load %arg10[%swap3A_1138, %swap3A_1139, %swap3A_1140] {strides = array<i32>} : memref<2x4x64xf32, #tpu.memory_space<vmem>>, vector<16xf32>,
      tpu.vector_store %arg10[%swap3A_1138, %swap3A_1139, %swap3A_1140], %scan3A_1116#1 {strides = array<i32>} : memref<2x4x64xf32, #tpu.memory_space<vmem>>, vector<16xf32>,
      %swap3A_1142 = arith.constant 1 : i32
      %swap3A_1143 = arith.constant 2 : i32
      %swap3A_1144 = arith.index_cast %swap3A_1142 : i32 to index
      %swap3A_1145 = arith.index_cast %swap3A_1143 : i32 to index
      %swap3A_1146 = arith.constant 16 : index
      %swap3A_1147 = tpu.vector_load %arg11[%swap3A_1144, %swap3A_1145, %swap3A_1146] {strides = array<i32>} : memref<2x4x64xf32, #tpu.memory_space<vmem>>, vector<16xf32>,
      tpu.vector_store %arg11[%swap3A_1144, %swap3A_1145, %swap3A_1146], %scan3A_1122#1 {strides = array<i32>} : memref<2x4x64xf32, #tpu.memory_space<vmem>>, vector<16xf32>,
      %swap3A_1148 = arith.constant 1 : i32
      %swap3A_1149 = arith.constant 2 : i32
      %swap3A_1150 = arith.index_cast %swap3A_1148 : i32 to index
      %swap3A_1151 = arith.index_cast %swap3A_1149 : i32 to index
      %swap3A_1152 = arith.constant 32 : index
      %swap3A_1153 = tpu.vector_load %arg10[%swap3A_1150, %swap3A_1151, %swap3A_1152] {strides = array<i32>} : memref<2x4x64xf32, #tpu.memory_space<vmem>>, vector<16xf32>,
      tpu.vector_store %arg10[%swap3A_1150, %swap3A_1151, %swap3A_1152], %scan3A_1116#2 {strides = array<i32>} : memref<2x4x64xf32, #tpu.memory_space<vmem>>, vector<16xf32>,
      %swap3A_1154 = arith.constant 1 : i32
      %swap3A_1155 = arith.constant 2 : i32
      %swap3A_1156 = arith.index_cast %swap3A_1154 : i32 to index
      %swap3A_1157 = arith.index_cast %swap3A_1155 : i32 to index
      %swap3A_1158 = arith.constant 32 : index
      %swap3A_1159 = tpu.vector_load %arg11[%swap3A_1156, %swap3A_1157, %swap3A_1158] {strides = array<i32>} : memref<2x4x64xf32, #tpu.memory_space<vmem>>, vector<16xf32>,
      tpu.vector_store %arg11[%swap3A_1156, %swap3A_1157, %swap3A_1158], %scan3A_1122#2 {strides = array<i32>} : memref<2x4x64xf32, #tpu.memory_space<vmem>>, vector<16xf32>,
      %swap3A_1160 = arith.constant 1 : i32
      %swap3A_1161 = arith.constant 2 : i32
      %swap3A_1162 = arith.index_cast %swap3A_1160 : i32 to index
      %swap3A_1163 = arith.index_cast %swap3A_1161 : i32 to index
      %swap3A_1164 = arith.constant 48 : index
      %swap3A_1165 = tpu.vector_load %arg10[%swap3A_1162, %swap3A_1163, %swap3A_1164] {strides = array<i32>} : memref<2x4x64xf32, #tpu.memory_space<vmem>>, vector<16xf32>,
      tpu.vector_store %arg10[%swap3A_1162, %swap3A_1163, %swap3A_1164], %scan3A_1116#3 {strides = array<i32>} : memref<2x4x64xf32, #tpu.memory_space<vmem>>, vector<16xf32>,
      %swap3A_1166 = arith.constant 1 : i32
      %swap3A_1167 = arith.constant 2 : i32
      %swap3A_1168 = arith.index_cast %swap3A_1166 : i32 to index
      %swap3A_1169 = arith.index_cast %swap3A_1167 : i32 to index
      %swap3A_1170 = arith.constant 48 : index
      %swap3A_1171 = tpu.vector_load %arg11[%swap3A_1168, %swap3A_1169, %swap3A_1170] {strides = array<i32>} : memref<2x4x64xf32, #tpu.memory_space<vmem>>, vector<16xf32>,
      tpu.vector_store %arg11[%swap3A_1168, %swap3A_1169, %swap3A_1170], %scan3A_1122#3 {strides = array<i32>} : memref<2x4x64xf32, #tpu.memory_space<vmem>>, vector<16xf32>,
      %broadcast_in_dim3A_1172 = arith.constant 0.000000e+00 : f32
      %broadcast_in_dim3A_1173 = vector.broadcast %broadcast_in_dim3A_1172 : f32 to vector<16xf32>
      %broadcast_in_dim3A_1174 = arith.constant 0.000000e+00 : f32
      %broadcast_in_dim3A_1175 = vector.broadcast %broadcast_in_dim3A_1174 : f32 to vector<16xf32>
      %broadcast_in_dim3A_1176 = arith.constant 0.000000e+00 : f32
      %broadcast_in_dim3A_1177 = vector.broadcast %broadcast_in_dim3A_1176 : f32 to vector<16xf32>
      %broadcast_in_dim3A_1178 = arith.constant 0.000000e+00 : f32
      %broadcast_in_dim3A_1179 = vector.broadcast %broadcast_in_dim3A_1178 : f32 to vector<16xf32>
      %scan3A_1180 = arith.constant 600 : i32
      %scan3A_1181 = arith.constant 200 : i32
      %scan3A_1182 = arith.addi %scan3A_1180, %scan3A_1181 : i32
      %scan3A_1183 = arith.constant 4 : i32
      %scan3A_1184:4 = scf.for %scan3A_1269 = %scan3A_1180 to %scan3A_1182 step %scan3A_1183 iter_args(%scan3A_1270 = %broadcast_in_dim3A_1173, %scan3A_1271 = %broadcast_in_dim3A_1175, %scan3A_1272 = %broadcast_in_dim3A_1177, %scan3A_1273 = %broadcast_in_dim3A_1179) -> (vector<16xf32>, vector<16xf32>, vector<16xf32>, vector<16xf32>)  : i32 {
        %get3A = arith.constant 1 : i32
        %get3A_1274 = arith.index_cast %get3A : i32 to index
        %get3A_1275 = arith.index_cast %scan3A_1269 : i32 to index
        %get3A_1276 = arith.constant 0 : index
        %get3A_1277 = tpu.vector_load %arg9[%get3A_1274, %get3A_1275, %get3A_1276] {strides = array<i32>} : memref<2x880x64xf32, #tpu.memory_space<vmem>>, vector<16xf32>,
        %add3A_1278 = arith.addf %scan3A_1270, %get3A_1277 : vector<16xf32>
        %get3A_1279 = arith.constant 1 : i32
        %get3A_1280 = arith.index_cast %get3A_1279 : i32 to index
        %get3A_1281 = arith.index_cast %scan3A_1269 : i32 to index
        %get3A_1282 = arith.constant 16 : index
        %get3A_1283 = tpu.vector_load %arg9[%get3A_1280, %get3A_1281, %get3A_1282] {strides = array<i32>} : memref<2x880x64xf32, #tpu.memory_space<vmem>>, vector<16xf32>,
        %add3A_1284 = arith.addf %scan3A_1271, %get3A_1283 : vector<16xf32>
        %get3A_1285 = arith.constant 1 : i32
        %get3A_1286 = arith.index_cast %get3A_1285 : i32 to index
        %get3A_1287 = arith.index_cast %scan3A_1269 : i32 to index
        %get3A_1288 = arith.constant 32 : index
        %get3A_1289 = tpu.vector_load %arg9[%get3A_1286, %get3A_1287, %get3A_1288] {strides = array<i32>} : memref<2x880x64xf32, #tpu.memory_space<vmem>>, vector<16xf32>,
        %add3A_1290 = arith.addf %scan3A_1272, %get3A_1289 : vector<16xf32>
        %get3A_1291 = arith.constant 1 : i32
        %get3A_1292 = arith.index_cast %get3A_1291 : i32 to index
        %get3A_1293 = arith.index_cast %scan3A_1269 : i32 to index
        %get3A_1294 = arith.constant 48 : index
        %get3A_1295 = tpu.vector_load %arg9[%get3A_1292, %get3A_1293, %get3A_1294] {strides = array<i32>} : memref<2x880x64xf32, #tpu.memory_space<vmem>>, vector<16xf32>,
        %add3A_1296 = arith.addf %scan3A_1273, %get3A_1295 : vector<16xf32>
        %scan3A_1297 = arith.constant 1 : i32
        %scan3A_1298 = arith.addi %scan3A_1269, %scan3A_1297 : i32
        %get3A_1299 = arith.constant 1 : i32
        %get3A_1300 = arith.index_cast %get3A_1299 : i32 to index
        %get3A_1301 = arith.index_cast %scan3A_1298 : i32 to index
        %get3A_1302 = arith.constant 0 : index
        %get3A_1303 = tpu.vector_load %arg9[%get3A_1300, %get3A_1301, %get3A_1302] {strides = array<i32>} : memref<2x880x64xf32, #tpu.memory_space<vmem>>, vector<16xf32>,
        %add3A_1304 = arith.addf %add3A_1278, %get3A_1303 : vector<16xf32>
        %get3A_1305 = arith.constant 1 : i32
        %get3A_1306 = arith.index_cast %get3A_1305 : i32 to index
        %get3A_1307 = arith.index_cast %scan3A_1298 : i32 to index
        %get3A_1308 = arith.constant 16 : index
        %get3A_1309 = tpu.vector_load %arg9[%get3A_1306, %get3A_1307, %get3A_1308] {strides = array<i32>} : memref<2x880x64xf32, #tpu.memory_space<vmem>>, vector<16xf32>,
        %add3A_1310 = arith.addf %add3A_1284, %get3A_1309 : vector<16xf32>
        %get3A_1311 = arith.constant 1 : i32
        %get3A_1312 = arith.index_cast %get3A_1311 : i32 to index
        %get3A_1313 = arith.index_cast %scan3A_1298 : i32 to index
        %get3A_1314 = arith.constant 32 : index
        %get3A_1315 = tpu.vector_load %arg9[%get3A_1312, %get3A_1313, %get3A_1314] {strides = array<i32>} : memref<2x880x64xf32, #tpu.memory_space<vmem>>, vector<16xf32>,
        %add3A_1316 = arith.addf %add3A_1290, %get3A_1315 : vector<16xf32>
        %get3A_1317 = arith.constant 1 : i32
        %get3A_1318 = arith.index_cast %get3A_1317 : i32 to index
        %get3A_1319 = arith.index_cast %scan3A_1298 : i32 to index
        %get3A_1320 = arith.constant 48 : index
        %get3A_1321 = tpu.vector_load %arg9[%get3A_1318, %get3A_1319, %get3A_1320] {strides = array<i32>} : memref<2x880x64xf32, #tpu.memory_space<vmem>>, vector<16xf32>,
        %add3A_1322 = arith.addf %add3A_1296, %get3A_1321 : vector<16xf32>
        %scan3A_1323 = arith.constant 2 : i32
        %scan3A_1324 = arith.addi %scan3A_1269, %scan3A_1323 : i32
        %get3A_1325 = arith.constant 1 : i32
        %get3A_1326 = arith.index_cast %get3A_1325 : i32 to index
        %get3A_1327 = arith.index_cast %scan3A_1324 : i32 to index
        %get3A_1328 = arith.constant 0 : index
        %get3A_1329 = tpu.vector_load %arg9[%get3A_1326, %get3A_1327, %get3A_1328] {strides = array<i32>} : memref<2x880x64xf32, #tpu.memory_space<vmem>>, vector<16xf32>,
        %add3A_1330 = arith.addf %add3A_1304, %get3A_1329 : vector<16xf32>
        %get3A_1331 = arith.constant 1 : i32
        %get3A_1332 = arith.index_cast %get3A_1331 : i32 to index
        %get3A_1333 = arith.index_cast %scan3A_1324 : i32 to index
        %get3A_1334 = arith.constant 16 : index
        %get3A_1335 = tpu.vector_load %arg9[%get3A_1332, %get3A_1333, %get3A_1334] {strides = array<i32>} : memref<2x880x64xf32, #tpu.memory_space<vmem>>, vector<16xf32>,
        %add3A_1336 = arith.addf %add3A_1310, %get3A_1335 : vector<16xf32>
        %get3A_1337 = arith.constant 1 : i32
        %get3A_1338 = arith.index_cast %get3A_1337 : i32 to index
        %get3A_1339 = arith.index_cast %scan3A_1324 : i32 to index
        %get3A_1340 = arith.constant 32 : index
        %get3A_1341 = tpu.vector_load %arg9[%get3A_1338, %get3A_1339, %get3A_1340] {strides = array<i32>} : memref<2x880x64xf32, #tpu.memory_space<vmem>>, vector<16xf32>,
        %add3A_1342 = arith.addf %add3A_1316, %get3A_1341 : vector<16xf32>
        %get3A_1343 = arith.constant 1 : i32
        %get3A_1344 = arith.index_cast %get3A_1343 : i32 to index
        %get3A_1345 = arith.index_cast %scan3A_1324 : i32 to index
        %get3A_1346 = arith.constant 48 : index
        %get3A_1347 = tpu.vector_load %arg9[%get3A_1344, %get3A_1345, %get3A_1346] {strides = array<i32>} : memref<2x880x64xf32, #tpu.memory_space<vmem>>, vector<16xf32>,
        %add3A_1348 = arith.addf %add3A_1322, %get3A_1347 : vector<16xf32>
        %scan3A_1349 = arith.constant 3 : i32
        %scan3A_1350 = arith.addi %scan3A_1269, %scan3A_1349 : i32
        %get3A_1351 = arith.constant 1 : i32
        %get3A_1352 = arith.index_cast %get3A_1351 : i32 to index
        %get3A_1353 = arith.index_cast %scan3A_1350 : i32 to index
        %get3A_1354 = arith.constant 0 : index
        %get3A_1355 = tpu.vector_load %arg9[%get3A_1352, %get3A_1353, %get3A_1354] {strides = array<i32>} : memref<2x880x64xf32, #tpu.memory_space<vmem>>, vector<16xf32>,
        %add3A_1356 = arith.addf %add3A_1330, %get3A_1355 : vector<16xf32>
        %get3A_1357 = arith.constant 1 : i32
        %get3A_1358 = arith.index_cast %get3A_1357 : i32 to index
        %get3A_1359 = arith.index_cast %scan3A_1350 : i32 to index
        %get3A_1360 = arith.constant 16 : index
        %get3A_1361 = tpu.vector_load %arg9[%get3A_1358, %get3A_1359, %get3A_1360] {strides = array<i32>} : memref<2x880x64xf32, #tpu.memory_space<vmem>>, vector<16xf32>,
        %add3A_1362 = arith.addf %add3A_1336, %get3A_1361 : vector<16xf32>
        %get3A_1363 = arith.constant 1 : i32
        %get3A_1364 = arith.index_cast %get3A_1363 : i32 to index
        %get3A_1365 = arith.index_cast %scan3A_1350 : i32 to index
        %get3A_1366 = arith.constant 32 : index
        %get3A_1367 = tpu.vector_load %arg9[%get3A_1364, %get3A_1365, %get3A_1366] {strides = array<i32>} : memref<2x880x64xf32, #tpu.memory_space<vmem>>, vector<16xf32>,
        %add3A_1368 = arith.addf %add3A_1342, %get3A_1367 : vector<16xf32>
        %get3A_1369 = arith.constant 1 : i32
        %get3A_1370 = arith.index_cast %get3A_1369 : i32 to index
        %get3A_1371 = arith.index_cast %scan3A_1350 : i32 to index
        %get3A_1372 = arith.constant 48 : index
        %get3A_1373 = tpu.vector_load %arg9[%get3A_1370, %get3A_1371, %get3A_1372] {strides = array<i32>} : memref<2x880x64xf32, #tpu.memory_space<vmem>>, vector<16xf32>,
        %add3A_1374 = arith.addf %add3A_1348, %get3A_1373 : vector<16xf32>
        scf.yield %add3A_1356, %add3A_1362, %add3A_1368, %add3A_1374 : vector<16xf32>, vector<16xf32>, vector<16xf32>, vector<16xf32>
      }
      %scan3A_1185 = arith.constant 200 : i32
      %scan3A_1186 = arith.constant 860 : i32
      %scan3A_1187 = arith.constant 20 : i32
      %scan3A_1188 = arith.addi %scan3A_1186, %scan3A_1187 : i32
      %scan3A_1189 = arith.constant 4 : i32
      %scan3A_1190:4 = scf.for %scan3A_1269 = %scan3A_1186 to %scan3A_1188 step %scan3A_1189 iter_args(%scan3A_1270 = %broadcast_in_dim3A_1173, %scan3A_1271 = %broadcast_in_dim3A_1175, %scan3A_1272 = %broadcast_in_dim3A_1177, %scan3A_1273 = %broadcast_in_dim3A_1179) -> (vector<16xf32>, vector<16xf32>, vector<16xf32>, vector<16xf32>)  : i32 {
        %get3A = arith.constant 1 : i32
        %get3A_1274 = arith.index_cast %get3A : i32 to index
        %get3A_1275 = arith.index_cast %scan3A_1269 : i32 to index
        %get3A_1276 = arith.constant 0 : index
        %get3A_1277 = tpu.vector_load %arg9[%get3A_1274, %get3A_1275, %get3A_1276] {strides = array<i32>} : memref<2x880x64xf32, #tpu.memory_space<vmem>>, vector<16xf32>,
        %add3A_1278 = arith.addf %scan3A_1270, %get3A_1277 : vector<16xf32>
        %get3A_1279 = arith.constant 1 : i32
        %get3A_1280 = arith.index_cast %get3A_1279 : i32 to index
        %get3A_1281 = arith.index_cast %scan3A_1269 : i32 to index
        %get3A_1282 = arith.constant 16 : index
        %get3A_1283 = tpu.vector_load %arg9[%get3A_1280, %get3A_1281, %get3A_1282] {strides = array<i32>} : memref<2x880x64xf32, #tpu.memory_space<vmem>>, vector<16xf32>,
        %add3A_1284 = arith.addf %scan3A_1271, %get3A_1283 : vector<16xf32>
        %get3A_1285 = arith.constant 1 : i32
        %get3A_1286 = arith.index_cast %get3A_1285 : i32 to index
        %get3A_1287 = arith.index_cast %scan3A_1269 : i32 to index
        %get3A_1288 = arith.constant 32 : index
        %get3A_1289 = tpu.vector_load %arg9[%get3A_1286, %get3A_1287, %get3A_1288] {strides = array<i32>} : memref<2x880x64xf32, #tpu.memory_space<vmem>>, vector<16xf32>,
        %add3A_1290 = arith.addf %scan3A_1272, %get3A_1289 : vector<16xf32>
        %get3A_1291 = arith.constant 1 : i32
        %get3A_1292 = arith.index_cast %get3A_1291 : i32 to index
        %get3A_1293 = arith.index_cast %scan3A_1269 : i32 to index
        %get3A_1294 = arith.constant 48 : index
        %get3A_1295 = tpu.vector_load %arg9[%get3A_1292, %get3A_1293, %get3A_1294] {strides = array<i32>} : memref<2x880x64xf32, #tpu.memory_space<vmem>>, vector<16xf32>,
        %add3A_1296 = arith.addf %scan3A_1273, %get3A_1295 : vector<16xf32>
        %scan3A_1297 = arith.constant 1 : i32
        %scan3A_1298 = arith.addi %scan3A_1269, %scan3A_1297 : i32
        %get3A_1299 = arith.constant 1 : i32
        %get3A_1300 = arith.index_cast %get3A_1299 : i32 to index
        %get3A_1301 = arith.index_cast %scan3A_1298 : i32 to index
        %get3A_1302 = arith.constant 0 : index
        %get3A_1303 = tpu.vector_load %arg9[%get3A_1300, %get3A_1301, %get3A_1302] {strides = array<i32>} : memref<2x880x64xf32, #tpu.memory_space<vmem>>, vector<16xf32>,
        %add3A_1304 = arith.addf %add3A_1278, %get3A_1303 : vector<16xf32>
        %get3A_1305 = arith.constant 1 : i32
        %get3A_1306 = arith.index_cast %get3A_1305 : i32 to index
        %get3A_1307 = arith.index_cast %scan3A_1298 : i32 to index
        %get3A_1308 = arith.constant 16 : index
        %get3A_1309 = tpu.vector_load %arg9[%get3A_1306, %get3A_1307, %get3A_1308] {strides = array<i32>} : memref<2x880x64xf32, #tpu.memory_space<vmem>>, vector<16xf32>,
        %add3A_1310 = arith.addf %add3A_1284, %get3A_1309 : vector<16xf32>
        %get3A_1311 = arith.constant 1 : i32
        %get3A_1312 = arith.index_cast %get3A_1311 : i32 to index
        %get3A_1313 = arith.index_cast %scan3A_1298 : i32 to index
        %get3A_1314 = arith.constant 32 : index
        %get3A_1315 = tpu.vector_load %arg9[%get3A_1312, %get3A_1313, %get3A_1314] {strides = array<i32>} : memref<2x880x64xf32, #tpu.memory_space<vmem>>, vector<16xf32>,
        %add3A_1316 = arith.addf %add3A_1290, %get3A_1315 : vector<16xf32>
        %get3A_1317 = arith.constant 1 : i32
        %get3A_1318 = arith.index_cast %get3A_1317 : i32 to index
        %get3A_1319 = arith.index_cast %scan3A_1298 : i32 to index
        %get3A_1320 = arith.constant 48 : index
        %get3A_1321 = tpu.vector_load %arg9[%get3A_1318, %get3A_1319, %get3A_1320] {strides = array<i32>} : memref<2x880x64xf32, #tpu.memory_space<vmem>>, vector<16xf32>,
        %add3A_1322 = arith.addf %add3A_1296, %get3A_1321 : vector<16xf32>
        %scan3A_1323 = arith.constant 2 : i32
        %scan3A_1324 = arith.addi %scan3A_1269, %scan3A_1323 : i32
        %get3A_1325 = arith.constant 1 : i32
        %get3A_1326 = arith.index_cast %get3A_1325 : i32 to index
        %get3A_1327 = arith.index_cast %scan3A_1324 : i32 to index
        %get3A_1328 = arith.constant 0 : index
        %get3A_1329 = tpu.vector_load %arg9[%get3A_1326, %get3A_1327, %get3A_1328] {strides = array<i32>} : memref<2x880x64xf32, #tpu.memory_space<vmem>>, vector<16xf32>,
        %add3A_1330 = arith.addf %add3A_1304, %get3A_1329 : vector<16xf32>
        %get3A_1331 = arith.constant 1 : i32
        %get3A_1332 = arith.index_cast %get3A_1331 : i32 to index
        %get3A_1333 = arith.index_cast %scan3A_1324 : i32 to index
        %get3A_1334 = arith.constant 16 : index
        %get3A_1335 = tpu.vector_load %arg9[%get3A_1332, %get3A_1333, %get3A_1334] {strides = array<i32>} : memref<2x880x64xf32, #tpu.memory_space<vmem>>, vector<16xf32>,
        %add3A_1336 = arith.addf %add3A_1310, %get3A_1335 : vector<16xf32>
        %get3A_1337 = arith.constant 1 : i32
        %get3A_1338 = arith.index_cast %get3A_1337 : i32 to index
        %get3A_1339 = arith.index_cast %scan3A_1324 : i32 to index
        %get3A_1340 = arith.constant 32 : index
        %get3A_1341 = tpu.vector_load %arg9[%get3A_1338, %get3A_1339, %get3A_1340] {strides = array<i32>} : memref<2x880x64xf32, #tpu.memory_space<vmem>>, vector<16xf32>,
        %add3A_1342 = arith.addf %add3A_1316, %get3A_1341 : vector<16xf32>
        %get3A_1343 = arith.constant 1 : i32
        %get3A_1344 = arith.index_cast %get3A_1343 : i32 to index
        %get3A_1345 = arith.index_cast %scan3A_1324 : i32 to index
        %get3A_1346 = arith.constant 48 : index
        %get3A_1347 = tpu.vector_load %arg9[%get3A_1344, %get3A_1345, %get3A_1346] {strides = array<i32>} : memref<2x880x64xf32, #tpu.memory_space<vmem>>, vector<16xf32>,
        %add3A_1348 = arith.addf %add3A_1322, %get3A_1347 : vector<16xf32>
        %scan3A_1349 = arith.constant 3 : i32
        %scan3A_1350 = arith.addi %scan3A_1269, %scan3A_1349 : i32
        %get3A_1351 = arith.constant 1 : i32
        %get3A_1352 = arith.index_cast %get3A_1351 : i32 to index
        %get3A_1353 = arith.index_cast %scan3A_1350 : i32 to index
        %get3A_1354 = arith.constant 0 : index
        %get3A_1355 = tpu.vector_load %arg9[%get3A_1352, %get3A_1353, %get3A_1354] {strides = array<i32>} : memref<2x880x64xf32, #tpu.memory_space<vmem>>, vector<16xf32>,
        %add3A_1356 = arith.addf %add3A_1330, %get3A_1355 : vector<16xf32>
        %get3A_1357 = arith.constant 1 : i32
        %get3A_1358 = arith.index_cast %get3A_1357 : i32 to index
        %get3A_1359 = arith.index_cast %scan3A_1350 : i32 to index
        %get3A_1360 = arith.constant 16 : index
        %get3A_1361 = tpu.vector_load %arg9[%get3A_1358, %get3A_1359, %get3A_1360] {strides = array<i32>} : memref<2x880x64xf32, #tpu.memory_space<vmem>>, vector<16xf32>,
        %add3A_1362 = arith.addf %add3A_1336, %get3A_1361 : vector<16xf32>
        %get3A_1363 = arith.constant 1 : i32
        %get3A_1364 = arith.index_cast %get3A_1363 : i32 to index
        %get3A_1365 = arith.index_cast %scan3A_1350 : i32 to index
        %get3A_1366 = arith.constant 32 : index
        %get3A_1367 = tpu.vector_load %arg9[%get3A_1364, %get3A_1365, %get3A_1366] {strides = array<i32>} : memref<2x880x64xf32, #tpu.memory_space<vmem>>, vector<16xf32>,
        %add3A_1368 = arith.addf %add3A_1342, %get3A_1367 : vector<16xf32>
        %get3A_1369 = arith.constant 1 : i32
        %get3A_1370 = arith.index_cast %get3A_1369 : i32 to index
        %get3A_1371 = arith.index_cast %scan3A_1350 : i32 to index
        %get3A_1372 = arith.constant 48 : index
        %get3A_1373 = tpu.vector_load %arg9[%get3A_1370, %get3A_1371, %get3A_1372] {strides = array<i32>} : memref<2x880x64xf32, #tpu.memory_space<vmem>>, vector<16xf32>,
        %add3A_1374 = arith.addf %add3A_1348, %get3A_1373 : vector<16xf32>
        scf.yield %add3A_1356, %add3A_1362, %add3A_1368, %add3A_1374 : vector<16xf32>, vector<16xf32>, vector<16xf32>, vector<16xf32>
      }
      %scan3A_1191 = arith.constant 20 : i32
      %swap3A_1192 = arith.constant 1 : i32
      %swap3A_1193 = arith.constant 3 : i32
      %swap3A_1194 = arith.index_cast %swap3A_1192 : i32 to index
      %swap3A_1195 = arith.index_cast %swap3A_1193 : i32 to index
      %swap3A_1196 = arith.constant 0 : index
      %swap3A_1197 = tpu.vector_load %arg10[%swap3A_1194, %swap3A_1195, %swap3A_1196] {strides = array<i32>} : memref<2x4x64xf32, #tpu.memory_space<vmem>>, vector<16xf32>,
      tpu.vector_store %arg10[%swap3A_1194, %swap3A_1195, %swap3A_1196], %scan3A_1184#0 {strides = array<i32>} : memref<2x4x64xf32, #tpu.memory_space<vmem>>, vector<16xf32>,
      %swap3A_1198 = arith.constant 1 : i32
      %swap3A_1199 = arith.constant 3 : i32
      %swap3A_1200 = arith.index_cast %swap3A_1198 : i32 to index
      %swap3A_1201 = arith.index_cast %swap3A_1199 : i32 to index
      %swap3A_1202 = arith.constant 0 : index
      %swap3A_1203 = tpu.vector_load %arg11[%swap3A_1200, %swap3A_1201, %swap3A_1202] {strides = array<i32>} : memref<2x4x64xf32, #tpu.memory_space<vmem>>, vector<16xf32>,
      tpu.vector_store %arg11[%swap3A_1200, %swap3A_1201, %swap3A_1202], %scan3A_1190#0 {strides = array<i32>} : memref<2x4x64xf32, #tpu.memory_space<vmem>>, vector<16xf32>,
      %swap3A_1204 = arith.constant 1 : i32
      %swap3A_1205 = arith.constant 3 : i32
      %swap3A_1206 = arith.index_cast %swap3A_1204 : i32 to index
      %swap3A_1207 = arith.index_cast %swap3A_1205 : i32 to index
      %swap3A_1208 = arith.constant 16 : index
      %swap3A_1209 = tpu.vector_load %arg10[%swap3A_1206, %swap3A_1207, %swap3A_1208] {strides = array<i32>} : memref<2x4x64xf32, #tpu.memory_space<vmem>>, vector<16xf32>,
      tpu.vector_store %arg10[%swap3A_1206, %swap3A_1207, %swap3A_1208], %scan3A_1184#1 {strides = array<i32>} : memref<2x4x64xf32, #tpu.memory_space<vmem>>, vector<16xf32>,
      %swap3A_1210 = arith.constant 1 : i32
      %swap3A_1211 = arith.constant 3 : i32
      %swap3A_1212 = arith.index_cast %swap3A_1210 : i32 to index
      %swap3A_1213 = arith.index_cast %swap3A_1211 : i32 to index
      %swap3A_1214 = arith.constant 16 : index
      %swap3A_1215 = tpu.vector_load %arg11[%swap3A_1212, %swap3A_1213, %swap3A_1214] {strides = array<i32>} : memref<2x4x64xf32, #tpu.memory_space<vmem>>, vector<16xf32>,
      tpu.vector_store %arg11[%swap3A_1212, %swap3A_1213, %swap3A_1214], %scan3A_1190#1 {strides = array<i32>} : memref<2x4x64xf32, #tpu.memory_space<vmem>>, vector<16xf32>,
      %swap3A_1216 = arith.constant 1 : i32
      %swap3A_1217 = arith.constant 3 : i32
      %swap3A_1218 = arith.index_cast %swap3A_1216 : i32 to index
      %swap3A_1219 = arith.index_cast %swap3A_1217 : i32 to index
      %swap3A_1220 = arith.constant 32 : index
      %swap3A_1221 = tpu.vector_load %arg10[%swap3A_1218, %swap3A_1219, %swap3A_1220] {strides = array<i32>} : memref<2x4x64xf32, #tpu.memory_space<vmem>>, vector<16xf32>,
      tpu.vector_store %arg10[%swap3A_1218, %swap3A_1219, %swap3A_1220], %scan3A_1184#2 {strides = array<i32>} : memref<2x4x64xf32, #tpu.memory_space<vmem>>, vector<16xf32>,
      %swap3A_1222 = arith.constant 1 : i32
      %swap3A_1223 = arith.constant 3 : i32
      %swap3A_1224 = arith.index_cast %swap3A_1222 : i32 to index
      %swap3A_1225 = arith.index_cast %swap3A_1223 : i32 to index
      %swap3A_1226 = arith.constant 32 : index
      %swap3A_1227 = tpu.vector_load %arg11[%swap3A_1224, %swap3A_1225, %swap3A_1226] {strides = array<i32>} : memref<2x4x64xf32, #tpu.memory_space<vmem>>, vector<16xf32>,
      tpu.vector_store %arg11[%swap3A_1224, %swap3A_1225, %swap3A_1226], %scan3A_1190#2 {strides = array<i32>} : memref<2x4x64xf32, #tpu.memory_space<vmem>>, vector<16xf32>,
      %swap3A_1228 = arith.constant 1 : i32
      %swap3A_1229 = arith.constant 3 : i32
      %swap3A_1230 = arith.index_cast %swap3A_1228 : i32 to index
      %swap3A_1231 = arith.index_cast %swap3A_1229 : i32 to index
      %swap3A_1232 = arith.constant 48 : index
      %swap3A_1233 = tpu.vector_load %arg10[%swap3A_1230, %swap3A_1231, %swap3A_1232] {strides = array<i32>} : memref<2x4x64xf32, #tpu.memory_space<vmem>>, vector<16xf32>,
      tpu.vector_store %arg10[%swap3A_1230, %swap3A_1231, %swap3A_1232], %scan3A_1184#3 {strides = array<i32>} : memref<2x4x64xf32, #tpu.memory_space<vmem>>, vector<16xf32>,
      %swap3A_1234 = arith.constant 1 : i32
      %swap3A_1235 = arith.constant 3 : i32
      %swap3A_1236 = arith.index_cast %swap3A_1234 : i32 to index
      %swap3A_1237 = arith.index_cast %swap3A_1235 : i32 to index
      %swap3A_1238 = arith.constant 48 : index
      %swap3A_1239 = tpu.vector_load %arg11[%swap3A_1236, %swap3A_1237, %swap3A_1238] {strides = array<i32>} : memref<2x4x64xf32, #tpu.memory_space<vmem>>, vector<16xf32>,
      tpu.vector_store %arg11[%swap3A_1236, %swap3A_1237, %swap3A_1238], %scan3A_1190#3 {strides = array<i32>} : memref<2x4x64xf32, #tpu.memory_space<vmem>>, vector<16xf32>,
      %mul3A_1240 = arith.constant 4 : i32
      %mul3A_1241 = arith.muli %add3A_819, %mul3A_1240 : i32
      %add3A_1242 = arith.addi %mul3A_2, %mul3A_1241 : i32
      %dma_start3A_1243 = arith.constant 1 : i32
      %dma_start3A_1244 = arith.constant 0 : i32
      %dma_start3A_1245 = arith.constant 0 : i32
      %dma_start3A_1246 = tpu.memref_slice %arg10[%dma_start3A_1243, %dma_start3A_1244, %dma_start3A_1245] : memref<2x4x64xf32, #tpu.memory_space<vmem>> -> memref<1x4x64xf32, #tpu.memory_space<vmem>>
      %dma_start3A_1247 = tpu.memref_squeeze %dma_start3A_1246 : memref<1x4x64xf32, #tpu.memory_space<vmem>> -> memref<4x64xf32, #tpu.memory_space<vmem>>
      %dma_start3A_1248 = arith.constant 0 : i32
      %dma_start3A_1249 = tpu.memref_slice %arg5[%add3A_1242, %dma_start3A_1248] : memref<16384x64xf32, #tpu.memory_space<hbm>> -> memref<4x64xf32, #tpu.memory_space<hbm>>
      %dma_start3A_1250 = arith.constant 0 : i32
      %dma_start3A_1251 = tpu.memref_slice %arg5[%add3A_1242, %dma_start3A_1250] : memref<16384x64xf32, #tpu.memory_space<hbm>> -> memref<4x64xf32, #tpu.memory_space<hbm>>
      %dma_start3A_1252 = arith.constant 0 : i32
      %dma_start3A_1253 = arith.constant 0 : i32
      %dma_start3A_1254 = tpu.memref_slice %arg10[%dma_start3A_1243, %dma_start3A_1252, %dma_start3A_1253] : memref<2x4x64xf32, #tpu.memory_space<vmem>> -> memref<1x4x64xf32, #tpu.memory_space<vmem>>
      %dma_start3A_1255 = tpu.memref_squeeze %dma_start3A_1254 : memref<1x4x64xf32, #tpu.memory_space<vmem>> -> memref<4x64xf32, #tpu.memory_space<vmem>>
      tpu.enqueue_dma source(%dma_start3A_1255 : memref<4x64xf32, #tpu.memory_space<vmem>>) target(%dma_start3A_1251 : memref<4x64xf32, #tpu.memory_space<hbm>>) target_semaphore(%arg15 : memref<!tpu.dma_semaphore, #tpu.memory_space<semaphore_mem>>)
      %dma_start3A_1256 = arith.constant 1 : i32
      %dma_start3A_1257 = arith.constant 0 : i32
      %dma_start3A_1258 = arith.constant 0 : i32
      %dma_start3A_1259 = tpu.memref_slice %arg11[%dma_start3A_1256, %dma_start3A_1257, %dma_start3A_1258] : memref<2x4x64xf32, #tpu.memory_space<vmem>> -> memref<1x4x64xf32, #tpu.memory_space<vmem>>
      %dma_start3A_1260 = tpu.memref_squeeze %dma_start3A_1259 : memref<1x4x64xf32, #tpu.memory_space<vmem>> -> memref<4x64xf32, #tpu.memory_space<vmem>>
      %dma_start3A_1261 = arith.constant 0 : i32
      %dma_start3A_1262 = tpu.memref_slice %arg6[%add3A_1242, %dma_start3A_1261] : memref<16384x64xf32, #tpu.memory_space<hbm>> -> memref<4x64xf32, #tpu.memory_space<hbm>>
      %dma_start3A_1263 = arith.constant 0 : i32
      %dma_start3A_1264 = tpu.memref_slice %arg6[%add3A_1242, %dma_start3A_1263] : memref<16384x64xf32, #tpu.memory_space<hbm>> -> memref<4x64xf32, #tpu.memory_space<hbm>>
      %dma_start3A_1265 = arith.constant 0 : i32
      %dma_start3A_1266 = arith.constant 0 : i32
      %dma_start3A_1267 = tpu.memref_slice %arg11[%dma_start3A_1256, %dma_start3A_1265, %dma_start3A_1266] : memref<2x4x64xf32, #tpu.memory_space<vmem>> -> memref<1x4x64xf32, #tpu.memory_space<vmem>>
      %dma_start3A_1268 = tpu.memref_squeeze %dma_start3A_1267 : memref<1x4x64xf32, #tpu.memory_space<vmem>> -> memref<4x64xf32, #tpu.memory_space<vmem>>
      tpu.enqueue_dma source(%dma_start3A_1268 : memref<4x64xf32, #tpu.memory_space<vmem>>) target(%dma_start3A_1264 : memref<4x64xf32, #tpu.memory_space<hbm>>) target_semaphore(%arg15 : memref<!tpu.dma_semaphore, #tpu.memory_space<semaphore_mem>>)
    }
    %scan3A_158 = arith.constant 64 : i32
    %add3A_159 = arith.constant 504 : i32
    %add3A_160 = arith.addi %mul3A_2, %add3A_159 : i32
    %dma_wait3A = arith.constant 0 : i32
    %dma_wait3A_161 = arith.constant 0 : i32
    %dma_wait3A_162 = arith.constant 0 : i32
    %dma_wait3A_163 = tpu.memref_slice %arg10[%dma_wait3A, %dma_wait3A_161, %dma_wait3A_162] : memref<2x4x64xf32, #tpu.memory_space<vmem>> -> memref<1x4x64xf32, #tpu.memory_space<vmem>>
    %dma_wait3A_164 = tpu.memref_squeeze %dma_wait3A_163 : memref<1x4x64xf32, #tpu.memory_space<vmem>> -> memref<4x64xf32, #tpu.memory_space<vmem>>
    %dma_wait3A_165 = arith.constant 0 : i32
    %dma_wait3A_166 = tpu.memref_slice %arg5[%add3A_160, %dma_wait3A_165] : memref<16384x64xf32, #tpu.memory_space<hbm>> -> memref<4x64xf32, #tpu.memory_space<hbm>>
    %dma_wait3A_167 = arith.constant 0 : i32
    %dma_wait3A_168 = tpu.memref_slice %arg5[%add3A_160, %dma_wait3A_167] : memref<16384x64xf32, #tpu.memory_space<hbm>> -> memref<4x64xf32, #tpu.memory_space<hbm>>
    %dma_wait3A_169 = arith.constant 0 : i32
    %dma_wait3A_170 = arith.constant 0 : i32
    %dma_wait3A_171 = tpu.memref_slice %arg10[%dma_wait3A, %dma_wait3A_169, %dma_wait3A_170] : memref<2x4x64xf32, #tpu.memory_space<vmem>> -> memref<1x4x64xf32, #tpu.memory_space<vmem>>
    %dma_wait3A_172 = tpu.memref_squeeze %dma_wait3A_171 : memref<1x4x64xf32, #tpu.memory_space<vmem>> -> memref<4x64xf32, #tpu.memory_space<vmem>>
    tpu.wait_dma2 semaphore(%arg14 : memref<!tpu.dma_semaphore, #tpu.memory_space<semaphore_mem>>) src(%dma_wait3A_172 : memref<4x64xf32, #tpu.memory_space<vmem>>) dst(%dma_wait3A_168 : memref<4x64xf32, #tpu.memory_space<hbm>>)
    %dma_wait3A_173 = arith.constant 0 : i32
    %dma_wait3A_174 = arith.constant 0 : i32
    %dma_wait3A_175 = arith.constant 0 : i32
    %dma_wait3A_176 = tpu.memref_slice %arg11[%dma_wait3A_173, %dma_wait3A_174, %dma_wait3A_175] : memref<2x4x64xf32, #tpu.memory_space<vmem>> -> memref<1x4x64xf32, #tpu.memory_space<vmem>>
    %dma_wait3A_177 = tpu.memref_squeeze %dma_wait3A_176 : memref<1x4x64xf32, #tpu.memory_space<vmem>> -> memref<4x64xf32, #tpu.memory_space<vmem>>
    %dma_wait3A_178 = arith.constant 0 : i32
    %dma_wait3A_179 = tpu.memref_slice %arg6[%add3A_160, %dma_wait3A_178] : memref<16384x64xf32, #tpu.memory_space<hbm>> -> memref<4x64xf32, #tpu.memory_space<hbm>>
    %dma_wait3A_180 = arith.constant 0 : i32
    %dma_wait3A_181 = tpu.memref_slice %arg6[%add3A_160, %dma_wait3A_180] : memref<16384x64xf32, #tpu.memory_space<hbm>> -> memref<4x64xf32, #tpu.memory_space<hbm>>
    %dma_wait3A_182 = arith.constant 0 : i32
    %dma_wait3A_183 = arith.constant 0 : i32
    %dma_wait3A_184 = tpu.memref_slice %arg11[%dma_wait3A_173, %dma_wait3A_182, %dma_wait3A_183] : memref<2x4x64xf32, #tpu.memory_space<vmem>> -> memref<1x4x64xf32, #tpu.memory_space<vmem>>
    %dma_wait3A_185 = tpu.memref_squeeze %dma_wait3A_184 : memref<1x4x64xf32, #tpu.memory_space<vmem>> -> memref<4x64xf32, #tpu.memory_space<vmem>>
    tpu.wait_dma2 semaphore(%arg14 : memref<!tpu.dma_semaphore, #tpu.memory_space<semaphore_mem>>) src(%dma_wait3A_185 : memref<4x64xf32, #tpu.memory_space<vmem>>) dst(%dma_wait3A_181 : memref<4x64xf32, #tpu.memory_space<hbm>>)
    %add3A_186 = arith.constant 508 : i32
    %add3A_187 = arith.addi %mul3A_2, %add3A_186 : i32
    %dma_wait3A_188 = arith.constant 1 : i32
    %dma_wait3A_189 = arith.constant 0 : i32
    %dma_wait3A_190 = arith.constant 0 : i32
    %dma_wait3A_191 = tpu.memref_slice %arg10[%dma_wait3A_188, %dma_wait3A_189, %dma_wait3A_190] : memref<2x4x64xf32, #tpu.memory_space<vmem>> -> memref<1x4x64xf32, #tpu.memory_space<vmem>>
    %dma_wait3A_192 = tpu.memref_squeeze %dma_wait3A_191 : memref<1x4x64xf32, #tpu.memory_space<vmem>> -> memref<4x64xf32, #tpu.memory_space<vmem>>
    %dma_wait3A_193 = arith.constant 0 : i32
    %dma_wait3A_194 = tpu.memref_slice %arg5[%add3A_187, %dma_wait3A_193] : memref<16384x64xf32, #tpu.memory_space<hbm>> -> memref<4x64xf32, #tpu.memory_space<hbm>>
    %dma_wait3A_195 = arith.constant 0 : i32
    %dma_wait3A_196 = tpu.memref_slice %arg5[%add3A_187, %dma_wait3A_195] : memref<16384x64xf32, #tpu.memory_space<hbm>> -> memref<4x64xf32, #tpu.memory_space<hbm>>
    %dma_wait3A_197 = arith.constant 0 : i32
    %dma_wait3A_198 = arith.constant 0 : i32
    %dma_wait3A_199 = tpu.memref_slice %arg10[%dma_wait3A_188, %dma_wait3A_197, %dma_wait3A_198] : memref<2x4x64xf32, #tpu.memory_space<vmem>> -> memref<1x4x64xf32, #tpu.memory_space<vmem>>
    %dma_wait3A_200 = tpu.memref_squeeze %dma_wait3A_199 : memref<1x4x64xf32, #tpu.memory_space<vmem>> -> memref<4x64xf32, #tpu.memory_space<vmem>>
    tpu.wait_dma2 semaphore(%arg15 : memref<!tpu.dma_semaphore, #tpu.memory_space<semaphore_mem>>) src(%dma_wait3A_200 : memref<4x64xf32, #tpu.memory_space<vmem>>) dst(%dma_wait3A_196 : memref<4x64xf32, #tpu.memory_space<hbm>>)
    %dma_wait3A_201 = arith.constant 1 : i32
    %dma_wait3A_202 = arith.constant 0 : i32
    %dma_wait3A_203 = arith.constant 0 : i32
    %dma_wait3A_204 = tpu.memref_slice %arg11[%dma_wait3A_201, %dma_wait3A_202, %dma_wait3A_203] : memref<2x4x64xf32, #tpu.memory_space<vmem>> -> memref<1x4x64xf32, #tpu.memory_space<vmem>>
    %dma_wait3A_205 = tpu.memref_squeeze %dma_wait3A_204 : memref<1x4x64xf32, #tpu.memory_space<vmem>> -> memref<4x64xf32, #tpu.memory_space<vmem>>
    %dma_wait3A_206 = arith.constant 0 : i32
    %dma_wait3A_207 = tpu.memref_slice %arg6[%add3A_187, %dma_wait3A_206] : memref<16384x64xf32, #tpu.memory_space<hbm>> -> memref<4x64xf32, #tpu.memory_space<hbm>>
    %dma_wait3A_208 = arith.constant 0 : i32
    %dma_wait3A_209 = tpu.memref_slice %arg6[%add3A_187, %dma_wait3A_208] : memref<16384x64xf32, #tpu.memory_space<hbm>> -> memref<4x64xf32, #tpu.memory_space<hbm>>
    %dma_wait3A_210 = arith.constant 0 : i32
    %dma_wait3A_211 = arith.constant 0 : i32
    %dma_wait3A_212 = tpu.memref_slice %arg11[%dma_wait3A_201, %dma_wait3A_210, %dma_wait3A_211] : memref<2x4x64xf32, #tpu.memory_space<vmem>> -> memref<1x4x64xf32, #tpu.memory_space<vmem>>
    %dma_wait3A_213 = tpu.memref_squeeze %dma_wait3A_212 : memref<1x4x64xf32, #tpu.memory_space<vmem>> -> memref<4x64xf32, #tpu.memory_space<vmem>>
    tpu.wait_dma2 semaphore(%arg15 : memref<!tpu.dma_semaphore, #tpu.memory_space<semaphore_mem>>) src(%dma_wait3A_213 : memref<4x64xf32, #tpu.memory_space<vmem>>) dst(%dma_wait3A_209 : memref<4x64xf32, #tpu.memory_space<hbm>>)
    return
  }
}

module attributes {stable_mosaic.version = 14 : i64} {
  func.func @body(%arg0: i32, %arg1: memref<2048x64xf32, #tpu.memory_space<vmem>>, %arg2: memref<2048x64xf32, #tpu.memory_space<vmem>>, %arg3: memref<2048x200xi32, #tpu.memory_space<vmem>>, %arg4: memref<2048x20xi32, #tpu.memory_space<vmem>>, %arg5: memref<64x128xf32, #tpu.memory_space<vmem>>, %arg6: memref<1x128xf32, #tpu.memory_space<vmem>>, %arg7: memref<64x128xf32, #tpu.memory_space<vmem>>, %arg8: memref<1x128xf32, #tpu.memory_space<vmem>>, %arg9: memref<128x128xf32, #tpu.memory_space<vmem>>, %arg10: memref<128x128xf32, #tpu.memory_space<vmem>>, %arg11: memref<1x128xf32, #tpu.memory_space<vmem>>, %arg12: memref<1x128xf32, #tpu.memory_space<vmem>>, %arg13: memref<1x1xf32, #tpu.memory_space<vmem>>, %arg14: memref<2048x1xf32, #tpu.memory_space<vmem>>) attributes {dimension_semantics = [#tpu.dimension_semantics<arbitrary>], iteration_bounds = array<i64: 8>, scalar_prefetch = 0 : i64, scratch_operands = 0 : i64, tpu.core_type = #tpu.core_type<tc>, window_params = [{transform_indices = @transform_0, window_bounds = array<i64: 2048, 64>}, {transform_indices = @transform_1, window_bounds = array<i64: 2048, 64>}, {transform_indices = @transform_2, window_bounds = array<i64: 2048, 200>}, {transform_indices = @transform_3, window_bounds = array<i64: 2048, 20>}, {pipeline_mode = #tpu.pipeline_mode<synchronous>, transform_indices = @transform_4, window_bounds = array<i64: 64, 128>}, {pipeline_mode = #tpu.pipeline_mode<synchronous>, transform_indices = @transform_5, window_bounds = array<i64: 1, 128>}, {pipeline_mode = #tpu.pipeline_mode<synchronous>, transform_indices = @transform_6, window_bounds = array<i64: 64, 128>}, {pipeline_mode = #tpu.pipeline_mode<synchronous>, transform_indices = @transform_7, window_bounds = array<i64: 1, 128>}, {pipeline_mode = #tpu.pipeline_mode<synchronous>, transform_indices = @transform_8, window_bounds = array<i64: 128, 128>}, {pipeline_mode = #tpu.pipeline_mode<synchronous>, transform_indices = @transform_9, window_bounds = array<i64: 128, 128>}, {pipeline_mode = #tpu.pipeline_mode<synchronous>, transform_indices = @transform_10, window_bounds = array<i64: 1, 128>}, {pipeline_mode = #tpu.pipeline_mode<synchronous>, transform_indices = @transform_11, window_bounds = array<i64: 1, 128>}, {pipeline_mode = #tpu.pipeline_mode<synchronous>, transform_indices = @transform_12, window_bounds = array<i64: 1, 1>}, {transform_indices = @transform_13, window_bounds = array<i64: 2048, 1>}]} {
    %get3A = arith.constant 0 : index
    %get3A_0 = arith.constant 0 : index
    %get3A_1 = vector.load %arg3[%get3A, %get3A_0] : memref<2048x200xi32, #tpu.memory_space<vmem>>, vector<2048x200xi32>
    %ne3A = arith.constant 0 : i32
    %ne3A_2 = vector.broadcast %ne3A : i32 to vector<2048x200xi32>
    %ne3A_3 = arith.cmpi ne, %get3A_1, %ne3A_2 : vector<2048x200xi32>
    %convert_element_type3A = arith.extui %ne3A_3 : vector<2048x200xi1> to vector<2048x200xi32>
    %convert_element_type3A_4 = arith.sitofp %convert_element_type3A : vector<2048x200xi32> to vector<2048x200xf32>
    %reduce_sum3A = arith.constant dense<0.000000e+00> : vector<2048xf32>
    %reduce_sum3A_5 = vector.multi_reduction <add>, %convert_element_type3A_4, %reduce_sum3A [1] : vector<2048x200xf32> to vector<2048xf32>
    %broadcast_in_dim3A = vector.shape_cast %reduce_sum3A_5 : vector<2048xf32> to vector<2048x1xf32>
    %get3A_6 = arith.constant 0 : index
    %get3A_7 = arith.constant 0 : index
    %get3A_8 = vector.load %arg4[%get3A_6, %get3A_7] : memref<2048x20xi32, #tpu.memory_space<vmem>>, vector<2048x20xi32>
    %ne3A_9 = arith.constant 0 : i32
    %ne3A_10 = vector.broadcast %ne3A_9 : i32 to vector<2048x20xi32>
    %ne3A_11 = arith.cmpi ne, %get3A_8, %ne3A_10 : vector<2048x20xi32>
    %convert_element_type3A_12 = arith.extui %ne3A_11 : vector<2048x20xi1> to vector<2048x20xi32>
    %convert_element_type3A_13 = arith.sitofp %convert_element_type3A_12 : vector<2048x20xi32> to vector<2048x20xf32>
    %reduce_sum3A_14 = arith.constant dense<0.000000e+00> : vector<2048xf32>
    %reduce_sum3A_15 = vector.multi_reduction <add>, %convert_element_type3A_13, %reduce_sum3A_14 [1] : vector<2048x20xf32> to vector<2048xf32>
    %broadcast_in_dim3A_16 = vector.shape_cast %reduce_sum3A_15 : vector<2048xf32> to vector<2048x1xf32>
    %get3A_17 = arith.constant 0 : index
    %get3A_18 = arith.constant 0 : index
    %get3A_19 = vector.load %arg1[%get3A_17, %get3A_18] : memref<2048x64xf32, #tpu.memory_space<vmem>>, vector<2048x64xf32>
    %max3A = arith.constant 1.000000e+00 : f32
    %max3A_20 = vector.broadcast %max3A : f32 to vector<2048x1xf32>
    %max3A_21 = arith.maximumf %broadcast_in_dim3A, %max3A_20 : vector<2048x1xf32>
    %div3A = vector.broadcast %max3A_21 : vector<2048x1xf32> to vector<2048x64xf32>
    %div3A_22 = arith.divf %get3A_19, %div3A : vector<2048x64xf32>
    %get3A_23 = arith.constant 0 : index
    %get3A_24 = arith.constant 0 : index
    %get3A_25 = vector.load %arg2[%get3A_23, %get3A_24] : memref<2048x64xf32, #tpu.memory_space<vmem>>, vector<2048x64xf32>
    %max3A_26 = arith.constant 1.000000e+00 : f32
    %max3A_27 = vector.broadcast %max3A_26 : f32 to vector<2048x1xf32>
    %max3A_28 = arith.maximumf %broadcast_in_dim3A_16, %max3A_27 : vector<2048x1xf32>
    %div3A_29 = vector.broadcast %max3A_28 : vector<2048x1xf32> to vector<2048x64xf32>
    %div3A_30 = arith.divf %get3A_25, %div3A_29 : vector<2048x64xf32>
    %get3A_31 = arith.constant 0 : index
    %get3A_32 = arith.constant 0 : index
    %get3A_33 = vector.load %arg5[%get3A_31, %get3A_32] : memref<64x128xf32, #tpu.memory_space<vmem>>, vector<64x128xf32>
    %dot_general3A = arith.constant dense<0.000000e+00> : vector<2048x128xf32>
    %dot_general3A_34 = tpu.matmul %div3A_22, %get3A_33, %dot_general3A {dimension_numbers = #tpu.dot_dimension_numbers<[1], [0], [0], [1], [0, 0, 1, 1], [], []>, transpose_lhs_hint = false} : vector<2048x64xf32>, vector<64x128xf32>, vector<2048x128xf32> -> vector<2048x128xf32>
    %get3A_35 = arith.constant 0 : index
    %get3A_36 = arith.constant 0 : index
    %get3A_37 = vector.load %arg6[%get3A_35, %get3A_36] : memref<1x128xf32, #tpu.memory_space<vmem>>, vector<1x128xf32>
    %add3A = vector.broadcast %get3A_37 : vector<1x128xf32> to vector<2048x128xf32>
    %add3A_38 = arith.addf %dot_general3A_34, %add3A : vector<2048x128xf32>
    %tanh3A = math.tanh %add3A_38 : vector<2048x128xf32>
    %get3A_39 = arith.constant 0 : index
    %get3A_40 = arith.constant 0 : index
    %get3A_41 = vector.load %arg7[%get3A_39, %get3A_40] : memref<64x128xf32, #tpu.memory_space<vmem>>, vector<64x128xf32>
    %dot_general3A_42 = arith.constant dense<0.000000e+00> : vector<2048x128xf32>
    %dot_general3A_43 = tpu.matmul %div3A_30, %get3A_41, %dot_general3A_42 {dimension_numbers = #tpu.dot_dimension_numbers<[1], [0], [0], [1], [0, 0, 1, 1], [], []>, transpose_lhs_hint = false} : vector<2048x64xf32>, vector<64x128xf32>, vector<2048x128xf32> -> vector<2048x128xf32>
    %get3A_44 = arith.constant 0 : index
    %get3A_45 = arith.constant 0 : index
    %get3A_46 = vector.load %arg8[%get3A_44, %get3A_45] : memref<1x128xf32, #tpu.memory_space<vmem>>, vector<1x128xf32>
    %add3A_47 = vector.broadcast %get3A_46 : vector<1x128xf32> to vector<2048x128xf32>
    %add3A_48 = arith.addf %dot_general3A_43, %add3A_47 : vector<2048x128xf32>
    %tanh3A_49 = math.tanh %add3A_48 : vector<2048x128xf32>
    %max3A_50 = arith.constant 0.000000e+00 : f32
    %max3A_51 = vector.broadcast %max3A_50 : f32 to vector<2048x128xf32>
    %max3A_52 = arith.maximumf %tanh3A, %max3A_51 : vector<2048x128xf32>
    %max3A_53 = arith.constant 0.000000e+00 : f32
    %max3A_54 = vector.broadcast %max3A_53 : f32 to vector<2048x128xf32>
    %max3A_55 = arith.maximumf %tanh3A_49, %max3A_54 : vector<2048x128xf32>
    %get3A_56 = arith.constant 0 : index
    %get3A_57 = arith.constant 0 : index
    %get3A_58 = vector.load %arg9[%get3A_56, %get3A_57] : memref<128x128xf32, #tpu.memory_space<vmem>>, vector<128x128xf32>
    %dot_general3A_59 = arith.constant dense<0.000000e+00> : vector<2048x128xf32>
    %dot_general3A_60 = tpu.matmul %max3A_52, %get3A_58, %dot_general3A_59 {dimension_numbers = #tpu.dot_dimension_numbers<[1], [0], [0], [1], [0, 0, 1, 1], [], []>, transpose_lhs_hint = false} : vector<2048x128xf32>, vector<128x128xf32>, vector<2048x128xf32> -> vector<2048x128xf32>
    %get3A_61 = arith.constant 0 : index
    %get3A_62 = arith.constant 0 : index
    %get3A_63 = vector.load %arg10[%get3A_61, %get3A_62] : memref<128x128xf32, #tpu.memory_space<vmem>>, vector<128x128xf32>
    %dot_general3A_64 = arith.constant dense<0.000000e+00> : vector<2048x128xf32>
    %dot_general3A_65 = tpu.matmul %max3A_55, %get3A_63, %dot_general3A_64 {dimension_numbers = #tpu.dot_dimension_numbers<[1], [0], [0], [1], [0, 0, 1, 1], [], []>, transpose_lhs_hint = false} : vector<2048x128xf32>, vector<128x128xf32>, vector<2048x128xf32> -> vector<2048x128xf32>
    %add3A_66 = arith.addf %dot_general3A_60, %dot_general3A_65 : vector<2048x128xf32>
    %get3A_67 = arith.constant 0 : index
    %get3A_68 = arith.constant 0 : index
    %get3A_69 = vector.load %arg11[%get3A_67, %get3A_68] : memref<1x128xf32, #tpu.memory_space<vmem>>, vector<1x128xf32>
    %add3A_70 = vector.broadcast %get3A_69 : vector<1x128xf32> to vector<2048x128xf32>
    %add3A_71 = arith.addf %add3A_66, %add3A_70 : vector<2048x128xf32>
    %max3A_72 = arith.constant 0.000000e+00 : f32
    %max3A_73 = vector.broadcast %max3A_72 : f32 to vector<2048x128xf32>
    %max3A_74 = arith.maximumf %add3A_71, %max3A_73 : vector<2048x128xf32>
    %get3A_75 = arith.constant 0 : index
    %get3A_76 = arith.constant 0 : index
    %get3A_77 = vector.load %arg12[%get3A_75, %get3A_76] : memref<1x128xf32, #tpu.memory_space<vmem>>, vector<1x128xf32>
    %mul3A = vector.broadcast %get3A_77 : vector<1x128xf32> to vector<2048x128xf32>
    %mul3A_78 = arith.mulf %max3A_74, %mul3A : vector<2048x128xf32>
    %reduce_sum3A_79 = arith.constant dense<0.000000e+00> : vector<2048xf32>
    %reduce_sum3A_80 = vector.multi_reduction <add>, %mul3A_78, %reduce_sum3A_79 [1] : vector<2048x128xf32> to vector<2048xf32>
    %broadcast_in_dim3A_81 = vector.shape_cast %reduce_sum3A_80 : vector<2048xf32> to vector<2048x1xf32>
    %get3A_82 = arith.constant 0 : index
    %get3A_83 = arith.constant 0 : index
    %get3A_84 = vector.load %arg13[%get3A_82, %get3A_83] : memref<1x1xf32, #tpu.memory_space<vmem>>, vector<1x1xf32>
    %add3A_85 = vector.broadcast %get3A_84 : vector<1x1xf32> to vector<2048x1xf32>
    %add3A_86 = arith.addf %broadcast_in_dim3A_81, %add3A_85 : vector<2048x1xf32>
    %swap3A = arith.constant 0 : index
    %swap3A_87 = arith.constant 0 : index
    %swap3A_88 = vector.load %arg14[%swap3A, %swap3A_87] : memref<2048x1xf32, #tpu.memory_space<vmem>>, vector<2048x1xf32>
    tpu.vector_store %arg14[%swap3A, %swap3A_87], %add3A_86 {strides = array<i32>} : memref<2048x1xf32, #tpu.memory_space<vmem>>, vector<2048x1xf32>,
    return
  }
  func.func @transform_0(%arg0: i32) -> (i32, i32) {
    %c0_i32 = arith.constant 0 : i32
    %c0_i32_0 = arith.constant 0 : i32
    return %arg0, %c0_i32 : i32, i32
  }
  func.func @transform_1(%arg0: i32) -> (i32, i32) {
    %c0_i32 = arith.constant 0 : i32
    %c0_i32_0 = arith.constant 0 : i32
    return %arg0, %c0_i32 : i32, i32
  }
  func.func @transform_2(%arg0: i32) -> (i32, i32) {
    %c0_i32 = arith.constant 0 : i32
    %c0_i32_0 = arith.constant 0 : i32
    return %arg0, %c0_i32 : i32, i32
  }
  func.func @transform_3(%arg0: i32) -> (i32, i32) {
    %c0_i32 = arith.constant 0 : i32
    %c0_i32_0 = arith.constant 0 : i32
    return %arg0, %c0_i32 : i32, i32
  }
  func.func @transform_4(%arg0: i32) -> (i32, i32) {
    %c0_i32 = arith.constant 0 : i32
    %c0_i32_0 = arith.constant 0 : i32
    %c0_i32_1 = arith.constant 0 : i32
    return %c0_i32, %c0_i32_0 : i32, i32
  }
  func.func @transform_5(%arg0: i32) -> (i32, i32) {
    %c0_i32 = arith.constant 0 : i32
    %c0_i32_0 = arith.constant 0 : i32
    %c0_i32_1 = arith.constant 0 : i32
    return %c0_i32, %c0_i32_0 : i32, i32
  }
  func.func @transform_6(%arg0: i32) -> (i32, i32) {
    %c0_i32 = arith.constant 0 : i32
    %c0_i32_0 = arith.constant 0 : i32
    %c0_i32_1 = arith.constant 0 : i32
    return %c0_i32, %c0_i32_0 : i32, i32
  }
  func.func @transform_7(%arg0: i32) -> (i32, i32) {
    %c0_i32 = arith.constant 0 : i32
    %c0_i32_0 = arith.constant 0 : i32
    %c0_i32_1 = arith.constant 0 : i32
    return %c0_i32, %c0_i32_0 : i32, i32
  }
  func.func @transform_8(%arg0: i32) -> (i32, i32) {
    %c0_i32 = arith.constant 0 : i32
    %c0_i32_0 = arith.constant 0 : i32
    %c0_i32_1 = arith.constant 0 : i32
    return %c0_i32, %c0_i32_0 : i32, i32
  }
  func.func @transform_9(%arg0: i32) -> (i32, i32) {
    %c0_i32 = arith.constant 0 : i32
    %c0_i32_0 = arith.constant 0 : i32
    %c0_i32_1 = arith.constant 0 : i32
    return %c0_i32, %c0_i32_0 : i32, i32
  }
  func.func @transform_10(%arg0: i32) -> (i32, i32) {
    %c0_i32 = arith.constant 0 : i32
    %c0_i32_0 = arith.constant 0 : i32
    %c0_i32_1 = arith.constant 0 : i32
    return %c0_i32, %c0_i32_0 : i32, i32
  }
  func.func @transform_11(%arg0: i32) -> (i32, i32) {
    %c0_i32 = arith.constant 0 : i32
    %c0_i32_0 = arith.constant 0 : i32
    %c0_i32_1 = arith.constant 0 : i32
    return %c0_i32, %c0_i32_0 : i32, i32
  }
  func.func @transform_12(%arg0: i32) -> (i32, i32) {
    %c0_i32 = arith.constant 0 : i32
    %c0_i32_0 = arith.constant 0 : i32
    %c0_i32_1 = arith.constant 0 : i32
    return %c0_i32, %c0_i32_0 : i32, i32
  }
  func.func @transform_13(%arg0: i32) -> (i32, i32) {
    %c0_i32 = arith.constant 0 : i32
    %c0_i32_0 = arith.constant 0 : i32
    return %arg0, %c0_i32 : i32, i32
  }
}

</mosaic_0001>

<sc_bundles>
// kernel: kernel.4.cloned.1.call-start
scs
__scs_entry_jumppad:
0x0: {  	(pc) =	sbr.rel $0x88, $3  }
0x1: {  	(tag) =	ssettag $0x0;
	lr =	simm.s32 $0x1  }
0x2: {  	[smem:$0x3F96] =	sst lr;
	_ =	strace $0xD0000000  }
0x3: {  	_ = 	snop  }
0x4: {  	_ = 	snop  }
0x5: {  	_ = 	snop  }
0x6: {  	_ = 	snop  }
0x7: {  	_ = 	snop  }
__scs_overlays_trampoline_lowered:
0x8: {  	[smem:$0x3FA5] =	sst s0  }
0x9: {  	[smem:$0x3FA6] =	sst s1  }
0xa: {  	[smem:$0x3FA7] =	sst s2  }
0xb: {  	[smem:$0x3FA8] =	sst s3  }
0xc: {  	[smem:$0x3FA9] =	sst s4  }
0xd: {  	[smem:$0x3FAA] =	sst s5  }
0xe: {  	[smem:$0x3FAB] =	sst s6  }
0xf: {  	[smem:$0x3FAC] =	sst s7  }
0x10: {  	[smem:$0x3FAD] =	sst s8  }
0x11: {  	[smem:$0x3FAE] =	sst s9;
	s0 =	simm.s32 @!p0 $0x0  }
0x12: {  	s1 =	sld [smem:$0x3F94];
	s0 =	simm.s32 @p0 $0x1  }
0x13: {  	[smem:$0x3FAF] =	sst s0;
	s0 =	simm.s32 @!p1 $0x0  }
0x14: {  	s2 =	sld [smem:$0x3F93];
	s0 =	simm.s32 @p1 $0x1  }
0x15: {  	[smem:$0x3FB0] =	sst s0;
	s0 =	simm.s32 @!p2 $0x0  }
0x16: {  	s3 =	sld [smem:$0x3FDB];
	s0 =	simm.s32 @p2 $0x1  }
0x17: {  	s4 =	simm.s32 $0x1BF5;
	[smem:$0x3FB2] =	sst s0  }
0x18: {  	s0 =	sld [smem:$0x3F95];
	_ =	swait.ge [sflag:s4], $0x0  }
0x19: {  	s7 =	sld [smem:$0x3F96]  }
0x1a: {  	s8 =	sadd.s32 $0xFFFFE003, lr  }
0x1b: {  	s9 =	sadd.s32 $0xFFFFFEF7, lr;
	s5 =	simm.s32 $0xFFFFFFFF;
	p2 =	slt.u32 s8, $0xFFFFF086  }
0x1c: {  	p1 =	slt.u32 s9, $0xF7A;
	s5 =	simm.s32 @!p2 $0x0  }
0x1d: {  	s5 =	simm.s32 @p1 $0x1;
	p0 =	seq.s32 s7, s2  }
0x1e: {  	s7 =	smul.u32 @!p0 $0xF7A, s2;
	p2 =	seq.s32 @!p0 s5, $0x0  }
0x1f: {  	s9 =	smul.u32 $0xF7A, s1;
	s8 =	simm.s32 @!p0 $0x1BF5;
	p2 =	por !p2, p0  }
0x20: {  	[sflag:s8] =	ssyncset.s32 @!p0 $0xFFFFF086;
	s6 =	sadd.s32 @!p0 s3, s7;
	s7 =	simm.s32 @!p0 $0x108  }
0x21: {  	s3 =	sadd.s32 s3, s9;
	s6 =	sadd.s32 @!p0 $0x88, s6;
	s7 =	simm.s32 @p2 $0x1082  }
0x22: {  	[simem:s7], [sflag:s8] =	dma.local @!p0 [hbm:s6], $0xF7A  }
0x23: {  	s9 =	sor.u32 $0xD0000000, s2;
	s6 =	simm.s32 $0x108;
	_ =	swait.ge @!p0 [sflag:s8], $0x0  }
0x24: {  	s3 =	sadd.s32 $0x88, s3;
	s6 =	simm.s32 @!p1 $0x1082;
	[sflag:s4] =	ssyncset.s32 $0xFFFFF086  }
0x25: {  	[simem:s6], [sflag:s4] =	dma.local [hbm:s3], $0xF7A  }
0x26: {  	[smem:$0x3F96] =	sst s1;
	(tag) =	ssettag s2;
	_ =	strace s9  }
0x27: {  	s1 =	sld [smem:$0x3FA6]  }
0x28: {  	s2 =	sld [smem:$0x3FA7]  }
0x29: {  	s4 =	sld [smem:$0x3FA9]  }
0x2a: {  	p0 =	seq.s32 s5, $0x0;
	s5 =	sld [smem:$0x3FAA]  }
0x2b: {  	s6 =	sld [smem:$0x3FAB]  }
0x2c: {  	s7 =	sld [smem:$0x3FAC]  }
0x2d: {  	s3 =	simm.s32 $0x108;
	s8 =	sld [smem:$0x3FAD]  }
0x2e: {  	s3 =	simm.s32 @!p0 $0x1082;
	s9 =	sld [smem:$0x3FAE]  }
0x2f: {  	lr =	sadd.s32 s0, s3;
	s0 =	sld [smem:$0x3FA5]  }
0x30: {  	s3 =	sld [smem:$0x3FA8]  }
0x31: {  	[smem:$0x3FB1] =	sst s10  }
0x32: {  	s10 =	sld [smem:$0x3FAF];
	_ =	sdelay $0x3  }
0x33: {  	p0 =	seq.s32 s10, $0x1;
	s10 =	sld [smem:$0x3FB1];
	_ =	sdelay $0x3  }
0x34: {  	[smem:$0x3FB1] =	sst s10  }
0x35: {  	s10 =	sld [smem:$0x3FB0];
	_ =	sdelay $0x3  }
0x36: {  	p1 =	seq.s32 s10, $0x1;
	s10 =	sld [smem:$0x3FB1];
	_ =	sdelay $0x3  }
0x37: {  	[smem:$0x3FB1] =	sst s10  }
0x38: {  	s10 =	sld [smem:$0x3FB2]  }
0x39: {  	_ = 	snop;
	(pc) =	sbr.ind lr, $3  }
0x3a: {  	_ = 	snop  }
0x3b: {  	_ = 	snop  }
0x3c: {  	p2 =	seq.s32 s10, $0x1;
	s10 =	sld [smem:$0x3FB1]  }
0x3d: {  	_ =	shalt  }
0x3e: {  	_ =	shalt  }
0x3f: {  	_ =	shalt  }
0x40: {  	_ =	shalt  }
0x41: {  	_ =	shalt  }
0x42: {  	_ =	shalt  }
0x43: {  	_ =	shalt  }
0x44: {  	_ =	shalt  }
0x45: {  	_ =	shalt  }
0x46: {  	_ =	shalt  }
0x47: {  	_ =	shalt  }
0x48: {  	_ =	shalt  }
0x49: {  	_ =	shalt  }
0x4a: {  	_ =	shalt  }
0x4b: {  	_ =	shalt  }
0x4c: {  	_ =	shalt  }
0x4d: {  	_ =	shalt  }
0x4e: {  	_ =	shalt  }
0x4f: {  	_ =	shalt  }
0x50: {  	_ =	shalt  }
0x51: {  	_ =	shalt  }
0x52: {  	_ =	shalt  }
0x53: {  	_ =	shalt  }
0x54: {  	_ =	shalt  }
0x55: {  	_ =	shalt  }
0x56: {  	_ =	shalt  }
0x57: {  	_ =	shalt  }
0x58: {  	_ =	shalt  }
0x59: {  	_ =	shalt  }
0x5a: {  	_ =	shalt  }
0x5b: {  	_ =	shalt  }
0x5c: {  	_ =	shalt  }
0x5d: {  	_ =	shalt  }
0x5e: {  	_ =	shalt  }
0x5f: {  	_ =	shalt  }
0x60: {  	_ =	shalt  }
0x61: {  	_ =	shalt  }
0x62: {  	_ =	shalt  }
0x63: {  	_ =	shalt  }
0x64: {  	_ =	shalt  }
0x65: {  	_ =	shalt  }
0x66: {  	_ =	shalt  }
0x67: {  	_ =	shalt  }
0x68: {  	_ =	shalt  }
0x69: {  	_ =	shalt  }
0x6a: {  	_ =	shalt  }
0x6b: {  	_ =	shalt  }
0x6c: {  	_ =	shalt  }
0x6d: {  	_ =	shalt  }
0x6e: {  	_ =	shalt  }
0x6f: {  	_ =	shalt  }
0x70: {  	_ =	shalt  }
0x71: {  	_ =	shalt  }
0x72: {  	_ =	shalt  }
0x73: {  	_ =	shalt  }
0x74: {  	_ =	shalt  }
0x75: {  	_ =	shalt  }
0x76: {  	_ =	shalt  }
0x77: {  	_ =	shalt  }
0x78: {  	_ =	shalt  }
0x79: {  	_ =	shalt  }
0x7a: {  	_ =	shalt  }
0x7b: {  	_ =	shalt  }
0x7c: {  	_ =	shalt  }
0x7d: {  	_ =	shalt  }
0x7e: {  	_ =	shalt  }
0x7f: {  	_ =	shalt  }
0x80: {  	_ =	shalt  }
0x81: {  	_ =	shalt  }
0x82: {  	_ =	shalt  }
0x83: {  	_ =	shalt  }
0x84: {  	_ =	shalt  }
0x85: {  	_ =	shalt  }
0x86: {  	_ =	shalt  }
0x87: {  	_ =	shalt  }
.Lfunc_end0:
.L_simem_size_0:
called_computation_lowered:
.L_overlay_start_0:
0x88: {  	s2 =	sld [smem:$0x3FD9]  }
0x89: {  	s3 =	sld [smem:$0x3FFE];
	_ =	sdelay $0x1  }
0x8a: {  	s1 =	srdreg.scid  }
0x8b: {  	s0 =	sand.u32 $0x1, s1  }
0x8c: {  	s16 =	sshll.u32 s0, $0xA;
	s2 =	sadd.s32 s3, s2  }
0x8d: {  	s2 =	sadd.s32 s2, s16  }
0x8e: {  	[smem:$0x3FBD] =	sst s2  }
0x8f: {  	_ = 	snop  }
0x90: {  	(tm) =	ssettm $0x1  }
0x91: {  	s17 =	sld [smem:$0x3FFB];
	_ =	sdelay $0x3  }
0x92: {  	_ =	strace s17  }
0x93: {  	s2 =	sld [smem:$0x3FFC];
	_ =	sdelay $0x3  }
0x94: {  	_ =	strace s2  }
0x95: {  	s2 =	sld [smem:$0x3FFD];
	_ =	sdelay $0x3  }
0x96: {  	_ =	strace s2  }
0x97: {  	_ =	strace $0x8FFFFFFF  }
0x98: {  	s18 =	sld [smem:$0x3FDB];
	_ =	sdelay $0x1  }
0x99: {  	s19 =	simm.s32 $_scs_section_size  }
0x9a: {  	s4 =	simm.s32 $_size__tile_overlayer_lowered;
	s5 =	simm.s32 $_tile_overlayer_lowered  }
0x9b: {  	s22 =	simm.s32 $0x1BFF;
	s21 =	sshll.u32 s5, $0x1;
	s2 =	sadd.s32 s19, s18  }
0x9c: {  	s6 =	simm.s32 $0x0;
	s20 =	sshll.u32 s4, $0x1;
	s4 =	sadd.s32 s21, s2  }
0x9d: {  	[timem:s6], [sflag:s22] =	dma.local [hbm:s4], s20  }
0x9e: {  	_ =	swait.ge [sflag:s22], s20  }
0x9f: {  	s3 =	ssub.s32 $0x0, s20;
	[sflag:s22] =	ssyncset.done $0x0  }
0xa0: {  	[sflag:s22] =	ssyncadd.s32 s3;
	_ =	sdelay $0x1  }
0xa1: {  	s23 =	simm.s32 $0x1B8B  }
0xa2: {  	_ =	swait.ge [sflag:s23], $0x1  }
0xa3: {  	[sflag:s23] =	ssyncset.done $0x0  }
0xa4: {  	s25 =	simm.s32 $0x1B8E;
	s24 =	sld [smem:$0x3FFE];
	[sflag:s23] =	ssyncadd.s32 $0xFFFFFFFF  }
0xa5: {  	s26 =	simm.s32 $execute0_lowered;
	[smem:$0x3FD2] =	sst s25  }
0xa6: {  	s4 =	sshll.u32 s26, $0x1;
	_ =	strace $0x80000046;
	[dreg:$0x1] =	wrdreg $0xFFFFFFFF  }
0xa7: {  	s28 =	simm.s32 $_size_execute0_lowered;
	s2 =	sadd.s32 s2, s4;
	[dreg:$0x0] =	wrdreg $0x0  }
0xa8: {  	s4 =	sshll.u32 s28, $0x1;
	[dreg:$0x2] =	wrdreg s2  }
0xa9: {  	[dreg:$0x3] =	wrdreg s4  }
0xaa: {  	[dreg:$0x4] =	wrdreg $0xC0  }
0xab: {  	_ =	task [dreg:s6], $0x5FFFF  }
0xac: {  	[dreg:$0x1] =	wrdreg $0xFFFFFFFF  }
0xad: {  	[dreg:$0x0] =	wrdreg $0x60  }
0xae: {  	[dreg:$0x2] =	wrdreg s24  }
0xaf: {  	[dreg:$0x3] =	wrdreg $0x9  }
0xb0: {  	_ =	task.clear_ibuf [dreg:s6], $0x4FFFF;
	_ =	strace $0x90000046  }
0xb1: {  	s29 =	simm.s32 $0x9;
	_ =	strace $0x80000048  }
0xb2: {  	_ =	swait.ge [sflag:s29], $0x1  }
0xb3: {  	[sflag:s29] =	ssyncadd.s32 $0xFFFFFFFF  }
0xb4: {  	_ =	strace $0x90000048  }
0xb5: {  	_ =	sfence  }
0xb6: {  	s30 =	sld [smem:$0x0];
	_ =	sdelay $0x2  }
0xb7: {  	s31 =	sshll.u32 s1, $0xD;
	s1 =	sshrl.u32 s1, $0x2  }
0xb8: {  	s3 =	sand.u32 $0x4000, s31;
	s1 =	sadd.s32 s1, s30  }
0xb9: {  	s0 =	sor.u32 s3, s0;
	s1 =	sshll.u32 s1, $0x11  }
0xba: {  	s0 =	sor.u32 s1, s0  }
0xbb: {  	s0 =	sadd.s32 $0x8F2B, s0  }
0xbc: {  	[sflag:s0] =	ssyncadd.remote.s32 $0x1  }
0xbd: {  	_ =	sfence.sel $0xFFFF  }
0xbe: {  	[dreg:$0x0] =	wrdreg $0xFFFFFFFF;
	(pc) =	sbr.abs _section_cstart, $3  }
0xbf: {  	[dreg:$0x1] =	wrdreg $0xFFFFFFFF  }
0xc0: {  	_ =	task.clear_ibuf [dreg:s6], $0x2FFFF;
	_ =	strace $0x9FFFFFFF  }
0xc1: {  	(tm) =	ssettm $0x7FFFFFFF  }
tec
execute0_lowered:
.L_overlay_start_1:
0x0: {  	(tag) =	ssettag $0x1  }
0x1: {  	s0 =	rddreg [dreg:$0x0];
	s2 =	simm.s32 $0x0  }
0x2: {  	s1 =	srdreg.scid;
	s3 =	stileid.u32;
	s14 =	simm.s32 $0x5  }
0x3: {  	s16 =	simm.s32 $0x50;
	s20 =	simm.s32 $0x320;
	s21 =	simm.s32 $0x690  }
0x4: {  	s15 =	simm.s32 $0x16EE0;
	s12 =	simm.s32 $0x182E0;
	s13 =	simm.s32 $0x5F0  }
0x5: {  	s22 =	simm.s32 $0x196E0;
	s23 =	simm.s32 $0x1AAE0;
	s24 =	simm.s32 $0x1  }
0x6: {  	s28 =	simm.s32 $0x2;
	s29 =	simm.s32 $0x1BFE0;
	s30 =	simm.s32 $0x1C1E0  }
0x7: {  	s17 =	simm.s32 $0x0;
	[smem:$0x7FF] =	sst s2;
	s1 =	sand.u32 $0x1, s1  }
0x8: {  	s5 =	sshll.u32 s3, $0x1;
	s3 =	sadd.s32 $0x82000, s0;
	s4 =	sadd.s32 $0x126000, s0  }
0x9: {  	s7 =	sadd.s32 $0x150000, s0;
	s8 =	sadd.s32 $0x130000, s0;
	s10 =	sor.u32 s1, s5  }
0xa: {  	_ =	strace $0x80000047;
	s1 =	ssub.s32 $0x2, s1;
	s11 =	smul.u32 $0x3200, s10  }
0xb: {  	s5 =	sadd.s32 $0x1072400, s0;
	s6 =	smul.u32 $0x500, s10;
	s9 =	sshrl.u32 s1, $0x1  }
0xc: {  	s25 =	ssub.s32 s1, s9;
	s9 =	sshll.u32 s10, $0xC;
	s26 =	sadd.s32 s3, s11  }
0xd: {  	s10 =	sshll.u32 s10, $0x7;
	s31 =	sadd.s32 s4, s6;
	[dreg:$0x2] =	wrdreg s26  }
0xe: {  	s0 =	smax.u32 s25, $0x1;
	s11 =	simm.s32 $0x5A0;
	[dreg:$0x3] =	wrdreg s31  }
0xf: {  	s25 =	simm.s32 $0x1BEE0;
	[dreg:$0x4] =	wrdreg s0;
	s26 =	simm.s32 $0x1C0E0  }
.LBB2_1:
0x10: {  	[dreg:$0x5] =	wrdreg s17  }
0x11: {  	s0 =	rddreg [dreg:$0x2]  }
0x12: {  	[tilespmem:s2], [sflag:$0x5] =	stream.linear.gather [hbm4b:s0+s2], $0x320, $0x38;
	[tilespmem:$0x1C2E0] =	vst v63  }
0x13: {  	_ =	swait.ge [sflag:s14], $0x320  }
0x14: {  	[sflag:s14] =	ssyncset.done $0x0  }
0x15: {  	s1 =	simm.s32 $0x640;
	s18 =	rddreg [dreg:$0x3];
	[sflag:s14] =	ssyncadd.s32 $0xFFFFFCE0  }
0x16: {  	[tilespmem:s1], [sflag:$0x5] =	stream.linear.gather [hbm4b:s18+s2], $0x50, $0x38;
	[tilespmem:$0x1C2E0] =	vst v63  }
0x17: {  	_ =	swait.ge [sflag:s14], $0x50  }
0x18: {  	[sflag:s14] =	ssyncset.done $0x0  }
0x19: {  	s19 =	simm.s32 $0x6E0;
	[sflag:s14] =	ssyncadd.s32 $0xFFFFFFB0  }
0x1a: {  	[tilespmem:s19], [sflag:$0x1] =	stream.indirect.gather [hbm4b:s5+s16], $0x40, s2, s16, $0xb8;
	[tilespmem:$0x1C2E0] =	vst v63  }
0x1b: {  	s17 =	simm.s32 $0x1AE0  }
0x1c: {  	[tilespmem:s17], [sflag:$0x1] =	stream.indirect.gather [hbm4b:s5+s16], $0x40, s16, s16, $0xb8;
	[tilespmem:$0x1C2E0] =	vst v63  }
0x1d: {  	s18 =	simm.s32 $0xA0;
	s19 =	simm.s32 $0x2EE0  }
0x1e: {  	[tilespmem:s19], [sflag:$0x1] =	stream.indirect.gather [hbm4b:s5+s16], $0x40, s18, s16, $0xb8;
	[tilespmem:$0x1C2E0] =	vst v63  }
0x1f: {  	s18 =	simm.s32 $0xF0;
	s19 =	simm.s32 $0x42E0  }
0x20: {  	[tilespmem:s19], [sflag:$0x1] =	stream.indirect.gather [hbm4b:s5+s16], $0x40, s18, s16, $0xb8;
	[tilespmem:$0x1C2E0] =	vst v63  }
0x21: {  	s18 =	simm.s32 $0x140;
	s19 =	simm.s32 $0x56E0  }
0x22: {  	[tilespmem:s19], [sflag:$0x1] =	stream.indirect.gather [hbm4b:s5+s16], $0x40, s18, s16, $0xb8;
	[tilespmem:$0x1C2E0] =	vst v63  }
0x23: {  	s18 =	simm.s32 $0x190;
	s19 =	simm.s32 $0x6AE0  }
0x24: {  	[tilespmem:s19], [sflag:$0x1] =	stream.indirect.gather [hbm4b:s5+s16], $0x40, s18, s16, $0xb8;
	[tilespmem:$0x1C2E0] =	vst v63  }
0x25: {  	s18 =	simm.s32 $0x1E0;
	s19 =	simm.s32 $0x7EE0  }
0x26: {  	[tilespmem:s19], [sflag:$0x1] =	stream.indirect.gather [hbm4b:s5+s16], $0x40, s18, s16, $0xb8;
	[tilespmem:$0x1C2E0] =	vst v63  }
0x27: {  	s18 =	simm.s32 $0x230;
	s19 =	simm.s32 $0x92E0  }
0x28: {  	[tilespmem:s19], [sflag:$0x1] =	stream.indirect.gather [hbm4b:s5+s16], $0x40, s18, s16, $0xb8;
	[tilespmem:$0x1C2E0] =	vst v63  }
0x29: {  	s18 =	simm.s32 $0x280;
	s19 =	simm.s32 $0xA6E0  }
0x2a: {  	[tilespmem:s19], [sflag:$0x1] =	stream.indirect.gather [hbm4b:s5+s16], $0x40, s18, s16, $0xb8;
	[tilespmem:$0x1C2E0] =	vst v63  }
0x2b: {  	s17 =	simm.s32 $0x2D0;
	s18 =	simm.s32 $0xBAE0  }
0x2c: {  	[tilespmem:s18], [sflag:$0x1] =	stream.indirect.gather [hbm4b:s5+s16], $0x40, s17, s16, $0xb8;
	[tilespmem:$0x1C2E0] =	vst v63  }
0x2d: {  	s31 =	simm.s32 $0x0;
	s19 =	simm.s32 $0xCEE0  }
0x2e: {  	[tilespmem:s19], [sflag:$0x1] =	stream.indirect.gather [hbm4b:s5+s16], $0x40, s1, s16, $0xb8;
	[tilespmem:$0x1C2E0] =	vst v63  }
.LBB2_2:
0x2f: {  	s0 =	sshllo.u32 s31, $0x1  }
0x30: {  	s1 =	smul.u32 $0xA, s0;
	_ =	sdelay $0x1  }
0x31: {  	s1 =	sadd.s32 s6, s1  }
0x32: {  	s1 =	smul.u32 $0xA, s1;
	_ =	sdelay $0x1  }
0x33: {  	s17 =	sadd.s32 s10, s0;
	s1 =	sadd.s32 s3, s1  }
0x34: {  	[tilespmem:s20], [sflag:$0x5] =	stream.linear.gather [hbm4b:s1+s2], $0x320, $0x38;
	[tilespmem:$0x1C2E0] =	vst v63  }
0x35: {  	s1 =	smul.u32 $0xA, s17;
	_ =	swait.ge [sflag:s14], $0x320  }
0x36: {  	[sflag:s14] =	ssyncset.done $0x0  }
0x37: {  	s1 =	sadd.s32 s4, s1;
	[sflag:s14] =	ssyncadd.s32 $0xFFFFFCE0  }
0x38: {  	[tilespmem:s21], [sflag:$0x5] =	stream.linear.gather [hbm4b:s1+s2], $0x50, $0x38;
	[tilespmem:$0x1C2E0] =	vst v63  }
0x39: {  	_ =	swait.ge [sflag:s14], $0x50  }
0x3a: {  	[sflag:s14] =	ssyncset.done $0x0  }
0x3b: {  	s18 =	simm.s32 $0xE2E0;
	[sflag:s14] =	ssyncadd.s32 $0xFFFFFFB0  }
0x3c: {  	[tilespmem:s18], [sflag:$0x2] =	stream.indirect.gather [hbm4b:s5+s16], $0x40, s20, s16, $0xb8;
	[tilespmem:$0x1C2E0] =	vst v63  }
0x3d: {  	s19 =	simm.s32 $0x370;
	s17 =	simm.s32 $0xF6E0  }
0x3e: {  	[tilespmem:s17], [sflag:$0x2] =	stream.indirect.gather [hbm4b:s5+s16], $0x40, s19, s16, $0xb8;
	[tilespmem:$0x1C2E0] =	vst v63  }
0x3f: {  	s18 =	simm.s32 $0x3C0;
	s19 =	simm.s32 $0x10AE0  }
0x40: {  	[tilespmem:s19], [sflag:$0x2] =	stream.indirect.gather [hbm4b:s5+s16], $0x40, s18, s16, $0xb8;
	[tilespmem:$0x1C2E0] =	vst v63  }
0x41: {  	s18 =	simm.s32 $0x410;
	s19 =	simm.s32 $0x11EE0  }
0x42: {  	[tilespmem:s19], [sflag:$0x2] =	stream.indirect.gather [hbm4b:s5+s16], $0x40, s18, s16, $0xb8;
	[tilespmem:$0x1C2E0] =	vst v63  }
0x43: {  	s18 =	simm.s32 $0x460;
	s19 =	simm.s32 $0x132E0  }
0x44: {  	[tilespmem:s19], [sflag:$0x2] =	stream.indirect.gather [hbm4b:s5+s16], $0x40, s18, s16, $0xb8;
	[tilespmem:$0x1C2E0] =	vst v63  }
0x45: {  	s18 =	simm.s32 $0x4B0;
	s19 =	simm.s32 $0x146E0  }
0x46: {  	[tilespmem:s19], [sflag:$0x2] =	stream.indirect.gather [hbm4b:s5+s16], $0x40, s18, s16, $0xb8;
	[tilespmem:$0x1C2E0] =	vst v63  }
0x47: {  	s17 =	simm.s32 $0x500;
	s18 =	simm.s32 $0x15AE0  }
0x48: {  	[tilespmem:s18], [sflag:$0x2] =	stream.indirect.gather [hbm4b:s5+s16], $0x40, s17, s16, $0xb8;
	[tilespmem:$0x1C2E0] =	vst v63  }
0x49: {  	s19 =	simm.s32 $0x550  }
0x4a: {  	[tilespmem:s15], [sflag:$0x2] =	stream.indirect.gather [hbm4b:s5+s16], $0x40, s19, s16, $0xb8;
	[tilespmem:$0x1C2E0] =	vst v63  }
0x4b: {  	_ = 	snop  }
0x4c: {  	[tilespmem:s12], [sflag:$0x2] =	stream.indirect.gather [hbm4b:s5+s16], $0x40, s11, s16, $0xb8;
	[tilespmem:$0x1C2E0] =	vst v63  }
0x4d: {  	_ = 	snop  }
0x4e: {  	[tilespmem:s22], [sflag:$0x2] =	stream.indirect.gather [hbm4b:s5+s16], $0x40, s13, s16, $0xb8;
	[tilespmem:$0x1C2E0] =	vst v63  }
0x4f: {  	_ = 	snop  }
0x50: {  	[tilespmem:s23], [sflag:$0x2] =	stream.indirect.gather [hbm4b:s5+s16], $0x40, s21, s16, $0xb8;
	[tilespmem:$0x1C2E0] =	vst v63  }
0x51: {  	_ =	swait.ge [sflag:s24], $0x1400  }
0x52: {  	[sflag:s24] =	ssyncset.done $0x0  }
0x53: {  	[sflag:s24] =	ssyncadd.s32 $0xFFFFEC00  }
0x54: {  	_ =	swait.ge [sflag:s24], $0x1400  }
0x55: {  	[sflag:s24] =	ssyncset.done $0x0  }
0x56: {  	[sflag:s24] =	ssyncadd.s32 $0xFFFFEC00  }
0x57: {  	_ =	swait.ge [sflag:s24], $0x1400  }
0x58: {  	[sflag:s24] =	ssyncset.done $0x0  }
0x59: {  	[sflag:s24] =	ssyncadd.s32 $0xFFFFEC00  }
0x5a: {  	_ =	swait.ge [sflag:s24], $0x1400  }
0x5b: {  	[sflag:s24] =	ssyncset.done $0x0  }
0x5c: {  	[sflag:s24] =	ssyncadd.s32 $0xFFFFEC00  }
0x5d: {  	_ =	swait.ge [sflag:s24], $0x1400  }
0x5e: {  	[sflag:s24] =	ssyncset.done $0x0  }
0x5f: {  	[sflag:s24] =	ssyncadd.s32 $0xFFFFEC00  }
0x60: {  	_ =	swait.ge [sflag:s24], $0x1400  }
0x61: {  	[sflag:s24] =	ssyncset.done $0x0  }
0x62: {  	[sflag:s24] =	ssyncadd.s32 $0xFFFFEC00  }
0x63: {  	_ =	swait.ge [sflag:s24], $0x1400  }
0x64: {  	[sflag:s24] =	ssyncset.done $0x0  }
0x65: {  	[sflag:s24] =	ssyncadd.s32 $0xFFFFEC00  }
0x66: {  	_ =	swait.ge [sflag:s24], $0x1400  }
0x67: {  	[sflag:s24] =	ssyncset.done $0x0  }
0x68: {  	[sflag:s24] =	ssyncadd.s32 $0xFFFFEC00  }
0x69: {  	_ =	swait.ge [sflag:s24], $0x1400  }
0x6a: {  	[sflag:s24] =	ssyncset.done $0x0  }
0x6b: {  	[sflag:s24] =	ssyncadd.s32 $0xFFFFEC00  }
0x6c: {  	_ =	swait.ge [sflag:s24], $0x1400  }
0x6d: {  	[sflag:s24] =	ssyncset.done $0x0  }
0x6e: {  	[sflag:s24] =	ssyncadd.s32 $0xFFFFEC00  }
0x6f: {  	_ =	swait.ge [sflag:s24], $0x1400  }
0x70: {  	p0 =	seq.s32 s31, $0x0;
	[sflag:s24] =	ssyncset.done $0x0  }
0x71: {  	s1 =	simm.s32 @!p0 $0x3;
	[sflag:s24] =	ssyncadd.s32 $0xFFFFEC00  }
0x72: {  	_ =	swait.ge @!p0 [sflag:s1], $0x100  }
0x73: {  	[sflag:s1] =	ssyncset.done @!p0 $0x0  }
0x74: {  	[sflag:s1] =	ssyncadd.s32 @!p0 $0xFFFFFF00  }
0x75: {  	_ =	swait.ge @!p0 [sflag:s1], $0x100  }
0x76: {  	[sflag:s1] =	ssyncset.done @!p0 $0x0  }
0x77: {  	s18 =	simm.s32 $0x760;
	[sflag:s1] =	ssyncadd.s32 @!p0 $0xFFFFFF00  }
0x78: {  	v1 =	vld [tilespmem:s18+$0x40]  }
0x79: {  	v2 =	vld [tilespmem:s18+$0x50]  }
0x7a: {  	v3 =	vld [tilespmem:s18+$0x0]  }
0x7b: {  	v5 =	vld [tilespmem:s18+$0x10]  }
0x7c: {  	v4 =	vld [tilespmem:s18+$0xFFFFFFC0]  }
0x7d: {  	v6 =	vld [tilespmem:s18+$0xFFFFFFD0]  }
0x7e: {  	v7 =	vld [tilespmem:s18+$0xFFFFFF80]  }
0x7f: {  	v8 =	vld [tilespmem:s18+$0xFFFFFF90]  }
0x80: {  	v10 =	vld [tilespmem:s18+$0xFFFFFFA0]  }
0x81: {  	v13 =	vld [tilespmem:s18+$0xFFFFFFB0]  }
0x82: {  	v12 =	vld [tilespmem:s18+$0xFFFFFFE0]  }
0x83: {  	v14 =	vld [tilespmem:s18+$0xFFFFFFF0]  }
0x84: {  	v0 =	vimm.f32 $0.0e+00;
	v9 =	vld [tilespmem:s18+$0x20]  }
0x85: {  	v11 =	vld [tilespmem:s18+$0x30];
	v7 =	vadd.f32 v7, v0;
	v8 =	vadd.f32 v8, v0  }
0x86: {  	v15 =	vadd.f32 v10, v0;
	v16 =	vadd.f32 v13, v0;
	v10 =	vld [tilespmem:s18+$0x60]  }
0x87: {  	s17 =	simm.s32 $0x0;
	s1 =	sshll.u32 s31, $0x1;
	v13 =	vld [tilespmem:s18+$0x70];
	s18 =	simm.s32 $0x860;
	v17 =	vadd.f32 v4, v7;
	v18 =	vadd.f32 v6, v8  }
.LBB2_3:
0x88: {  	v4 =	vld [tilespmem:s18+$0x40];
	v6 =	vadd.f32 v12, v15;
	v7 =	vadd.f32 v14, v16  }
0x89: {  	v8 =	vld [tilespmem:s18+$0x50];
	v12 =	vadd.f32 v3, v17;
	v14 =	vadd.f32 v5, v18  }
0x8a: {  	v3 =	vld [tilespmem:s18+$0x0];
	v6 =	vadd.f32 v9, v6;
	v7 =	vadd.f32 v11, v7  }
0x8b: {  	v5 =	vld [tilespmem:s18+$0x10];
	v11 =	vadd.f32 v1, v12;
	v15 =	vadd.f32 v2, v14  }
0x8c: {  	v17 =	vld [tilespmem:s18+$0xFFFFFFC0];
	v6 =	vadd.f32 v10, v6;
	v7 =	vadd.f32 v13, v7  }
0x8d: {  	v13 =	vld [tilespmem:s18+$0xFFFFFFD0];
	v1 =	vmov v4  }
0x8e: {  	v4 =	vld [tilespmem:s18+$0xFFFFFF80];
	v2 =	vmov v8  }
0x8f: {  	v8 =	vld [tilespmem:s18+$0xFFFFFF90]  }
0x90: {  	v10 =	vld [tilespmem:s18+$0xFFFFFFA0]  }
0x91: {  	s17 =	sadd.s32 $0x4, s17;
	v16 =	vld [tilespmem:s18+$0xFFFFFFB0]  }
0x92: {  	p1 =	slt.u32 s17, $0xC4;
	v12 =	vld [tilespmem:s18+$0xFFFFFFE0]  }
.Ltmp0:
0x93: {  	v14 =	vld [tilespmem:s18+$0xFFFFFFF0];
	(pc) =	sbr.rel @p1 .LBB2_3-.Ltmp0, $4  }
0x94: {  	v9 =	vld [tilespmem:s18+$0x20]  }
0x95: {  	v4 =	vadd.f32 v4, v11;
	v8 =	vadd.f32 v8, v15;
	v11 =	vld [tilespmem:s18+$0x30]  }
0x96: {  	v15 =	vadd.f32 v10, v6;
	v16 =	vadd.f32 v16, v7;
	v10 =	vld [tilespmem:s18+$0x60]  }
0x97: {  	v17 =	vadd.f32 v17, v4;
	v18 =	vadd.f32 v13, v8;
	v13 =	vld [tilespmem:s18+$0x70];
	s18 =	sadd.s32 $0x100, s18  }
0x98: {  	s18 =	simm.s32 $0xCEE0  }
0x99: {  	v6 =	vld [tilespmem:s18+$0xC0]  }
0x9a: {  	v4 =	vld [tilespmem:s18+$0xD0]  }
0x9b: {  	v7 =	vld [tilespmem:s18+$0x80]  }
0x9c: {  	v8 =	vld [tilespmem:s18+$0x90]  }
0x9d: {  	v19 =	vld [tilespmem:s18+$0x40]  }
0x9e: {  	v20 =	vld [tilespmem:s18+$0x50]  }
0x9f: {  	v21 =	vld [tilespmem:s18+$0x0]  }
0xa0: {  	v22 =	vld [tilespmem:s18+$0x10]  }
0xa1: {  	v12 =	vadd.f32 v12, v15;
	v14 =	vadd.f32 v14, v16;
	v15 =	vld [tilespmem:s18+$0x20]  }
0xa2: {  	v3 =	vadd.f32 v3, v17;
	v16 =	vadd.f32 v5, v18;
	v17 =	vld [tilespmem:s18+$0x30]  }
0xa3: {  	v9 =	vadd.f32 v9, v12;
	v14 =	vadd.f32 v11, v14;
	v11 =	vld [tilespmem:s18+$0x60]  }
0xa4: {  	v12 =	vld [tilespmem:s18+$0x70];
	v5 =	vadd.f32 v1, v3;
	v3 =	vadd.f32 v2, v16  }
0xa5: {  	v2 =	vadd.f32 v10, v9;
	v1 =	vadd.f32 v13, v14;
	v9 =	vld [tilespmem:s18+$0xA0]  }
0xa6: {  	v10 =	vld [tilespmem:s18+$0xB0];
	v13 =	vadd.f32 v21, v0;
	v16 =	vadd.f32 v22, v0  }
0xa7: {  	v15 =	vadd.f32 v15, v0;
	v14 =	vadd.f32 v17, v0;
	v0 =	vld [tilespmem:s18+$0xE0]  }
0xa8: {  	s17 =	simm.s32 $0x320;
	v17 =	vadd.f32 v19, v13;
	v16 =	vadd.f32 v20, v16;
	v13 =	vld [tilespmem:s18+$0xF0];
	s18 =	simm.s32 $0xCFE0  }
.LBB2_5:
0xa9: {  	v18 =	vld [tilespmem:s18+$0xC0];
	v11 =	vadd.f32 v11, v15;
	v12 =	vadd.f32 v12, v14  }
0xaa: {  	v14 =	vld [tilespmem:s18+$0xD0];
	v15 =	vadd.f32 v7, v17;
	v16 =	vadd.f32 v8, v16  }
0xab: {  	v7 =	vld [tilespmem:s18+$0x80];
	v9 =	vadd.f32 v9, v11;
	v10 =	vadd.f32 v10, v12  }
0xac: {  	v8 =	vld [tilespmem:s18+$0x90];
	v15 =	vadd.f32 v6, v15;
	v16 =	vadd.f32 v4, v16  }
0xad: {  	v17 =	vld [tilespmem:s18+$0x40];
	v0 =	vadd.f32 v0, v9;
	v13 =	vadd.f32 v13, v10  }
0xae: {  	v19 =	vld [tilespmem:s18+$0x50];
	v6 =	vmov v18  }
0xaf: {  	v10 =	vld [tilespmem:s18+$0x0];
	v4 =	vmov v14  }
0xb0: {  	v14 =	vld [tilespmem:s18+$0x10]  }
0xb1: {  	v18 =	vld [tilespmem:s18+$0x20]  }
0xb2: {  	s17 =	sadd.s32 $0x4, s17;
	v20 =	vld [tilespmem:s18+$0x30]  }
0xb3: {  	p1 =	slt.u32 s17, $0x330;
	v11 =	vld [tilespmem:s18+$0x60]  }
.Ltmp1:
0xb4: {  	v12 =	vld [tilespmem:s18+$0x70];
	(pc) =	sbr.rel @p1 .LBB2_5-.Ltmp1, $4  }
0xb5: {  	v9 =	vld [tilespmem:s18+$0xA0]  }
0xb6: {  	v21 =	vadd.f32 v10, v15;
	v16 =	vadd.f32 v14, v16;
	v10 =	vld [tilespmem:s18+$0xB0]  }
0xb7: {  	v15 =	vadd.f32 v18, v0;
	v14 =	vadd.f32 v20, v13;
	v0 =	vld [tilespmem:s18+$0xE0]  }
0xb8: {  	v17 =	vadd.f32 v17, v21;
	v16 =	vadd.f32 v19, v16;
	v13 =	vld [tilespmem:s18+$0xF0];
	s18 =	sadd.s32 $0x100, s18  }
0xb9: {  	_ = 	snop  }
0xba: {  	v7 =	vadd.f32 v7, v17  }
0xbb: {  	v11 =	vadd.f32 v11, v15;
	[tilespmem:$0x1BEE0] =	vst v5;
	v8 =	vadd.f32 v8, v16  }
0xbc: {  	[tilespmem:$0x1BEF0] =	vst v3;
	v6 =	vadd.f32 v6, v7;
	v7 =	vadd.f32 v12, v14  }
0xbd: {  	[tilespmem:$0x1BF00] =	vst v2;
	v5 =	vadd.f32 v9, v11  }
0xbe: {  	[tilespmem:$0x1BF10] =	vst v1;
	v4 =	vadd.f32 v4, v8;
	v3 =	vadd.f32 v10, v7  }
0xbf: {  	v0 =	vadd.f32 v0, v5;
	[tilespmem:$0x1C0E0] =	vst v6  }
0xc0: {  	[tilespmem:$0x1C0F0] =	vst v4;
	v2 =	vadd.f32 v13, v3  }
0xc1: {  	[tilespmem:$0x1C100] =	vst v0  }
0xc2: {  	s17 =	simm.s32 $0x39D0;
	[tilespmem:$0x1C110] =	vst v2  }
0xc3: {  	v1 =	vld [tilespmem:s17+$0xFFFFFFD0]  }
0xc4: {  	v2 =	vld [tilespmem:s17+$0xFFFFFFE0]  }
0xc5: {  	v3 =	vld [tilespmem:s17+$0xFFFFFF90]  }
0xc6: {  	v6 =	vld [tilespmem:s17+$0xFFFFFFA0]  }
0xc7: {  	v4 =	vld [tilespmem:s17+$0xFFFFFF50]  }
0xc8: {  	v5 =	vld [tilespmem:s17+$0xFFFFFF60]  }
0xc9: {  	v7 =	vld [tilespmem:s17+$0xFFFFFF10]  }
0xca: {  	v8 =	vld [tilespmem:s17+$0xFFFFFF20]  }
0xcb: {  	v10 =	vld [tilespmem:s17+$0xFFFFFF30]  }
0xcc: {  	v13 =	vld [tilespmem:s17+$0xFFFFFF40]  }
0xcd: {  	v12 =	vld [tilespmem:s17+$0xFFFFFF70]  }
0xce: {  	v14 =	vld [tilespmem:s17+$0xFFFFFF80]  }
0xcf: {  	v0 =	vimm.f32 $0.0e+00;
	v9 =	vld [tilespmem:s17+$0xFFFFFFB0]  }
0xd0: {  	v11 =	vld [tilespmem:s17+$0xFFFFFFC0];
	v7 =	vadd.f32 v7, v0;
	v8 =	vadd.f32 v8, v0  }
0xd1: {  	v15 =	vadd.f32 v10, v0;
	v16 =	vadd.f32 v13, v0;
	v10 =	vld [tilespmem:s17+$0xFFFFFFF0]  }
0xd2: {  	s18 =	simm.s32 $0xC8;
	s19 =	simm.s32 $0x3AD0;
	v13 =	vld [tilespmem:s17+$0x0];
	v17 =	vadd.f32 v4, v7;
	v18 =	vadd.f32 v5, v8  }
.LBB2_7:
0xd3: {  	v4 =	vld [tilespmem:s19+$0xFFFFFFD0];
	v5 =	vadd.f32 v12, v15;
	v7 =	vadd.f32 v14, v16  }
0xd4: {  	v8 =	vld [tilespmem:s19+$0xFFFFFFE0];
	v12 =	vadd.f32 v3, v17;
	v14 =	vadd.f32 v6, v18  }
0xd5: {  	v3 =	vld [tilespmem:s19+$0xFFFFFF90];
	v5 =	vadd.f32 v9, v5;
	v7 =	vadd.f32 v11, v7  }
0xd6: {  	v6 =	vld [tilespmem:s19+$0xFFFFFFA0];
	v11 =	vadd.f32 v1, v12;
	v15 =	vadd.f32 v2, v14  }
0xd7: {  	s17 =	simm.s32 $0xD3E0;
	v17 =	vld [tilespmem:s19+$0xFFFFFF50];
	v5 =	vadd.f32 v10, v5;
	v7 =	vadd.f32 v13, v7  }
0xd8: {  	v13 =	vld [tilespmem:s19+$0xFFFFFF60];
	v1 =	vmov v4  }
0xd9: {  	v4 =	vld [tilespmem:s19+$0xFFFFFF10];
	v2 =	vmov v8  }
0xda: {  	v8 =	vld [tilespmem:s19+$0xFFFFFF20]  }
0xdb: {  	v10 =	vld [tilespmem:s19+$0xFFFFFF30]  }
0xdc: {  	s18 =	sadd.s32 $0x4, s18;
	v16 =	vld [tilespmem:s19+$0xFFFFFF40]  }
0xdd: {  	p1 =	slt.u32 s18, $0x18C;
	v12 =	vld [tilespmem:s19+$0xFFFFFF70]  }
.Ltmp2:
0xde: {  	v14 =	vld [tilespmem:s19+$0xFFFFFF80];
	(pc) =	sbr.rel @p1 .LBB2_7-.Ltmp2, $4  }
0xdf: {  	v9 =	vld [tilespmem:s19+$0xFFFFFFB0]  }
0xe0: {  	v4 =	vadd.f32 v4, v11;
	v8 =	vadd.f32 v8, v15;
	v11 =	vld [tilespmem:s19+$0xFFFFFFC0]  }
0xe1: {  	v15 =	vadd.f32 v10, v5;
	v16 =	vadd.f32 v16, v7;
	v10 =	vld [tilespmem:s19+$0xFFFFFFF0]  }
0xe2: {  	v17 =	vadd.f32 v17, v4;
	v18 =	vadd.f32 v13, v8;
	v13 =	vld [tilespmem:s19+$0x0];
	s19 =	sadd.s32 $0x100, s19  }
0xe3: {  	v5 =	vld [tilespmem:s17+$0xC0]  }
0xe4: {  	v4 =	vld [tilespmem:s17+$0xD0]  }
0xe5: {  	v7 =	vld [tilespmem:s17+$0x80]  }
0xe6: {  	v8 =	vld [tilespmem:s17+$0x90]  }
0xe7: {  	v19 =	vld [tilespmem:s17+$0x40]  }
0xe8: {  	v20 =	vld [tilespmem:s17+$0x50]  }
0xe9: {  	v21 =	vld [tilespmem:s17+$0x0]  }
0xea: {  	v22 =	vld [tilespmem:s17+$0x10]  }
0xeb: {  	v12 =	vadd.f32 v12, v15;
	v14 =	vadd.f32 v14, v16;
	v15 =	vld [tilespmem:s17+$0x20]  }
0xec: {  	v3 =	vadd.f32 v3, v17;
	v16 =	vadd.f32 v6, v18;
	v17 =	vld [tilespmem:s17+$0x30]  }
0xed: {  	v9 =	vadd.f32 v9, v12;
	v14 =	vadd.f32 v11, v14;
	v11 =	vld [tilespmem:s17+$0x60]  }
0xee: {  	v12 =	vld [tilespmem:s17+$0x70];
	v6 =	vadd.f32 v1, v3;
	v3 =	vadd.f32 v2, v16  }
0xef: {  	v2 =	vadd.f32 v10, v9;
	v1 =	vadd.f32 v13, v14;
	v9 =	vld [tilespmem:s17+$0xA0]  }
0xf0: {  	v10 =	vld [tilespmem:s17+$0xB0];
	v13 =	vadd.f32 v21, v0;
	v16 =	vadd.f32 v22, v0  }
0xf1: {  	v15 =	vadd.f32 v15, v0;
	v14 =	vadd.f32 v17, v0;
	v0 =	vld [tilespmem:s17+$0xE0]  }
0xf2: {  	s18 =	simm.s32 $0x334;
	v17 =	vadd.f32 v19, v13;
	v16 =	vadd.f32 v20, v16;
	v13 =	vld [tilespmem:s17+$0xF0];
	s17 =	simm.s32 $0xD4E0  }
.LBB2_9:
0xf3: {  	v18 =	vld [tilespmem:s17+$0xC0];
	v11 =	vadd.f32 v11, v15;
	v12 =	vadd.f32 v12, v14  }
0xf4: {  	v14 =	vld [tilespmem:s17+$0xD0];
	v15 =	vadd.f32 v7, v17;
	v16 =	vadd.f32 v8, v16  }
0xf5: {  	v7 =	vld [tilespmem:s17+$0x80];
	v9 =	vadd.f32 v9, v11;
	v10 =	vadd.f32 v10, v12  }
0xf6: {  	v8 =	vld [tilespmem:s17+$0x90];
	v15 =	vadd.f32 v5, v15;
	v16 =	vadd.f32 v4, v16  }
0xf7: {  	v17 =	vld [tilespmem:s17+$0x40];
	v0 =	vadd.f32 v0, v9;
	v13 =	vadd.f32 v13, v10  }
0xf8: {  	v19 =	vld [tilespmem:s17+$0x50];
	v5 =	vmov v18  }
0xf9: {  	v10 =	vld [tilespmem:s17+$0x0];
	v4 =	vmov v14  }
0xfa: {  	v14 =	vld [tilespmem:s17+$0x10]  }
0xfb: {  	v18 =	vld [tilespmem:s17+$0x20]  }
0xfc: {  	s18 =	sadd.s32 $0x4, s18;
	v20 =	vld [tilespmem:s17+$0x30]  }
0xfd: {  	p1 =	slt.u32 s18, $0x344;
	v11 =	vld [tilespmem:s17+$0x60]  }
.Ltmp3:
0xfe: {  	v12 =	vld [tilespmem:s17+$0x70];
	(pc) =	sbr.rel @p1 .LBB2_9-.Ltmp3, $4  }
0xff: {  	v9 =	vld [tilespmem:s17+$0xA0]  }
0x100: {  	v21 =	vadd.f32 v10, v15;
	v16 =	vadd.f32 v14, v16;
	v10 =	vld [tilespmem:s17+$0xB0]  }
0x101: {  	v15 =	vadd.f32 v18, v0;
	v14 =	vadd.f32 v20, v13;
	v0 =	vld [tilespmem:s17+$0xE0]  }
0x102: {  	v17 =	vadd.f32 v17, v21;
	v16 =	vadd.f32 v19, v16;
	v13 =	vld [tilespmem:s17+$0xF0];
	s17 =	sadd.s32 $0x100, s17  }
0x103: {  	_ = 	snop  }
0x104: {  	v7 =	vadd.f32 v7, v17  }
0x105: {  	v11 =	vadd.f32 v11, v15;
	[tilespmem:$0x1BF20] =	vst v6;
	v8 =	vadd.f32 v8, v16  }
0x106: {  	[tilespmem:$0x1BF30] =	vst v3;
	v5 =	vadd.f32 v5, v7;
	v7 =	vadd.f32 v12, v14  }
0x107: {  	[tilespmem:$0x1BF40] =	vst v2;
	v6 =	vadd.f32 v9, v11  }
0x108: {  	[tilespmem:$0x1BF50] =	vst v1;
	v4 =	vadd.f32 v4, v8;
	v3 =	vadd.f32 v10, v7  }
0x109: {  	v0 =	vadd.f32 v0, v6;
	[tilespmem:$0x1C120] =	vst v5  }
0x10a: {  	[tilespmem:$0x1C130] =	vst v4;
	v2 =	vadd.f32 v13, v3  }
0x10b: {  	[tilespmem:$0x1C140] =	vst v0  }
0x10c: {  	s17 =	simm.s32 $0x6AE0;
	[tilespmem:$0x1C150] =	vst v2  }
0x10d: {  	v1 =	vld [tilespmem:s17+$0xC0]  }
0x10e: {  	v2 =	vld [tilespmem:s17+$0xD0]  }
0x10f: {  	v3 =	vld [tilespmem:s17+$0x80]  }
0x110: {  	v6 =	vld [tilespmem:s17+$0x90]  }
0x111: {  	v4 =	vld [tilespmem:s17+$0x40]  }
0x112: {  	v5 =	vld [tilespmem:s17+$0x50]  }
0x113: {  	v7 =	vld [tilespmem:s17+$0x0]  }
0x114: {  	v8 =	vld [tilespmem:s17+$0x10]  }
0x115: {  	v10 =	vld [tilespmem:s17+$0x20]  }
0x116: {  	v13 =	vld [tilespmem:s17+$0x30]  }
0x117: {  	v12 =	vld [tilespmem:s17+$0x60]  }
0x118: {  	v14 =	vld [tilespmem:s17+$0x70]  }
0x119: {  	v0 =	vimm.f32 $0.0e+00;
	v9 =	vld [tilespmem:s17+$0xA0]  }
0x11a: {  	v11 =	vld [tilespmem:s17+$0xB0];
	v7 =	vadd.f32 v7, v0;
	v8 =	vadd.f32 v8, v0  }
0x11b: {  	v15 =	vadd.f32 v10, v0;
	v16 =	vadd.f32 v13, v0;
	v10 =	vld [tilespmem:s17+$0xE0]  }
0x11c: {  	s18 =	simm.s32 $0x190;
	s19 =	simm.s32 $0x6BE0;
	v13 =	vld [tilespmem:s17+$0xF0];
	v17 =	vadd.f32 v4, v7;
	v18 =	vadd.f32 v5, v8  }
.LBB2_11:
0x11d: {  	v4 =	vld [tilespmem:s19+$0xC0];
	v5 =	vadd.f32 v12, v15;
	v7 =	vadd.f32 v14, v16  }
0x11e: {  	v8 =	vld [tilespmem:s19+$0xD0];
	v12 =	vadd.f32 v3, v17;
	v14 =	vadd.f32 v6, v18  }
0x11f: {  	v3 =	vld [tilespmem:s19+$0x80];
	v5 =	vadd.f32 v9, v5;
	v7 =	vadd.f32 v11, v7  }
0x120: {  	v6 =	vld [tilespmem:s19+$0x90];
	v11 =	vadd.f32 v1, v12;
	v15 =	vadd.f32 v2, v14  }
0x121: {  	s17 =	simm.s32 $0xD8E0;
	v17 =	vld [tilespmem:s19+$0x40];
	v5 =	vadd.f32 v10, v5;
	v7 =	vadd.f32 v13, v7  }
0x122: {  	v13 =	vld [tilespmem:s19+$0x50];
	v1 =	vmov v4  }
0x123: {  	v4 =	vld [tilespmem:s19+$0x0];
	v2 =	vmov v8  }
0x124: {  	v8 =	vld [tilespmem:s19+$0x10]  }
0x125: {  	v10 =	vld [tilespmem:s19+$0x20]  }
0x126: {  	s18 =	sadd.s32 $0x4, s18;
	v16 =	vld [tilespmem:s19+$0x30]  }
0x127: {  	p1 =	slt.u32 s18, $0x254;
	v12 =	vld [tilespmem:s19+$0x60]  }
.Ltmp4:
0x128: {  	v14 =	vld [tilespmem:s19+$0x70];
	(pc) =	sbr.rel @p1 .LBB2_11-.Ltmp4, $4  }
0x129: {  	v9 =	vld [tilespmem:s19+$0xA0]  }
0x12a: {  	v4 =	vadd.f32 v4, v11;
	v8 =	vadd.f32 v8, v15;
	v11 =	vld [tilespmem:s19+$0xB0]  }
0x12b: {  	v15 =	vadd.f32 v10, v5;
	v16 =	vadd.f32 v16, v7;
	v10 =	vld [tilespmem:s19+$0xE0]  }
0x12c: {  	v17 =	vadd.f32 v17, v4;
	v18 =	vadd.f32 v13, v8;
	v13 =	vld [tilespmem:s19+$0xF0];
	s19 =	sadd.s32 $0x100, s19  }
0x12d: {  	v5 =	vld [tilespmem:s17+$0xC0]  }
0x12e: {  	v4 =	vld [tilespmem:s17+$0xD0]  }
0x12f: {  	v7 =	vld [tilespmem:s17+$0x80]  }
0x130: {  	v8 =	vld [tilespmem:s17+$0x90]  }
0x131: {  	v19 =	vld [tilespmem:s17+$0x40]  }
0x132: {  	v20 =	vld [tilespmem:s17+$0x50]  }
0x133: {  	v21 =	vld [tilespmem:s17+$0x0]  }
0x134: {  	v22 =	vld [tilespmem:s17+$0x10]  }
0x135: {  	v12 =	vadd.f32 v12, v15;
	v14 =	vadd.f32 v14, v16;
	v15 =	vld [tilespmem:s17+$0x20]  }
0x136: {  	v3 =	vadd.f32 v3, v17;
	v16 =	vadd.f32 v6, v18;
	v17 =	vld [tilespmem:s17+$0x30]  }
0x137: {  	v9 =	vadd.f32 v9, v12;
	v14 =	vadd.f32 v11, v14;
	v11 =	vld [tilespmem:s17+$0x60]  }
0x138: {  	v12 =	vld [tilespmem:s17+$0x70];
	v6 =	vadd.f32 v1, v3;
	v3 =	vadd.f32 v2, v16  }
0x139: {  	v2 =	vadd.f32 v10, v9;
	v1 =	vadd.f32 v13, v14;
	v9 =	vld [tilespmem:s17+$0xA0]  }
0x13a: {  	v10 =	vld [tilespmem:s17+$0xB0];
	v13 =	vadd.f32 v21, v0;
	v16 =	vadd.f32 v22, v0  }
0x13b: {  	v15 =	vadd.f32 v15, v0;
	v14 =	vadd.f32 v17, v0;
	v0 =	vld [tilespmem:s17+$0xE0]  }
0x13c: {  	s18 =	simm.s32 $0x348;
	v17 =	vadd.f32 v19, v13;
	v16 =	vadd.f32 v20, v16;
	v13 =	vld [tilespmem:s17+$0xF0];
	s17 =	simm.s32 $0xD9E0  }
.LBB2_13:
0x13d: {  	v18 =	vld [tilespmem:s17+$0xC0];
	v11 =	vadd.f32 v11, v15;
	v12 =	vadd.f32 v12, v14  }
0x13e: {  	v14 =	vld [tilespmem:s17+$0xD0];
	v15 =	vadd.f32 v7, v17;
	v16 =	vadd.f32 v8, v16  }
0x13f: {  	v7 =	vld [tilespmem:s17+$0x80];
	v9 =	vadd.f32 v9, v11;
	v10 =	vadd.f32 v10, v12  }
0x140: {  	v8 =	vld [tilespmem:s17+$0x90];
	v15 =	vadd.f32 v5, v15;
	v16 =	vadd.f32 v4, v16  }
0x141: {  	v17 =	vld [tilespmem:s17+$0x40];
	v0 =	vadd.f32 v0, v9;
	v13 =	vadd.f32 v13, v10  }
0x142: {  	v19 =	vld [tilespmem:s17+$0x50];
	v5 =	vmov v18  }
0x143: {  	v10 =	vld [tilespmem:s17+$0x0];
	v4 =	vmov v14  }
0x144: {  	v14 =	vld [tilespmem:s17+$0x10]  }
0x145: {  	v18 =	vld [tilespmem:s17+$0x20]  }
0x146: {  	s18 =	sadd.s32 $0x4, s18;
	v20 =	vld [tilespmem:s17+$0x30]  }
0x147: {  	p1 =	slt.u32 s18, $0x358;
	v11 =	vld [tilespmem:s17+$0x60]  }
.Ltmp5:
0x148: {  	v12 =	vld [tilespmem:s17+$0x70];
	(pc) =	sbr.rel @p1 .LBB2_13-.Ltmp5, $4  }
0x149: {  	v9 =	vld [tilespmem:s17+$0xA0]  }
0x14a: {  	v21 =	vadd.f32 v10, v15;
	v16 =	vadd.f32 v14, v16;
	v10 =	vld [tilespmem:s17+$0xB0]  }
0x14b: {  	v15 =	vadd.f32 v18, v0;
	v14 =	vadd.f32 v20, v13;
	v0 =	vld [tilespmem:s17+$0xE0]  }
0x14c: {  	v17 =	vadd.f32 v17, v21;
	v16 =	vadd.f32 v19, v16;
	v13 =	vld [tilespmem:s17+$0xF0];
	s17 =	sadd.s32 $0x100, s17  }
0x14d: {  	_ = 	snop  }
0x14e: {  	v7 =	vadd.f32 v7, v17  }
0x14f: {  	v11 =	vadd.f32 v11, v15;
	[tilespmem:$0x1BF60] =	vst v6;
	v8 =	vadd.f32 v8, v16  }
0x150: {  	[tilespmem:$0x1BF70] =	vst v3;
	v5 =	vadd.f32 v5, v7;
	v7 =	vadd.f32 v12, v14  }
0x151: {  	[tilespmem:$0x1BF80] =	vst v2;
	v6 =	vadd.f32 v9, v11  }
0x152: {  	[tilespmem:$0x1BF90] =	vst v1;
	v4 =	vadd.f32 v4, v8;
	v3 =	vadd.f32 v10, v7  }
0x153: {  	v0 =	vadd.f32 v0, v6;
	[tilespmem:$0x1C160] =	vst v5  }
0x154: {  	[tilespmem:$0x1C170] =	vst v4;
	v2 =	vadd.f32 v13, v3  }
0x155: {  	[tilespmem:$0x1C180] =	vst v0  }
0x156: {  	s17 =	simm.s32 $0x9CE0;
	[tilespmem:$0x1C190] =	vst v2  }
0x157: {  	v1 =	vld [tilespmem:s17+$0xC0]  }
0x158: {  	v2 =	vld [tilespmem:s17+$0xD0]  }
0x159: {  	v3 =	vld [tilespmem:s17+$0x80]  }
0x15a: {  	v6 =	vld [tilespmem:s17+$0x90]  }
0x15b: {  	v4 =	vld [tilespmem:s17+$0x40]  }
0x15c: {  	v5 =	vld [tilespmem:s17+$0x50]  }
0x15d: {  	v7 =	vld [tilespmem:s17+$0x0]  }
0x15e: {  	v8 =	vld [tilespmem:s17+$0x10]  }
0x15f: {  	v10 =	vld [tilespmem:s17+$0x20]  }
0x160: {  	v13 =	vld [tilespmem:s17+$0x30]  }
0x161: {  	v12 =	vld [tilespmem:s17+$0x60]  }
0x162: {  	v14 =	vld [tilespmem:s17+$0x70]  }
0x163: {  	v0 =	vimm.f32 $0.0e+00;
	v9 =	vld [tilespmem:s17+$0xA0]  }
0x164: {  	v11 =	vld [tilespmem:s17+$0xB0];
	v7 =	vadd.f32 v7, v0;
	v8 =	vadd.f32 v8, v0  }
0x165: {  	v15 =	vadd.f32 v10, v0;
	v16 =	vadd.f32 v13, v0;
	v10 =	vld [tilespmem:s17+$0xE0]  }
0x166: {  	s18 =	simm.s32 $0x258;
	s19 =	simm.s32 $0x9DE0;
	v13 =	vld [tilespmem:s17+$0xF0];
	v17 =	vadd.f32 v4, v7;
	v18 =	vadd.f32 v5, v8  }
.LBB2_15:
0x167: {  	v4 =	vld [tilespmem:s19+$0xC0];
	v5 =	vadd.f32 v12, v15;
	v7 =	vadd.f32 v14, v16  }
0x168: {  	v8 =	vld [tilespmem:s19+$0xD0];
	v12 =	vadd.f32 v3, v17;
	v14 =	vadd.f32 v6, v18  }
0x169: {  	v3 =	vld [tilespmem:s19+$0x80];
	v5 =	vadd.f32 v9, v5;
	v7 =	vadd.f32 v11, v7  }
0x16a: {  	v6 =	vld [tilespmem:s19+$0x90];
	v11 =	vadd.f32 v1, v12;
	v15 =	vadd.f32 v2, v14  }
0x16b: {  	s17 =	simm.s32 $0xDDE0;
	v17 =	vld [tilespmem:s19+$0x40];
	v5 =	vadd.f32 v10, v5;
	v7 =	vadd.f32 v13, v7  }
0x16c: {  	v13 =	vld [tilespmem:s19+$0x50];
	v1 =	vmov v4  }
0x16d: {  	v4 =	vld [tilespmem:s19+$0x0];
	v2 =	vmov v8  }
0x16e: {  	v8 =	vld [tilespmem:s19+$0x10]  }
0x16f: {  	v10 =	vld [tilespmem:s19+$0x20]  }
0x170: {  	s18 =	sadd.s32 $0x4, s18;
	v16 =	vld [tilespmem:s19+$0x30]  }
0x171: {  	p1 =	slt.u32 s18, $0x31C;
	v12 =	vld [tilespmem:s19+$0x60]  }
.Ltmp6:
0x172: {  	v14 =	vld [tilespmem:s19+$0x70];
	(pc) =	sbr.rel @p1 .LBB2_15-.Ltmp6, $4  }
0x173: {  	v9 =	vld [tilespmem:s19+$0xA0]  }
0x174: {  	v4 =	vadd.f32 v4, v11;
	v8 =	vadd.f32 v8, v15;
	v11 =	vld [tilespmem:s19+$0xB0]  }
0x175: {  	v15 =	vadd.f32 v10, v5;
	v16 =	vadd.f32 v16, v7;
	v10 =	vld [tilespmem:s19+$0xE0]  }
0x176: {  	v17 =	vadd.f32 v17, v4;
	v18 =	vadd.f32 v13, v8;
	v13 =	vld [tilespmem:s19+$0xF0];
	s19 =	sadd.s32 $0x100, s19  }
0x177: {  	v5 =	vld [tilespmem:s17+$0xC0]  }
0x178: {  	v4 =	vld [tilespmem:s17+$0xD0]  }
0x179: {  	v7 =	vld [tilespmem:s17+$0x80]  }
0x17a: {  	v8 =	vld [tilespmem:s17+$0x90]  }
0x17b: {  	v19 =	vld [tilespmem:s17+$0x40]  }
0x17c: {  	v20 =	vld [tilespmem:s17+$0x50]  }
0x17d: {  	v21 =	vld [tilespmem:s17+$0x0]  }
0x17e: {  	v22 =	vld [tilespmem:s17+$0x10]  }
0x17f: {  	v12 =	vadd.f32 v12, v15;
	v14 =	vadd.f32 v14, v16;
	v15 =	vld [tilespmem:s17+$0x20]  }
0x180: {  	v3 =	vadd.f32 v3, v17;
	v16 =	vadd.f32 v6, v18;
	v17 =	vld [tilespmem:s17+$0x30]  }
0x181: {  	v9 =	vadd.f32 v9, v12;
	v14 =	vadd.f32 v11, v14;
	v11 =	vld [tilespmem:s17+$0x60]  }
0x182: {  	v12 =	vld [tilespmem:s17+$0x70];
	v6 =	vadd.f32 v1, v3;
	v3 =	vadd.f32 v2, v16  }
0x183: {  	v2 =	vadd.f32 v10, v9;
	v1 =	vadd.f32 v13, v14;
	v9 =	vld [tilespmem:s17+$0xA0]  }
0x184: {  	v10 =	vld [tilespmem:s17+$0xB0];
	v13 =	vadd.f32 v21, v0;
	v16 =	vadd.f32 v22, v0  }
0x185: {  	v15 =	vadd.f32 v15, v0;
	v14 =	vadd.f32 v17, v0;
	v0 =	vld [tilespmem:s17+$0xE0]  }
0x186: {  	s18 =	simm.s32 $0x35C;
	v17 =	vadd.f32 v19, v13;
	v16 =	vadd.f32 v20, v16;
	v13 =	vld [tilespmem:s17+$0xF0];
	s17 =	simm.s32 $0xDEE0  }
.LBB2_17:
0x187: {  	v18 =	vld [tilespmem:s17+$0xC0];
	v11 =	vadd.f32 v11, v15;
	v12 =	vadd.f32 v12, v14  }
0x188: {  	v14 =	vld [tilespmem:s17+$0xD0];
	v15 =	vadd.f32 v7, v17;
	v16 =	vadd.f32 v8, v16  }
0x189: {  	v7 =	vld [tilespmem:s17+$0x80];
	v9 =	vadd.f32 v9, v11;
	v10 =	vadd.f32 v10, v12  }
0x18a: {  	v8 =	vld [tilespmem:s17+$0x90];
	v15 =	vadd.f32 v5, v15;
	v16 =	vadd.f32 v4, v16  }
0x18b: {  	v17 =	vld [tilespmem:s17+$0x40];
	v0 =	vadd.f32 v0, v9;
	v13 =	vadd.f32 v13, v10  }
0x18c: {  	v19 =	vld [tilespmem:s17+$0x50];
	v5 =	vmov v18  }
0x18d: {  	v10 =	vld [tilespmem:s17+$0x0];
	v4 =	vmov v14  }
0x18e: {  	v14 =	vld [tilespmem:s17+$0x10]  }
0x18f: {  	v18 =	vld [tilespmem:s17+$0x20]  }
0x190: {  	s18 =	sadd.s32 $0x4, s18;
	v20 =	vld [tilespmem:s17+$0x30]  }
0x191: {  	p1 =	slt.u32 s18, $0x36C;
	v11 =	vld [tilespmem:s17+$0x60]  }
.Ltmp7:
0x192: {  	v12 =	vld [tilespmem:s17+$0x70];
	(pc) =	sbr.rel @p1 .LBB2_17-.Ltmp7, $4  }
0x193: {  	v9 =	vld [tilespmem:s17+$0xA0]  }
0x194: {  	v21 =	vadd.f32 v10, v15;
	v16 =	vadd.f32 v14, v16;
	v10 =	vld [tilespmem:s17+$0xB0]  }
0x195: {  	v15 =	vadd.f32 v18, v0;
	v14 =	vadd.f32 v20, v13;
	v0 =	vld [tilespmem:s17+$0xE0]  }
0x196: {  	v17 =	vadd.f32 v17, v21;
	v16 =	vadd.f32 v19, v16;
	v13 =	vld [tilespmem:s17+$0xF0];
	s17 =	sadd.s32 $0x100, s17  }
0x197: {  	_ = 	snop  }
0x198: {  	v7 =	vadd.f32 v7, v17  }
0x199: {  	v11 =	vadd.f32 v11, v15;
	[tilespmem:$0x1BFA0] =	vst v6;
	v8 =	vadd.f32 v8, v16  }
0x19a: {  	[tilespmem:$0x1BFB0] =	vst v3;
	v5 =	vadd.f32 v5, v7;
	v7 =	vadd.f32 v12, v14  }
0x19b: {  	[tilespmem:$0x1BFC0] =	vst v2;
	v6 =	vadd.f32 v9, v11  }
0x19c: {  	[tilespmem:$0x1BFD0] =	vst v1;
	v4 =	vadd.f32 v4, v8;
	v3 =	vadd.f32 v10, v7  }
0x19d: {  	v0 =	vadd.f32 v0, v6;
	[tilespmem:$0x1C1A0] =	vst v5  }
0x19e: {  	s17 =	sshll.u32 s31, $0x6;
	p1 =	seq.s32 s31, $0x3F;
	[tilespmem:$0x1C1B0] =	vst v4;
	v2 =	vadd.f32 v13, v3  }
0x19f: {  	s17 =	sadd.s32 s9, s17;
	s1 =	sadd.s32 @!p1 $0x2, s1;
	[tilespmem:$0x1C1C0] =	vst v0  }
0x1a0: {  	s18 =	sadd.s32 s7, s17;
	s19 =	smul.u32 @!p1 $0xA, s1;
	[tilespmem:$0x1C1D0] =	vst v2  }
0x1a1: {  	[hbm4b:s18+s2] =	stream.linear.scatter [tilespmem:s25], [sflag:$0x3], $0x100, $0x38;
	[tilespmem:$0x1C2E0] =	vst v63  }
0x1a2: {  	s18 =	sadd.s32 @!p1 s6, s19  }
0x1a3: {  	s17 =	sadd.s32 s8, s17;
	s18 =	smul.u32 @!p1 $0xA, s18  }
0x1a4: {  	[hbm4b:s17+s2] =	stream.linear.scatter [tilespmem:s26], [sflag:$0x3], $0x100, $0x38;
	[tilespmem:$0x1C2E0] =	vst v63  }
0x1a5: {  	s17 =	sadd.s32 @!p1 s3, s18;
	s18 =	simm.s32 @!p1 $0x0  }
0x1a6: {  	[tilespmem:s18], [sflag:$0x5] =	stream.linear.gather @!p1 [hbm4b:s17+s18], $0x320, $0x38;
	[tilespmem:$0x1C2E0] =	vst v63  }
0x1a7: {  	s1 =	sadd.s32 @!p1 s10, s1;
	s17 =	simm.s32 @!p1 $0x5  }
0x1a8: {  	s1 =	smul.u32 @!p1 $0xA, s1;
	_ =	swait.ge @!p1 [sflag:s17], $0x320  }
0x1a9: {  	[sflag:s17] =	ssyncset.done @!p1 $0x0  }
0x1aa: {  	s1 =	sadd.s32 @!p1 s4, s1;
	s19 =	simm.s32 @!p1 $0x640;
	[sflag:s17] =	ssyncadd.s32 @!p1 $0xFFFFFCE0  }
0x1ab: {  	[tilespmem:s19], [sflag:$0x5] =	stream.linear.gather @!p1 [hbm4b:s1+s18], $0x50, $0x38;
	[tilespmem:$0x1C2E0] =	vst v63  }
0x1ac: {  	_ =	swait.ge @!p1 [sflag:s17], $0x50  }
0x1ad: {  	[sflag:s17] =	ssyncset.done @!p1 $0x0  }
0x1ae: {  	s1 =	simm.s32 @!p1 $0x50;
	[sflag:s17] =	ssyncadd.s32 @!p1 $0xFFFFFFB0;
	s17 =	simm.s32 @!p1 $0x6E0  }
0x1af: {  	[tilespmem:s17], [sflag:$0x1] =	stream.indirect.gather @!p1 [hbm4b:s5+s1], $0x40, s18, s1, $0xb8;
	[tilespmem:$0x1C2E0] =	vst v63  }
0x1b0: {  	s17 =	simm.s32 @!p1 $0x1AE0  }
0x1b1: {  	[tilespmem:s17], [sflag:$0x1] =	stream.indirect.gather @!p1 [hbm4b:s5+s1], $0x40, s1, s1, $0xb8;
	[tilespmem:$0x1C2E0] =	vst v63  }
0x1b2: {  	s18 =	simm.s32 @!p1 $0x2EE0;
	s17 =	simm.s32 @!p1 $0xA0  }
0x1b3: {  	[tilespmem:s18], [sflag:$0x1] =	stream.indirect.gather @!p1 [hbm4b:s5+s1], $0x40, s17, s1, $0xb8;
	[tilespmem:$0x1C2E0] =	vst v63  }
0x1b4: {  	s17 =	simm.s32 @!p1 $0xF0;
	s18 =	simm.s32 @!p1 $0x42E0  }
0x1b5: {  	[tilespmem:s18], [sflag:$0x1] =	stream.indirect.gather @!p1 [hbm4b:s5+s1], $0x40, s17, s1, $0xb8;
	[tilespmem:$0x1C2E0] =	vst v63  }
0x1b6: {  	s17 =	simm.s32 @!p1 $0x140;
	s18 =	simm.s32 @!p1 $0x56E0  }
0x1b7: {  	[tilespmem:s18], [sflag:$0x1] =	stream.indirect.gather @!p1 [hbm4b:s5+s1], $0x40, s17, s1, $0xb8;
	[tilespmem:$0x1C2E0] =	vst v63  }
0x1b8: {  	s17 =	simm.s32 @!p1 $0x190;
	s18 =	simm.s32 @!p1 $0x6AE0  }
0x1b9: {  	[tilespmem:s18], [sflag:$0x1] =	stream.indirect.gather @!p1 [hbm4b:s5+s1], $0x40, s17, s1, $0xb8;
	[tilespmem:$0x1C2E0] =	vst v63  }
0x1ba: {  	s17 =	simm.s32 @!p1 $0x1E0;
	s18 =	simm.s32 @!p1 $0x7EE0  }
0x1bb: {  	[tilespmem:s18], [sflag:$0x1] =	stream.indirect.gather @!p1 [hbm4b:s5+s1], $0x40, s17, s1, $0xb8;
	[tilespmem:$0x1C2E0] =	vst v63  }
0x1bc: {  	s17 =	simm.s32 @!p1 $0x230;
	s18 =	simm.s32 @!p1 $0x92E0  }
0x1bd: {  	[tilespmem:s18], [sflag:$0x1] =	stream.indirect.gather @!p1 [hbm4b:s5+s1], $0x40, s17, s1, $0xb8;
	[tilespmem:$0x1C2E0] =	vst v63  }
0x1be: {  	s17 =	simm.s32 @!p1 $0x280;
	s18 =	simm.s32 @!p1 $0xA6E0  }
0x1bf: {  	[tilespmem:s18], [sflag:$0x1] =	stream.indirect.gather @!p1 [hbm4b:s5+s1], $0x40, s17, s1, $0xb8;
	[tilespmem:$0x1C2E0] =	vst v63  }
0x1c0: {  	s17 =	simm.s32 @!p1 $0x2D0;
	s18 =	simm.s32 @!p1 $0xBAE0  }
0x1c1: {  	[tilespmem:s18], [sflag:$0x1] =	stream.indirect.gather @!p1 [hbm4b:s5+s1], $0x40, s17, s1, $0xb8;
	[tilespmem:$0x1C2E0] =	vst v63  }
0x1c2: {  	s17 =	simm.s32 @!p1 $0xCEE0  }
0x1c3: {  	[tilespmem:s17], [sflag:$0x1] =	stream.indirect.gather @!p1 [hbm4b:s5+s1], $0x40, s19, s1, $0xb8;
	[tilespmem:$0x1C2E0] =	vst v63  }
0x1c4: {  	_ =	swait.ge [sflag:s28], $0x1400  }
0x1c5: {  	[sflag:s28] =	ssyncset.done $0x0  }
0x1c6: {  	[sflag:s28] =	ssyncadd.s32 $0xFFFFEC00  }
0x1c7: {  	_ =	swait.ge [sflag:s28], $0x1400  }
0x1c8: {  	[sflag:s28] =	ssyncset.done $0x0  }
0x1c9: {  	[sflag:s28] =	ssyncadd.s32 $0xFFFFEC00  }
0x1ca: {  	_ =	swait.ge [sflag:s28], $0x1400  }
0x1cb: {  	[sflag:s28] =	ssyncset.done $0x0  }
0x1cc: {  	[sflag:s28] =	ssyncadd.s32 $0xFFFFEC00  }
0x1cd: {  	_ =	swait.ge [sflag:s28], $0x1400  }
0x1ce: {  	[sflag:s28] =	ssyncset.done $0x0  }
0x1cf: {  	[sflag:s28] =	ssyncadd.s32 $0xFFFFEC00  }
0x1d0: {  	_ =	swait.ge [sflag:s28], $0x1400  }
0x1d1: {  	[sflag:s28] =	ssyncset.done $0x0  }
0x1d2: {  	[sflag:s28] =	ssyncadd.s32 $0xFFFFEC00  }
0x1d3: {  	_ =	swait.ge [sflag:s28], $0x1400  }
0x1d4: {  	[sflag:s28] =	ssyncset.done $0x0  }
0x1d5: {  	[sflag:s28] =	ssyncadd.s32 $0xFFFFEC00  }
0x1d6: {  	_ =	swait.ge [sflag:s28], $0x1400  }
0x1d7: {  	[sflag:s28] =	ssyncset.done $0x0  }
0x1d8: {  	[sflag:s28] =	ssyncadd.s32 $0xFFFFEC00  }
0x1d9: {  	_ =	swait.ge [sflag:s28], $0x1400  }
0x1da: {  	[sflag:s28] =	ssyncset.done $0x0  }
0x1db: {  	[sflag:s28] =	ssyncadd.s32 $0xFFFFEC00  }
0x1dc: {  	_ =	swait.ge [sflag:s28], $0x1400  }
0x1dd: {  	[sflag:s28] =	ssyncset.done $0x0  }
0x1de: {  	[sflag:s28] =	ssyncadd.s32 $0xFFFFEC00  }
0x1df: {  	_ =	swait.ge [sflag:s28], $0x1400  }
0x1e0: {  	[sflag:s28] =	ssyncset.done $0x0  }
0x1e1: {  	[sflag:s28] =	ssyncadd.s32 $0xFFFFEC00  }
0x1e2: {  	_ =	swait.ge [sflag:s28], $0x1400  }
0x1e3: {  	[sflag:s28] =	ssyncset.done $0x0  }
0x1e4: {  	s1 =	simm.s32 @!p0 $0x4;
	[sflag:s28] =	ssyncadd.s32 $0xFFFFEC00  }
0x1e5: {  	_ =	swait.ge @!p0 [sflag:s1], $0x100  }
0x1e6: {  	[sflag:s1] =	ssyncset.done @!p0 $0x0  }
0x1e7: {  	[sflag:s1] =	ssyncadd.s32 @!p0 $0xFFFFFF00  }
0x1e8: {  	_ =	swait.ge @!p0 [sflag:s1], $0x100  }
0x1e9: {  	[sflag:s1] =	ssyncset.done @!p0 $0x0  }
0x1ea: {  	s19 =	simm.s32 $0xE2E0;
	[sflag:s1] =	ssyncadd.s32 @!p0 $0xFFFFFF00  }
0x1eb: {  	v1 =	vld [tilespmem:s19+$0xC0]  }
0x1ec: {  	v2 =	vld [tilespmem:s19+$0xD0]  }
0x1ed: {  	v3 =	vld [tilespmem:s19+$0x80]  }
0x1ee: {  	v6 =	vld [tilespmem:s19+$0x90]  }
0x1ef: {  	v4 =	vld [tilespmem:s19+$0x40]  }
0x1f0: {  	v5 =	vld [tilespmem:s19+$0x50]  }
0x1f1: {  	v7 =	vld [tilespmem:s19+$0x0]  }
0x1f2: {  	v8 =	vld [tilespmem:s19+$0x10]  }
0x1f3: {  	v10 =	vld [tilespmem:s19+$0x20]  }
0x1f4: {  	v13 =	vld [tilespmem:s19+$0x30]  }
0x1f5: {  	v12 =	vld [tilespmem:s19+$0x60]  }
0x1f6: {  	v14 =	vld [tilespmem:s19+$0x70]  }
0x1f7: {  	v0 =	vimm.f32 $0.0e+00;
	v9 =	vld [tilespmem:s19+$0xA0]  }
0x1f8: {  	v11 =	vld [tilespmem:s19+$0xB0];
	v7 =	vadd.f32 v7, v0;
	v8 =	vadd.f32 v8, v0  }
0x1f9: {  	v15 =	vadd.f32 v10, v0;
	v16 =	vadd.f32 v13, v0;
	v10 =	vld [tilespmem:s19+$0xE0]  }
0x1fa: {  	s17 =	simm.s32 $0xE3E0;
	s1 =	simm.s32 $0x0;
	v13 =	vld [tilespmem:s19+$0xF0];
	v17 =	vadd.f32 v4, v7;
	v18 =	vadd.f32 v5, v8  }
.LBB2_19:
0x1fb: {  	v4 =	vld [tilespmem:s17+$0xC0];
	v5 =	vadd.f32 v12, v15;
	v7 =	vadd.f32 v14, v16  }
0x1fc: {  	v8 =	vld [tilespmem:s17+$0xD0];
	v12 =	vadd.f32 v3, v17;
	v14 =	vadd.f32 v6, v18  }
0x1fd: {  	v3 =	vld [tilespmem:s17+$0x80];
	v5 =	vadd.f32 v9, v5;
	v7 =	vadd.f32 v11, v7  }
0x1fe: {  	v6 =	vld [tilespmem:s17+$0x90];
	v11 =	vadd.f32 v1, v12;
	v15 =	vadd.f32 v2, v14  }
0x1ff: {  	v17 =	vld [tilespmem:s17+$0x40];
	v5 =	vadd.f32 v10, v5;
	v7 =	vadd.f32 v13, v7  }
0x200: {  	v13 =	vld [tilespmem:s17+$0x50];
	v1 =	vmov v4  }
0x201: {  	v4 =	vld [tilespmem:s17+$0x0];
	v2 =	vmov v8  }
0x202: {  	v8 =	vld [tilespmem:s17+$0x10]  }
0x203: {  	v10 =	vld [tilespmem:s17+$0x20]  }
0x204: {  	s1 =	sadd.s32 $0x4, s1;
	v16 =	vld [tilespmem:s17+$0x30]  }
0x205: {  	p0 =	slt.u32 s1, $0xC4;
	v12 =	vld [tilespmem:s17+$0x60]  }
.Ltmp8:
0x206: {  	v14 =	vld [tilespmem:s17+$0x70];
	(pc) =	sbr.rel @p0 .LBB2_19-.Ltmp8, $4  }
0x207: {  	v9 =	vld [tilespmem:s17+$0xA0]  }
0x208: {  	v4 =	vadd.f32 v4, v11;
	v8 =	vadd.f32 v8, v15;
	v11 =	vld [tilespmem:s17+$0xB0]  }
0x209: {  	v15 =	vadd.f32 v10, v5;
	v16 =	vadd.f32 v16, v7;
	v10 =	vld [tilespmem:s17+$0xE0]  }
0x20a: {  	v17 =	vadd.f32 v17, v4;
	v18 =	vadd.f32 v13, v8;
	v13 =	vld [tilespmem:s17+$0xF0];
	s17 =	sadd.s32 $0x100, s17  }
0x20b: {  	s17 =	simm.s32 $0x1AAE0  }
0x20c: {  	v5 =	vld [tilespmem:s17+$0xC0]  }
0x20d: {  	v4 =	vld [tilespmem:s17+$0xD0]  }
0x20e: {  	v7 =	vld [tilespmem:s17+$0x80]  }
0x20f: {  	v8 =	vld [tilespmem:s17+$0x90]  }
0x210: {  	v19 =	vld [tilespmem:s17+$0x40]  }
0x211: {  	v20 =	vld [tilespmem:s17+$0x50]  }
0x212: {  	v21 =	vld [tilespmem:s17+$0x0]  }
0x213: {  	v22 =	vld [tilespmem:s17+$0x10]  }
0x214: {  	v12 =	vadd.f32 v12, v15;
	v14 =	vadd.f32 v14, v16;
	v15 =	vld [tilespmem:s17+$0x20]  }
0x215: {  	v3 =	vadd.f32 v3, v17;
	v16 =	vadd.f32 v6, v18;
	v17 =	vld [tilespmem:s17+$0x30]  }
0x216: {  	v9 =	vadd.f32 v9, v12;
	v14 =	vadd.f32 v11, v14;
	v11 =	vld [tilespmem:s17+$0x60]  }
0x217: {  	v12 =	vld [tilespmem:s17+$0x70];
	v6 =	vadd.f32 v1, v3;
	v3 =	vadd.f32 v2, v16  }
0x218: {  	v2 =	vadd.f32 v10, v9;
	v1 =	vadd.f32 v13, v14;
	v9 =	vld [tilespmem:s17+$0xA0]  }
0x219: {  	v10 =	vld [tilespmem:s17+$0xB0];
	v13 =	vadd.f32 v21, v0;
	v16 =	vadd.f32 v22, v0  }
0x21a: {  	v15 =	vadd.f32 v15, v0;
	v14 =	vadd.f32 v17, v0;
	v0 =	vld [tilespmem:s17+$0xE0]  }
0x21b: {  	s1 =	simm.s32 $0x320;
	v17 =	vadd.f32 v19, v13;
	v16 =	vadd.f32 v20, v16;
	v13 =	vld [tilespmem:s17+$0xF0];
	s17 =	simm.s32 $0x1ABE0  }
.LBB2_21:
0x21c: {  	v18 =	vld [tilespmem:s17+$0xC0];
	v11 =	vadd.f32 v11, v15;
	v12 =	vadd.f32 v12, v14  }
0x21d: {  	v14 =	vld [tilespmem:s17+$0xD0];
	v15 =	vadd.f32 v7, v17;
	v16 =	vadd.f32 v8, v16  }
0x21e: {  	v7 =	vld [tilespmem:s17+$0x80];
	v9 =	vadd.f32 v9, v11;
	v10 =	vadd.f32 v10, v12  }
0x21f: {  	v8 =	vld [tilespmem:s17+$0x90];
	v15 =	vadd.f32 v5, v15;
	v16 =	vadd.f32 v4, v16  }
0x220: {  	v17 =	vld [tilespmem:s17+$0x40];
	v0 =	vadd.f32 v0, v9;
	v13 =	vadd.f32 v13, v10  }
0x221: {  	v19 =	vld [tilespmem:s17+$0x50];
	v5 =	vmov v18  }
0x222: {  	v10 =	vld [tilespmem:s17+$0x0];
	v4 =	vmov v14  }
0x223: {  	v14 =	vld [tilespmem:s17+$0x10]  }
0x224: {  	v18 =	vld [tilespmem:s17+$0x20]  }
0x225: {  	s1 =	sadd.s32 $0x4, s1;
	v20 =	vld [tilespmem:s17+$0x30]  }
0x226: {  	p0 =	slt.u32 s1, $0x330;
	v11 =	vld [tilespmem:s17+$0x60]  }
.Ltmp9:
0x227: {  	v12 =	vld [tilespmem:s17+$0x70];
	(pc) =	sbr.rel @p0 .LBB2_21-.Ltmp9, $4  }
0x228: {  	v9 =	vld [tilespmem:s17+$0xA0]  }
0x229: {  	v21 =	vadd.f32 v10, v15;
	v16 =	vadd.f32 v14, v16;
	v10 =	vld [tilespmem:s17+$0xB0]  }
0x22a: {  	v15 =	vadd.f32 v18, v0;
	v14 =	vadd.f32 v20, v13;
	v0 =	vld [tilespmem:s17+$0xE0]  }
0x22b: {  	v17 =	vadd.f32 v17, v21;
	v16 =	vadd.f32 v19, v16;
	v13 =	vld [tilespmem:s17+$0xF0];
	s17 =	sadd.s32 $0x100, s17  }
0x22c: {  	_ = 	snop  }
0x22d: {  	v7 =	vadd.f32 v7, v17  }
0x22e: {  	v11 =	vadd.f32 v11, v15;
	[tilespmem:$0x1BFE0] =	vst v6;
	v8 =	vadd.f32 v8, v16  }
0x22f: {  	[tilespmem:$0x1BFF0] =	vst v3;
	v5 =	vadd.f32 v5, v7;
	v7 =	vadd.f32 v12, v14  }
0x230: {  	[tilespmem:$0x1C000] =	vst v2;
	v6 =	vadd.f32 v9, v11  }
0x231: {  	[tilespmem:$0x1C010] =	vst v1;
	v4 =	vadd.f32 v4, v8;
	v3 =	vadd.f32 v10, v7  }
0x232: {  	v0 =	vadd.f32 v0, v6;
	[tilespmem:$0x1C1E0] =	vst v5  }
0x233: {  	[tilespmem:$0x1C1F0] =	vst v4;
	v2 =	vadd.f32 v13, v3  }
0x234: {  	[tilespmem:$0x1C200] =	vst v0  }
0x235: {  	s1 =	simm.s32 $0x114E0;
	[tilespmem:$0x1C210] =	vst v2  }
0x236: {  	v1 =	vld [tilespmem:s1+$0xC0]  }
0x237: {  	v2 =	vld [tilespmem:s1+$0xD0]  }
0x238: {  	v3 =	vld [tilespmem:s1+$0x80]  }
0x239: {  	v6 =	vld [tilespmem:s1+$0x90]  }
0x23a: {  	v4 =	vld [tilespmem:s1+$0x40]  }
0x23b: {  	v5 =	vld [tilespmem:s1+$0x50]  }
0x23c: {  	v7 =	vld [tilespmem:s1+$0x0]  }
0x23d: {  	v8 =	vld [tilespmem:s1+$0x10]  }
0x23e: {  	v10 =	vld [tilespmem:s1+$0x20]  }
0x23f: {  	v13 =	vld [tilespmem:s1+$0x30]  }
0x240: {  	v12 =	vld [tilespmem:s1+$0x60]  }
0x241: {  	v14 =	vld [tilespmem:s1+$0x70]  }
0x242: {  	v0 =	vimm.f32 $0.0e+00;
	v9 =	vld [tilespmem:s1+$0xA0]  }
0x243: {  	v11 =	vld [tilespmem:s1+$0xB0];
	v7 =	vadd.f32 v7, v0;
	v8 =	vadd.f32 v8, v0  }
0x244: {  	v15 =	vadd.f32 v10, v0;
	v16 =	vadd.f32 v13, v0;
	v10 =	vld [tilespmem:s1+$0xE0]  }
0x245: {  	s17 =	simm.s32 $0xC8;
	s18 =	simm.s32 $0x115E0;
	v13 =	vld [tilespmem:s1+$0xF0];
	v17 =	vadd.f32 v4, v7;
	v18 =	vadd.f32 v5, v8  }
.LBB2_23:
0x246: {  	v4 =	vld [tilespmem:s18+$0xC0];
	v5 =	vadd.f32 v12, v15;
	v7 =	vadd.f32 v14, v16  }
0x247: {  	v8 =	vld [tilespmem:s18+$0xD0];
	v12 =	vadd.f32 v3, v17;
	v14 =	vadd.f32 v6, v18  }
0x248: {  	v3 =	vld [tilespmem:s18+$0x80];
	v5 =	vadd.f32 v9, v5;
	v7 =	vadd.f32 v11, v7  }
0x249: {  	v6 =	vld [tilespmem:s18+$0x90];
	v11 =	vadd.f32 v1, v12;
	v15 =	vadd.f32 v2, v14  }
0x24a: {  	s1 =	simm.s32 $0x1AFE0;
	v17 =	vld [tilespmem:s18+$0x40];
	v5 =	vadd.f32 v10, v5;
	v7 =	vadd.f32 v13, v7  }
0x24b: {  	v13 =	vld [tilespmem:s18+$0x50];
	v1 =	vmov v4  }
0x24c: {  	v4 =	vld [tilespmem:s18+$0x0];
	v2 =	vmov v8  }
0x24d: {  	v8 =	vld [tilespmem:s18+$0x10]  }
0x24e: {  	v10 =	vld [tilespmem:s18+$0x20]  }
0x24f: {  	s17 =	sadd.s32 $0x4, s17;
	v16 =	vld [tilespmem:s18+$0x30]  }
0x250: {  	p0 =	slt.u32 s17, $0x18C;
	v12 =	vld [tilespmem:s18+$0x60]  }
.Ltmp10:
0x251: {  	v14 =	vld [tilespmem:s18+$0x70];
	(pc) =	sbr.rel @p0 .LBB2_23-.Ltmp10, $4  }
0x252: {  	v9 =	vld [tilespmem:s18+$0xA0]  }
0x253: {  	v4 =	vadd.f32 v4, v11;
	v8 =	vadd.f32 v8, v15;
	v11 =	vld [tilespmem:s18+$0xB0]  }
0x254: {  	v15 =	vadd.f32 v10, v5;
	v16 =	vadd.f32 v16, v7;
	v10 =	vld [tilespmem:s18+$0xE0]  }
0x255: {  	v17 =	vadd.f32 v17, v4;
	v18 =	vadd.f32 v13, v8;
	v13 =	vld [tilespmem:s18+$0xF0];
	s18 =	sadd.s32 $0x100, s18  }
0x256: {  	v5 =	vld [tilespmem:s1+$0xC0]  }
0x257: {  	v4 =	vld [tilespmem:s1+$0xD0]  }
0x258: {  	v7 =	vld [tilespmem:s1+$0x80]  }
0x259: {  	v8 =	vld [tilespmem:s1+$0x90]  }
0x25a: {  	v19 =	vld [tilespmem:s1+$0x40]  }
0x25b: {  	v20 =	vld [tilespmem:s1+$0x50]  }
0x25c: {  	v21 =	vld [tilespmem:s1+$0x0]  }
0x25d: {  	v22 =	vld [tilespmem:s1+$0x10]  }
0x25e: {  	v12 =	vadd.f32 v12, v15;
	v14 =	vadd.f32 v14, v16;
	v15 =	vld [tilespmem:s1+$0x20]  }
0x25f: {  	v3 =	vadd.f32 v3, v17;
	v16 =	vadd.f32 v6, v18;
	v17 =	vld [tilespmem:s1+$0x30]  }
0x260: {  	v9 =	vadd.f32 v9, v12;
	v14 =	vadd.f32 v11, v14;
	v11 =	vld [tilespmem:s1+$0x60]  }
0x261: {  	v12 =	vld [tilespmem:s1+$0x70];
	v6 =	vadd.f32 v1, v3;
	v3 =	vadd.f32 v2, v16  }
0x262: {  	v2 =	vadd.f32 v10, v9;
	v1 =	vadd.f32 v13, v14;
	v9 =	vld [tilespmem:s1+$0xA0]  }
0x263: {  	v10 =	vld [tilespmem:s1+$0xB0];
	v13 =	vadd.f32 v21, v0;
	v16 =	vadd.f32 v22, v0  }
0x264: {  	v15 =	vadd.f32 v15, v0;
	v14 =	vadd.f32 v17, v0;
	v0 =	vld [tilespmem:s1+$0xE0]  }
0x265: {  	s17 =	simm.s32 $0x334;
	v17 =	vadd.f32 v19, v13;
	v16 =	vadd.f32 v20, v16;
	v13 =	vld [tilespmem:s1+$0xF0];
	s1 =	simm.s32 $0x1B0E0  }
.LBB2_25:
0x266: {  	v18 =	vld [tilespmem:s1+$0xC0];
	v11 =	vadd.f32 v11, v15;
	v12 =	vadd.f32 v12, v14  }
0x267: {  	v14 =	vld [tilespmem:s1+$0xD0];
	v15 =	vadd.f32 v7, v17;
	v16 =	vadd.f32 v8, v16  }
0x268: {  	v7 =	vld [tilespmem:s1+$0x80];
	v9 =	vadd.f32 v9, v11;
	v10 =	vadd.f32 v10, v12  }
0x269: {  	v8 =	vld [tilespmem:s1+$0x90];
	v15 =	vadd.f32 v5, v15;
	v16 =	vadd.f32 v4, v16  }
0x26a: {  	v17 =	vld [tilespmem:s1+$0x40];
	v0 =	vadd.f32 v0, v9;
	v13 =	vadd.f32 v13, v10  }
0x26b: {  	v19 =	vld [tilespmem:s1+$0x50];
	v5 =	vmov v18  }
0x26c: {  	v10 =	vld [tilespmem:s1+$0x0];
	v4 =	vmov v14  }
0x26d: {  	v14 =	vld [tilespmem:s1+$0x10]  }
0x26e: {  	v18 =	vld [tilespmem:s1+$0x20]  }
0x26f: {  	s17 =	sadd.s32 $0x4, s17;
	v20 =	vld [tilespmem:s1+$0x30]  }
0x270: {  	p0 =	slt.u32 s17, $0x344;
	v11 =	vld [tilespmem:s1+$0x60]  }
.Ltmp11:
0x271: {  	v12 =	vld [tilespmem:s1+$0x70];
	(pc) =	sbr.rel @p0 .LBB2_25-.Ltmp11, $4  }
0x272: {  	v9 =	vld [tilespmem:s1+$0xA0]  }
0x273: {  	v21 =	vadd.f32 v10, v15;
	v16 =	vadd.f32 v14, v16;
	v10 =	vld [tilespmem:s1+$0xB0]  }
0x274: {  	v15 =	vadd.f32 v18, v0;
	v14 =	vadd.f32 v20, v13;
	v0 =	vld [tilespmem:s1+$0xE0]  }
0x275: {  	v17 =	vadd.f32 v17, v21;
	v16 =	vadd.f32 v19, v16;
	v13 =	vld [tilespmem:s1+$0xF0];
	s1 =	sadd.s32 $0x100, s1  }
0x276: {  	_ = 	snop  }
0x277: {  	v7 =	vadd.f32 v7, v17  }
0x278: {  	v11 =	vadd.f32 v11, v15;
	[tilespmem:$0x1C020] =	vst v6;
	v8 =	vadd.f32 v8, v16  }
0x279: {  	[tilespmem:$0x1C030] =	vst v3;
	v5 =	vadd.f32 v5, v7;
	v7 =	vadd.f32 v12, v14  }
0x27a: {  	[tilespmem:$0x1C040] =	vst v2;
	v6 =	vadd.f32 v9, v11  }
0x27b: {  	[tilespmem:$0x1C050] =	vst v1;
	v4 =	vadd.f32 v4, v8;
	v3 =	vadd.f32 v10, v7  }
0x27c: {  	v0 =	vadd.f32 v0, v6;
	[tilespmem:$0x1C220] =	vst v5  }
0x27d: {  	[tilespmem:$0x1C230] =	vst v4;
	v2 =	vadd.f32 v13, v3  }
0x27e: {  	[tilespmem:$0x1C240] =	vst v0  }
0x27f: {  	s1 =	simm.s32 $0x146E0;
	[tilespmem:$0x1C250] =	vst v2  }
0x280: {  	v1 =	vld [tilespmem:s1+$0xC0]  }
0x281: {  	v2 =	vld [tilespmem:s1+$0xD0]  }
0x282: {  	v3 =	vld [tilespmem:s1+$0x80]  }
0x283: {  	v6 =	vld [tilespmem:s1+$0x90]  }
0x284: {  	v4 =	vld [tilespmem:s1+$0x40]  }
0x285: {  	v5 =	vld [tilespmem:s1+$0x50]  }
0x286: {  	v7 =	vld [tilespmem:s1+$0x0]  }
0x287: {  	v8 =	vld [tilespmem:s1+$0x10]  }
0x288: {  	v10 =	vld [tilespmem:s1+$0x20]  }
0x289: {  	v13 =	vld [tilespmem:s1+$0x30]  }
0x28a: {  	v12 =	vld [tilespmem:s1+$0x60]  }
0x28b: {  	v14 =	vld [tilespmem:s1+$0x70]  }
0x28c: {  	v0 =	vimm.f32 $0.0e+00;
	v9 =	vld [tilespmem:s1+$0xA0]  }
0x28d: {  	v11 =	vld [tilespmem:s1+$0xB0];
	v7 =	vadd.f32 v7, v0;
	v8 =	vadd.f32 v8, v0  }
0x28e: {  	v15 =	vadd.f32 v10, v0;
	v16 =	vadd.f32 v13, v0;
	v10 =	vld [tilespmem:s1+$0xE0]  }
0x28f: {  	s17 =	simm.s32 $0x190;
	s18 =	simm.s32 $0x147E0;
	v13 =	vld [tilespmem:s1+$0xF0];
	v17 =	vadd.f32 v4, v7;
	v18 =	vadd.f32 v5, v8  }
.LBB2_27:
0x290: {  	v4 =	vld [tilespmem:s18+$0xC0];
	v5 =	vadd.f32 v12, v15;
	v7 =	vadd.f32 v14, v16  }
0x291: {  	v8 =	vld [tilespmem:s18+$0xD0];
	v12 =	vadd.f32 v3, v17;
	v14 =	vadd.f32 v6, v18  }
0x292: {  	v3 =	vld [tilespmem:s18+$0x80];
	v5 =	vadd.f32 v9, v5;
	v7 =	vadd.f32 v11, v7  }
0x293: {  	v6 =	vld [tilespmem:s18+$0x90];
	v11 =	vadd.f32 v1, v12;
	v15 =	vadd.f32 v2, v14  }
0x294: {  	s1 =	simm.s32 $0x1B4E0;
	v17 =	vld [tilespmem:s18+$0x40];
	v5 =	vadd.f32 v10, v5;
	v7 =	vadd.f32 v13, v7  }
0x295: {  	v13 =	vld [tilespmem:s18+$0x50];
	v1 =	vmov v4  }
0x296: {  	v4 =	vld [tilespmem:s18+$0x0];
	v2 =	vmov v8  }
0x297: {  	v8 =	vld [tilespmem:s18+$0x10]  }
0x298: {  	v10 =	vld [tilespmem:s18+$0x20]  }
0x299: {  	s17 =	sadd.s32 $0x4, s17;
	v16 =	vld [tilespmem:s18+$0x30]  }
0x29a: {  	p0 =	slt.u32 s17, $0x254;
	v12 =	vld [tilespmem:s18+$0x60]  }
.Ltmp12:
0x29b: {  	v14 =	vld [tilespmem:s18+$0x70];
	(pc) =	sbr.rel @p0 .LBB2_27-.Ltmp12, $4  }
0x29c: {  	v9 =	vld [tilespmem:s18+$0xA0]  }
0x29d: {  	v4 =	vadd.f32 v4, v11;
	v8 =	vadd.f32 v8, v15;
	v11 =	vld [tilespmem:s18+$0xB0]  }
0x29e: {  	v15 =	vadd.f32 v10, v5;
	v16 =	vadd.f32 v16, v7;
	v10 =	vld [tilespmem:s18+$0xE0]  }
0x29f: {  	v17 =	vadd.f32 v17, v4;
	v18 =	vadd.f32 v13, v8;
	v13 =	vld [tilespmem:s18+$0xF0];
	s18 =	sadd.s32 $0x100, s18  }
0x2a0: {  	v5 =	vld [tilespmem:s1+$0xC0]  }
0x2a1: {  	v4 =	vld [tilespmem:s1+$0xD0]  }
0x2a2: {  	v7 =	vld [tilespmem:s1+$0x80]  }
0x2a3: {  	v8 =	vld [tilespmem:s1+$0x90]  }
0x2a4: {  	v19 =	vld [tilespmem:s1+$0x40]  }
0x2a5: {  	v20 =	vld [tilespmem:s1+$0x50]  }
0x2a6: {  	v21 =	vld [tilespmem:s1+$0x0]  }
0x2a7: {  	v22 =	vld [tilespmem:s1+$0x10]  }
0x2a8: {  	v12 =	vadd.f32 v12, v15;
	v14 =	vadd.f32 v14, v16;
	v15 =	vld [tilespmem:s1+$0x20]  }
0x2a9: {  	v3 =	vadd.f32 v3, v17;
	v16 =	vadd.f32 v6, v18;
	v17 =	vld [tilespmem:s1+$0x30]  }
0x2aa: {  	v9 =	vadd.f32 v9, v12;
	v14 =	vadd.f32 v11, v14;
	v11 =	vld [tilespmem:s1+$0x60]  }
0x2ab: {  	v12 =	vld [tilespmem:s1+$0x70];
	v6 =	vadd.f32 v1, v3;
	v3 =	vadd.f32 v2, v16  }
0x2ac: {  	v2 =	vadd.f32 v10, v9;
	v1 =	vadd.f32 v13, v14;
	v9 =	vld [tilespmem:s1+$0xA0]  }
0x2ad: {  	v10 =	vld [tilespmem:s1+$0xB0];
	v13 =	vadd.f32 v21, v0;
	v16 =	vadd.f32 v22, v0  }
0x2ae: {  	v15 =	vadd.f32 v15, v0;
	v14 =	vadd.f32 v17, v0;
	v0 =	vld [tilespmem:s1+$0xE0]  }
0x2af: {  	s17 =	simm.s32 $0x348;
	v17 =	vadd.f32 v19, v13;
	v16 =	vadd.f32 v20, v16;
	v13 =	vld [tilespmem:s1+$0xF0];
	s1 =	simm.s32 $0x1B5E0  }
.LBB2_29:
0x2b0: {  	v18 =	vld [tilespmem:s1+$0xC0];
	v11 =	vadd.f32 v11, v15;
	v12 =	vadd.f32 v12, v14  }
0x2b1: {  	v14 =	vld [tilespmem:s1+$0xD0];
	v15 =	vadd.f32 v7, v17;
	v16 =	vadd.f32 v8, v16  }
0x2b2: {  	v7 =	vld [tilespmem:s1+$0x80];
	v9 =	vadd.f32 v9, v11;
	v10 =	vadd.f32 v10, v12  }
0x2b3: {  	v8 =	vld [tilespmem:s1+$0x90];
	v15 =	vadd.f32 v5, v15;
	v16 =	vadd.f32 v4, v16  }
0x2b4: {  	v17 =	vld [tilespmem:s1+$0x40];
	v0 =	vadd.f32 v0, v9;
	v13 =	vadd.f32 v13, v10  }
0x2b5: {  	v19 =	vld [tilespmem:s1+$0x50];
	v5 =	vmov v18  }
0x2b6: {  	v10 =	vld [tilespmem:s1+$0x0];
	v4 =	vmov v14  }
0x2b7: {  	v14 =	vld [tilespmem:s1+$0x10]  }
0x2b8: {  	v18 =	vld [tilespmem:s1+$0x20]  }
0x2b9: {  	s17 =	sadd.s32 $0x4, s17;
	v20 =	vld [tilespmem:s1+$0x30]  }
0x2ba: {  	p0 =	slt.u32 s17, $0x358;
	v11 =	vld [tilespmem:s1+$0x60]  }
.Ltmp13:
0x2bb: {  	v12 =	vld [tilespmem:s1+$0x70];
	(pc) =	sbr.rel @p0 .LBB2_29-.Ltmp13, $4  }
0x2bc: {  	v9 =	vld [tilespmem:s1+$0xA0]  }
0x2bd: {  	v21 =	vadd.f32 v10, v15;
	v16 =	vadd.f32 v14, v16;
	v10 =	vld [tilespmem:s1+$0xB0]  }
0x2be: {  	v15 =	vadd.f32 v18, v0;
	v14 =	vadd.f32 v20, v13;
	v0 =	vld [tilespmem:s1+$0xE0]  }
0x2bf: {  	v17 =	vadd.f32 v17, v21;
	v16 =	vadd.f32 v19, v16;
	v13 =	vld [tilespmem:s1+$0xF0];
	s1 =	sadd.s32 $0x100, s1  }
0x2c0: {  	_ = 	snop  }
0x2c1: {  	v7 =	vadd.f32 v7, v17  }
0x2c2: {  	v11 =	vadd.f32 v11, v15;
	[tilespmem:$0x1C060] =	vst v6;
	v8 =	vadd.f32 v8, v16  }
0x2c3: {  	[tilespmem:$0x1C070] =	vst v3;
	v5 =	vadd.f32 v5, v7;
	v7 =	vadd.f32 v12, v14  }
0x2c4: {  	[tilespmem:$0x1C080] =	vst v2;
	v6 =	vadd.f32 v9, v11  }
0x2c5: {  	[tilespmem:$0x1C090] =	vst v1;
	v4 =	vadd.f32 v4, v8;
	v3 =	vadd.f32 v10, v7  }
0x2c6: {  	v0 =	vadd.f32 v0, v6;
	[tilespmem:$0x1C260] =	vst v5  }
0x2c7: {  	[tilespmem:$0x1C270] =	vst v4;
	v2 =	vadd.f32 v13, v3  }
0x2c8: {  	[tilespmem:$0x1C280] =	vst v0  }
0x2c9: {  	s1 =	simm.s32 $0x178E0;
	[tilespmem:$0x1C290] =	vst v2  }
0x2ca: {  	v1 =	vld [tilespmem:s1+$0xC0]  }
0x2cb: {  	v2 =	vld [tilespmem:s1+$0xD0]  }
0x2cc: {  	v3 =	vld [tilespmem:s1+$0x80]  }
0x2cd: {  	v6 =	vld [tilespmem:s1+$0x90]  }
0x2ce: {  	v4 =	vld [tilespmem:s1+$0x40]  }
0x2cf: {  	v5 =	vld [tilespmem:s1+$0x50]  }
0x2d0: {  	v7 =	vld [tilespmem:s1+$0x0]  }
0x2d1: {  	v8 =	vld [tilespmem:s1+$0x10]  }
0x2d2: {  	v10 =	vld [tilespmem:s1+$0x20]  }
0x2d3: {  	v13 =	vld [tilespmem:s1+$0x30]  }
0x2d4: {  	v12 =	vld [tilespmem:s1+$0x60]  }
0x2d5: {  	v14 =	vld [tilespmem:s1+$0x70]  }
0x2d6: {  	v0 =	vimm.f32 $0.0e+00;
	v9 =	vld [tilespmem:s1+$0xA0]  }
0x2d7: {  	v11 =	vld [tilespmem:s1+$0xB0];
	v7 =	vadd.f32 v7, v0;
	v8 =	vadd.f32 v8, v0  }
0x2d8: {  	v15 =	vadd.f32 v10, v0;
	v16 =	vadd.f32 v13, v0;
	v10 =	vld [tilespmem:s1+$0xE0]  }
0x2d9: {  	s17 =	simm.s32 $0x258;
	s18 =	simm.s32 $0x179E0;
	v13 =	vld [tilespmem:s1+$0xF0];
	v17 =	vadd.f32 v4, v7;
	v18 =	vadd.f32 v5, v8  }
.LBB2_31:
0x2da: {  	v4 =	vld [tilespmem:s18+$0xC0];
	v5 =	vadd.f32 v12, v15;
	v7 =	vadd.f32 v14, v16  }
0x2db: {  	v8 =	vld [tilespmem:s18+$0xD0];
	v12 =	vadd.f32 v3, v17;
	v14 =	vadd.f32 v6, v18  }
0x2dc: {  	v3 =	vld [tilespmem:s18+$0x80];
	v5 =	vadd.f32 v9, v5;
	v7 =	vadd.f32 v11, v7  }
0x2dd: {  	v6 =	vld [tilespmem:s18+$0x90];
	v11 =	vadd.f32 v1, v12;
	v15 =	vadd.f32 v2, v14  }
0x2de: {  	s1 =	simm.s32 $0x1B9E0;
	v17 =	vld [tilespmem:s18+$0x40];
	v5 =	vadd.f32 v10, v5;
	v7 =	vadd.f32 v13, v7  }
0x2df: {  	v13 =	vld [tilespmem:s18+$0x50];
	v1 =	vmov v4  }
0x2e0: {  	v4 =	vld [tilespmem:s18+$0x0];
	v2 =	vmov v8  }
0x2e1: {  	v8 =	vld [tilespmem:s18+$0x10]  }
0x2e2: {  	v10 =	vld [tilespmem:s18+$0x20]  }
0x2e3: {  	s17 =	sadd.s32 $0x4, s17;
	v16 =	vld [tilespmem:s18+$0x30]  }
0x2e4: {  	p0 =	slt.u32 s17, $0x31C;
	v12 =	vld [tilespmem:s18+$0x60]  }
.Ltmp14:
0x2e5: {  	v14 =	vld [tilespmem:s18+$0x70];
	(pc) =	sbr.rel @p0 .LBB2_31-.Ltmp14, $4  }
0x2e6: {  	v9 =	vld [tilespmem:s18+$0xA0]  }
0x2e7: {  	v4 =	vadd.f32 v4, v11;
	v8 =	vadd.f32 v8, v15;
	v11 =	vld [tilespmem:s18+$0xB0]  }
0x2e8: {  	v15 =	vadd.f32 v10, v5;
	v16 =	vadd.f32 v16, v7;
	v10 =	vld [tilespmem:s18+$0xE0]  }
0x2e9: {  	v17 =	vadd.f32 v17, v4;
	v18 =	vadd.f32 v13, v8;
	v13 =	vld [tilespmem:s18+$0xF0];
	s18 =	sadd.s32 $0x100, s18  }
0x2ea: {  	v5 =	vld [tilespmem:s1+$0xC0]  }
0x2eb: {  	v4 =	vld [tilespmem:s1+$0xD0]  }
0x2ec: {  	v7 =	vld [tilespmem:s1+$0x80]  }
0x2ed: {  	v8 =	vld [tilespmem:s1+$0x90]  }
0x2ee: {  	v19 =	vld [tilespmem:s1+$0x40]  }
0x2ef: {  	v20 =	vld [tilespmem:s1+$0x50]  }
0x2f0: {  	v21 =	vld [tilespmem:s1+$0x0]  }
0x2f1: {  	v22 =	vld [tilespmem:s1+$0x10]  }
0x2f2: {  	v12 =	vadd.f32 v12, v15;
	v14 =	vadd.f32 v14, v16;
	v15 =	vld [tilespmem:s1+$0x20]  }
0x2f3: {  	v3 =	vadd.f32 v3, v17;
	v16 =	vadd.f32 v6, v18;
	v17 =	vld [tilespmem:s1+$0x30]  }
0x2f4: {  	v9 =	vadd.f32 v9, v12;
	v14 =	vadd.f32 v11, v14;
	v11 =	vld [tilespmem:s1+$0x60]  }
0x2f5: {  	v12 =	vld [tilespmem:s1+$0x70];
	v6 =	vadd.f32 v1, v3;
	v3 =	vadd.f32 v2, v16  }
0x2f6: {  	v2 =	vadd.f32 v10, v9;
	v1 =	vadd.f32 v13, v14;
	v9 =	vld [tilespmem:s1+$0xA0]  }
0x2f7: {  	v10 =	vld [tilespmem:s1+$0xB0];
	v13 =	vadd.f32 v21, v0;
	v16 =	vadd.f32 v22, v0  }
0x2f8: {  	v15 =	vadd.f32 v15, v0;
	v14 =	vadd.f32 v17, v0;
	v0 =	vld [tilespmem:s1+$0xE0]  }
0x2f9: {  	s17 =	simm.s32 $0x35C;
	v17 =	vadd.f32 v19, v13;
	v16 =	vadd.f32 v20, v16;
	v13 =	vld [tilespmem:s1+$0xF0];
	s1 =	simm.s32 $0x1BAE0  }
.LBB2_33:
0x2fa: {  	v18 =	vld [tilespmem:s1+$0xC0];
	v11 =	vadd.f32 v11, v15;
	v12 =	vadd.f32 v12, v14  }
0x2fb: {  	v14 =	vld [tilespmem:s1+$0xD0];
	v15 =	vadd.f32 v7, v17;
	v16 =	vadd.f32 v8, v16  }
0x2fc: {  	v7 =	vld [tilespmem:s1+$0x80];
	v9 =	vadd.f32 v9, v11;
	v10 =	vadd.f32 v10, v12  }
0x2fd: {  	v8 =	vld [tilespmem:s1+$0x90];
	v15 =	vadd.f32 v5, v15;
	v16 =	vadd.f32 v4, v16  }
0x2fe: {  	v17 =	vld [tilespmem:s1+$0x40];
	v0 =	vadd.f32 v0, v9;
	v13 =	vadd.f32 v13, v10  }
0x2ff: {  	v19 =	vld [tilespmem:s1+$0x50];
	v5 =	vmov v18  }
0x300: {  	v10 =	vld [tilespmem:s1+$0x0];
	v4 =	vmov v14  }
0x301: {  	v14 =	vld [tilespmem:s1+$0x10]  }
0x302: {  	v18 =	vld [tilespmem:s1+$0x20]  }
0x303: {  	s17 =	sadd.s32 $0x4, s17;
	v20 =	vld [tilespmem:s1+$0x30]  }
0x304: {  	p0 =	slt.u32 s17, $0x36C;
	v11 =	vld [tilespmem:s1+$0x60]  }
.Ltmp15:
0x305: {  	v12 =	vld [tilespmem:s1+$0x70];
	(pc) =	sbr.rel @p0 .LBB2_33-.Ltmp15, $4  }
0x306: {  	v9 =	vld [tilespmem:s1+$0xA0]  }
0x307: {  	v21 =	vadd.f32 v10, v15;
	v16 =	vadd.f32 v14, v16;
	v10 =	vld [tilespmem:s1+$0xB0]  }
0x308: {  	v15 =	vadd.f32 v18, v0;
	v14 =	vadd.f32 v20, v13;
	v0 =	vld [tilespmem:s1+$0xE0]  }
0x309: {  	v17 =	vadd.f32 v17, v21;
	v16 =	vadd.f32 v19, v16;
	v13 =	vld [tilespmem:s1+$0xF0];
	s1 =	sadd.s32 $0x100, s1  }
0x30a: {  	_ = 	snop  }
0x30b: {  	v11 =	vadd.f32 v11, v15;
	[tilespmem:$0x1C0A0] =	vst v6;
	v7 =	vadd.f32 v7, v17  }
0x30c: {  	v60 =	vadd.f32 v12, v14;
	[tilespmem:$0x1C0B0] =	vst v3;
	v8 =	vadd.f32 v8, v16  }
0x30d: {  	[tilespmem:$0x1C0C0] =	vst v2;
	v61 =	vadd.f32 v9, v11;
	v5 =	vadd.f32 v5, v7  }
0x30e: {  	[tilespmem:$0x1C0D0] =	vst v1;
	v62 =	vadd.f32 v10, v60;
	v4 =	vadd.f32 v4, v8  }
0x30f: {  	s31 =	sadd.s32 $0x1, s31;
	v0 =	vadd.f32 v0, v61;
	[tilespmem:$0x1C2A0] =	vst v5  }
0x310: {  	s0 =	sshll.u32 s0, $0x5;
	p0 =	sne.s32 s31, $0x40;
	v63 =	vadd.f32 v13, v62;
	[tilespmem:$0x1C2B0] =	vst v4  }
.Ltmp16:
0x311: {  	s0 =	sadd.s32 s9, s0;
	[tilespmem:$0x1C2C0] =	vst v0;
	(pc) =	sbr.rel @p0 .LBB2_2-.Ltmp16, $4  }
0x312: {  	s1 =	sadd.s32 s7, s0;
	[tilespmem:$0x1C2D0] =	vst v63  }
0x313: {  	[hbm4b:s1+s2] =	stream.linear.scatter [tilespmem:s29], [sflag:$0x4], $0x100, $0x38;
	[tilespmem:$0x1C2E0] =	vst v63  }
0x314: {  	s0 =	sadd.s32 s8, s0  }
0x315: {  	[hbm4b:s0+s2] =	stream.linear.scatter [tilespmem:s30], [sflag:$0x4], $0x100, $0x38;
	[tilespmem:$0x1C2E0] =	vst v63  }
0x316: {  	s0 =	simm.s32 $0x3  }
0x317: {  	_ =	swait.ge [sflag:s0], $0x100  }
0x318: {  	[sflag:s0] =	ssyncset.done $0x0  }
0x319: {  	[sflag:s0] =	ssyncadd.s32 $0xFFFFFF00  }
0x31a: {  	_ =	swait.ge [sflag:s0], $0x100  }
0x31b: {  	[sflag:s0] =	ssyncset.done $0x0  }
0x31c: {  	s1 =	simm.s32 $0x4;
	[sflag:s0] =	ssyncadd.s32 $0xFFFFFF00  }
0x31d: {  	_ =	swait.ge [sflag:s1], $0x100  }
0x31e: {  	[sflag:s1] =	ssyncset.done $0x0  }
0x31f: {  	[sflag:s1] =	ssyncadd.s32 $0xFFFFFF00  }
0x320: {  	_ =	swait.ge [sflag:s1], $0x100  }
0x321: {  	s17 =	rddreg [dreg:$0x5]  }
0x322: {  	s31 =	rddreg [dreg:$0x4];
	s17 =	sadd.s32 $0x1, s17  }
0x323: {  	p0 =	sne.s32 s17, s31  }
.Ltmp17:
0x324: {  	_ = 	snop;
	(pc) =	sbr.rel @p0 .LBB2_1-.Ltmp17, $3  }
0x325: {  	_ =	sdelay $0x1  }
0x326: {  	[sflag:s1] =	ssyncset.done $0x0  }
0x327: {  	[sflag:s1] =	ssyncadd.s32 $0xFFFFFF00  }
0x328: {  	_ =	sfence.sel $0x180000  }
0x329: {  	[bflag:$0x0] =	sbarrier.arrive $0xFFFF  }
0x32a: {  	_ =	strace $0x90000047  }
0x32b: {  	s0 =	stileid.u32;
	[bflag:$0x2] =	sbarrier.arrive $0xFFFF  }
0x32c: {  	p0 =	sne.s32 s0, $0x0;
	s0 =	rddreg [dreg:$0x1]  }
0x32d: {  	s0 =	sadd.s32 @!p0 $0x100000, s0  }
0x32e: {  	[sflag:s0] =	ssyncadd.tile.s32 @!p0 $0x1;
	_ =	shalt  }
.Lfunc_end2:
_tile_overlayer_lowered:
.L_overlay_start_2:
0x32f: {  	(tag) =	ssettag $0x2  }
0x330: {  	s0 =	rddreg [dreg:$0x0];
	s2 =	stileid.u32  }
0x331: {  	s1 =	rddreg [dreg:$0x1];
	p0 =	sne.s32 s2, $0x0  }
0x332: {  	s3 =	rddreg [dreg:$0x2];
	[bflag:$0x3] =	sbarrier.arrive $0xFFFF;
	s2 =	simm.s32 @!p0 $0x1C05  }
0x333: {  	[timem:s3], [sflag:s2] =	dma.local @!p0 [hbm:s0], s1  }
0x334: {  	s0 =	simm.s32 @!p0 $0x5  }
0x335: {  	_ =	swait.ge @!p0 [sflag:s0], s1  }
0x336: {  	s1 =	ssub.s32 @!p0 $0x0, s1;
	[sflag:s0] =	ssyncset.done @!p0 $0x0  }
0x337: {  	[sflag:s0] =	ssyncadd.s32 @!p0 s1  }
0x338: {  	[bflag:$0x3] =	sbarrier.arrive $0xFFFF  }
0x339: {  	_ =	shalt  }

</sc_bundles>
